<compile_context>
chip_gen: v7x
topology: tpu7x:2x2x1
jax: 0.10.2.dev20260603
libtpu: 0.0.44.dev20260713+nightly
codegen_flags: <defaults>
</compile_context>

<pallas_src>
import functools

import jax
import jax.numpy as jnp
from jax import lax
from jax.experimental import pallas as pl
from jax.experimental.pallas import tpu as pltpu
from jax.experimental.pallas import tpu_sc as plsc

N = 10000
D = 128
E = 100000
R = 3

NC = 2
NS = 16
NW = NC * NS

CH = 128
K0 = 40
K1 = 10
EPAD = NS * (K0 + K1) * CH

NPAD = 10112
RPT = NPAD // NS
ZROWS = RPT // 8
NZCOPY = RPT // ZROWS

DPAD = 10240
DPT = DPAD // NS


def _sc_agg_body(with_deg, z_ref, s0, d0, s1, d1, s2, d2, *rest):
    if with_deg:
        (o0, o1, o2, g0, g1, g2, zb, zb1, ones, sv0, sv1, dv0, dv1, rows0,
         rows1, acc, dacc, sem0, sem1) = rest
        gouts = (g0, g1, g2)
    else:
        (o0, o1, o2, zb, zb1, ones, sv0, sv1, dv0, dv1, rows0, rows1, acc,
         dacc, sem0, sem1) = rest
        gouts = (None, None, None)
    svs = (sv0, sv1)
    dvs = (dv0, dv1)
    rowss = (rows0, rows1)
    sems = (sem0, sem1)
    srcs = (s0, s1, s2)
    dsts = (d0, d1, d2)
    outs = (o0, o1, o2)

    c = lax.axis_index("c")
    s = lax.axis_index("s")
    w = c * NS + s

    def fill_zb(i, _):
        for k in range(D // 16):
            zb[i, pl.ds(k * 16, 16)] = jnp.zeros((16,), jnp.float32)
        return _

    lax.fori_loop(jnp.int32(0), jnp.int32(ZROWS), fill_zb, jnp.int32(0))

    def fill_zb1(i, _):
        zb1[pl.ds(i * 16, 16)] = jnp.zeros((16,), jnp.float32)
        return _

    lax.fori_loop(jnp.int32(0), jnp.int32(DPT // 16), fill_zb1, jnp.int32(0))

    if with_deg:
        def fill_ones(i, _):
            ones[pl.ds(i * 16, 16)] = jnp.ones((16,), jnp.float32)
            return _

        lax.fori_loop(jnp.int32(0), jnp.int32(CH // 16), fill_ones, jnp.int32(0))

    rbase = s * RPT
    dbase = s * DPT
    ebase = jnp.where(c == 0, s * (K0 * CH), NS * (K0 * CH) + s * (K1 * CH))
    kcount = jnp.where(c == 0, jnp.int32(K0), jnp.int32(K1))
    khalf = jnp.where(c == 0, jnp.int32(K0 // 2), jnp.int32(K1 // 2))

    for r in range(R):
        with jax.named_scope("zero%d" % r):
            for z in range(NZCOPY):
                pltpu.sync_copy(zb, acc.at[pl.ds(rbase + z * ZROWS, ZROWS)])
            if with_deg:
                pltpu.sync_copy(zb1, dacc.at[pl.ds(dbase, DPT)])
            plsc.subcore_barrier()

        def prefetch(i, p):
            off = ebase + i * CH
            pltpu.sync_copy(srcs[r].at[pl.ds(off, CH)], svs[p])
            pltpu.sync_copy(dsts[r].at[pl.ds(off, CH)], dvs[p])
            pltpu.async_copy(z_ref.at[svs[p]], rowss[p], sems[p])

        def consume(p):
            pltpu.make_async_copy(z_ref.at[svs[p]], rowss[p], sems[p]).wait()
            pltpu.sync_copy(rowss[p], acc.at[dvs[p]], add=True)
            if with_deg:
                pltpu.sync_copy(ones, dacc.at[dvs[p]], add=True)

        def pair(j, carry):
            consume(0)

            @pl.when(2 * j + 2 < kcount)
            def _():
                prefetch(2 * j + 2, 0)

            consume(1)

            @pl.when(2 * j + 3 < kcount)
            def _():
                prefetch(2 * j + 3, 1)

            return carry

        with jax.named_scope("chunks%d" % r):
            @pl.when(jnp.int32(0) < kcount)
            def _():
                prefetch(jnp.int32(0), 0)
                prefetch(jnp.int32(1), 1)

            lax.fori_loop(jnp.int32(0), khalf, pair, jnp.int32(0))
            plsc.subcore_barrier()

        with jax.named_scope("copyout%d" % r):
            pltpu.sync_copy(acc.at[pl.ds(rbase, RPT)],
                            outs[r].at[c, pl.ds(rbase, RPT)])
            if with_deg:
                pltpu.sync_copy(dacc.at[pl.ds(dbase, DPT)],
                                gouts[r].at[c, pl.ds(dbase, DPT)])
        if r + 1 < R:
            plsc.subcore_barrier()


def _sc_agg(z, edges, with_deg):
    out_type = [jax.ShapeDtypeStruct((NC, NPAD, D), jnp.float32)
                for _ in range(R)]
    if with_deg:
        out_type += [jax.ShapeDtypeStruct((NC, DPAD), jnp.float32)
                     for _ in range(R)]
    scratch = [
        pltpu.VMEM((ZROWS, D), jnp.float32),
        pltpu.VMEM((DPT,), jnp.float32),
        pltpu.VMEM((CH,), jnp.float32),
        pltpu.VMEM((CH,), jnp.int32),
        pltpu.VMEM((CH,), jnp.int32),
        pltpu.VMEM((CH,), jnp.int32),
        pltpu.VMEM((CH,), jnp.int32),
        pltpu.VMEM((CH, D), jnp.float32),
        pltpu.VMEM((CH, D), jnp.float32),
        pltpu.VMEM_SHARED((NPAD, D), jnp.float32),
        pltpu.VMEM_SHARED((DPAD,), jnp.float32),
        pltpu.SemaphoreType.DMA,
        pltpu.SemaphoreType.DMA,
    ]
    mesh = plsc.VectorSubcoreMesh(core_axis_name="c", subcore_axis_name="s",
                                  num_cores=NC, num_subcores=NS)
    fn = pl.kernel(
        functools.partial(_sc_agg_body, with_deg),
        out_type=tuple(out_type),
        mesh=mesh,
        scratch_types=tuple(scratch),
    )
    return fn(z, *edges)


def _tc_layer_body(leaky, a0, a1, a2, d00, d01, d10, d11, d20, d21,
                   w0, w1, w2, b0, b1, b2, out):
    aggs = (a0, a1, a2)
    degs = ((d00, d01), (d10, d11), (d20, d21))
    ws = (w0, w1, w2)
    acc = b0[...] + b1[...] + b2[...]
    for r in range(R):
        agg = aggs[r][0] + aggs[r][1]
        deg = degs[r][0][...] + degs[r][1][...]
        inv = 1.0 / jnp.maximum(deg, 1.0)
        acc = acc + jnp.dot(agg * inv, ws[r][...],
                            preferred_element_type=jnp.float32)
    if leaky:
        acc = jnp.where(acc > 0, acc, 0.01 * acc)
    out[...] = acc


BN = 400


def _tc_layer(aggs, degs, ws, bs, leaky):
    grid = (N // BN,)
    agg_spec = pl.BlockSpec((NC, BN, D), lambda i: (i * 0, i, i * 0))
    deg_spec = pl.BlockSpec((BN, 1), lambda i: (i, i * 0))
    w_spec = pl.BlockSpec((D, D), lambda i: (i * 0, i * 0))
    b_spec = pl.BlockSpec((1, D), lambda i: (i * 0, i * 0))
    in_specs = ([agg_spec] * R + [deg_spec] * (2 * R) + [w_spec] * R
                + [b_spec] * R)
    out = pl.pallas_call(
        functools.partial(_tc_layer_body, leaky),
        grid=grid,
        in_specs=in_specs,
        out_specs=pl.BlockSpec((BN, D), lambda i: (i, i * 0)),
        out_shape=jax.ShapeDtypeStruct((N, D), jnp.float32),
    )(*aggs, *degs, *ws, *bs)
    return out


def _prep_edges(ei):
    src = ei[0].astype(jnp.int32)
    dst = ei[1].astype(jnp.int32)
    src = jnp.pad(src, (0, EPAD - E))
    dummy = N + (jnp.arange(EPAD - E, dtype=jnp.int32) % (NPAD - N))
    dst = jnp.concatenate([dst, dummy])
    return src, dst


def kernel(x, edge_index_rel0, edge_index_rel1, edge_index_rel2,
           W1_0, b1_0, W1_1, b1_1, W1_2, b1_2,
           W2_0, b2_0, W2_1, b2_1, W2_2, b2_2):
    edges = []
    for ei in (edge_index_rel0, edge_index_rel1, edge_index_rel2):
        edges.extend(_prep_edges(ei))
    edges = tuple(edges)

    x = x.astype(jnp.float32)

    res1 = _sc_agg(x, edges, with_deg=True)
    aggs1 = res1[:R]
    deg_parts = res1[R:]
    degs = []
    for g in deg_parts:
        degs.append(g[0].reshape(DPAD, 1))
        degs.append(g[1].reshape(DPAD, 1))

    w1 = (W1_0.astype(jnp.float32), W1_1.astype(jnp.float32),
          W1_2.astype(jnp.float32))
    b1 = (b1_0.reshape(1, D).astype(jnp.float32),
          b1_1.reshape(1, D).astype(jnp.float32),
          b1_2.reshape(1, D).astype(jnp.float32))
    h = _tc_layer(aggs1, degs, w1, b1, leaky=True)

    aggs2 = _sc_agg(h, edges, with_deg=False)
    w2 = (W2_0.astype(jnp.float32), W2_1.astype(jnp.float32),
          W2_2.astype(jnp.float32))
    b2 = (b2_0.reshape(1, D).astype(jnp.float32),
          b2_1.reshape(1, D).astype(jnp.float32),
          b2_2.reshape(1, D).astype(jnp.float32))
    out = _tc_layer(aggs2, degs, w2, b2, leaky=False)
    return out

# --- scband reference (transcript-rebuilt; emitter-appended) ---
"""Pipeline reference for scband-rgcn-59107339927815 (READ-ONLY COPY).

The authoritative reference and input builder live on the scoring server;
editing this copy changes nothing except your own understanding.
"""

import jax, jax.numpy as jnp
import numpy as np
jax.config.update("jax_enable_x64", True)

N = 10000
D = 128
E = 100000
R = 3


def setup_inputs(seed: int = 0) -> dict:
    key = jax.random.key(seed)
    ks = jax.random.split(key, 1 + R + 2 * R)
    inp = {"x": jax.random.normal(ks[0], (N, D), dtype=jnp.float32)}
    for r in range(R):
        inp["edge_index_rel%d" % r] = jax.random.randint(ks[1 + r], (2, E), 0, N, dtype=jnp.int64)
    kidx = 1 + R
    for l in (1, 2):
        for r in range(R):
            inp["W%d_%d" % (l, r)] = jax.random.normal(ks[kidx], (D, D), dtype=jnp.float32) * 0.05
            inp["b%d_%d" % (l, r)] = jnp.zeros((D,), dtype=jnp.float32)
            kidx += 1
    return inp


def _gconv(x, ei, W, b):
    # DGL GraphConv with norm='right': aggregate src features onto dst, divide by in-degree,
    # then linear transform (in_feats == out_feats so order is mathematically equivalent).
    src = ei[0]
    dst = ei[1]
    m = jnp.take(x, src, axis=0)
    agg = jax.ops.segment_sum(m, dst, num_segments=N)
    deg = jax.ops.segment_sum(jnp.ones((ei.shape[1],), jnp.float32), dst, num_segments=N)
    deg = jnp.clip(deg, 1.0, None)
    h = agg / deg[:, None]
    return h @ W + b


def reference(x, edge_index_rel0, edge_index_rel1, edge_index_rel2,
              W1_0, b1_0, W1_1, b1_1, W1_2, b1_2,
              W2_0, b2_0, W2_1, b2_1, W2_2, b2_2):
    eis = (edge_index_rel0, edge_index_rel1, edge_index_rel2)
    W1 = (W1_0, W1_1, W1_2)
    b1 = (b1_0, b1_1, b1_2)
    W2 = (W2_0, W2_1, W2_2)
    b2 = (b2_0, b2_1, b2_2)
    # Layer 1: HeteroGraphConv(aggregate='sum') over relations
    h = _gconv(x, eis[0], W1[0], b1[0])
    for r in range(1, R):
        h = h + _gconv(x, eis[r], W1[r], b1[r])
    # leaky_relu (default negative_slope=0.01)
    h = jnp.where(h > 0, h, 0.01 * h)
    # Layer 2
    out = _gconv(h, eis[0], W2[0], b2[0])
    for r in range(1, R):
        out = out + _gconv(h, eis[r], W2[r], b2[r])
    return out

if __name__ == "__main__":
    import jax
    _d = setup_inputs()
    print(jax.jit(kernel)(*tuple(_d.values())))

</pallas_src>

<mosaic_0001>
#map = affine_map<(d0, d1) -> (0, 0)>
#map1 = affine_map<(d0, d1) -> (0)>
#map2 = affine_map<(d0, d1) -> (0, 0, 0)>
module attributes {stable_mosaic.version = 14 : i64} {
  func.func @_sc_agg_body(%arg0: i32, %arg1: i32, %arg2: memref<10000x128xf32, #tpu.memory_space<hbm>>, %arg3: memref<102400xi32, #tpu.memory_space<hbm>>, %arg4: memref<102400xi32, #tpu.memory_space<hbm>>, %arg5: memref<102400xi32, #tpu.memory_space<hbm>>, %arg6: memref<102400xi32, #tpu.memory_space<hbm>>, %arg7: memref<102400xi32, #tpu.memory_space<hbm>>, %arg8: memref<102400xi32, #tpu.memory_space<hbm>>, %arg9: memref<2x10112x128xf32, #tpu.memory_space<hbm>>, %arg10: memref<2x10112x128xf32, #tpu.memory_space<hbm>>, %arg11: memref<2x10112x128xf32, #tpu.memory_space<hbm>>, %arg12: memref<2x10240xf32, #tpu.memory_space<hbm>>, %arg13: memref<2x10240xf32, #tpu.memory_space<hbm>>, %arg14: memref<2x10240xf32, #tpu.memory_space<hbm>>, %arg15: memref<79x128xf32, #tpu.memory_space<vmem>>, %arg16: memref<640xf32, #tpu.memory_space<vmem>>, %arg17: memref<128xf32, #tpu.memory_space<vmem>>, %arg18: memref<128xi32, #tpu.memory_space<vmem>>, %arg19: memref<128xi32, #tpu.memory_space<vmem>>, %arg20: memref<128xi32, #tpu.memory_space<vmem>>, %arg21: memref<128xi32, #tpu.memory_space<vmem>>, %arg22: memref<128x128xf32, #tpu.memory_space<vmem>>, %arg23: memref<128x128xf32, #tpu.memory_space<vmem>>, %arg24: memref<10112x128xf32, #tpu.memory_space<vmem_shared>>, %arg25: memref<10240xf32, #tpu.memory_space<vmem_shared>>, %arg26: memref<!tpu.dma_semaphore, #tpu.memory_space<semaphore_mem>>, %arg27: memref<!tpu.dma_semaphore, #tpu.memory_space<semaphore_mem>>) attributes {dimension_semantics = [#tpu.dimension_semantics<core_parallel>, #tpu.dimension_semantics<subcore_parallel>], iteration_bounds = array<i64: 2, 16>, scalar_prefetch = 0 : i64, scratch_operands = 13 : i64, tpu.core_type = #tpu.core_type<sc_vector_subcore>, window_params = [{transform_indices = #map}, {transform_indices = #map1}, {transform_indices = #map1}, {transform_indices = #map1}, {transform_indices = #map1}, {transform_indices = #map1}, {transform_indices = #map1}, {transform_indices = #map2}, {transform_indices = #map2}, {transform_indices = #map2}, {transform_indices = #map}, {transform_indices = #map}, {transform_indices = #map}]} {
    %mul3A = arith.constant 16 : i32
    %mul3A_0 = arith.muli %arg0, %mul3A : i32
    %add3A = arith.addi %mul3A_0, %arg1 : i32
    %while3A = arith.constant 0 : i32
    %while3A_1 = arith.constant 0 : i32
    %while3A_2 = arith.constant 79 : i32
    %while3A_3 = arith.subi %while3A_2, %while3A_1 : i32
    %while3A_4 = arith.addi %while3A_1, %while3A_3 : i32
    %while3A_5 = arith.constant 1 : i32
    %while3A_6 = arith.divsi %while3A_3, %while3A_5 : i32
    %while3A_7 = arith.muli %while3A_6, %while3A_5 : i32
    %while3A_8 = arith.addi %while3A_1, %while3A_7 : i32
    %while3A_9 = arith.constant 1 : i32
    scf.for %while3A_150 = %while3A_1 to %while3A_8 step %while3A_9  : i32 {
      %broadcast_in_dim3A = arith.constant 0.000000e+00 : f32
      %broadcast_in_dim3A_151 = vector.broadcast %broadcast_in_dim3A : f32 to vector<16xf32>
      %swap3A = arith.index_cast %while3A_150 : i32 to index
      %swap3A_152 = arith.constant 0 : index
      %swap3A_153 = tpu.vector_load %arg15[%swap3A, %swap3A_152] {strides = array<i32>} : memref<79x128xf32, #tpu.memory_space<vmem>>, vector<1x16xf32>,
      %swap3A_154 = vector.shape_cast %swap3A_153 : vector<1x16xf32> to vector<16xf32>
      %swap3A_155 = vector.shape_cast %broadcast_in_dim3A_151 : vector<16xf32> to vector<1x16xf32>
      tpu.vector_store %arg15[%swap3A, %swap3A_152], %swap3A_155 {strides = array<i32>} : memref<79x128xf32, #tpu.memory_space<vmem>>, vector<1x16xf32>,
      %broadcast_in_dim3A_156 = arith.constant 0.000000e+00 : f32
      %broadcast_in_dim3A_157 = vector.broadcast %broadcast_in_dim3A_156 : f32 to vector<16xf32>
      %swap3A_158 = arith.index_cast %while3A_150 : i32 to index
      %swap3A_159 = arith.constant 16 : index
      %swap3A_160 = tpu.vector_load %arg15[%swap3A_158, %swap3A_159] {strides = array<i32>} : memref<79x128xf32, #tpu.memory_space<vmem>>, vector<1x16xf32>,
      %swap3A_161 = vector.shape_cast %swap3A_160 : vector<1x16xf32> to vector<16xf32>
      %swap3A_162 = vector.shape_cast %broadcast_in_dim3A_157 : vector<16xf32> to vector<1x16xf32>
      tpu.vector_store %arg15[%swap3A_158, %swap3A_159], %swap3A_162 {strides = array<i32>} : memref<79x128xf32, #tpu.memory_space<vmem>>, vector<1x16xf32>,
      %broadcast_in_dim3A_163 = arith.constant 0.000000e+00 : f32
      %broadcast_in_dim3A_164 = vector.broadcast %broadcast_in_dim3A_163 : f32 to vector<16xf32>
      %swap3A_165 = arith.index_cast %while3A_150 : i32 to index
      %swap3A_166 = arith.constant 32 : index
      %swap3A_167 = tpu.vector_load %arg15[%swap3A_165, %swap3A_166] {strides = array<i32>} : memref<79x128xf32, #tpu.memory_space<vmem>>, vector<1x16xf32>,
      %swap3A_168 = vector.shape_cast %swap3A_167 : vector<1x16xf32> to vector<16xf32>
      %swap3A_169 = vector.shape_cast %broadcast_in_dim3A_164 : vector<16xf32> to vector<1x16xf32>
      tpu.vector_store %arg15[%swap3A_165, %swap3A_166], %swap3A_169 {strides = array<i32>} : memref<79x128xf32, #tpu.memory_space<vmem>>, vector<1x16xf32>,
      %broadcast_in_dim3A_170 = arith.constant 0.000000e+00 : f32
      %broadcast_in_dim3A_171 = vector.broadcast %broadcast_in_dim3A_170 : f32 to vector<16xf32>
      %swap3A_172 = arith.index_cast %while3A_150 : i32 to index
      %swap3A_173 = arith.constant 48 : index
      %swap3A_174 = tpu.vector_load %arg15[%swap3A_172, %swap3A_173] {strides = array<i32>} : memref<79x128xf32, #tpu.memory_space<vmem>>, vector<1x16xf32>,
      %swap3A_175 = vector.shape_cast %swap3A_174 : vector<1x16xf32> to vector<16xf32>
      %swap3A_176 = vector.shape_cast %broadcast_in_dim3A_171 : vector<16xf32> to vector<1x16xf32>
      tpu.vector_store %arg15[%swap3A_172, %swap3A_173], %swap3A_176 {strides = array<i32>} : memref<79x128xf32, #tpu.memory_space<vmem>>, vector<1x16xf32>,
      %broadcast_in_dim3A_177 = arith.constant 0.000000e+00 : f32
      %broadcast_in_dim3A_178 = vector.broadcast %broadcast_in_dim3A_177 : f32 to vector<16xf32>
      %swap3A_179 = arith.index_cast %while3A_150 : i32 to index
      %swap3A_180 = arith.constant 64 : index
      %swap3A_181 = tpu.vector_load %arg15[%swap3A_179, %swap3A_180] {strides = array<i32>} : memref<79x128xf32, #tpu.memory_space<vmem>>, vector<1x16xf32>,
      %swap3A_182 = vector.shape_cast %swap3A_181 : vector<1x16xf32> to vector<16xf32>
      %swap3A_183 = vector.shape_cast %broadcast_in_dim3A_178 : vector<16xf32> to vector<1x16xf32>
      tpu.vector_store %arg15[%swap3A_179, %swap3A_180], %swap3A_183 {strides = array<i32>} : memref<79x128xf32, #tpu.memory_space<vmem>>, vector<1x16xf32>,
      %broadcast_in_dim3A_184 = arith.constant 0.000000e+00 : f32
      %broadcast_in_dim3A_185 = vector.broadcast %broadcast_in_dim3A_184 : f32 to vector<16xf32>
      %swap3A_186 = arith.index_cast %while3A_150 : i32 to index
      %swap3A_187 = arith.constant 80 : index
      %swap3A_188 = tpu.vector_load %arg15[%swap3A_186, %swap3A_187] {strides = array<i32>} : memref<79x128xf32, #tpu.memory_space<vmem>>, vector<1x16xf32>,
      %swap3A_189 = vector.shape_cast %swap3A_188 : vector<1x16xf32> to vector<16xf32>
      %swap3A_190 = vector.shape_cast %broadcast_in_dim3A_185 : vector<16xf32> to vector<1x16xf32>
      tpu.vector_store %arg15[%swap3A_186, %swap3A_187], %swap3A_190 {strides = array<i32>} : memref<79x128xf32, #tpu.memory_space<vmem>>, vector<1x16xf32>,
      %broadcast_in_dim3A_191 = arith.constant 0.000000e+00 : f32
      %broadcast_in_dim3A_192 = vector.broadcast %broadcast_in_dim3A_191 : f32 to vector<16xf32>
      %swap3A_193 = arith.index_cast %while3A_150 : i32 to index
      %swap3A_194 = arith.constant 96 : index
      %swap3A_195 = tpu.vector_load %arg15[%swap3A_193, %swap3A_194] {strides = array<i32>} : memref<79x128xf32, #tpu.memory_space<vmem>>, vector<1x16xf32>,
      %swap3A_196 = vector.shape_cast %swap3A_195 : vector<1x16xf32> to vector<16xf32>
      %swap3A_197 = vector.shape_cast %broadcast_in_dim3A_192 : vector<16xf32> to vector<1x16xf32>
      tpu.vector_store %arg15[%swap3A_193, %swap3A_194], %swap3A_197 {strides = array<i32>} : memref<79x128xf32, #tpu.memory_space<vmem>>, vector<1x16xf32>,
      %broadcast_in_dim3A_198 = arith.constant 0.000000e+00 : f32
      %broadcast_in_dim3A_199 = vector.broadcast %broadcast_in_dim3A_198 : f32 to vector<16xf32>
      %swap3A_200 = arith.index_cast %while3A_150 : i32 to index
      %swap3A_201 = arith.constant 112 : index
      %swap3A_202 = tpu.vector_load %arg15[%swap3A_200, %swap3A_201] {strides = array<i32>} : memref<79x128xf32, #tpu.memory_space<vmem>>, vector<1x16xf32>,
      %swap3A_203 = vector.shape_cast %swap3A_202 : vector<1x16xf32> to vector<16xf32>
      %swap3A_204 = vector.shape_cast %broadcast_in_dim3A_199 : vector<16xf32> to vector<1x16xf32>
      tpu.vector_store %arg15[%swap3A_200, %swap3A_201], %swap3A_204 {strides = array<i32>} : memref<79x128xf32, #tpu.memory_space<vmem>>, vector<1x16xf32>,
    }
    %while3A_10 = arith.constant 1 : i32
    scf.for %while3A_150 = %while3A_8 to %while3A_4 step %while3A_10  : i32 {
      %broadcast_in_dim3A = arith.constant 0.000000e+00 : f32
      %broadcast_in_dim3A_151 = vector.broadcast %broadcast_in_dim3A : f32 to vector<16xf32>
      %swap3A = arith.index_cast %while3A_150 : i32 to index
      %swap3A_152 = arith.constant 0 : index
      %swap3A_153 = tpu.vector_load %arg15[%swap3A, %swap3A_152] {strides = array<i32>} : memref<79x128xf32, #tpu.memory_space<vmem>>, vector<1x16xf32>,
      %swap3A_154 = vector.shape_cast %swap3A_153 : vector<1x16xf32> to vector<16xf32>
      %swap3A_155 = vector.shape_cast %broadcast_in_dim3A_151 : vector<16xf32> to vector<1x16xf32>
      tpu.vector_store %arg15[%swap3A, %swap3A_152], %swap3A_155 {strides = array<i32>} : memref<79x128xf32, #tpu.memory_space<vmem>>, vector<1x16xf32>,
      %broadcast_in_dim3A_156 = arith.constant 0.000000e+00 : f32
      %broadcast_in_dim3A_157 = vector.broadcast %broadcast_in_dim3A_156 : f32 to vector<16xf32>
      %swap3A_158 = arith.index_cast %while3A_150 : i32 to index
      %swap3A_159 = arith.constant 16 : index
      %swap3A_160 = tpu.vector_load %arg15[%swap3A_158, %swap3A_159] {strides = array<i32>} : memref<79x128xf32, #tpu.memory_space<vmem>>, vector<1x16xf32>,
      %swap3A_161 = vector.shape_cast %swap3A_160 : vector<1x16xf32> to vector<16xf32>
      %swap3A_162 = vector.shape_cast %broadcast_in_dim3A_157 : vector<16xf32> to vector<1x16xf32>
      tpu.vector_store %arg15[%swap3A_158, %swap3A_159], %swap3A_162 {strides = array<i32>} : memref<79x128xf32, #tpu.memory_space<vmem>>, vector<1x16xf32>,
      %broadcast_in_dim3A_163 = arith.constant 0.000000e+00 : f32
      %broadcast_in_dim3A_164 = vector.broadcast %broadcast_in_dim3A_163 : f32 to vector<16xf32>
      %swap3A_165 = arith.index_cast %while3A_150 : i32 to index
      %swap3A_166 = arith.constant 32 : index
      %swap3A_167 = tpu.vector_load %arg15[%swap3A_165, %swap3A_166] {strides = array<i32>} : memref<79x128xf32, #tpu.memory_space<vmem>>, vector<1x16xf32>,
      %swap3A_168 = vector.shape_cast %swap3A_167 : vector<1x16xf32> to vector<16xf32>
      %swap3A_169 = vector.shape_cast %broadcast_in_dim3A_164 : vector<16xf32> to vector<1x16xf32>
      tpu.vector_store %arg15[%swap3A_165, %swap3A_166], %swap3A_169 {strides = array<i32>} : memref<79x128xf32, #tpu.memory_space<vmem>>, vector<1x16xf32>,
      %broadcast_in_dim3A_170 = arith.constant 0.000000e+00 : f32
      %broadcast_in_dim3A_171 = vector.broadcast %broadcast_in_dim3A_170 : f32 to vector<16xf32>
      %swap3A_172 = arith.index_cast %while3A_150 : i32 to index
      %swap3A_173 = arith.constant 48 : index
      %swap3A_174 = tpu.vector_load %arg15[%swap3A_172, %swap3A_173] {strides = array<i32>} : memref<79x128xf32, #tpu.memory_space<vmem>>, vector<1x16xf32>,
      %swap3A_175 = vector.shape_cast %swap3A_174 : vector<1x16xf32> to vector<16xf32>
      %swap3A_176 = vector.shape_cast %broadcast_in_dim3A_171 : vector<16xf32> to vector<1x16xf32>
      tpu.vector_store %arg15[%swap3A_172, %swap3A_173], %swap3A_176 {strides = array<i32>} : memref<79x128xf32, #tpu.memory_space<vmem>>, vector<1x16xf32>,
      %broadcast_in_dim3A_177 = arith.constant 0.000000e+00 : f32
      %broadcast_in_dim3A_178 = vector.broadcast %broadcast_in_dim3A_177 : f32 to vector<16xf32>
      %swap3A_179 = arith.index_cast %while3A_150 : i32 to index
      %swap3A_180 = arith.constant 64 : index
      %swap3A_181 = tpu.vector_load %arg15[%swap3A_179, %swap3A_180] {strides = array<i32>} : memref<79x128xf32, #tpu.memory_space<vmem>>, vector<1x16xf32>,
      %swap3A_182 = vector.shape_cast %swap3A_181 : vector<1x16xf32> to vector<16xf32>
      %swap3A_183 = vector.shape_cast %broadcast_in_dim3A_178 : vector<16xf32> to vector<1x16xf32>
      tpu.vector_store %arg15[%swap3A_179, %swap3A_180], %swap3A_183 {strides = array<i32>} : memref<79x128xf32, #tpu.memory_space<vmem>>, vector<1x16xf32>,
      %broadcast_in_dim3A_184 = arith.constant 0.000000e+00 : f32
      %broadcast_in_dim3A_185 = vector.broadcast %broadcast_in_dim3A_184 : f32 to vector<16xf32>
      %swap3A_186 = arith.index_cast %while3A_150 : i32 to index
      %swap3A_187 = arith.constant 80 : index
      %swap3A_188 = tpu.vector_load %arg15[%swap3A_186, %swap3A_187] {strides = array<i32>} : memref<79x128xf32, #tpu.memory_space<vmem>>, vector<1x16xf32>,
      %swap3A_189 = vector.shape_cast %swap3A_188 : vector<1x16xf32> to vector<16xf32>
      %swap3A_190 = vector.shape_cast %broadcast_in_dim3A_185 : vector<16xf32> to vector<1x16xf32>
      tpu.vector_store %arg15[%swap3A_186, %swap3A_187], %swap3A_190 {strides = array<i32>} : memref<79x128xf32, #tpu.memory_space<vmem>>, vector<1x16xf32>,
      %broadcast_in_dim3A_191 = arith.constant 0.000000e+00 : f32
      %broadcast_in_dim3A_192 = vector.broadcast %broadcast_in_dim3A_191 : f32 to vector<16xf32>
      %swap3A_193 = arith.index_cast %while3A_150 : i32 to index
      %swap3A_194 = arith.constant 96 : index
      %swap3A_195 = tpu.vector_load %arg15[%swap3A_193, %swap3A_194] {strides = array<i32>} : memref<79x128xf32, #tpu.memory_space<vmem>>, vector<1x16xf32>,
      %swap3A_196 = vector.shape_cast %swap3A_195 : vector<1x16xf32> to vector<16xf32>
      %swap3A_197 = vector.shape_cast %broadcast_in_dim3A_192 : vector<16xf32> to vector<1x16xf32>
      tpu.vector_store %arg15[%swap3A_193, %swap3A_194], %swap3A_197 {strides = array<i32>} : memref<79x128xf32, #tpu.memory_space<vmem>>, vector<1x16xf32>,
      %broadcast_in_dim3A_198 = arith.constant 0.000000e+00 : f32
      %broadcast_in_dim3A_199 = vector.broadcast %broadcast_in_dim3A_198 : f32 to vector<16xf32>
      %swap3A_200 = arith.index_cast %while3A_150 : i32 to index
      %swap3A_201 = arith.constant 112 : index
      %swap3A_202 = tpu.vector_load %arg15[%swap3A_200, %swap3A_201] {strides = array<i32>} : memref<79x128xf32, #tpu.memory_space<vmem>>, vector<1x16xf32>,
      %swap3A_203 = vector.shape_cast %swap3A_202 : vector<1x16xf32> to vector<16xf32>
      %swap3A_204 = vector.shape_cast %broadcast_in_dim3A_199 : vector<16xf32> to vector<1x16xf32>
      tpu.vector_store %arg15[%swap3A_200, %swap3A_201], %swap3A_204 {strides = array<i32>} : memref<79x128xf32, #tpu.memory_space<vmem>>, vector<1x16xf32>,
    }
    %while3A_11 = arith.constant 0 : i32
    %while3A_12 = arith.constant 0 : i32
    %while3A_13 = arith.constant 40 : i32
    %while3A_14 = arith.subi %while3A_13, %while3A_12 : i32
    %while3A_15 = arith.addi %while3A_12, %while3A_14 : i32
    %while3A_16 = arith.constant 1 : i32
    %while3A_17 = arith.divsi %while3A_14, %while3A_16 : i32
    %while3A_18 = arith.muli %while3A_17, %while3A_16 : i32
    %while3A_19 = arith.addi %while3A_12, %while3A_18 : i32
    %while3A_20 = arith.constant 1 : i32
    scf.for %while3A_150 = %while3A_12 to %while3A_19 step %while3A_20  : i32 {
      %broadcast_in_dim3A = arith.constant 0.000000e+00 : f32
      %broadcast_in_dim3A_151 = vector.broadcast %broadcast_in_dim3A : f32 to vector<16xf32>
      %mul3A_152 = arith.constant 16 : i32
      %mul3A_153 = arith.muli %while3A_150, %mul3A_152 : i32
      %swap3A = arith.index_cast %mul3A_153 : i32 to index
      %swap3A_154 = tpu.vector_load %arg16[%swap3A] {strides = array<i32>} : memref<640xf32, #tpu.memory_space<vmem>>, vector<16xf32>,
      %swap3A_155 = vector.shape_cast %swap3A_154 : vector<16xf32> to vector<16xf32>
      %swap3A_156 = vector.shape_cast %broadcast_in_dim3A_151 : vector<16xf32> to vector<16xf32>
      tpu.vector_store %arg16[%swap3A], %swap3A_156 {strides = array<i32>} : memref<640xf32, #tpu.memory_space<vmem>>, vector<16xf32>,
    }
    %while3A_21 = arith.constant 1 : i32
    scf.for %while3A_150 = %while3A_19 to %while3A_15 step %while3A_21  : i32 {
      %broadcast_in_dim3A = arith.constant 0.000000e+00 : f32
      %broadcast_in_dim3A_151 = vector.broadcast %broadcast_in_dim3A : f32 to vector<16xf32>
      %mul3A_152 = arith.constant 16 : i32
      %mul3A_153 = arith.muli %while3A_150, %mul3A_152 : i32
      %swap3A = arith.index_cast %mul3A_153 : i32 to index
      %swap3A_154 = tpu.vector_load %arg16[%swap3A] {strides = array<i32>} : memref<640xf32, #tpu.memory_space<vmem>>, vector<16xf32>,
      %swap3A_155 = vector.shape_cast %swap3A_154 : vector<16xf32> to vector<16xf32>
      %swap3A_156 = vector.shape_cast %broadcast_in_dim3A_151 : vector<16xf32> to vector<16xf32>
      tpu.vector_store %arg16[%swap3A], %swap3A_156 {strides = array<i32>} : memref<640xf32, #tpu.memory_space<vmem>>, vector<16xf32>,
    }
    %while3A_22 = arith.constant 0 : i32
    %while3A_23 = arith.constant 0 : i32
    %while3A_24 = arith.constant 8 : i32
    %while3A_25 = arith.subi %while3A_24, %while3A_23 : i32
    %while3A_26 = arith.addi %while3A_23, %while3A_25 : i32
    %while3A_27 = arith.constant 1 : i32
    %while3A_28 = arith.divsi %while3A_25, %while3A_27 : i32
    %while3A_29 = arith.muli %while3A_28, %while3A_27 : i32
    %while3A_30 = arith.addi %while3A_23, %while3A_29 : i32
    %while3A_31 = arith.constant 1 : i32
    scf.for %while3A_150 = %while3A_23 to %while3A_30 step %while3A_31  : i32 {
      %broadcast_in_dim3A = arith.constant 1.000000e+00 : f32
      %broadcast_in_dim3A_151 = vector.broadcast %broadcast_in_dim3A : f32 to vector<16xf32>
      %mul3A_152 = arith.constant 16 : i32
      %mul3A_153 = arith.muli %while3A_150, %mul3A_152 : i32
      %swap3A = arith.index_cast %mul3A_153 : i32 to index
      %swap3A_154 = tpu.vector_load %arg17[%swap3A] {strides = array<i32>} : memref<128xf32, #tpu.memory_space<vmem>>, vector<16xf32>,
      %swap3A_155 = vector.shape_cast %swap3A_154 : vector<16xf32> to vector<16xf32>
      %swap3A_156 = vector.shape_cast %broadcast_in_dim3A_151 : vector<16xf32> to vector<16xf32>
      tpu.vector_store %arg17[%swap3A], %swap3A_156 {strides = array<i32>} : memref<128xf32, #tpu.memory_space<vmem>>, vector<16xf32>,
    }
    %while3A_32 = arith.constant 1 : i32
    scf.for %while3A_150 = %while3A_30 to %while3A_26 step %while3A_32  : i32 {
      %broadcast_in_dim3A = arith.constant 1.000000e+00 : f32
      %broadcast_in_dim3A_151 = vector.broadcast %broadcast_in_dim3A : f32 to vector<16xf32>
      %mul3A_152 = arith.constant 16 : i32
      %mul3A_153 = arith.muli %while3A_150, %mul3A_152 : i32
      %swap3A = arith.index_cast %mul3A_153 : i32 to index
      %swap3A_154 = tpu.vector_load %arg17[%swap3A] {strides = array<i32>} : memref<128xf32, #tpu.memory_space<vmem>>, vector<16xf32>,
      %swap3A_155 = vector.shape_cast %swap3A_154 : vector<16xf32> to vector<16xf32>
      %swap3A_156 = vector.shape_cast %broadcast_in_dim3A_151 : vector<16xf32> to vector<16xf32>
      tpu.vector_store %arg17[%swap3A], %swap3A_156 {strides = array<i32>} : memref<128xf32, #tpu.memory_space<vmem>>, vector<16xf32>,
    }
    %mul3A_33 = arith.constant 632 : i32
    %mul3A_34 = arith.muli %arg1, %mul3A_33 : i32
    %mul3A_35 = arith.constant 640 : i32
    %mul3A_36 = arith.muli %arg1, %mul3A_35 : i32
    %eq3A = arith.constant 0 : i32
    %eq3A_37 = arith.cmpi eq, %arg0, %eq3A : i32
    %mul3A_38 = arith.constant 5120 : i32
    %mul3A_39 = arith.muli %arg1, %mul3A_38 : i32
    %mul3A_40 = arith.constant 1280 : i32
    %mul3A_41 = arith.muli %arg1, %mul3A_40 : i32
    %add3A_42 = arith.constant 81920 : i32
    %add3A_43 = arith.addi %add3A_42, %mul3A_41 : i32
    %select_n3A = arith.select %eq3A_37, %mul3A_39, %add3A_43 : i32
    %eq3A_44 = arith.constant 0 : i32
    %eq3A_45 = arith.cmpi eq, %arg0, %eq3A_44 : i32
    %jit3A = arith.constant 40 : i32
    %jit3A_46 = arith.constant 10 : i32
    %select_n3A_47 = arith.select %eq3A_45, %jit3A, %jit3A_46 : i32
    %eq3A_48 = arith.constant 0 : i32
    %eq3A_49 = arith.cmpi eq, %arg0, %eq3A_48 : i32
    %jit3A_50 = arith.constant 20 : i32
    %jit3A_51 = arith.constant 5 : i32
    %select_n3A_52 = arith.select %eq3A_49, %jit3A_50, %jit3A_51 : i32
    "tpu.trace_start"() <{level = 10 : i32, message = "zero0"}> : () -> ()
    %add3A_53 = arith.constant 0 : i32
    %add3A_54 = arith.addi %mul3A_34, %add3A_53 : i32
    "tpu.region"() ({
      %run_scoped3A = tpu.sem_alloc : memref<!tpu.dma_semaphore, #tpu.memory_space<semaphore_mem>>
      %dma_start3A = arith.constant 0 : i32
      %dma_start3A_150 = tpu.memref_slice %arg24[%add3A_54, %dma_start3A] : memref<10112x128xf32, #tpu.memory_space<vmem_shared>> -> memref<79x128xf32, #tpu.memory_space<vmem_shared>>
      %dma_start3A_151 = arith.constant 0 : i32
      %dma_start3A_152 = tpu.memref_slice %arg24[%add3A_54, %dma_start3A_151] : memref<10112x128xf32, #tpu.memory_space<vmem_shared>> -> memref<79x128xf32, #tpu.memory_space<vmem_shared>>
      tpu.enqueue_dma source(%arg15 : memref<79x128xf32, #tpu.memory_space<vmem>>) target(%dma_start3A_152 : memref<79x128xf32, #tpu.memory_space<vmem_shared>>) target_semaphore(%run_scoped3A : memref<!tpu.dma_semaphore, #tpu.memory_space<semaphore_mem>>)
      %dma_wait3A = arith.constant 0 : i32
      %dma_wait3A_153 = tpu.memref_slice %arg24[%add3A_54, %dma_wait3A] : memref<10112x128xf32, #tpu.memory_space<vmem_shared>> -> memref<79x128xf32, #tpu.memory_space<vmem_shared>>
      %dma_wait3A_154 = arith.constant 0 : i32
      %dma_wait3A_155 = tpu.memref_slice %arg24[%add3A_54, %dma_wait3A_154] : memref<10112x128xf32, #tpu.memory_space<vmem_shared>> -> memref<79x128xf32, #tpu.memory_space<vmem_shared>>
      tpu.wait_dma2 semaphore(%run_scoped3A : memref<!tpu.dma_semaphore, #tpu.memory_space<semaphore_mem>>) src(%arg15 : memref<79x128xf32, #tpu.memory_space<vmem>>) dst(%dma_wait3A_155 : memref<79x128xf32, #tpu.memory_space<vmem_shared>>)
      tpu.yield
    }) : () -> ()
    %add3A_55 = arith.constant 79 : i32
    %add3A_56 = arith.addi %mul3A_34, %add3A_55 : i32
    "tpu.region"() ({
      %run_scoped3A = tpu.sem_alloc : memref<!tpu.dma_semaphore, #tpu.memory_space<semaphore_mem>>
      %dma_start3A = arith.constant 0 : i32
      %dma_start3A_150 = tpu.memref_slice %arg24[%add3A_56, %dma_start3A] : memref<10112x128xf32, #tpu.memory_space<vmem_shared>> -> memref<79x128xf32, #tpu.memory_space<vmem_shared>>
      %dma_start3A_151 = arith.constant 0 : i32
      %dma_start3A_152 = tpu.memref_slice %arg24[%add3A_56, %dma_start3A_151] : memref<10112x128xf32, #tpu.memory_space<vmem_shared>> -> memref<79x128xf32, #tpu.memory_space<vmem_shared>>
      tpu.enqueue_dma source(%arg15 : memref<79x128xf32, #tpu.memory_space<vmem>>) target(%dma_start3A_152 : memref<79x128xf32, #tpu.memory_space<vmem_shared>>) target_semaphore(%run_scoped3A : memref<!tpu.dma_semaphore, #tpu.memory_space<semaphore_mem>>)
      %dma_wait3A = arith.constant 0 : i32
      %dma_wait3A_153 = tpu.memref_slice %arg24[%add3A_56, %dma_wait3A] : memref<10112x128xf32, #tpu.memory_space<vmem_shared>> -> memref<79x128xf32, #tpu.memory_space<vmem_shared>>
      %dma_wait3A_154 = arith.constant 0 : i32
      %dma_wait3A_155 = tpu.memref_slice %arg24[%add3A_56, %dma_wait3A_154] : memref<10112x128xf32, #tpu.memory_space<vmem_shared>> -> memref<79x128xf32, #tpu.memory_space<vmem_shared>>
      tpu.wait_dma2 semaphore(%run_scoped3A : memref<!tpu.dma_semaphore, #tpu.memory_space<semaphore_mem>>) src(%arg15 : memref<79x128xf32, #tpu.memory_space<vmem>>) dst(%dma_wait3A_155 : memref<79x128xf32, #tpu.memory_space<vmem_shared>>)
      tpu.yield
    }) : () -> ()
    %add3A_57 = arith.constant 158 : i32
    %add3A_58 = arith.addi %mul3A_34, %add3A_57 : i32
    "tpu.region"() ({
      %run_scoped3A = tpu.sem_alloc : memref<!tpu.dma_semaphore, #tpu.memory_space<semaphore_mem>>
      %dma_start3A = arith.constant 0 : i32
      %dma_start3A_150 = tpu.memref_slice %arg24[%add3A_58, %dma_start3A] : memref<10112x128xf32, #tpu.memory_space<vmem_shared>> -> memref<79x128xf32, #tpu.memory_space<vmem_shared>>
      %dma_start3A_151 = arith.constant 0 : i32
      %dma_start3A_152 = tpu.memref_slice %arg24[%add3A_58, %dma_start3A_151] : memref<10112x128xf32, #tpu.memory_space<vmem_shared>> -> memref<79x128xf32, #tpu.memory_space<vmem_shared>>
      tpu.enqueue_dma source(%arg15 : memref<79x128xf32, #tpu.memory_space<vmem>>) target(%dma_start3A_152 : memref<79x128xf32, #tpu.memory_space<vmem_shared>>) target_semaphore(%run_scoped3A : memref<!tpu.dma_semaphore, #tpu.memory_space<semaphore_mem>>)
      %dma_wait3A = arith.constant 0 : i32
      %dma_wait3A_153 = tpu.memref_slice %arg24[%add3A_58, %dma_wait3A] : memref<10112x128xf32, #tpu.memory_space<vmem_shared>> -> memref<79x128xf32, #tpu.memory_space<vmem_shared>>
      %dma_wait3A_154 = arith.constant 0 : i32
      %dma_wait3A_155 = tpu.memref_slice %arg24[%add3A_58, %dma_wait3A_154] : memref<10112x128xf32, #tpu.memory_space<vmem_shared>> -> memref<79x128xf32, #tpu.memory_space<vmem_shared>>
      tpu.wait_dma2 semaphore(%run_scoped3A : memref<!tpu.dma_semaphore, #tpu.memory_space<semaphore_mem>>) src(%arg15 : memref<79x128xf32, #tpu.memory_space<vmem>>) dst(%dma_wait3A_155 : memref<79x128xf32, #tpu.memory_space<vmem_shared>>)
      tpu.yield
    }) : () -> ()
    %add3A_59 = arith.constant 237 : i32
    %add3A_60 = arith.addi %mul3A_34, %add3A_59 : i32
    "tpu.region"() ({
      %run_scoped3A = tpu.sem_alloc : memref<!tpu.dma_semaphore, #tpu.memory_space<semaphore_mem>>
      %dma_start3A = arith.constant 0 : i32
      %dma_start3A_150 = tpu.memref_slice %arg24[%add3A_60, %dma_start3A] : memref<10112x128xf32, #tpu.memory_space<vmem_shared>> -> memref<79x128xf32, #tpu.memory_space<vmem_shared>>
      %dma_start3A_151 = arith.constant 0 : i32
      %dma_start3A_152 = tpu.memref_slice %arg24[%add3A_60, %dma_start3A_151] : memref<10112x128xf32, #tpu.memory_space<vmem_shared>> -> memref<79x128xf32, #tpu.memory_space<vmem_shared>>
      tpu.enqueue_dma source(%arg15 : memref<79x128xf32, #tpu.memory_space<vmem>>) target(%dma_start3A_152 : memref<79x128xf32, #tpu.memory_space<vmem_shared>>) target_semaphore(%run_scoped3A : memref<!tpu.dma_semaphore, #tpu.memory_space<semaphore_mem>>)
      %dma_wait3A = arith.constant 0 : i32
      %dma_wait3A_153 = tpu.memref_slice %arg24[%add3A_60, %dma_wait3A] : memref<10112x128xf32, #tpu.memory_space<vmem_shared>> -> memref<79x128xf32, #tpu.memory_space<vmem_shared>>
      %dma_wait3A_154 = arith.constant 0 : i32
      %dma_wait3A_155 = tpu.memref_slice %arg24[%add3A_60, %dma_wait3A_154] : memref<10112x128xf32, #tpu.memory_space<vmem_shared>> -> memref<79x128xf32, #tpu.memory_space<vmem_shared>>
      tpu.wait_dma2 semaphore(%run_scoped3A : memref<!tpu.dma_semaphore, #tpu.memory_space<semaphore_mem>>) src(%arg15 : memref<79x128xf32, #tpu.memory_space<vmem>>) dst(%dma_wait3A_155 : memref<79x128xf32, #tpu.memory_space<vmem_shared>>)
      tpu.yield
    }) : () -> ()
    %add3A_61 = arith.constant 316 : i32
    %add3A_62 = arith.addi %mul3A_34, %add3A_61 : i32
    "tpu.region"() ({
      %run_scoped3A = tpu.sem_alloc : memref<!tpu.dma_semaphore, #tpu.memory_space<semaphore_mem>>
      %dma_start3A = arith.constant 0 : i32
      %dma_start3A_150 = tpu.memref_slice %arg24[%add3A_62, %dma_start3A] : memref<10112x128xf32, #tpu.memory_space<vmem_shared>> -> memref<79x128xf32, #tpu.memory_space<vmem_shared>>
      %dma_start3A_151 = arith.constant 0 : i32
      %dma_start3A_152 = tpu.memref_slice %arg24[%add3A_62, %dma_start3A_151] : memref<10112x128xf32, #tpu.memory_space<vmem_shared>> -> memref<79x128xf32, #tpu.memory_space<vmem_shared>>
      tpu.enqueue_dma source(%arg15 : memref<79x128xf32, #tpu.memory_space<vmem>>) target(%dma_start3A_152 : memref<79x128xf32, #tpu.memory_space<vmem_shared>>) target_semaphore(%run_scoped3A : memref<!tpu.dma_semaphore, #tpu.memory_space<semaphore_mem>>)
      %dma_wait3A = arith.constant 0 : i32
      %dma_wait3A_153 = tpu.memref_slice %arg24[%add3A_62, %dma_wait3A] : memref<10112x128xf32, #tpu.memory_space<vmem_shared>> -> memref<79x128xf32, #tpu.memory_space<vmem_shared>>
      %dma_wait3A_154 = arith.constant 0 : i32
      %dma_wait3A_155 = tpu.memref_slice %arg24[%add3A_62, %dma_wait3A_154] : memref<10112x128xf32, #tpu.memory_space<vmem_shared>> -> memref<79x128xf32, #tpu.memory_space<vmem_shared>>
      tpu.wait_dma2 semaphore(%run_scoped3A : memref<!tpu.dma_semaphore, #tpu.memory_space<semaphore_mem>>) src(%arg15 : memref<79x128xf32, #tpu.memory_space<vmem>>) dst(%dma_wait3A_155 : memref<79x128xf32, #tpu.memory_space<vmem_shared>>)
      tpu.yield
    }) : () -> ()
    %add3A_63 = arith.constant 395 : i32
    %add3A_64 = arith.addi %mul3A_34, %add3A_63 : i32
    "tpu.region"() ({
      %run_scoped3A = tpu.sem_alloc : memref<!tpu.dma_semaphore, #tpu.memory_space<semaphore_mem>>
      %dma_start3A = arith.constant 0 : i32
      %dma_start3A_150 = tpu.memref_slice %arg24[%add3A_64, %dma_start3A] : memref<10112x128xf32, #tpu.memory_space<vmem_shared>> -> memref<79x128xf32, #tpu.memory_space<vmem_shared>>
      %dma_start3A_151 = arith.constant 0 : i32
      %dma_start3A_152 = tpu.memref_slice %arg24[%add3A_64, %dma_start3A_151] : memref<10112x128xf32, #tpu.memory_space<vmem_shared>> -> memref<79x128xf32, #tpu.memory_space<vmem_shared>>
      tpu.enqueue_dma source(%arg15 : memref<79x128xf32, #tpu.memory_space<vmem>>) target(%dma_start3A_152 : memref<79x128xf32, #tpu.memory_space<vmem_shared>>) target_semaphore(%run_scoped3A : memref<!tpu.dma_semaphore, #tpu.memory_space<semaphore_mem>>)
      %dma_wait3A = arith.constant 0 : i32
      %dma_wait3A_153 = tpu.memref_slice %arg24[%add3A_64, %dma_wait3A] : memref<10112x128xf32, #tpu.memory_space<vmem_shared>> -> memref<79x128xf32, #tpu.memory_space<vmem_shared>>
      %dma_wait3A_154 = arith.constant 0 : i32
      %dma_wait3A_155 = tpu.memref_slice %arg24[%add3A_64, %dma_wait3A_154] : memref<10112x128xf32, #tpu.memory_space<vmem_shared>> -> memref<79x128xf32, #tpu.memory_space<vmem_shared>>
      tpu.wait_dma2 semaphore(%run_scoped3A : memref<!tpu.dma_semaphore, #tpu.memory_space<semaphore_mem>>) src(%arg15 : memref<79x128xf32, #tpu.memory_space<vmem>>) dst(%dma_wait3A_155 : memref<79x128xf32, #tpu.memory_space<vmem_shared>>)
      tpu.yield
    }) : () -> ()
    %add3A_65 = arith.constant 474 : i32
    %add3A_66 = arith.addi %mul3A_34, %add3A_65 : i32
    "tpu.region"() ({
      %run_scoped3A = tpu.sem_alloc : memref<!tpu.dma_semaphore, #tpu.memory_space<semaphore_mem>>
      %dma_start3A = arith.constant 0 : i32
      %dma_start3A_150 = tpu.memref_slice %arg24[%add3A_66, %dma_start3A] : memref<10112x128xf32, #tpu.memory_space<vmem_shared>> -> memref<79x128xf32, #tpu.memory_space<vmem_shared>>
      %dma_start3A_151 = arith.constant 0 : i32
      %dma_start3A_152 = tpu.memref_slice %arg24[%add3A_66, %dma_start3A_151] : memref<10112x128xf32, #tpu.memory_space<vmem_shared>> -> memref<79x128xf32, #tpu.memory_space<vmem_shared>>
      tpu.enqueue_dma source(%arg15 : memref<79x128xf32, #tpu.memory_space<vmem>>) target(%dma_start3A_152 : memref<79x128xf32, #tpu.memory_space<vmem_shared>>) target_semaphore(%run_scoped3A : memref<!tpu.dma_semaphore, #tpu.memory_space<semaphore_mem>>)
      %dma_wait3A = arith.constant 0 : i32
      %dma_wait3A_153 = tpu.memref_slice %arg24[%add3A_66, %dma_wait3A] : memref<10112x128xf32, #tpu.memory_space<vmem_shared>> -> memref<79x128xf32, #tpu.memory_space<vmem_shared>>
      %dma_wait3A_154 = arith.constant 0 : i32
      %dma_wait3A_155 = tpu.memref_slice %arg24[%add3A_66, %dma_wait3A_154] : memref<10112x128xf32, #tpu.memory_space<vmem_shared>> -> memref<79x128xf32, #tpu.memory_space<vmem_shared>>
      tpu.wait_dma2 semaphore(%run_scoped3A : memref<!tpu.dma_semaphore, #tpu.memory_space<semaphore_mem>>) src(%arg15 : memref<79x128xf32, #tpu.memory_space<vmem>>) dst(%dma_wait3A_155 : memref<79x128xf32, #tpu.memory_space<vmem_shared>>)
      tpu.yield
    }) : () -> ()
    %add3A_67 = arith.constant 553 : i32
    %add3A_68 = arith.addi %mul3A_34, %add3A_67 : i32
    "tpu.region"() ({
      %run_scoped3A = tpu.sem_alloc : memref<!tpu.dma_semaphore, #tpu.memory_space<semaphore_mem>>
      %dma_start3A = arith.constant 0 : i32
      %dma_start3A_150 = tpu.memref_slice %arg24[%add3A_68, %dma_start3A] : memref<10112x128xf32, #tpu.memory_space<vmem_shared>> -> memref<79x128xf32, #tpu.memory_space<vmem_shared>>
      %dma_start3A_151 = arith.constant 0 : i32
      %dma_start3A_152 = tpu.memref_slice %arg24[%add3A_68, %dma_start3A_151] : memref<10112x128xf32, #tpu.memory_space<vmem_shared>> -> memref<79x128xf32, #tpu.memory_space<vmem_shared>>
      tpu.enqueue_dma source(%arg15 : memref<79x128xf32, #tpu.memory_space<vmem>>) target(%dma_start3A_152 : memref<79x128xf32, #tpu.memory_space<vmem_shared>>) target_semaphore(%run_scoped3A : memref<!tpu.dma_semaphore, #tpu.memory_space<semaphore_mem>>)
      %dma_wait3A = arith.constant 0 : i32
      %dma_wait3A_153 = tpu.memref_slice %arg24[%add3A_68, %dma_wait3A] : memref<10112x128xf32, #tpu.memory_space<vmem_shared>> -> memref<79x128xf32, #tpu.memory_space<vmem_shared>>
      %dma_wait3A_154 = arith.constant 0 : i32
      %dma_wait3A_155 = tpu.memref_slice %arg24[%add3A_68, %dma_wait3A_154] : memref<10112x128xf32, #tpu.memory_space<vmem_shared>> -> memref<79x128xf32, #tpu.memory_space<vmem_shared>>
      tpu.wait_dma2 semaphore(%run_scoped3A : memref<!tpu.dma_semaphore, #tpu.memory_space<semaphore_mem>>) src(%arg15 : memref<79x128xf32, #tpu.memory_space<vmem>>) dst(%dma_wait3A_155 : memref<79x128xf32, #tpu.memory_space<vmem_shared>>)
      tpu.yield
    }) : () -> ()
    "tpu.region"() ({
      %run_scoped3A = tpu.sem_alloc : memref<!tpu.dma_semaphore, #tpu.memory_space<semaphore_mem>>
      %dma_start3A = tpu.memref_slice %arg25[%mul3A_36] : memref<10240xf32, #tpu.memory_space<vmem_shared>> -> memref<640xf32, #tpu.memory_space<vmem_shared>>
      %dma_start3A_150 = tpu.memref_slice %arg25[%mul3A_36] : memref<10240xf32, #tpu.memory_space<vmem_shared>> -> memref<640xf32, #tpu.memory_space<vmem_shared>>
      tpu.enqueue_dma source(%arg16 : memref<640xf32, #tpu.memory_space<vmem>>) target(%dma_start3A_150 : memref<640xf32, #tpu.memory_space<vmem_shared>>) target_semaphore(%run_scoped3A : memref<!tpu.dma_semaphore, #tpu.memory_space<semaphore_mem>>)
      %dma_wait3A = tpu.memref_slice %arg25[%mul3A_36] : memref<10240xf32, #tpu.memory_space<vmem_shared>> -> memref<640xf32, #tpu.memory_space<vmem_shared>>
      %dma_wait3A_151 = tpu.memref_slice %arg25[%mul3A_36] : memref<10240xf32, #tpu.memory_space<vmem_shared>> -> memref<640xf32, #tpu.memory_space<vmem_shared>>
      tpu.wait_dma2 semaphore(%run_scoped3A : memref<!tpu.dma_semaphore, #tpu.memory_space<semaphore_mem>>) src(%arg16 : memref<640xf32, #tpu.memory_space<vmem>>) dst(%dma_wait3A_151 : memref<640xf32, #tpu.memory_space<vmem_shared>>)
      tpu.yield
    }) : () -> ()
    %barrier3A = arith.constant 0 : index
    tpu.barrier barrier_id(%barrier3A)
    %lt3A = arith.constant 0 : i32
    "tpu.trace_stop"() : () -> ()
    "tpu.trace_start"() <{level = 10 : i32, message = "chunks0"}> : () -> ()
    %lt3A_69 = arith.cmpi slt, %lt3A, %select_n3A_47 : i32
    %convert_element_type3A = arith.extui %lt3A_69 : i1 to i32
    %cond3A = arith.constant 0 : i32
    %cond3A_70 = arith.cmpi ne, %convert_element_type3A, %cond3A : i32
    scf.if %cond3A_70 {
      %mul3A_150 = arith.constant 0 : i32
      %mul3A_151 = arith.constant 128 : i32
      %mul3A_152 = arith.muli %mul3A_150, %mul3A_151 : i32
      %add3A_153 = arith.addi %select_n3A, %mul3A_152 : i32
      "tpu.region"() ({
        %run_scoped3A = tpu.sem_alloc : memref<!tpu.dma_semaphore, #tpu.memory_space<semaphore_mem>>
        %dma_start3A_163 = tpu.memref_slice %arg3[%add3A_153] : memref<102400xi32, #tpu.memory_space<hbm>> -> memref<128xi32, #tpu.memory_space<hbm>>
        %dma_start3A_164 = tpu.memref_slice %arg3[%add3A_153] : memref<102400xi32, #tpu.memory_space<hbm>> -> memref<128xi32, #tpu.memory_space<hbm>>
        tpu.enqueue_dma source(%dma_start3A_164 : memref<128xi32, #tpu.memory_space<hbm>>) target(%arg18 : memref<128xi32, #tpu.memory_space<vmem>>) target_semaphore(%run_scoped3A : memref<!tpu.dma_semaphore, #tpu.memory_space<semaphore_mem>>)
        %dma_wait3A = tpu.memref_slice %arg3[%add3A_153] : memref<102400xi32, #tpu.memory_space<hbm>> -> memref<128xi32, #tpu.memory_space<hbm>>
        %dma_wait3A_165 = tpu.memref_slice %arg3[%add3A_153] : memref<102400xi32, #tpu.memory_space<hbm>> -> memref<128xi32, #tpu.memory_space<hbm>>
        tpu.wait_dma2 semaphore(%run_scoped3A : memref<!tpu.dma_semaphore, #tpu.memory_space<semaphore_mem>>) src(%dma_wait3A_165 : memref<128xi32, #tpu.memory_space<hbm>>) dst(%arg18 : memref<128xi32, #tpu.memory_space<vmem>>)
        tpu.yield
      }) : () -> ()
      "tpu.region"() ({
        %run_scoped3A = tpu.sem_alloc : memref<!tpu.dma_semaphore, #tpu.memory_space<semaphore_mem>>
        %dma_start3A_163 = tpu.memref_slice %arg4[%add3A_153] : memref<102400xi32, #tpu.memory_space<hbm>> -> memref<128xi32, #tpu.memory_space<hbm>>
        %dma_start3A_164 = tpu.memref_slice %arg4[%add3A_153] : memref<102400xi32, #tpu.memory_space<hbm>> -> memref<128xi32, #tpu.memory_space<hbm>>
        tpu.enqueue_dma source(%dma_start3A_164 : memref<128xi32, #tpu.memory_space<hbm>>) target(%arg20 : memref<128xi32, #tpu.memory_space<vmem>>) target_semaphore(%run_scoped3A : memref<!tpu.dma_semaphore, #tpu.memory_space<semaphore_mem>>)
        %dma_wait3A = tpu.memref_slice %arg4[%add3A_153] : memref<102400xi32, #tpu.memory_space<hbm>> -> memref<128xi32, #tpu.memory_space<hbm>>
        %dma_wait3A_165 = tpu.memref_slice %arg4[%add3A_153] : memref<102400xi32, #tpu.memory_space<hbm>> -> memref<128xi32, #tpu.memory_space<hbm>>
        tpu.wait_dma2 semaphore(%run_scoped3A : memref<!tpu.dma_semaphore, #tpu.memory_space<semaphore_mem>>) src(%dma_wait3A_165 : memref<128xi32, #tpu.memory_space<hbm>>) dst(%arg20 : memref<128xi32, #tpu.memory_space<vmem>>)
        tpu.yield
      }) : () -> ()
      %dma_start3A = arith.constant 0 : i32
      %dma_start3A_154 = arith.constant 0 : i32
      %dma_start3A_155 = tpu.memref_slice %arg2[%dma_start3A, %dma_start3A_154] : memref<10000x128xf32, #tpu.memory_space<hbm>> -> memref<10000x128xf32, #tpu.memory_space<hbm>>
      tpu.enqueue_indirect_dma source(%dma_start3A_155 : memref<10000x128xf32, #tpu.memory_space<hbm>>) target(%arg22 : memref<128x128xf32, #tpu.memory_space<vmem>>) offsets(%arg18 : memref<128xi32, #tpu.memory_space<vmem>>) semaphore(%arg26 : memref<!tpu.dma_semaphore, #tpu.memory_space<semaphore_mem>>)
      %mul3A_156 = arith.constant 1 : i32
      %mul3A_157 = arith.constant 128 : i32
      %mul3A_158 = arith.muli %mul3A_156, %mul3A_157 : i32
      %add3A_159 = arith.addi %select_n3A, %mul3A_158 : i32
      "tpu.region"() ({
        %run_scoped3A = tpu.sem_alloc : memref<!tpu.dma_semaphore, #tpu.memory_space<semaphore_mem>>
        %dma_start3A_163 = tpu.memref_slice %arg3[%add3A_159] : memref<102400xi32, #tpu.memory_space<hbm>> -> memref<128xi32, #tpu.memory_space<hbm>>
        %dma_start3A_164 = tpu.memref_slice %arg3[%add3A_159] : memref<102400xi32, #tpu.memory_space<hbm>> -> memref<128xi32, #tpu.memory_space<hbm>>
        tpu.enqueue_dma source(%dma_start3A_164 : memref<128xi32, #tpu.memory_space<hbm>>) target(%arg19 : memref<128xi32, #tpu.memory_space<vmem>>) target_semaphore(%run_scoped3A : memref<!tpu.dma_semaphore, #tpu.memory_space<semaphore_mem>>)
        %dma_wait3A = tpu.memref_slice %arg3[%add3A_159] : memref<102400xi32, #tpu.memory_space<hbm>> -> memref<128xi32, #tpu.memory_space<hbm>>
        %dma_wait3A_165 = tpu.memref_slice %arg3[%add3A_159] : memref<102400xi32, #tpu.memory_space<hbm>> -> memref<128xi32, #tpu.memory_space<hbm>>
        tpu.wait_dma2 semaphore(%run_scoped3A : memref<!tpu.dma_semaphore, #tpu.memory_space<semaphore_mem>>) src(%dma_wait3A_165 : memref<128xi32, #tpu.memory_space<hbm>>) dst(%arg19 : memref<128xi32, #tpu.memory_space<vmem>>)
        tpu.yield
      }) : () -> ()
      "tpu.region"() ({
        %run_scoped3A = tpu.sem_alloc : memref<!tpu.dma_semaphore, #tpu.memory_space<semaphore_mem>>
        %dma_start3A_163 = tpu.memref_slice %arg4[%add3A_159] : memref<102400xi32, #tpu.memory_space<hbm>> -> memref<128xi32, #tpu.memory_space<hbm>>
        %dma_start3A_164 = tpu.memref_slice %arg4[%add3A_159] : memref<102400xi32, #tpu.memory_space<hbm>> -> memref<128xi32, #tpu.memory_space<hbm>>
        tpu.enqueue_dma source(%dma_start3A_164 : memref<128xi32, #tpu.memory_space<hbm>>) target(%arg21 : memref<128xi32, #tpu.memory_space<vmem>>) target_semaphore(%run_scoped3A : memref<!tpu.dma_semaphore, #tpu.memory_space<semaphore_mem>>)
        %dma_wait3A = tpu.memref_slice %arg4[%add3A_159] : memref<102400xi32, #tpu.memory_space<hbm>> -> memref<128xi32, #tpu.memory_space<hbm>>
        %dma_wait3A_165 = tpu.memref_slice %arg4[%add3A_159] : memref<102400xi32, #tpu.memory_space<hbm>> -> memref<128xi32, #tpu.memory_space<hbm>>
        tpu.wait_dma2 semaphore(%run_scoped3A : memref<!tpu.dma_semaphore, #tpu.memory_space<semaphore_mem>>) src(%dma_wait3A_165 : memref<128xi32, #tpu.memory_space<hbm>>) dst(%arg21 : memref<128xi32, #tpu.memory_space<vmem>>)
        tpu.yield
      }) : () -> ()
      %dma_start3A_160 = arith.constant 0 : i32
      %dma_start3A_161 = arith.constant 0 : i32
      %dma_start3A_162 = tpu.memref_slice %arg2[%dma_start3A_160, %dma_start3A_161] : memref<10000x128xf32, #tpu.memory_space<hbm>> -> memref<10000x128xf32, #tpu.memory_space<hbm>>
      tpu.enqueue_indirect_dma source(%dma_start3A_162 : memref<10000x128xf32, #tpu.memory_space<hbm>>) target(%arg23 : memref<128x128xf32, #tpu.memory_space<vmem>>) offsets(%arg19 : memref<128xi32, #tpu.memory_space<vmem>>) semaphore(%arg27 : memref<!tpu.dma_semaphore, #tpu.memory_space<semaphore_mem>>)
    } else {
    }
    %while3A_71 = arith.constant 0 : i32
    %while3A_72 = arith.constant 0 : i32
    %while3A_73 = arith.subi %select_n3A_52, %while3A_72 : i32
    %while3A_74 = arith.addi %while3A_72, %while3A_73 : i32
    %while3A_75 = arith.constant 1 : i32
    %while3A_76 = arith.divsi %while3A_73, %while3A_75 : i32
    %while3A_77 = arith.muli %while3A_76, %while3A_75 : i32
    %while3A_78 = arith.addi %while3A_72, %while3A_77 : i32
    %while3A_79 = arith.constant 1 : i32
    scf.for %while3A_150 = %while3A_72 to %while3A_78 step %while3A_79  : i32 {
      %dma_wait3A = arith.constant 0 : i32
      %dma_wait3A_151 = arith.constant 0 : i32
      %dma_wait3A_152 = tpu.memref_slice %arg2[%dma_wait3A, %dma_wait3A_151] : memref<10000x128xf32, #tpu.memory_space<hbm>> -> memref<10000x128xf32, #tpu.memory_space<hbm>>
      tpu.wait_indirect_dma semaphore(%arg26 : memref<!tpu.dma_semaphore, #tpu.memory_space<semaphore_mem>>) src(%dma_wait3A_152 : memref<10000x128xf32, #tpu.memory_space<hbm>>) dst(%arg22 : memref<128x128xf32, #tpu.memory_space<vmem>>)
      "tpu.region"() ({
        %run_scoped3A = tpu.sem_alloc : memref<!tpu.dma_semaphore, #tpu.memory_space<semaphore_mem>>
        %dma_start3A = arith.constant 0 : i32
        %dma_start3A_172 = arith.constant 0 : i32
        %dma_start3A_173 = tpu.memref_slice %arg24[%dma_start3A, %dma_start3A_172] : memref<10112x128xf32, #tpu.memory_space<vmem_shared>> -> memref<10112x128xf32, #tpu.memory_space<vmem_shared>>
        tpu.enqueue_indirect_dma source(%arg22 : memref<128x128xf32, #tpu.memory_space<vmem>>) target(%dma_start3A_173 : memref<10112x128xf32, #tpu.memory_space<vmem_shared>>) offsets(%arg20 : memref<128xi32, #tpu.memory_space<vmem>>) semaphore(%run_scoped3A : memref<!tpu.dma_semaphore, #tpu.memory_space<semaphore_mem>>) {add = true}
        %dma_wait3A_174 = arith.constant 0 : i32
        %dma_wait3A_175 = arith.constant 0 : i32
        %dma_wait3A_176 = tpu.memref_slice %arg24[%dma_wait3A_174, %dma_wait3A_175] : memref<10112x128xf32, #tpu.memory_space<vmem_shared>> -> memref<10112x128xf32, #tpu.memory_space<vmem_shared>>
        tpu.wait_indirect_dma semaphore(%run_scoped3A : memref<!tpu.dma_semaphore, #tpu.memory_space<semaphore_mem>>) src(%arg22 : memref<128x128xf32, #tpu.memory_space<vmem>>) dst(%dma_wait3A_176 : memref<10112x128xf32, #tpu.memory_space<vmem_shared>>)
        tpu.yield
      }) : () -> ()
      "tpu.region"() ({
        %run_scoped3A = tpu.sem_alloc : memref<!tpu.dma_semaphore, #tpu.memory_space<semaphore_mem>>
        %dma_start3A = arith.constant 0 : i32
        %dma_start3A_172 = tpu.memref_slice %arg25[%dma_start3A] : memref<10240xf32, #tpu.memory_space<vmem_shared>> -> memref<10240xf32, #tpu.memory_space<vmem_shared>>
        tpu.enqueue_indirect_dma source(%arg17 : memref<128xf32, #tpu.memory_space<vmem>>) target(%dma_start3A_172 : memref<10240xf32, #tpu.memory_space<vmem_shared>>) offsets(%arg20 : memref<128xi32, #tpu.memory_space<vmem>>) semaphore(%run_scoped3A : memref<!tpu.dma_semaphore, #tpu.memory_space<semaphore_mem>>) {add = true}
        %dma_wait3A_173 = arith.constant 0 : i32
        %dma_wait3A_174 = tpu.memref_slice %arg25[%dma_wait3A_173] : memref<10240xf32, #tpu.memory_space<vmem_shared>> -> memref<10240xf32, #tpu.memory_space<vmem_shared>>
        tpu.wait_indirect_dma semaphore(%run_scoped3A : memref<!tpu.dma_semaphore, #tpu.memory_space<semaphore_mem>>) src(%arg17 : memref<128xf32, #tpu.memory_space<vmem>>) dst(%dma_wait3A_174 : memref<10240xf32, #tpu.memory_space<vmem_shared>>)
        tpu.yield
      }) : () -> ()
      %mul3A_153 = arith.constant 2 : i32
      %mul3A_154 = arith.muli %mul3A_153, %while3A_150 : i32
      %add3A_155 = arith.constant 2 : i32
      %add3A_156 = arith.addi %mul3A_154, %add3A_155 : i32
      %lt3A_157 = arith.cmpi slt, %add3A_156, %select_n3A_47 : i32
      %convert_element_type3A_158 = arith.extui %lt3A_157 : i1 to i32
      %cond3A_159 = arith.constant 0 : i32
      %cond3A_160 = arith.cmpi ne, %convert_element_type3A_158, %cond3A_159 : i32
      scf.if %cond3A_160 {
        %mul3A_172 = arith.constant 2 : i32
        %mul3A_173 = arith.muli %mul3A_172, %while3A_150 : i32
        %add3A_174 = arith.constant 2 : i32
        %add3A_175 = arith.addi %mul3A_173, %add3A_174 : i32
        %mul3A_176 = arith.constant 128 : i32
        %mul3A_177 = arith.muli %add3A_175, %mul3A_176 : i32
        %add3A_178 = arith.addi %select_n3A, %mul3A_177 : i32
        "tpu.region"() ({
          %run_scoped3A = tpu.sem_alloc : memref<!tpu.dma_semaphore, #tpu.memory_space<semaphore_mem>>
          %dma_start3A_181 = tpu.memref_slice %arg3[%add3A_178] : memref<102400xi32, #tpu.memory_space<hbm>> -> memref<128xi32, #tpu.memory_space<hbm>>
          %dma_start3A_182 = tpu.memref_slice %arg3[%add3A_178] : memref<102400xi32, #tpu.memory_space<hbm>> -> memref<128xi32, #tpu.memory_space<hbm>>
          tpu.enqueue_dma source(%dma_start3A_182 : memref<128xi32, #tpu.memory_space<hbm>>) target(%arg18 : memref<128xi32, #tpu.memory_space<vmem>>) target_semaphore(%run_scoped3A : memref<!tpu.dma_semaphore, #tpu.memory_space<semaphore_mem>>)
          %dma_wait3A_183 = tpu.memref_slice %arg3[%add3A_178] : memref<102400xi32, #tpu.memory_space<hbm>> -> memref<128xi32, #tpu.memory_space<hbm>>
          %dma_wait3A_184 = tpu.memref_slice %arg3[%add3A_178] : memref<102400xi32, #tpu.memory_space<hbm>> -> memref<128xi32, #tpu.memory_space<hbm>>
          tpu.wait_dma2 semaphore(%run_scoped3A : memref<!tpu.dma_semaphore, #tpu.memory_space<semaphore_mem>>) src(%dma_wait3A_184 : memref<128xi32, #tpu.memory_space<hbm>>) dst(%arg18 : memref<128xi32, #tpu.memory_space<vmem>>)
          tpu.yield
        }) : () -> ()
        "tpu.region"() ({
          %run_scoped3A = tpu.sem_alloc : memref<!tpu.dma_semaphore, #tpu.memory_space<semaphore_mem>>
          %dma_start3A_181 = tpu.memref_slice %arg4[%add3A_178] : memref<102400xi32, #tpu.memory_space<hbm>> -> memref<128xi32, #tpu.memory_space<hbm>>
          %dma_start3A_182 = tpu.memref_slice %arg4[%add3A_178] : memref<102400xi32, #tpu.memory_space<hbm>> -> memref<128xi32, #tpu.memory_space<hbm>>
          tpu.enqueue_dma source(%dma_start3A_182 : memref<128xi32, #tpu.memory_space<hbm>>) target(%arg20 : memref<128xi32, #tpu.memory_space<vmem>>) target_semaphore(%run_scoped3A : memref<!tpu.dma_semaphore, #tpu.memory_space<semaphore_mem>>)
          %dma_wait3A_183 = tpu.memref_slice %arg4[%add3A_178] : memref<102400xi32, #tpu.memory_space<hbm>> -> memref<128xi32, #tpu.memory_space<hbm>>
          %dma_wait3A_184 = tpu.memref_slice %arg4[%add3A_178] : memref<102400xi32, #tpu.memory_space<hbm>> -> memref<128xi32, #tpu.memory_space<hbm>>
          tpu.wait_dma2 semaphore(%run_scoped3A : memref<!tpu.dma_semaphore, #tpu.memory_space<semaphore_mem>>) src(%dma_wait3A_184 : memref<128xi32, #tpu.memory_space<hbm>>) dst(%arg20 : memref<128xi32, #tpu.memory_space<vmem>>)
          tpu.yield
        }) : () -> ()
        %dma_start3A = arith.constant 0 : i32
        %dma_start3A_179 = arith.constant 0 : i32
        %dma_start3A_180 = tpu.memref_slice %arg2[%dma_start3A, %dma_start3A_179] : memref<10000x128xf32, #tpu.memory_space<hbm>> -> memref<10000x128xf32, #tpu.memory_space<hbm>>
        tpu.enqueue_indirect_dma source(%dma_start3A_180 : memref<10000x128xf32, #tpu.memory_space<hbm>>) target(%arg22 : memref<128x128xf32, #tpu.memory_space<vmem>>) offsets(%arg18 : memref<128xi32, #tpu.memory_space<vmem>>) semaphore(%arg26 : memref<!tpu.dma_semaphore, #tpu.memory_space<semaphore_mem>>)
      } else {
      }
      %dma_wait3A_161 = arith.constant 0 : i32
      %dma_wait3A_162 = arith.constant 0 : i32
      %dma_wait3A_163 = tpu.memref_slice %arg2[%dma_wait3A_161, %dma_wait3A_162] : memref<10000x128xf32, #tpu.memory_space<hbm>> -> memref<10000x128xf32, #tpu.memory_space<hbm>>
      tpu.wait_indirect_dma semaphore(%arg27 : memref<!tpu.dma_semaphore, #tpu.memory_space<semaphore_mem>>) src(%dma_wait3A_163 : memref<10000x128xf32, #tpu.memory_space<hbm>>) dst(%arg23 : memref<128x128xf32, #tpu.memory_space<vmem>>)
      "tpu.region"() ({
        %run_scoped3A = tpu.sem_alloc : memref<!tpu.dma_semaphore, #tpu.memory_space<semaphore_mem>>
        %dma_start3A = arith.constant 0 : i32
        %dma_start3A_172 = arith.constant 0 : i32
        %dma_start3A_173 = tpu.memref_slice %arg24[%dma_start3A, %dma_start3A_172] : memref<10112x128xf32, #tpu.memory_space<vmem_shared>> -> memref<10112x128xf32, #tpu.memory_space<vmem_shared>>
        tpu.enqueue_indirect_dma source(%arg23 : memref<128x128xf32, #tpu.memory_space<vmem>>) target(%dma_start3A_173 : memref<10112x128xf32, #tpu.memory_space<vmem_shared>>) offsets(%arg21 : memref<128xi32, #tpu.memory_space<vmem>>) semaphore(%run_scoped3A : memref<!tpu.dma_semaphore, #tpu.memory_space<semaphore_mem>>) {add = true}
        %dma_wait3A_174 = arith.constant 0 : i32
        %dma_wait3A_175 = arith.constant 0 : i32
        %dma_wait3A_176 = tpu.memref_slice %arg24[%dma_wait3A_174, %dma_wait3A_175] : memref<10112x128xf32, #tpu.memory_space<vmem_shared>> -> memref<10112x128xf32, #tpu.memory_space<vmem_shared>>
        tpu.wait_indirect_dma semaphore(%run_scoped3A : memref<!tpu.dma_semaphore, #tpu.memory_space<semaphore_mem>>) src(%arg23 : memref<128x128xf32, #tpu.memory_space<vmem>>) dst(%dma_wait3A_176 : memref<10112x128xf32, #tpu.memory_space<vmem_shared>>)
        tpu.yield
      }) : () -> ()
      "tpu.region"() ({
        %run_scoped3A = tpu.sem_alloc : memref<!tpu.dma_semaphore, #tpu.memory_space<semaphore_mem>>
        %dma_start3A = arith.constant 0 : i32
        %dma_start3A_172 = tpu.memref_slice %arg25[%dma_start3A] : memref<10240xf32, #tpu.memory_space<vmem_shared>> -> memref<10240xf32, #tpu.memory_space<vmem_shared>>
        tpu.enqueue_indirect_dma source(%arg17 : memref<128xf32, #tpu.memory_space<vmem>>) target(%dma_start3A_172 : memref<10240xf32, #tpu.memory_space<vmem_shared>>) offsets(%arg21 : memref<128xi32, #tpu.memory_space<vmem>>) semaphore(%run_scoped3A : memref<!tpu.dma_semaphore, #tpu.memory_space<semaphore_mem>>) {add = true}
        %dma_wait3A_173 = arith.constant 0 : i32
        %dma_wait3A_174 = tpu.memref_slice %arg25[%dma_wait3A_173] : memref<10240xf32, #tpu.memory_space<vmem_shared>> -> memref<10240xf32, #tpu.memory_space<vmem_shared>>
        tpu.wait_indirect_dma semaphore(%run_scoped3A : memref<!tpu.dma_semaphore, #tpu.memory_space<semaphore_mem>>) src(%arg17 : memref<128xf32, #tpu.memory_space<vmem>>) dst(%dma_wait3A_174 : memref<10240xf32, #tpu.memory_space<vmem_shared>>)
        tpu.yield
      }) : () -> ()
      %mul3A_164 = arith.constant 2 : i32
      %mul3A_165 = arith.muli %mul3A_164, %while3A_150 : i32
      %add3A_166 = arith.constant 3 : i32
      %add3A_167 = arith.addi %mul3A_165, %add3A_166 : i32
      %lt3A_168 = arith.cmpi slt, %add3A_167, %select_n3A_47 : i32
      %convert_element_type3A_169 = arith.extui %lt3A_168 : i1 to i32
      %cond3A_170 = arith.constant 0 : i32
      %cond3A_171 = arith.cmpi ne, %convert_element_type3A_169, %cond3A_170 : i32
      scf.if %cond3A_171 {
        %mul3A_172 = arith.constant 2 : i32
        %mul3A_173 = arith.muli %mul3A_172, %while3A_150 : i32
        %add3A_174 = arith.constant 3 : i32
        %add3A_175 = arith.addi %mul3A_173, %add3A_174 : i32
        %mul3A_176 = arith.constant 128 : i32
        %mul3A_177 = arith.muli %add3A_175, %mul3A_176 : i32
        %add3A_178 = arith.addi %select_n3A, %mul3A_177 : i32
        "tpu.region"() ({
          %run_scoped3A = tpu.sem_alloc : memref<!tpu.dma_semaphore, #tpu.memory_space<semaphore_mem>>
          %dma_start3A_181 = tpu.memref_slice %arg3[%add3A_178] : memref<102400xi32, #tpu.memory_space<hbm>> -> memref<128xi32, #tpu.memory_space<hbm>>
          %dma_start3A_182 = tpu.memref_slice %arg3[%add3A_178] : memref<102400xi32, #tpu.memory_space<hbm>> -> memref<128xi32, #tpu.memory_space<hbm>>
          tpu.enqueue_dma source(%dma_start3A_182 : memref<128xi32, #tpu.memory_space<hbm>>) target(%arg19 : memref<128xi32, #tpu.memory_space<vmem>>) target_semaphore(%run_scoped3A : memref<!tpu.dma_semaphore, #tpu.memory_space<semaphore_mem>>)
          %dma_wait3A_183 = tpu.memref_slice %arg3[%add3A_178] : memref<102400xi32, #tpu.memory_space<hbm>> -> memref<128xi32, #tpu.memory_space<hbm>>
          %dma_wait3A_184 = tpu.memref_slice %arg3[%add3A_178] : memref<102400xi32, #tpu.memory_space<hbm>> -> memref<128xi32, #tpu.memory_space<hbm>>
          tpu.wait_dma2 semaphore(%run_scoped3A : memref<!tpu.dma_semaphore, #tpu.memory_space<semaphore_mem>>) src(%dma_wait3A_184 : memref<128xi32, #tpu.memory_space<hbm>>) dst(%arg19 : memref<128xi32, #tpu.memory_space<vmem>>)
          tpu.yield
        }) : () -> ()
        "tpu.region"() ({
          %run_scoped3A = tpu.sem_alloc : memref<!tpu.dma_semaphore, #tpu.memory_space<semaphore_mem>>
          %dma_start3A_181 = tpu.memref_slice %arg4[%add3A_178] : memref<102400xi32, #tpu.memory_space<hbm>> -> memref<128xi32, #tpu.memory_space<hbm>>
          %dma_start3A_182 = tpu.memref_slice %arg4[%add3A_178] : memref<102400xi32, #tpu.memory_space<hbm>> -> memref<128xi32, #tpu.memory_space<hbm>>
          tpu.enqueue_dma source(%dma_start3A_182 : memref<128xi32, #tpu.memory_space<hbm>>) target(%arg21 : memref<128xi32, #tpu.memory_space<vmem>>) target_semaphore(%run_scoped3A : memref<!tpu.dma_semaphore, #tpu.memory_space<semaphore_mem>>)
          %dma_wait3A_183 = tpu.memref_slice %arg4[%add3A_178] : memref<102400xi32, #tpu.memory_space<hbm>> -> memref<128xi32, #tpu.memory_space<hbm>>
          %dma_wait3A_184 = tpu.memref_slice %arg4[%add3A_178] : memref<102400xi32, #tpu.memory_space<hbm>> -> memref<128xi32, #tpu.memory_space<hbm>>
          tpu.wait_dma2 semaphore(%run_scoped3A : memref<!tpu.dma_semaphore, #tpu.memory_space<semaphore_mem>>) src(%dma_wait3A_184 : memref<128xi32, #tpu.memory_space<hbm>>) dst(%arg21 : memref<128xi32, #tpu.memory_space<vmem>>)
          tpu.yield
        }) : () -> ()
        %dma_start3A = arith.constant 0 : i32
        %dma_start3A_179 = arith.constant 0 : i32
        %dma_start3A_180 = tpu.memref_slice %arg2[%dma_start3A, %dma_start3A_179] : memref<10000x128xf32, #tpu.memory_space<hbm>> -> memref<10000x128xf32, #tpu.memory_space<hbm>>
        tpu.enqueue_indirect_dma source(%dma_start3A_180 : memref<10000x128xf32, #tpu.memory_space<hbm>>) target(%arg23 : memref<128x128xf32, #tpu.memory_space<vmem>>) offsets(%arg19 : memref<128xi32, #tpu.memory_space<vmem>>) semaphore(%arg27 : memref<!tpu.dma_semaphore, #tpu.memory_space<semaphore_mem>>)
      } else {
      }
    }
    %while3A_80 = arith.constant 1 : i32
    scf.for %while3A_150 = %while3A_78 to %while3A_74 step %while3A_80  : i32 {
      %dma_wait3A = arith.constant 0 : i32
      %dma_wait3A_151 = arith.constant 0 : i32
      %dma_wait3A_152 = tpu.memref_slice %arg2[%dma_wait3A, %dma_wait3A_151] : memref<10000x128xf32, #tpu.memory_space<hbm>> -> memref<10000x128xf32, #tpu.memory_space<hbm>>
      tpu.wait_indirect_dma semaphore(%arg26 : memref<!tpu.dma_semaphore, #tpu.memory_space<semaphore_mem>>) src(%dma_wait3A_152 : memref<10000x128xf32, #tpu.memory_space<hbm>>) dst(%arg22 : memref<128x128xf32, #tpu.memory_space<vmem>>)
      "tpu.region"() ({
        %run_scoped3A = tpu.sem_alloc : memref<!tpu.dma_semaphore, #tpu.memory_space<semaphore_mem>>
        %dma_start3A = arith.constant 0 : i32
        %dma_start3A_172 = arith.constant 0 : i32
        %dma_start3A_173 = tpu.memref_slice %arg24[%dma_start3A, %dma_start3A_172] : memref<10112x128xf32, #tpu.memory_space<vmem_shared>> -> memref<10112x128xf32, #tpu.memory_space<vmem_shared>>
        tpu.enqueue_indirect_dma source(%arg22 : memref<128x128xf32, #tpu.memory_space<vmem>>) target(%dma_start3A_173 : memref<10112x128xf32, #tpu.memory_space<vmem_shared>>) offsets(%arg20 : memref<128xi32, #tpu.memory_space<vmem>>) semaphore(%run_scoped3A : memref<!tpu.dma_semaphore, #tpu.memory_space<semaphore_mem>>) {add = true}
        %dma_wait3A_174 = arith.constant 0 : i32
        %dma_wait3A_175 = arith.constant 0 : i32
        %dma_wait3A_176 = tpu.memref_slice %arg24[%dma_wait3A_174, %dma_wait3A_175] : memref<10112x128xf32, #tpu.memory_space<vmem_shared>> -> memref<10112x128xf32, #tpu.memory_space<vmem_shared>>
        tpu.wait_indirect_dma semaphore(%run_scoped3A : memref<!tpu.dma_semaphore, #tpu.memory_space<semaphore_mem>>) src(%arg22 : memref<128x128xf32, #tpu.memory_space<vmem>>) dst(%dma_wait3A_176 : memref<10112x128xf32, #tpu.memory_space<vmem_shared>>)
        tpu.yield
      }) : () -> ()
      "tpu.region"() ({
        %run_scoped3A = tpu.sem_alloc : memref<!tpu.dma_semaphore, #tpu.memory_space<semaphore_mem>>
        %dma_start3A = arith.constant 0 : i32
        %dma_start3A_172 = tpu.memref_slice %arg25[%dma_start3A] : memref<10240xf32, #tpu.memory_space<vmem_shared>> -> memref<10240xf32, #tpu.memory_space<vmem_shared>>
        tpu.enqueue_indirect_dma source(%arg17 : memref<128xf32, #tpu.memory_space<vmem>>) target(%dma_start3A_172 : memref<10240xf32, #tpu.memory_space<vmem_shared>>) offsets(%arg20 : memref<128xi32, #tpu.memory_space<vmem>>) semaphore(%run_scoped3A : memref<!tpu.dma_semaphore, #tpu.memory_space<semaphore_mem>>) {add = true}
        %dma_wait3A_173 = arith.constant 0 : i32
        %dma_wait3A_174 = tpu.memref_slice %arg25[%dma_wait3A_173] : memref<10240xf32, #tpu.memory_space<vmem_shared>> -> memref<10240xf32, #tpu.memory_space<vmem_shared>>
        tpu.wait_indirect_dma semaphore(%run_scoped3A : memref<!tpu.dma_semaphore, #tpu.memory_space<semaphore_mem>>) src(%arg17 : memref<128xf32, #tpu.memory_space<vmem>>) dst(%dma_wait3A_174 : memref<10240xf32, #tpu.memory_space<vmem_shared>>)
        tpu.yield
      }) : () -> ()
      %mul3A_153 = arith.constant 2 : i32
      %mul3A_154 = arith.muli %mul3A_153, %while3A_150 : i32
      %add3A_155 = arith.constant 2 : i32
      %add3A_156 = arith.addi %mul3A_154, %add3A_155 : i32
      %lt3A_157 = arith.cmpi slt, %add3A_156, %select_n3A_47 : i32
      %convert_element_type3A_158 = arith.extui %lt3A_157 : i1 to i32
      %cond3A_159 = arith.constant 0 : i32
      %cond3A_160 = arith.cmpi ne, %convert_element_type3A_158, %cond3A_159 : i32
      scf.if %cond3A_160 {
        %mul3A_172 = arith.constant 2 : i32
        %mul3A_173 = arith.muli %mul3A_172, %while3A_150 : i32
        %add3A_174 = arith.constant 2 : i32
        %add3A_175 = arith.addi %mul3A_173, %add3A_174 : i32
        %mul3A_176 = arith.constant 128 : i32
        %mul3A_177 = arith.muli %add3A_175, %mul3A_176 : i32
        %add3A_178 = arith.addi %select_n3A, %mul3A_177 : i32
        "tpu.region"() ({
          %run_scoped3A = tpu.sem_alloc : memref<!tpu.dma_semaphore, #tpu.memory_space<semaphore_mem>>
          %dma_start3A_181 = tpu.memref_slice %arg3[%add3A_178] : memref<102400xi32, #tpu.memory_space<hbm>> -> memref<128xi32, #tpu.memory_space<hbm>>
          %dma_start3A_182 = tpu.memref_slice %arg3[%add3A_178] : memref<102400xi32, #tpu.memory_space<hbm>> -> memref<128xi32, #tpu.memory_space<hbm>>
          tpu.enqueue_dma source(%dma_start3A_182 : memref<128xi32, #tpu.memory_space<hbm>>) target(%arg18 : memref<128xi32, #tpu.memory_space<vmem>>) target_semaphore(%run_scoped3A : memref<!tpu.dma_semaphore, #tpu.memory_space<semaphore_mem>>)
          %dma_wait3A_183 = tpu.memref_slice %arg3[%add3A_178] : memref<102400xi32, #tpu.memory_space<hbm>> -> memref<128xi32, #tpu.memory_space<hbm>>
          %dma_wait3A_184 = tpu.memref_slice %arg3[%add3A_178] : memref<102400xi32, #tpu.memory_space<hbm>> -> memref<128xi32, #tpu.memory_space<hbm>>
          tpu.wait_dma2 semaphore(%run_scoped3A : memref<!tpu.dma_semaphore, #tpu.memory_space<semaphore_mem>>) src(%dma_wait3A_184 : memref<128xi32, #tpu.memory_space<hbm>>) dst(%arg18 : memref<128xi32, #tpu.memory_space<vmem>>)
          tpu.yield
        }) : () -> ()
        "tpu.region"() ({
          %run_scoped3A = tpu.sem_alloc : memref<!tpu.dma_semaphore, #tpu.memory_space<semaphore_mem>>
          %dma_start3A_181 = tpu.memref_slice %arg4[%add3A_178] : memref<102400xi32, #tpu.memory_space<hbm>> -> memref<128xi32, #tpu.memory_space<hbm>>
          %dma_start3A_182 = tpu.memref_slice %arg4[%add3A_178] : memref<102400xi32, #tpu.memory_space<hbm>> -> memref<128xi32, #tpu.memory_space<hbm>>
          tpu.enqueue_dma source(%dma_start3A_182 : memref<128xi32, #tpu.memory_space<hbm>>) target(%arg20 : memref<128xi32, #tpu.memory_space<vmem>>) target_semaphore(%run_scoped3A : memref<!tpu.dma_semaphore, #tpu.memory_space<semaphore_mem>>)
          %dma_wait3A_183 = tpu.memref_slice %arg4[%add3A_178] : memref<102400xi32, #tpu.memory_space<hbm>> -> memref<128xi32, #tpu.memory_space<hbm>>
          %dma_wait3A_184 = tpu.memref_slice %arg4[%add3A_178] : memref<102400xi32, #tpu.memory_space<hbm>> -> memref<128xi32, #tpu.memory_space<hbm>>
          tpu.wait_dma2 semaphore(%run_scoped3A : memref<!tpu.dma_semaphore, #tpu.memory_space<semaphore_mem>>) src(%dma_wait3A_184 : memref<128xi32, #tpu.memory_space<hbm>>) dst(%arg20 : memref<128xi32, #tpu.memory_space<vmem>>)
          tpu.yield
        }) : () -> ()
        %dma_start3A = arith.constant 0 : i32
        %dma_start3A_179 = arith.constant 0 : i32
        %dma_start3A_180 = tpu.memref_slice %arg2[%dma_start3A, %dma_start3A_179] : memref<10000x128xf32, #tpu.memory_space<hbm>> -> memref<10000x128xf32, #tpu.memory_space<hbm>>
        tpu.enqueue_indirect_dma source(%dma_start3A_180 : memref<10000x128xf32, #tpu.memory_space<hbm>>) target(%arg22 : memref<128x128xf32, #tpu.memory_space<vmem>>) offsets(%arg18 : memref<128xi32, #tpu.memory_space<vmem>>) semaphore(%arg26 : memref<!tpu.dma_semaphore, #tpu.memory_space<semaphore_mem>>)
      } else {
      }
      %dma_wait3A_161 = arith.constant 0 : i32
      %dma_wait3A_162 = arith.constant 0 : i32
      %dma_wait3A_163 = tpu.memref_slice %arg2[%dma_wait3A_161, %dma_wait3A_162] : memref<10000x128xf32, #tpu.memory_space<hbm>> -> memref<10000x128xf32, #tpu.memory_space<hbm>>
      tpu.wait_indirect_dma semaphore(%arg27 : memref<!tpu.dma_semaphore, #tpu.memory_space<semaphore_mem>>) src(%dma_wait3A_163 : memref<10000x128xf32, #tpu.memory_space<hbm>>) dst(%arg23 : memref<128x128xf32, #tpu.memory_space<vmem>>)
      "tpu.region"() ({
        %run_scoped3A = tpu.sem_alloc : memref<!tpu.dma_semaphore, #tpu.memory_space<semaphore_mem>>
        %dma_start3A = arith.constant 0 : i32
        %dma_start3A_172 = arith.constant 0 : i32
        %dma_start3A_173 = tpu.memref_slice %arg24[%dma_start3A, %dma_start3A_172] : memref<10112x128xf32, #tpu.memory_space<vmem_shared>> -> memref<10112x128xf32, #tpu.memory_space<vmem_shared>>
        tpu.enqueue_indirect_dma source(%arg23 : memref<128x128xf32, #tpu.memory_space<vmem>>) target(%dma_start3A_173 : memref<10112x128xf32, #tpu.memory_space<vmem_shared>>) offsets(%arg21 : memref<128xi32, #tpu.memory_space<vmem>>) semaphore(%run_scoped3A : memref<!tpu.dma_semaphore, #tpu.memory_space<semaphore_mem>>) {add = true}
        %dma_wait3A_174 = arith.constant 0 : i32
        %dma_wait3A_175 = arith.constant 0 : i32
        %dma_wait3A_176 = tpu.memref_slice %arg24[%dma_wait3A_174, %dma_wait3A_175] : memref<10112x128xf32, #tpu.memory_space<vmem_shared>> -> memref<10112x128xf32, #tpu.memory_space<vmem_shared>>
        tpu.wait_indirect_dma semaphore(%run_scoped3A : memref<!tpu.dma_semaphore, #tpu.memory_space<semaphore_mem>>) src(%arg23 : memref<128x128xf32, #tpu.memory_space<vmem>>) dst(%dma_wait3A_176 : memref<10112x128xf32, #tpu.memory_space<vmem_shared>>)
        tpu.yield
      }) : () -> ()
      "tpu.region"() ({
        %run_scoped3A = tpu.sem_alloc : memref<!tpu.dma_semaphore, #tpu.memory_space<semaphore_mem>>
        %dma_start3A = arith.constant 0 : i32
        %dma_start3A_172 = tpu.memref_slice %arg25[%dma_start3A] : memref<10240xf32, #tpu.memory_space<vmem_shared>> -> memref<10240xf32, #tpu.memory_space<vmem_shared>>
        tpu.enqueue_indirect_dma source(%arg17 : memref<128xf32, #tpu.memory_space<vmem>>) target(%dma_start3A_172 : memref<10240xf32, #tpu.memory_space<vmem_shared>>) offsets(%arg21 : memref<128xi32, #tpu.memory_space<vmem>>) semaphore(%run_scoped3A : memref<!tpu.dma_semaphore, #tpu.memory_space<semaphore_mem>>) {add = true}
        %dma_wait3A_173 = arith.constant 0 : i32
        %dma_wait3A_174 = tpu.memref_slice %arg25[%dma_wait3A_173] : memref<10240xf32, #tpu.memory_space<vmem_shared>> -> memref<10240xf32, #tpu.memory_space<vmem_shared>>
        tpu.wait_indirect_dma semaphore(%run_scoped3A : memref<!tpu.dma_semaphore, #tpu.memory_space<semaphore_mem>>) src(%arg17 : memref<128xf32, #tpu.memory_space<vmem>>) dst(%dma_wait3A_174 : memref<10240xf32, #tpu.memory_space<vmem_shared>>)
        tpu.yield
      }) : () -> ()
      %mul3A_164 = arith.constant 2 : i32
      %mul3A_165 = arith.muli %mul3A_164, %while3A_150 : i32
      %add3A_166 = arith.constant 3 : i32
      %add3A_167 = arith.addi %mul3A_165, %add3A_166 : i32
      %lt3A_168 = arith.cmpi slt, %add3A_167, %select_n3A_47 : i32
      %convert_element_type3A_169 = arith.extui %lt3A_168 : i1 to i32
      %cond3A_170 = arith.constant 0 : i32
      %cond3A_171 = arith.cmpi ne, %convert_element_type3A_169, %cond3A_170 : i32
      scf.if %cond3A_171 {
        %mul3A_172 = arith.constant 2 : i32
        %mul3A_173 = arith.muli %mul3A_172, %while3A_150 : i32
        %add3A_174 = arith.constant 3 : i32
        %add3A_175 = arith.addi %mul3A_173, %add3A_174 : i32
        %mul3A_176 = arith.constant 128 : i32
        %mul3A_177 = arith.muli %add3A_175, %mul3A_176 : i32
        %add3A_178 = arith.addi %select_n3A, %mul3A_177 : i32
        "tpu.region"() ({
          %run_scoped3A = tpu.sem_alloc : memref<!tpu.dma_semaphore, #tpu.memory_space<semaphore_mem>>
          %dma_start3A_181 = tpu.memref_slice %arg3[%add3A_178] : memref<102400xi32, #tpu.memory_space<hbm>> -> memref<128xi32, #tpu.memory_space<hbm>>
          %dma_start3A_182 = tpu.memref_slice %arg3[%add3A_178] : memref<102400xi32, #tpu.memory_space<hbm>> -> memref<128xi32, #tpu.memory_space<hbm>>
          tpu.enqueue_dma source(%dma_start3A_182 : memref<128xi32, #tpu.memory_space<hbm>>) target(%arg19 : memref<128xi32, #tpu.memory_space<vmem>>) target_semaphore(%run_scoped3A : memref<!tpu.dma_semaphore, #tpu.memory_space<semaphore_mem>>)
          %dma_wait3A_183 = tpu.memref_slice %arg3[%add3A_178] : memref<102400xi32, #tpu.memory_space<hbm>> -> memref<128xi32, #tpu.memory_space<hbm>>
          %dma_wait3A_184 = tpu.memref_slice %arg3[%add3A_178] : memref<102400xi32, #tpu.memory_space<hbm>> -> memref<128xi32, #tpu.memory_space<hbm>>
          tpu.wait_dma2 semaphore(%run_scoped3A : memref<!tpu.dma_semaphore, #tpu.memory_space<semaphore_mem>>) src(%dma_wait3A_184 : memref<128xi32, #tpu.memory_space<hbm>>) dst(%arg19 : memref<128xi32, #tpu.memory_space<vmem>>)
          tpu.yield
        }) : () -> ()
        "tpu.region"() ({
          %run_scoped3A = tpu.sem_alloc : memref<!tpu.dma_semaphore, #tpu.memory_space<semaphore_mem>>
          %dma_start3A_181 = tpu.memref_slice %arg4[%add3A_178] : memref<102400xi32, #tpu.memory_space<hbm>> -> memref<128xi32, #tpu.memory_space<hbm>>
          %dma_start3A_182 = tpu.memref_slice %arg4[%add3A_178] : memref<102400xi32, #tpu.memory_space<hbm>> -> memref<128xi32, #tpu.memory_space<hbm>>
          tpu.enqueue_dma source(%dma_start3A_182 : memref<128xi32, #tpu.memory_space<hbm>>) target(%arg21 : memref<128xi32, #tpu.memory_space<vmem>>) target_semaphore(%run_scoped3A : memref<!tpu.dma_semaphore, #tpu.memory_space<semaphore_mem>>)
          %dma_wait3A_183 = tpu.memref_slice %arg4[%add3A_178] : memref<102400xi32, #tpu.memory_space<hbm>> -> memref<128xi32, #tpu.memory_space<hbm>>
          %dma_wait3A_184 = tpu.memref_slice %arg4[%add3A_178] : memref<102400xi32, #tpu.memory_space<hbm>> -> memref<128xi32, #tpu.memory_space<hbm>>
          tpu.wait_dma2 semaphore(%run_scoped3A : memref<!tpu.dma_semaphore, #tpu.memory_space<semaphore_mem>>) src(%dma_wait3A_184 : memref<128xi32, #tpu.memory_space<hbm>>) dst(%arg21 : memref<128xi32, #tpu.memory_space<vmem>>)
          tpu.yield
        }) : () -> ()
        %dma_start3A = arith.constant 0 : i32
        %dma_start3A_179 = arith.constant 0 : i32
        %dma_start3A_180 = tpu.memref_slice %arg2[%dma_start3A, %dma_start3A_179] : memref<10000x128xf32, #tpu.memory_space<hbm>> -> memref<10000x128xf32, #tpu.memory_space<hbm>>
        tpu.enqueue_indirect_dma source(%dma_start3A_180 : memref<10000x128xf32, #tpu.memory_space<hbm>>) target(%arg23 : memref<128x128xf32, #tpu.memory_space<vmem>>) offsets(%arg19 : memref<128xi32, #tpu.memory_space<vmem>>) semaphore(%arg27 : memref<!tpu.dma_semaphore, #tpu.memory_space<semaphore_mem>>)
      } else {
      }
    }
    %barrier3A_81 = arith.constant 0 : index
    tpu.barrier barrier_id(%barrier3A_81)
    "tpu.trace_stop"() : () -> ()
    "tpu.trace_start"() <{level = 10 : i32, message = "copyout0"}> : () -> ()
    "tpu.region"() ({
      %run_scoped3A = tpu.sem_alloc : memref<!tpu.dma_semaphore, #tpu.memory_space<semaphore_mem>>
      %dma_start3A = arith.constant 0 : i32
      %dma_start3A_150 = tpu.memref_slice %arg9[%arg0, %mul3A_34, %dma_start3A] : memref<2x10112x128xf32, #tpu.memory_space<hbm>> -> memref<1x632x128xf32, #tpu.memory_space<hbm>>
      %dma_start3A_151 = tpu.memref_squeeze %dma_start3A_150 : memref<1x632x128xf32, #tpu.memory_space<hbm>> -> memref<632x128xf32, #tpu.memory_space<hbm>>
      %dma_start3A_152 = arith.constant 0 : i32
      %dma_start3A_153 = tpu.memref_slice %arg24[%mul3A_34, %dma_start3A_152] : memref<10112x128xf32, #tpu.memory_space<vmem_shared>> -> memref<632x128xf32, #tpu.memory_space<vmem_shared>>
      tpu.enqueue_dma source(%dma_start3A_153 : memref<632x128xf32, #tpu.memory_space<vmem_shared>>) target(%dma_start3A_151 : memref<632x128xf32, #tpu.memory_space<hbm>>) target_semaphore(%run_scoped3A : memref<!tpu.dma_semaphore, #tpu.memory_space<semaphore_mem>>)
      %dma_wait3A = arith.constant 0 : i32
      %dma_wait3A_154 = tpu.memref_slice %arg9[%arg0, %mul3A_34, %dma_wait3A] : memref<2x10112x128xf32, #tpu.memory_space<hbm>> -> memref<1x632x128xf32, #tpu.memory_space<hbm>>
      %dma_wait3A_155 = tpu.memref_squeeze %dma_wait3A_154 : memref<1x632x128xf32, #tpu.memory_space<hbm>> -> memref<632x128xf32, #tpu.memory_space<hbm>>
      %dma_wait3A_156 = arith.constant 0 : i32
      %dma_wait3A_157 = tpu.memref_slice %arg24[%mul3A_34, %dma_wait3A_156] : memref<10112x128xf32, #tpu.memory_space<vmem_shared>> -> memref<632x128xf32, #tpu.memory_space<vmem_shared>>
      tpu.wait_dma2 semaphore(%run_scoped3A : memref<!tpu.dma_semaphore, #tpu.memory_space<semaphore_mem>>) src(%dma_wait3A_157 : memref<632x128xf32, #tpu.memory_space<vmem_shared>>) dst(%dma_wait3A_155 : memref<632x128xf32, #tpu.memory_space<hbm>>)
      tpu.yield
    }) : () -> ()
    "tpu.region"() ({
      %run_scoped3A = tpu.sem_alloc : memref<!tpu.dma_semaphore, #tpu.memory_space<semaphore_mem>>
      %dma_start3A = tpu.memref_slice %arg12[%arg0, %mul3A_36] : memref<2x10240xf32, #tpu.memory_space<hbm>> -> memref<1x640xf32, #tpu.memory_space<hbm>>
      %dma_start3A_150 = tpu.memref_squeeze %dma_start3A : memref<1x640xf32, #tpu.memory_space<hbm>> -> memref<640xf32, #tpu.memory_space<hbm>>
      %dma_start3A_151 = tpu.memref_slice %arg25[%mul3A_36] : memref<10240xf32, #tpu.memory_space<vmem_shared>> -> memref<640xf32, #tpu.memory_space<vmem_shared>>
      tpu.enqueue_dma source(%dma_start3A_151 : memref<640xf32, #tpu.memory_space<vmem_shared>>) target(%dma_start3A_150 : memref<640xf32, #tpu.memory_space<hbm>>) target_semaphore(%run_scoped3A : memref<!tpu.dma_semaphore, #tpu.memory_space<semaphore_mem>>)
      %dma_wait3A = tpu.memref_slice %arg12[%arg0, %mul3A_36] : memref<2x10240xf32, #tpu.memory_space<hbm>> -> memref<1x640xf32, #tpu.memory_space<hbm>>
      %dma_wait3A_152 = tpu.memref_squeeze %dma_wait3A : memref<1x640xf32, #tpu.memory_space<hbm>> -> memref<640xf32, #tpu.memory_space<hbm>>
      %dma_wait3A_153 = tpu.memref_slice %arg25[%mul3A_36] : memref<10240xf32, #tpu.memory_space<vmem_shared>> -> memref<640xf32, #tpu.memory_space<vmem_shared>>
      tpu.wait_dma2 semaphore(%run_scoped3A : memref<!tpu.dma_semaphore, #tpu.memory_space<semaphore_mem>>) src(%dma_wait3A_153 : memref<640xf32, #tpu.memory_space<vmem_shared>>) dst(%dma_wait3A_152 : memref<640xf32, #tpu.memory_space<hbm>>)
      tpu.yield
    }) : () -> ()
    "tpu.trace_stop"() : () -> ()
    %barrier3A_82 = arith.constant 0 : index
    tpu.barrier barrier_id(%barrier3A_82)
    "tpu.trace_start"() <{level = 10 : i32, message = "zero1"}> : () -> ()
    %add3A_83 = arith.constant 0 : i32
    %add3A_84 = arith.addi %mul3A_34, %add3A_83 : i32
    "tpu.region"() ({
      %run_scoped3A = tpu.sem_alloc : memref<!tpu.dma_semaphore, #tpu.memory_space<semaphore_mem>>
      %dma_start3A = arith.constant 0 : i32
      %dma_start3A_150 = tpu.memref_slice %arg24[%add3A_84, %dma_start3A] : memref<10112x128xf32, #tpu.memory_space<vmem_shared>> -> memref<79x128xf32, #tpu.memory_space<vmem_shared>>
      %dma_start3A_151 = arith.constant 0 : i32
      %dma_start3A_152 = tpu.memref_slice %arg24[%add3A_84, %dma_start3A_151] : memref<10112x128xf32, #tpu.memory_space<vmem_shared>> -> memref<79x128xf32, #tpu.memory_space<vmem_shared>>
      tpu.enqueue_dma source(%arg15 : memref<79x128xf32, #tpu.memory_space<vmem>>) target(%dma_start3A_152 : memref<79x128xf32, #tpu.memory_space<vmem_shared>>) target_semaphore(%run_scoped3A : memref<!tpu.dma_semaphore, #tpu.memory_space<semaphore_mem>>)
      %dma_wait3A = arith.constant 0 : i32
      %dma_wait3A_153 = tpu.memref_slice %arg24[%add3A_84, %dma_wait3A] : memref<10112x128xf32, #tpu.memory_space<vmem_shared>> -> memref<79x128xf32, #tpu.memory_space<vmem_shared>>
      %dma_wait3A_154 = arith.constant 0 : i32
      %dma_wait3A_155 = tpu.memref_slice %arg24[%add3A_84, %dma_wait3A_154] : memref<10112x128xf32, #tpu.memory_space<vmem_shared>> -> memref<79x128xf32, #tpu.memory_space<vmem_shared>>
      tpu.wait_dma2 semaphore(%run_scoped3A : memref<!tpu.dma_semaphore, #tpu.memory_space<semaphore_mem>>) src(%arg15 : memref<79x128xf32, #tpu.memory_space<vmem>>) dst(%dma_wait3A_155 : memref<79x128xf32, #tpu.memory_space<vmem_shared>>)
      tpu.yield
    }) : () -> ()
    %add3A_85 = arith.constant 79 : i32
    %add3A_86 = arith.addi %mul3A_34, %add3A_85 : i32
    "tpu.region"() ({
      %run_scoped3A = tpu.sem_alloc : memref<!tpu.dma_semaphore, #tpu.memory_space<semaphore_mem>>
      %dma_start3A = arith.constant 0 : i32
      %dma_start3A_150 = tpu.memref_slice %arg24[%add3A_86, %dma_start3A] : memref<10112x128xf32, #tpu.memory_space<vmem_shared>> -> memref<79x128xf32, #tpu.memory_space<vmem_shared>>
      %dma_start3A_151 = arith.constant 0 : i32
      %dma_start3A_152 = tpu.memref_slice %arg24[%add3A_86, %dma_start3A_151] : memref<10112x128xf32, #tpu.memory_space<vmem_shared>> -> memref<79x128xf32, #tpu.memory_space<vmem_shared>>
      tpu.enqueue_dma source(%arg15 : memref<79x128xf32, #tpu.memory_space<vmem>>) target(%dma_start3A_152 : memref<79x128xf32, #tpu.memory_space<vmem_shared>>) target_semaphore(%run_scoped3A : memref<!tpu.dma_semaphore, #tpu.memory_space<semaphore_mem>>)
      %dma_wait3A = arith.constant 0 : i32
      %dma_wait3A_153 = tpu.memref_slice %arg24[%add3A_86, %dma_wait3A] : memref<10112x128xf32, #tpu.memory_space<vmem_shared>> -> memref<79x128xf32, #tpu.memory_space<vmem_shared>>
      %dma_wait3A_154 = arith.constant 0 : i32
      %dma_wait3A_155 = tpu.memref_slice %arg24[%add3A_86, %dma_wait3A_154] : memref<10112x128xf32, #tpu.memory_space<vmem_shared>> -> memref<79x128xf32, #tpu.memory_space<vmem_shared>>
      tpu.wait_dma2 semaphore(%run_scoped3A : memref<!tpu.dma_semaphore, #tpu.memory_space<semaphore_mem>>) src(%arg15 : memref<79x128xf32, #tpu.memory_space<vmem>>) dst(%dma_wait3A_155 : memref<79x128xf32, #tpu.memory_space<vmem_shared>>)
      tpu.yield
    }) : () -> ()
    %add3A_87 = arith.constant 158 : i32
    %add3A_88 = arith.addi %mul3A_34, %add3A_87 : i32
    "tpu.region"() ({
      %run_scoped3A = tpu.sem_alloc : memref<!tpu.dma_semaphore, #tpu.memory_space<semaphore_mem>>
      %dma_start3A = arith.constant 0 : i32
      %dma_start3A_150 = tpu.memref_slice %arg24[%add3A_88, %dma_start3A] : memref<10112x128xf32, #tpu.memory_space<vmem_shared>> -> memref<79x128xf32, #tpu.memory_space<vmem_shared>>
      %dma_start3A_151 = arith.constant 0 : i32
      %dma_start3A_152 = tpu.memref_slice %arg24[%add3A_88, %dma_start3A_151] : memref<10112x128xf32, #tpu.memory_space<vmem_shared>> -> memref<79x128xf32, #tpu.memory_space<vmem_shared>>
      tpu.enqueue_dma source(%arg15 : memref<79x128xf32, #tpu.memory_space<vmem>>) target(%dma_start3A_152 : memref<79x128xf32, #tpu.memory_space<vmem_shared>>) target_semaphore(%run_scoped3A : memref<!tpu.dma_semaphore, #tpu.memory_space<semaphore_mem>>)
      %dma_wait3A = arith.constant 0 : i32
      %dma_wait3A_153 = tpu.memref_slice %arg24[%add3A_88, %dma_wait3A] : memref<10112x128xf32, #tpu.memory_space<vmem_shared>> -> memref<79x128xf32, #tpu.memory_space<vmem_shared>>
      %dma_wait3A_154 = arith.constant 0 : i32
      %dma_wait3A_155 = tpu.memref_slice %arg24[%add3A_88, %dma_wait3A_154] : memref<10112x128xf32, #tpu.memory_space<vmem_shared>> -> memref<79x128xf32, #tpu.memory_space<vmem_shared>>
      tpu.wait_dma2 semaphore(%run_scoped3A : memref<!tpu.dma_semaphore, #tpu.memory_space<semaphore_mem>>) src(%arg15 : memref<79x128xf32, #tpu.memory_space<vmem>>) dst(%dma_wait3A_155 : memref<79x128xf32, #tpu.memory_space<vmem_shared>>)
      tpu.yield
    }) : () -> ()
    %add3A_89 = arith.constant 237 : i32
    %add3A_90 = arith.addi %mul3A_34, %add3A_89 : i32
    "tpu.region"() ({
      %run_scoped3A = tpu.sem_alloc : memref<!tpu.dma_semaphore, #tpu.memory_space<semaphore_mem>>
      %dma_start3A = arith.constant 0 : i32
      %dma_start3A_150 = tpu.memref_slice %arg24[%add3A_90, %dma_start3A] : memref<10112x128xf32, #tpu.memory_space<vmem_shared>> -> memref<79x128xf32, #tpu.memory_space<vmem_shared>>
      %dma_start3A_151 = arith.constant 0 : i32
      %dma_start3A_152 = tpu.memref_slice %arg24[%add3A_90, %dma_start3A_151] : memref<10112x128xf32, #tpu.memory_space<vmem_shared>> -> memref<79x128xf32, #tpu.memory_space<vmem_shared>>
      tpu.enqueue_dma source(%arg15 : memref<79x128xf32, #tpu.memory_space<vmem>>) target(%dma_start3A_152 : memref<79x128xf32, #tpu.memory_space<vmem_shared>>) target_semaphore(%run_scoped3A : memref<!tpu.dma_semaphore, #tpu.memory_space<semaphore_mem>>)
      %dma_wait3A = arith.constant 0 : i32
      %dma_wait3A_153 = tpu.memref_slice %arg24[%add3A_90, %dma_wait3A] : memref<10112x128xf32, #tpu.memory_space<vmem_shared>> -> memref<79x128xf32, #tpu.memory_space<vmem_shared>>
      %dma_wait3A_154 = arith.constant 0 : i32
      %dma_wait3A_155 = tpu.memref_slice %arg24[%add3A_90, %dma_wait3A_154] : memref<10112x128xf32, #tpu.memory_space<vmem_shared>> -> memref<79x128xf32, #tpu.memory_space<vmem_shared>>
      tpu.wait_dma2 semaphore(%run_scoped3A : memref<!tpu.dma_semaphore, #tpu.memory_space<semaphore_mem>>) src(%arg15 : memref<79x128xf32, #tpu.memory_space<vmem>>) dst(%dma_wait3A_155 : memref<79x128xf32, #tpu.memory_space<vmem_shared>>)
      tpu.yield
    }) : () -> ()
    %add3A_91 = arith.constant 316 : i32
    %add3A_92 = arith.addi %mul3A_34, %add3A_91 : i32
    "tpu.region"() ({
      %run_scoped3A = tpu.sem_alloc : memref<!tpu.dma_semaphore, #tpu.memory_space<semaphore_mem>>
      %dma_start3A = arith.constant 0 : i32
      %dma_start3A_150 = tpu.memref_slice %arg24[%add3A_92, %dma_start3A] : memref<10112x128xf32, #tpu.memory_space<vmem_shared>> -> memref<79x128xf32, #tpu.memory_space<vmem_shared>>
      %dma_start3A_151 = arith.constant 0 : i32
      %dma_start3A_152 = tpu.memref_slice %arg24[%add3A_92, %dma_start3A_151] : memref<10112x128xf32, #tpu.memory_space<vmem_shared>> -> memref<79x128xf32, #tpu.memory_space<vmem_shared>>
      tpu.enqueue_dma source(%arg15 : memref<79x128xf32, #tpu.memory_space<vmem>>) target(%dma_start3A_152 : memref<79x128xf32, #tpu.memory_space<vmem_shared>>) target_semaphore(%run_scoped3A : memref<!tpu.dma_semaphore, #tpu.memory_space<semaphore_mem>>)
      %dma_wait3A = arith.constant 0 : i32
      %dma_wait3A_153 = tpu.memref_slice %arg24[%add3A_92, %dma_wait3A] : memref<10112x128xf32, #tpu.memory_space<vmem_shared>> -> memref<79x128xf32, #tpu.memory_space<vmem_shared>>
      %dma_wait3A_154 = arith.constant 0 : i32
      %dma_wait3A_155 = tpu.memref_slice %arg24[%add3A_92, %dma_wait3A_154] : memref<10112x128xf32, #tpu.memory_space<vmem_shared>> -> memref<79x128xf32, #tpu.memory_space<vmem_shared>>
      tpu.wait_dma2 semaphore(%run_scoped3A : memref<!tpu.dma_semaphore, #tpu.memory_space<semaphore_mem>>) src(%arg15 : memref<79x128xf32, #tpu.memory_space<vmem>>) dst(%dma_wait3A_155 : memref<79x128xf32, #tpu.memory_space<vmem_shared>>)
      tpu.yield
    }) : () -> ()
    %add3A_93 = arith.constant 395 : i32
    %add3A_94 = arith.addi %mul3A_34, %add3A_93 : i32
    "tpu.region"() ({
      %run_scoped3A = tpu.sem_alloc : memref<!tpu.dma_semaphore, #tpu.memory_space<semaphore_mem>>
      %dma_start3A = arith.constant 0 : i32
      %dma_start3A_150 = tpu.memref_slice %arg24[%add3A_94, %dma_start3A] : memref<10112x128xf32, #tpu.memory_space<vmem_shared>> -> memref<79x128xf32, #tpu.memory_space<vmem_shared>>
      %dma_start3A_151 = arith.constant 0 : i32
      %dma_start3A_152 = tpu.memref_slice %arg24[%add3A_94, %dma_start3A_151] : memref<10112x128xf32, #tpu.memory_space<vmem_shared>> -> memref<79x128xf32, #tpu.memory_space<vmem_shared>>
      tpu.enqueue_dma source(%arg15 : memref<79x128xf32, #tpu.memory_space<vmem>>) target(%dma_start3A_152 : memref<79x128xf32, #tpu.memory_space<vmem_shared>>) target_semaphore(%run_scoped3A : memref<!tpu.dma_semaphore, #tpu.memory_space<semaphore_mem>>)
      %dma_wait3A = arith.constant 0 : i32
      %dma_wait3A_153 = tpu.memref_slice %arg24[%add3A_94, %dma_wait3A] : memref<10112x128xf32, #tpu.memory_space<vmem_shared>> -> memref<79x128xf32, #tpu.memory_space<vmem_shared>>
      %dma_wait3A_154 = arith.constant 0 : i32
      %dma_wait3A_155 = tpu.memref_slice %arg24[%add3A_94, %dma_wait3A_154] : memref<10112x128xf32, #tpu.memory_space<vmem_shared>> -> memref<79x128xf32, #tpu.memory_space<vmem_shared>>
      tpu.wait_dma2 semaphore(%run_scoped3A : memref<!tpu.dma_semaphore, #tpu.memory_space<semaphore_mem>>) src(%arg15 : memref<79x128xf32, #tpu.memory_space<vmem>>) dst(%dma_wait3A_155 : memref<79x128xf32, #tpu.memory_space<vmem_shared>>)
      tpu.yield
    }) : () -> ()
    %add3A_95 = arith.constant 474 : i32
    %add3A_96 = arith.addi %mul3A_34, %add3A_95 : i32
    "tpu.region"() ({
      %run_scoped3A = tpu.sem_alloc : memref<!tpu.dma_semaphore, #tpu.memory_space<semaphore_mem>>
      %dma_start3A = arith.constant 0 : i32
      %dma_start3A_150 = tpu.memref_slice %arg24[%add3A_96, %dma_start3A] : memref<10112x128xf32, #tpu.memory_space<vmem_shared>> -> memref<79x128xf32, #tpu.memory_space<vmem_shared>>
      %dma_start3A_151 = arith.constant 0 : i32
      %dma_start3A_152 = tpu.memref_slice %arg24[%add3A_96, %dma_start3A_151] : memref<10112x128xf32, #tpu.memory_space<vmem_shared>> -> memref<79x128xf32, #tpu.memory_space<vmem_shared>>
      tpu.enqueue_dma source(%arg15 : memref<79x128xf32, #tpu.memory_space<vmem>>) target(%dma_start3A_152 : memref<79x128xf32, #tpu.memory_space<vmem_shared>>) target_semaphore(%run_scoped3A : memref<!tpu.dma_semaphore, #tpu.memory_space<semaphore_mem>>)
      %dma_wait3A = arith.constant 0 : i32
      %dma_wait3A_153 = tpu.memref_slice %arg24[%add3A_96, %dma_wait3A] : memref<10112x128xf32, #tpu.memory_space<vmem_shared>> -> memref<79x128xf32, #tpu.memory_space<vmem_shared>>
      %dma_wait3A_154 = arith.constant 0 : i32
      %dma_wait3A_155 = tpu.memref_slice %arg24[%add3A_96, %dma_wait3A_154] : memref<10112x128xf32, #tpu.memory_space<vmem_shared>> -> memref<79x128xf32, #tpu.memory_space<vmem_shared>>
      tpu.wait_dma2 semaphore(%run_scoped3A : memref<!tpu.dma_semaphore, #tpu.memory_space<semaphore_mem>>) src(%arg15 : memref<79x128xf32, #tpu.memory_space<vmem>>) dst(%dma_wait3A_155 : memref<79x128xf32, #tpu.memory_space<vmem_shared>>)
      tpu.yield
    }) : () -> ()
    %add3A_97 = arith.constant 553 : i32
    %add3A_98 = arith.addi %mul3A_34, %add3A_97 : i32
    "tpu.region"() ({
      %run_scoped3A = tpu.sem_alloc : memref<!tpu.dma_semaphore, #tpu.memory_space<semaphore_mem>>
      %dma_start3A = arith.constant 0 : i32
      %dma_start3A_150 = tpu.memref_slice %arg24[%add3A_98, %dma_start3A] : memref<10112x128xf32, #tpu.memory_space<vmem_shared>> -> memref<79x128xf32, #tpu.memory_space<vmem_shared>>
      %dma_start3A_151 = arith.constant 0 : i32
      %dma_start3A_152 = tpu.memref_slice %arg24[%add3A_98, %dma_start3A_151] : memref<10112x128xf32, #tpu.memory_space<vmem_shared>> -> memref<79x128xf32, #tpu.memory_space<vmem_shared>>
      tpu.enqueue_dma source(%arg15 : memref<79x128xf32, #tpu.memory_space<vmem>>) target(%dma_start3A_152 : memref<79x128xf32, #tpu.memory_space<vmem_shared>>) target_semaphore(%run_scoped3A : memref<!tpu.dma_semaphore, #tpu.memory_space<semaphore_mem>>)
      %dma_wait3A = arith.constant 0 : i32
      %dma_wait3A_153 = tpu.memref_slice %arg24[%add3A_98, %dma_wait3A] : memref<10112x128xf32, #tpu.memory_space<vmem_shared>> -> memref<79x128xf32, #tpu.memory_space<vmem_shared>>
      %dma_wait3A_154 = arith.constant 0 : i32
      %dma_wait3A_155 = tpu.memref_slice %arg24[%add3A_98, %dma_wait3A_154] : memref<10112x128xf32, #tpu.memory_space<vmem_shared>> -> memref<79x128xf32, #tpu.memory_space<vmem_shared>>
      tpu.wait_dma2 semaphore(%run_scoped3A : memref<!tpu.dma_semaphore, #tpu.memory_space<semaphore_mem>>) src(%arg15 : memref<79x128xf32, #tpu.memory_space<vmem>>) dst(%dma_wait3A_155 : memref<79x128xf32, #tpu.memory_space<vmem_shared>>)
      tpu.yield
    }) : () -> ()
    "tpu.region"() ({
      %run_scoped3A = tpu.sem_alloc : memref<!tpu.dma_semaphore, #tpu.memory_space<semaphore_mem>>
      %dma_start3A = tpu.memref_slice %arg25[%mul3A_36] : memref<10240xf32, #tpu.memory_space<vmem_shared>> -> memref<640xf32, #tpu.memory_space<vmem_shared>>
      %dma_start3A_150 = tpu.memref_slice %arg25[%mul3A_36] : memref<10240xf32, #tpu.memory_space<vmem_shared>> -> memref<640xf32, #tpu.memory_space<vmem_shared>>
      tpu.enqueue_dma source(%arg16 : memref<640xf32, #tpu.memory_space<vmem>>) target(%dma_start3A_150 : memref<640xf32, #tpu.memory_space<vmem_shared>>) target_semaphore(%run_scoped3A : memref<!tpu.dma_semaphore, #tpu.memory_space<semaphore_mem>>)
      %dma_wait3A = tpu.memref_slice %arg25[%mul3A_36] : memref<10240xf32, #tpu.memory_space<vmem_shared>> -> memref<640xf32, #tpu.memory_space<vmem_shared>>
      %dma_wait3A_151 = tpu.memref_slice %arg25[%mul3A_36] : memref<10240xf32, #tpu.memory_space<vmem_shared>> -> memref<640xf32, #tpu.memory_space<vmem_shared>>
      tpu.wait_dma2 semaphore(%run_scoped3A : memref<!tpu.dma_semaphore, #tpu.memory_space<semaphore_mem>>) src(%arg16 : memref<640xf32, #tpu.memory_space<vmem>>) dst(%dma_wait3A_151 : memref<640xf32, #tpu.memory_space<vmem_shared>>)
      tpu.yield
    }) : () -> ()
    %barrier3A_99 = arith.constant 0 : index
    tpu.barrier barrier_id(%barrier3A_99)
    %lt3A_100 = arith.constant 0 : i32
    "tpu.trace_stop"() : () -> ()
    "tpu.trace_start"() <{level = 10 : i32, message = "chunks1"}> : () -> ()
    %lt3A_101 = arith.cmpi slt, %lt3A_100, %select_n3A_47 : i32
    %convert_element_type3A_102 = arith.extui %lt3A_101 : i1 to i32
    %cond3A_103 = arith.constant 0 : i32
    %cond3A_104 = arith.cmpi ne, %convert_element_type3A_102, %cond3A_103 : i32
    scf.if %cond3A_104 {
      %mul3A_150 = arith.constant 0 : i32
      %mul3A_151 = arith.constant 128 : i32
      %mul3A_152 = arith.muli %mul3A_150, %mul3A_151 : i32
      %add3A_153 = arith.addi %select_n3A, %mul3A_152 : i32
      "tpu.region"() ({
        %run_scoped3A = tpu.sem_alloc : memref<!tpu.dma_semaphore, #tpu.memory_space<semaphore_mem>>
        %dma_start3A_163 = tpu.memref_slice %arg5[%add3A_153] : memref<102400xi32, #tpu.memory_space<hbm>> -> memref<128xi32, #tpu.memory_space<hbm>>
        %dma_start3A_164 = tpu.memref_slice %arg5[%add3A_153] : memref<102400xi32, #tpu.memory_space<hbm>> -> memref<128xi32, #tpu.memory_space<hbm>>
        tpu.enqueue_dma source(%dma_start3A_164 : memref<128xi32, #tpu.memory_space<hbm>>) target(%arg18 : memref<128xi32, #tpu.memory_space<vmem>>) target_semaphore(%run_scoped3A : memref<!tpu.dma_semaphore, #tpu.memory_space<semaphore_mem>>)
        %dma_wait3A = tpu.memref_slice %arg5[%add3A_153] : memref<102400xi32, #tpu.memory_space<hbm>> -> memref<128xi32, #tpu.memory_space<hbm>>
        %dma_wait3A_165 = tpu.memref_slice %arg5[%add3A_153] : memref<102400xi32, #tpu.memory_space<hbm>> -> memref<128xi32, #tpu.memory_space<hbm>>
        tpu.wait_dma2 semaphore(%run_scoped3A : memref<!tpu.dma_semaphore, #tpu.memory_space<semaphore_mem>>) src(%dma_wait3A_165 : memref<128xi32, #tpu.memory_space<hbm>>) dst(%arg18 : memref<128xi32, #tpu.memory_space<vmem>>)
        tpu.yield
      }) : () -> ()
      "tpu.region"() ({
        %run_scoped3A = tpu.sem_alloc : memref<!tpu.dma_semaphore, #tpu.memory_space<semaphore_mem>>
        %dma_start3A_163 = tpu.memref_slice %arg6[%add3A_153] : memref<102400xi32, #tpu.memory_space<hbm>> -> memref<128xi32, #tpu.memory_space<hbm>>
        %dma_start3A_164 = tpu.memref_slice %arg6[%add3A_153] : memref<102400xi32, #tpu.memory_space<hbm>> -> memref<128xi32, #tpu.memory_space<hbm>>
        tpu.enqueue_dma source(%dma_start3A_164 : memref<128xi32, #tpu.memory_space<hbm>>) target(%arg20 : memref<128xi32, #tpu.memory_space<vmem>>) target_semaphore(%run_scoped3A : memref<!tpu.dma_semaphore, #tpu.memory_space<semaphore_mem>>)
        %dma_wait3A = tpu.memref_slice %arg6[%add3A_153] : memref<102400xi32, #tpu.memory_space<hbm>> -> memref<128xi32, #tpu.memory_space<hbm>>
        %dma_wait3A_165 = tpu.memref_slice %arg6[%add3A_153] : memref<102400xi32, #tpu.memory_space<hbm>> -> memref<128xi32, #tpu.memory_space<hbm>>
        tpu.wait_dma2 semaphore(%run_scoped3A : memref<!tpu.dma_semaphore, #tpu.memory_space<semaphore_mem>>) src(%dma_wait3A_165 : memref<128xi32, #tpu.memory_space<hbm>>) dst(%arg20 : memref<128xi32, #tpu.memory_space<vmem>>)
        tpu.yield
      }) : () -> ()
      %dma_start3A = arith.constant 0 : i32
      %dma_start3A_154 = arith.constant 0 : i32
      %dma_start3A_155 = tpu.memref_slice %arg2[%dma_start3A, %dma_start3A_154] : memref<10000x128xf32, #tpu.memory_space<hbm>> -> memref<10000x128xf32, #tpu.memory_space<hbm>>
      tpu.enqueue_indirect_dma source(%dma_start3A_155 : memref<10000x128xf32, #tpu.memory_space<hbm>>) target(%arg22 : memref<128x128xf32, #tpu.memory_space<vmem>>) offsets(%arg18 : memref<128xi32, #tpu.memory_space<vmem>>) semaphore(%arg26 : memref<!tpu.dma_semaphore, #tpu.memory_space<semaphore_mem>>)
      %mul3A_156 = arith.constant 1 : i32
      %mul3A_157 = arith.constant 128 : i32
      %mul3A_158 = arith.muli %mul3A_156, %mul3A_157 : i32
      %add3A_159 = arith.addi %select_n3A, %mul3A_158 : i32
      "tpu.region"() ({
        %run_scoped3A = tpu.sem_alloc : memref<!tpu.dma_semaphore, #tpu.memory_space<semaphore_mem>>
        %dma_start3A_163 = tpu.memref_slice %arg5[%add3A_159] : memref<102400xi32, #tpu.memory_space<hbm>> -> memref<128xi32, #tpu.memory_space<hbm>>
        %dma_start3A_164 = tpu.memref_slice %arg5[%add3A_159] : memref<102400xi32, #tpu.memory_space<hbm>> -> memref<128xi32, #tpu.memory_space<hbm>>
        tpu.enqueue_dma source(%dma_start3A_164 : memref<128xi32, #tpu.memory_space<hbm>>) target(%arg19 : memref<128xi32, #tpu.memory_space<vmem>>) target_semaphore(%run_scoped3A : memref<!tpu.dma_semaphore, #tpu.memory_space<semaphore_mem>>)
        %dma_wait3A = tpu.memref_slice %arg5[%add3A_159] : memref<102400xi32, #tpu.memory_space<hbm>> -> memref<128xi32, #tpu.memory_space<hbm>>
        %dma_wait3A_165 = tpu.memref_slice %arg5[%add3A_159] : memref<102400xi32, #tpu.memory_space<hbm>> -> memref<128xi32, #tpu.memory_space<hbm>>
        tpu.wait_dma2 semaphore(%run_scoped3A : memref<!tpu.dma_semaphore, #tpu.memory_space<semaphore_mem>>) src(%dma_wait3A_165 : memref<128xi32, #tpu.memory_space<hbm>>) dst(%arg19 : memref<128xi32, #tpu.memory_space<vmem>>)
        tpu.yield
      }) : () -> ()
      "tpu.region"() ({
        %run_scoped3A = tpu.sem_alloc : memref<!tpu.dma_semaphore, #tpu.memory_space<semaphore_mem>>
        %dma_start3A_163 = tpu.memref_slice %arg6[%add3A_159] : memref<102400xi32, #tpu.memory_space<hbm>> -> memref<128xi32, #tpu.memory_space<hbm>>
        %dma_start3A_164 = tpu.memref_slice %arg6[%add3A_159] : memref<102400xi32, #tpu.memory_space<hbm>> -> memref<128xi32, #tpu.memory_space<hbm>>
        tpu.enqueue_dma source(%dma_start3A_164 : memref<128xi32, #tpu.memory_space<hbm>>) target(%arg21 : memref<128xi32, #tpu.memory_space<vmem>>) target_semaphore(%run_scoped3A : memref<!tpu.dma_semaphore, #tpu.memory_space<semaphore_mem>>)
        %dma_wait3A = tpu.memref_slice %arg6[%add3A_159] : memref<102400xi32, #tpu.memory_space<hbm>> -> memref<128xi32, #tpu.memory_space<hbm>>
        %dma_wait3A_165 = tpu.memref_slice %arg6[%add3A_159] : memref<102400xi32, #tpu.memory_space<hbm>> -> memref<128xi32, #tpu.memory_space<hbm>>
        tpu.wait_dma2 semaphore(%run_scoped3A : memref<!tpu.dma_semaphore, #tpu.memory_space<semaphore_mem>>) src(%dma_wait3A_165 : memref<128xi32, #tpu.memory_space<hbm>>) dst(%arg21 : memref<128xi32, #tpu.memory_space<vmem>>)
        tpu.yield
      }) : () -> ()
      %dma_start3A_160 = arith.constant 0 : i32
      %dma_start3A_161 = arith.constant 0 : i32
      %dma_start3A_162 = tpu.memref_slice %arg2[%dma_start3A_160, %dma_start3A_161] : memref<10000x128xf32, #tpu.memory_space<hbm>> -> memref<10000x128xf32, #tpu.memory_space<hbm>>
      tpu.enqueue_indirect_dma source(%dma_start3A_162 : memref<10000x128xf32, #tpu.memory_space<hbm>>) target(%arg23 : memref<128x128xf32, #tpu.memory_space<vmem>>) offsets(%arg19 : memref<128xi32, #tpu.memory_space<vmem>>) semaphore(%arg27 : memref<!tpu.dma_semaphore, #tpu.memory_space<semaphore_mem>>)
    } else {
    }
    %while3A_105 = arith.constant 0 : i32
    %while3A_106 = arith.constant 0 : i32
    %while3A_107 = arith.subi %select_n3A_52, %while3A_106 : i32
    %while3A_108 = arith.addi %while3A_106, %while3A_107 : i32
    %while3A_109 = arith.constant 1 : i32
    %while3A_110 = arith.divsi %while3A_107, %while3A_109 : i32
    %while3A_111 = arith.muli %while3A_110, %while3A_109 : i32
    %while3A_112 = arith.addi %while3A_106, %while3A_111 : i32
    %while3A_113 = arith.constant 1 : i32
    scf.for %while3A_150 = %while3A_106 to %while3A_112 step %while3A_113  : i32 {
      %dma_wait3A = arith.constant 0 : i32
      %dma_wait3A_151 = arith.constant 0 : i32
      %dma_wait3A_152 = tpu.memref_slice %arg2[%dma_wait3A, %dma_wait3A_151] : memref<10000x128xf32, #tpu.memory_space<hbm>> -> memref<10000x128xf32, #tpu.memory_space<hbm>>
      tpu.wait_indirect_dma semaphore(%arg26 : memref<!tpu.dma_semaphore, #tpu.memory_space<semaphore_mem>>) src(%dma_wait3A_152 : memref<10000x128xf32, #tpu.memory_space<hbm>>) dst(%arg22 : memref<128x128xf32, #tpu.memory_space<vmem>>)
      "tpu.region"() ({
        %run_scoped3A = tpu.sem_alloc : memref<!tpu.dma_semaphore, #tpu.memory_space<semaphore_mem>>
        %dma_start3A = arith.constant 0 : i32
        %dma_start3A_172 = arith.constant 0 : i32
        %dma_start3A_173 = tpu.memref_slice %arg24[%dma_start3A, %dma_start3A_172] : memref<10112x128xf32, #tpu.memory_space<vmem_shared>> -> memref<10112x128xf32, #tpu.memory_space<vmem_shared>>
        tpu.enqueue_indirect_dma source(%arg22 : memref<128x128xf32, #tpu.memory_space<vmem>>) target(%dma_start3A_173 : memref<10112x128xf32, #tpu.memory_space<vmem_shared>>) offsets(%arg20 : memref<128xi32, #tpu.memory_space<vmem>>) semaphore(%run_scoped3A : memref<!tpu.dma_semaphore, #tpu.memory_space<semaphore_mem>>) {add = true}
        %dma_wait3A_174 = arith.constant 0 : i32
        %dma_wait3A_175 = arith.constant 0 : i32
        %dma_wait3A_176 = tpu.memref_slice %arg24[%dma_wait3A_174, %dma_wait3A_175] : memref<10112x128xf32, #tpu.memory_space<vmem_shared>> -> memref<10112x128xf32, #tpu.memory_space<vmem_shared>>
        tpu.wait_indirect_dma semaphore(%run_scoped3A : memref<!tpu.dma_semaphore, #tpu.memory_space<semaphore_mem>>) src(%arg22 : memref<128x128xf32, #tpu.memory_space<vmem>>) dst(%dma_wait3A_176 : memref<10112x128xf32, #tpu.memory_space<vmem_shared>>)
        tpu.yield
      }) : () -> ()
      "tpu.region"() ({
        %run_scoped3A = tpu.sem_alloc : memref<!tpu.dma_semaphore, #tpu.memory_space<semaphore_mem>>
        %dma_start3A = arith.constant 0 : i32
        %dma_start3A_172 = tpu.memref_slice %arg25[%dma_start3A] : memref<10240xf32, #tpu.memory_space<vmem_shared>> -> memref<10240xf32, #tpu.memory_space<vmem_shared>>
        tpu.enqueue_indirect_dma source(%arg17 : memref<128xf32, #tpu.memory_space<vmem>>) target(%dma_start3A_172 : memref<10240xf32, #tpu.memory_space<vmem_shared>>) offsets(%arg20 : memref<128xi32, #tpu.memory_space<vmem>>) semaphore(%run_scoped3A : memref<!tpu.dma_semaphore, #tpu.memory_space<semaphore_mem>>) {add = true}
        %dma_wait3A_173 = arith.constant 0 : i32
        %dma_wait3A_174 = tpu.memref_slice %arg25[%dma_wait3A_173] : memref<10240xf32, #tpu.memory_space<vmem_shared>> -> memref<10240xf32, #tpu.memory_space<vmem_shared>>
        tpu.wait_indirect_dma semaphore(%run_scoped3A : memref<!tpu.dma_semaphore, #tpu.memory_space<semaphore_mem>>) src(%arg17 : memref<128xf32, #tpu.memory_space<vmem>>) dst(%dma_wait3A_174 : memref<10240xf32, #tpu.memory_space<vmem_shared>>)
        tpu.yield
      }) : () -> ()
      %mul3A_153 = arith.constant 2 : i32
      %mul3A_154 = arith.muli %mul3A_153, %while3A_150 : i32
      %add3A_155 = arith.constant 2 : i32
      %add3A_156 = arith.addi %mul3A_154, %add3A_155 : i32
      %lt3A_157 = arith.cmpi slt, %add3A_156, %select_n3A_47 : i32
      %convert_element_type3A_158 = arith.extui %lt3A_157 : i1 to i32
      %cond3A_159 = arith.constant 0 : i32
      %cond3A_160 = arith.cmpi ne, %convert_element_type3A_158, %cond3A_159 : i32
      scf.if %cond3A_160 {
        %mul3A_172 = arith.constant 2 : i32
        %mul3A_173 = arith.muli %mul3A_172, %while3A_150 : i32
        %add3A_174 = arith.constant 2 : i32
        %add3A_175 = arith.addi %mul3A_173, %add3A_174 : i32
        %mul3A_176 = arith.constant 128 : i32
        %mul3A_177 = arith.muli %add3A_175, %mul3A_176 : i32
        %add3A_178 = arith.addi %select_n3A, %mul3A_177 : i32
        "tpu.region"() ({
          %run_scoped3A = tpu.sem_alloc : memref<!tpu.dma_semaphore, #tpu.memory_space<semaphore_mem>>
          %dma_start3A_181 = tpu.memref_slice %arg5[%add3A_178] : memref<102400xi32, #tpu.memory_space<hbm>> -> memref<128xi32, #tpu.memory_space<hbm>>
          %dma_start3A_182 = tpu.memref_slice %arg5[%add3A_178] : memref<102400xi32, #tpu.memory_space<hbm>> -> memref<128xi32, #tpu.memory_space<hbm>>
          tpu.enqueue_dma source(%dma_start3A_182 : memref<128xi32, #tpu.memory_space<hbm>>) target(%arg18 : memref<128xi32, #tpu.memory_space<vmem>>) target_semaphore(%run_scoped3A : memref<!tpu.dma_semaphore, #tpu.memory_space<semaphore_mem>>)
          %dma_wait3A_183 = tpu.memref_slice %arg5[%add3A_178] : memref<102400xi32, #tpu.memory_space<hbm>> -> memref<128xi32, #tpu.memory_space<hbm>>
          %dma_wait3A_184 = tpu.memref_slice %arg5[%add3A_178] : memref<102400xi32, #tpu.memory_space<hbm>> -> memref<128xi32, #tpu.memory_space<hbm>>
          tpu.wait_dma2 semaphore(%run_scoped3A : memref<!tpu.dma_semaphore, #tpu.memory_space<semaphore_mem>>) src(%dma_wait3A_184 : memref<128xi32, #tpu.memory_space<hbm>>) dst(%arg18 : memref<128xi32, #tpu.memory_space<vmem>>)
          tpu.yield
        }) : () -> ()
        "tpu.region"() ({
          %run_scoped3A = tpu.sem_alloc : memref<!tpu.dma_semaphore, #tpu.memory_space<semaphore_mem>>
          %dma_start3A_181 = tpu.memref_slice %arg6[%add3A_178] : memref<102400xi32, #tpu.memory_space<hbm>> -> memref<128xi32, #tpu.memory_space<hbm>>
          %dma_start3A_182 = tpu.memref_slice %arg6[%add3A_178] : memref<102400xi32, #tpu.memory_space<hbm>> -> memref<128xi32, #tpu.memory_space<hbm>>
          tpu.enqueue_dma source(%dma_start3A_182 : memref<128xi32, #tpu.memory_space<hbm>>) target(%arg20 : memref<128xi32, #tpu.memory_space<vmem>>) target_semaphore(%run_scoped3A : memref<!tpu.dma_semaphore, #tpu.memory_space<semaphore_mem>>)
          %dma_wait3A_183 = tpu.memref_slice %arg6[%add3A_178] : memref<102400xi32, #tpu.memory_space<hbm>> -> memref<128xi32, #tpu.memory_space<hbm>>
          %dma_wait3A_184 = tpu.memref_slice %arg6[%add3A_178] : memref<102400xi32, #tpu.memory_space<hbm>> -> memref<128xi32, #tpu.memory_space<hbm>>
          tpu.wait_dma2 semaphore(%run_scoped3A : memref<!tpu.dma_semaphore, #tpu.memory_space<semaphore_mem>>) src(%dma_wait3A_184 : memref<128xi32, #tpu.memory_space<hbm>>) dst(%arg20 : memref<128xi32, #tpu.memory_space<vmem>>)
          tpu.yield
        }) : () -> ()
        %dma_start3A = arith.constant 0 : i32
        %dma_start3A_179 = arith.constant 0 : i32
        %dma_start3A_180 = tpu.memref_slice %arg2[%dma_start3A, %dma_start3A_179] : memref<10000x128xf32, #tpu.memory_space<hbm>> -> memref<10000x128xf32, #tpu.memory_space<hbm>>
        tpu.enqueue_indirect_dma source(%dma_start3A_180 : memref<10000x128xf32, #tpu.memory_space<hbm>>) target(%arg22 : memref<128x128xf32, #tpu.memory_space<vmem>>) offsets(%arg18 : memref<128xi32, #tpu.memory_space<vmem>>) semaphore(%arg26 : memref<!tpu.dma_semaphore, #tpu.memory_space<semaphore_mem>>)
      } else {
      }
      %dma_wait3A_161 = arith.constant 0 : i32
      %dma_wait3A_162 = arith.constant 0 : i32
      %dma_wait3A_163 = tpu.memref_slice %arg2[%dma_wait3A_161, %dma_wait3A_162] : memref<10000x128xf32, #tpu.memory_space<hbm>> -> memref<10000x128xf32, #tpu.memory_space<hbm>>
      tpu.wait_indirect_dma semaphore(%arg27 : memref<!tpu.dma_semaphore, #tpu.memory_space<semaphore_mem>>) src(%dma_wait3A_163 : memref<10000x128xf32, #tpu.memory_space<hbm>>) dst(%arg23 : memref<128x128xf32, #tpu.memory_space<vmem>>)
      "tpu.region"() ({
        %run_scoped3A = tpu.sem_alloc : memref<!tpu.dma_semaphore, #tpu.memory_space<semaphore_mem>>
        %dma_start3A = arith.constant 0 : i32
        %dma_start3A_172 = arith.constant 0 : i32
        %dma_start3A_173 = tpu.memref_slice %arg24[%dma_start3A, %dma_start3A_172] : memref<10112x128xf32, #tpu.memory_space<vmem_shared>> -> memref<10112x128xf32, #tpu.memory_space<vmem_shared>>
        tpu.enqueue_indirect_dma source(%arg23 : memref<128x128xf32, #tpu.memory_space<vmem>>) target(%dma_start3A_173 : memref<10112x128xf32, #tpu.memory_space<vmem_shared>>) offsets(%arg21 : memref<128xi32, #tpu.memory_space<vmem>>) semaphore(%run_scoped3A : memref<!tpu.dma_semaphore, #tpu.memory_space<semaphore_mem>>) {add = true}
        %dma_wait3A_174 = arith.constant 0 : i32
        %dma_wait3A_175 = arith.constant 0 : i32
        %dma_wait3A_176 = tpu.memref_slice %arg24[%dma_wait3A_174, %dma_wait3A_175] : memref<10112x128xf32, #tpu.memory_space<vmem_shared>> -> memref<10112x128xf32, #tpu.memory_space<vmem_shared>>
        tpu.wait_indirect_dma semaphore(%run_scoped3A : memref<!tpu.dma_semaphore, #tpu.memory_space<semaphore_mem>>) src(%arg23 : memref<128x128xf32, #tpu.memory_space<vmem>>) dst(%dma_wait3A_176 : memref<10112x128xf32, #tpu.memory_space<vmem_shared>>)
        tpu.yield
      }) : () -> ()
      "tpu.region"() ({
        %run_scoped3A = tpu.sem_alloc : memref<!tpu.dma_semaphore, #tpu.memory_space<semaphore_mem>>
        %dma_start3A = arith.constant 0 : i32
        %dma_start3A_172 = tpu.memref_slice %arg25[%dma_start3A] : memref<10240xf32, #tpu.memory_space<vmem_shared>> -> memref<10240xf32, #tpu.memory_space<vmem_shared>>
        tpu.enqueue_indirect_dma source(%arg17 : memref<128xf32, #tpu.memory_space<vmem>>) target(%dma_start3A_172 : memref<10240xf32, #tpu.memory_space<vmem_shared>>) offsets(%arg21 : memref<128xi32, #tpu.memory_space<vmem>>) semaphore(%run_scoped3A : memref<!tpu.dma_semaphore, #tpu.memory_space<semaphore_mem>>) {add = true}
        %dma_wait3A_173 = arith.constant 0 : i32
        %dma_wait3A_174 = tpu.memref_slice %arg25[%dma_wait3A_173] : memref<10240xf32, #tpu.memory_space<vmem_shared>> -> memref<10240xf32, #tpu.memory_space<vmem_shared>>
        tpu.wait_indirect_dma semaphore(%run_scoped3A : memref<!tpu.dma_semaphore, #tpu.memory_space<semaphore_mem>>) src(%arg17 : memref<128xf32, #tpu.memory_space<vmem>>) dst(%dma_wait3A_174 : memref<10240xf32, #tpu.memory_space<vmem_shared>>)
        tpu.yield
      }) : () -> ()
      %mul3A_164 = arith.constant 2 : i32
      %mul3A_165 = arith.muli %mul3A_164, %while3A_150 : i32
      %add3A_166 = arith.constant 3 : i32
      %add3A_167 = arith.addi %mul3A_165, %add3A_166 : i32
      %lt3A_168 = arith.cmpi slt, %add3A_167, %select_n3A_47 : i32
      %convert_element_type3A_169 = arith.extui %lt3A_168 : i1 to i32
      %cond3A_170 = arith.constant 0 : i32
      %cond3A_171 = arith.cmpi ne, %convert_element_type3A_169, %cond3A_170 : i32
      scf.if %cond3A_171 {
        %mul3A_172 = arith.constant 2 : i32
        %mul3A_173 = arith.muli %mul3A_172, %while3A_150 : i32
        %add3A_174 = arith.constant 3 : i32
        %add3A_175 = arith.addi %mul3A_173, %add3A_174 : i32
        %mul3A_176 = arith.constant 128 : i32
        %mul3A_177 = arith.muli %add3A_175, %mul3A_176 : i32
        %add3A_178 = arith.addi %select_n3A, %mul3A_177 : i32
        "tpu.region"() ({
          %run_scoped3A = tpu.sem_alloc : memref<!tpu.dma_semaphore, #tpu.memory_space<semaphore_mem>>
          %dma_start3A_181 = tpu.memref_slice %arg5[%add3A_178] : memref<102400xi32, #tpu.memory_space<hbm>> -> memref<128xi32, #tpu.memory_space<hbm>>
          %dma_start3A_182 = tpu.memref_slice %arg5[%add3A_178] : memref<102400xi32, #tpu.memory_space<hbm>> -> memref<128xi32, #tpu.memory_space<hbm>>
          tpu.enqueue_dma source(%dma_start3A_182 : memref<128xi32, #tpu.memory_space<hbm>>) target(%arg19 : memref<128xi32, #tpu.memory_space<vmem>>) target_semaphore(%run_scoped3A : memref<!tpu.dma_semaphore, #tpu.memory_space<semaphore_mem>>)
          %dma_wait3A_183 = tpu.memref_slice %arg5[%add3A_178] : memref<102400xi32, #tpu.memory_space<hbm>> -> memref<128xi32, #tpu.memory_space<hbm>>
          %dma_wait3A_184 = tpu.memref_slice %arg5[%add3A_178] : memref<102400xi32, #tpu.memory_space<hbm>> -> memref<128xi32, #tpu.memory_space<hbm>>
          tpu.wait_dma2 semaphore(%run_scoped3A : memref<!tpu.dma_semaphore, #tpu.memory_space<semaphore_mem>>) src(%dma_wait3A_184 : memref<128xi32, #tpu.memory_space<hbm>>) dst(%arg19 : memref<128xi32, #tpu.memory_space<vmem>>)
          tpu.yield
        }) : () -> ()
        "tpu.region"() ({
          %run_scoped3A = tpu.sem_alloc : memref<!tpu.dma_semaphore, #tpu.memory_space<semaphore_mem>>
          %dma_start3A_181 = tpu.memref_slice %arg6[%add3A_178] : memref<102400xi32, #tpu.memory_space<hbm>> -> memref<128xi32, #tpu.memory_space<hbm>>
          %dma_start3A_182 = tpu.memref_slice %arg6[%add3A_178] : memref<102400xi32, #tpu.memory_space<hbm>> -> memref<128xi32, #tpu.memory_space<hbm>>
          tpu.enqueue_dma source(%dma_start3A_182 : memref<128xi32, #tpu.memory_space<hbm>>) target(%arg21 : memref<128xi32, #tpu.memory_space<vmem>>) target_semaphore(%run_scoped3A : memref<!tpu.dma_semaphore, #tpu.memory_space<semaphore_mem>>)
          %dma_wait3A_183 = tpu.memref_slice %arg6[%add3A_178] : memref<102400xi32, #tpu.memory_space<hbm>> -> memref<128xi32, #tpu.memory_space<hbm>>
          %dma_wait3A_184 = tpu.memref_slice %arg6[%add3A_178] : memref<102400xi32, #tpu.memory_space<hbm>> -> memref<128xi32, #tpu.memory_space<hbm>>
          tpu.wait_dma2 semaphore(%run_scoped3A : memref<!tpu.dma_semaphore, #tpu.memory_space<semaphore_mem>>) src(%dma_wait3A_184 : memref<128xi32, #tpu.memory_space<hbm>>) dst(%arg21 : memref<128xi32, #tpu.memory_space<vmem>>)
          tpu.yield
        }) : () -> ()
        %dma_start3A = arith.constant 0 : i32
        %dma_start3A_179 = arith.constant 0 : i32
        %dma_start3A_180 = tpu.memref_slice %arg2[%dma_start3A, %dma_start3A_179] : memref<10000x128xf32, #tpu.memory_space<hbm>> -> memref<10000x128xf32, #tpu.memory_space<hbm>>
        tpu.enqueue_indirect_dma source(%dma_start3A_180 : memref<10000x128xf32, #tpu.memory_space<hbm>>) target(%arg23 : memref<128x128xf32, #tpu.memory_space<vmem>>) offsets(%arg19 : memref<128xi32, #tpu.memory_space<vmem>>) semaphore(%arg27 : memref<!tpu.dma_semaphore, #tpu.memory_space<semaphore_mem>>)
      } else {
      }
    }
    %while3A_114 = arith.constant 1 : i32
    scf.for %while3A_150 = %while3A_112 to %while3A_108 step %while3A_114  : i32 {
      %dma_wait3A = arith.constant 0 : i32
      %dma_wait3A_151 = arith.constant 0 : i32
      %dma_wait3A_152 = tpu.memref_slice %arg2[%dma_wait3A, %dma_wait3A_151] : memref<10000x128xf32, #tpu.memory_space<hbm>> -> memref<10000x128xf32, #tpu.memory_space<hbm>>
      tpu.wait_indirect_dma semaphore(%arg26 : memref<!tpu.dma_semaphore, #tpu.memory_space<semaphore_mem>>) src(%dma_wait3A_152 : memref<10000x128xf32, #tpu.memory_space<hbm>>) dst(%arg22 : memref<128x128xf32, #tpu.memory_space<vmem>>)
      "tpu.region"() ({
        %run_scoped3A = tpu.sem_alloc : memref<!tpu.dma_semaphore, #tpu.memory_space<semaphore_mem>>
        %dma_start3A = arith.constant 0 : i32
        %dma_start3A_172 = arith.constant 0 : i32
        %dma_start3A_173 = tpu.memref_slice %arg24[%dma_start3A, %dma_start3A_172] : memref<10112x128xf32, #tpu.memory_space<vmem_shared>> -> memref<10112x128xf32, #tpu.memory_space<vmem_shared>>
        tpu.enqueue_indirect_dma source(%arg22 : memref<128x128xf32, #tpu.memory_space<vmem>>) target(%dma_start3A_173 : memref<10112x128xf32, #tpu.memory_space<vmem_shared>>) offsets(%arg20 : memref<128xi32, #tpu.memory_space<vmem>>) semaphore(%run_scoped3A : memref<!tpu.dma_semaphore, #tpu.memory_space<semaphore_mem>>) {add = true}
        %dma_wait3A_174 = arith.constant 0 : i32
        %dma_wait3A_175 = arith.constant 0 : i32
        %dma_wait3A_176 = tpu.memref_slice %arg24[%dma_wait3A_174, %dma_wait3A_175] : memref<10112x128xf32, #tpu.memory_space<vmem_shared>> -> memref<10112x128xf32, #tpu.memory_space<vmem_shared>>
        tpu.wait_indirect_dma semaphore(%run_scoped3A : memref<!tpu.dma_semaphore, #tpu.memory_space<semaphore_mem>>) src(%arg22 : memref<128x128xf32, #tpu.memory_space<vmem>>) dst(%dma_wait3A_176 : memref<10112x128xf32, #tpu.memory_space<vmem_shared>>)
        tpu.yield
      }) : () -> ()
      "tpu.region"() ({
        %run_scoped3A = tpu.sem_alloc : memref<!tpu.dma_semaphore, #tpu.memory_space<semaphore_mem>>
        %dma_start3A = arith.constant 0 : i32
        %dma_start3A_172 = tpu.memref_slice %arg25[%dma_start3A] : memref<10240xf32, #tpu.memory_space<vmem_shared>> -> memref<10240xf32, #tpu.memory_space<vmem_shared>>
        tpu.enqueue_indirect_dma source(%arg17 : memref<128xf32, #tpu.memory_space<vmem>>) target(%dma_start3A_172 : memref<10240xf32, #tpu.memory_space<vmem_shared>>) offsets(%arg20 : memref<128xi32, #tpu.memory_space<vmem>>) semaphore(%run_scoped3A : memref<!tpu.dma_semaphore, #tpu.memory_space<semaphore_mem>>) {add = true}
        %dma_wait3A_173 = arith.constant 0 : i32
        %dma_wait3A_174 = tpu.memref_slice %arg25[%dma_wait3A_173] : memref<10240xf32, #tpu.memory_space<vmem_shared>> -> memref<10240xf32, #tpu.memory_space<vmem_shared>>
        tpu.wait_indirect_dma semaphore(%run_scoped3A : memref<!tpu.dma_semaphore, #tpu.memory_space<semaphore_mem>>) src(%arg17 : memref<128xf32, #tpu.memory_space<vmem>>) dst(%dma_wait3A_174 : memref<10240xf32, #tpu.memory_space<vmem_shared>>)
        tpu.yield
      }) : () -> ()
      %mul3A_153 = arith.constant 2 : i32
      %mul3A_154 = arith.muli %mul3A_153, %while3A_150 : i32
      %add3A_155 = arith.constant 2 : i32
      %add3A_156 = arith.addi %mul3A_154, %add3A_155 : i32
      %lt3A_157 = arith.cmpi slt, %add3A_156, %select_n3A_47 : i32
      %convert_element_type3A_158 = arith.extui %lt3A_157 : i1 to i32
      %cond3A_159 = arith.constant 0 : i32
      %cond3A_160 = arith.cmpi ne, %convert_element_type3A_158, %cond3A_159 : i32
      scf.if %cond3A_160 {
        %mul3A_172 = arith.constant 2 : i32
        %mul3A_173 = arith.muli %mul3A_172, %while3A_150 : i32
        %add3A_174 = arith.constant 2 : i32
        %add3A_175 = arith.addi %mul3A_173, %add3A_174 : i32
        %mul3A_176 = arith.constant 128 : i32
        %mul3A_177 = arith.muli %add3A_175, %mul3A_176 : i32
        %add3A_178 = arith.addi %select_n3A, %mul3A_177 : i32
        "tpu.region"() ({
          %run_scoped3A = tpu.sem_alloc : memref<!tpu.dma_semaphore, #tpu.memory_space<semaphore_mem>>
          %dma_start3A_181 = tpu.memref_slice %arg5[%add3A_178] : memref<102400xi32, #tpu.memory_space<hbm>> -> memref<128xi32, #tpu.memory_space<hbm>>
          %dma_start3A_182 = tpu.memref_slice %arg5[%add3A_178] : memref<102400xi32, #tpu.memory_space<hbm>> -> memref<128xi32, #tpu.memory_space<hbm>>
          tpu.enqueue_dma source(%dma_start3A_182 : memref<128xi32, #tpu.memory_space<hbm>>) target(%arg18 : memref<128xi32, #tpu.memory_space<vmem>>) target_semaphore(%run_scoped3A : memref<!tpu.dma_semaphore, #tpu.memory_space<semaphore_mem>>)
          %dma_wait3A_183 = tpu.memref_slice %arg5[%add3A_178] : memref<102400xi32, #tpu.memory_space<hbm>> -> memref<128xi32, #tpu.memory_space<hbm>>
          %dma_wait3A_184 = tpu.memref_slice %arg5[%add3A_178] : memref<102400xi32, #tpu.memory_space<hbm>> -> memref<128xi32, #tpu.memory_space<hbm>>
          tpu.wait_dma2 semaphore(%run_scoped3A : memref<!tpu.dma_semaphore, #tpu.memory_space<semaphore_mem>>) src(%dma_wait3A_184 : memref<128xi32, #tpu.memory_space<hbm>>) dst(%arg18 : memref<128xi32, #tpu.memory_space<vmem>>)
          tpu.yield
        }) : () -> ()
        "tpu.region"() ({
          %run_scoped3A = tpu.sem_alloc : memref<!tpu.dma_semaphore, #tpu.memory_space<semaphore_mem>>
          %dma_start3A_181 = tpu.memref_slice %arg6[%add3A_178] : memref<102400xi32, #tpu.memory_space<hbm>> -> memref<128xi32, #tpu.memory_space<hbm>>
          %dma_start3A_182 = tpu.memref_slice %arg6[%add3A_178] : memref<102400xi32, #tpu.memory_space<hbm>> -> memref<128xi32, #tpu.memory_space<hbm>>
          tpu.enqueue_dma source(%dma_start3A_182 : memref<128xi32, #tpu.memory_space<hbm>>) target(%arg20 : memref<128xi32, #tpu.memory_space<vmem>>) target_semaphore(%run_scoped3A : memref<!tpu.dma_semaphore, #tpu.memory_space<semaphore_mem>>)
          %dma_wait3A_183 = tpu.memref_slice %arg6[%add3A_178] : memref<102400xi32, #tpu.memory_space<hbm>> -> memref<128xi32, #tpu.memory_space<hbm>>
          %dma_wait3A_184 = tpu.memref_slice %arg6[%add3A_178] : memref<102400xi32, #tpu.memory_space<hbm>> -> memref<128xi32, #tpu.memory_space<hbm>>
          tpu.wait_dma2 semaphore(%run_scoped3A : memref<!tpu.dma_semaphore, #tpu.memory_space<semaphore_mem>>) src(%dma_wait3A_184 : memref<128xi32, #tpu.memory_space<hbm>>) dst(%arg20 : memref<128xi32, #tpu.memory_space<vmem>>)
          tpu.yield
        }) : () -> ()
        %dma_start3A = arith.constant 0 : i32
        %dma_start3A_179 = arith.constant 0 : i32
        %dma_start3A_180 = tpu.memref_slice %arg2[%dma_start3A, %dma_start3A_179] : memref<10000x128xf32, #tpu.memory_space<hbm>> -> memref<10000x128xf32, #tpu.memory_space<hbm>>
        tpu.enqueue_indirect_dma source(%dma_start3A_180 : memref<10000x128xf32, #tpu.memory_space<hbm>>) target(%arg22 : memref<128x128xf32, #tpu.memory_space<vmem>>) offsets(%arg18 : memref<128xi32, #tpu.memory_space<vmem>>) semaphore(%arg26 : memref<!tpu.dma_semaphore, #tpu.memory_space<semaphore_mem>>)
      } else {
      }
      %dma_wait3A_161 = arith.constant 0 : i32
      %dma_wait3A_162 = arith.constant 0 : i32
      %dma_wait3A_163 = tpu.memref_slice %arg2[%dma_wait3A_161, %dma_wait3A_162] : memref<10000x128xf32, #tpu.memory_space<hbm>> -> memref<10000x128xf32, #tpu.memory_space<hbm>>
      tpu.wait_indirect_dma semaphore(%arg27 : memref<!tpu.dma_semaphore, #tpu.memory_space<semaphore_mem>>) src(%dma_wait3A_163 : memref<10000x128xf32, #tpu.memory_space<hbm>>) dst(%arg23 : memref<128x128xf32, #tpu.memory_space<vmem>>)
      "tpu.region"() ({
        %run_scoped3A = tpu.sem_alloc : memref<!tpu.dma_semaphore, #tpu.memory_space<semaphore_mem>>
        %dma_start3A = arith.constant 0 : i32
        %dma_start3A_172 = arith.constant 0 : i32
        %dma_start3A_173 = tpu.memref_slice %arg24[%dma_start3A, %dma_start3A_172] : memref<10112x128xf32, #tpu.memory_space<vmem_shared>> -> memref<10112x128xf32, #tpu.memory_space<vmem_shared>>
        tpu.enqueue_indirect_dma source(%arg23 : memref<128x128xf32, #tpu.memory_space<vmem>>) target(%dma_start3A_173 : memref<10112x128xf32, #tpu.memory_space<vmem_shared>>) offsets(%arg21 : memref<128xi32, #tpu.memory_space<vmem>>) semaphore(%run_scoped3A : memref<!tpu.dma_semaphore, #tpu.memory_space<semaphore_mem>>) {add = true}
        %dma_wait3A_174 = arith.constant 0 : i32
        %dma_wait3A_175 = arith.constant 0 : i32
        %dma_wait3A_176 = tpu.memref_slice %arg24[%dma_wait3A_174, %dma_wait3A_175] : memref<10112x128xf32, #tpu.memory_space<vmem_shared>> -> memref<10112x128xf32, #tpu.memory_space<vmem_shared>>
        tpu.wait_indirect_dma semaphore(%run_scoped3A : memref<!tpu.dma_semaphore, #tpu.memory_space<semaphore_mem>>) src(%arg23 : memref<128x128xf32, #tpu.memory_space<vmem>>) dst(%dma_wait3A_176 : memref<10112x128xf32, #tpu.memory_space<vmem_shared>>)
        tpu.yield
      }) : () -> ()
      "tpu.region"() ({
        %run_scoped3A = tpu.sem_alloc : memref<!tpu.dma_semaphore, #tpu.memory_space<semaphore_mem>>
        %dma_start3A = arith.constant 0 : i32
        %dma_start3A_172 = tpu.memref_slice %arg25[%dma_start3A] : memref<10240xf32, #tpu.memory_space<vmem_shared>> -> memref<10240xf32, #tpu.memory_space<vmem_shared>>
        tpu.enqueue_indirect_dma source(%arg17 : memref<128xf32, #tpu.memory_space<vmem>>) target(%dma_start3A_172 : memref<10240xf32, #tpu.memory_space<vmem_shared>>) offsets(%arg21 : memref<128xi32, #tpu.memory_space<vmem>>) semaphore(%run_scoped3A : memref<!tpu.dma_semaphore, #tpu.memory_space<semaphore_mem>>) {add = true}
        %dma_wait3A_173 = arith.constant 0 : i32
        %dma_wait3A_174 = tpu.memref_slice %arg25[%dma_wait3A_173] : memref<10240xf32, #tpu.memory_space<vmem_shared>> -> memref<10240xf32, #tpu.memory_space<vmem_shared>>
        tpu.wait_indirect_dma semaphore(%run_scoped3A : memref<!tpu.dma_semaphore, #tpu.memory_space<semaphore_mem>>) src(%arg17 : memref<128xf32, #tpu.memory_space<vmem>>) dst(%dma_wait3A_174 : memref<10240xf32, #tpu.memory_space<vmem_shared>>)
        tpu.yield
      }) : () -> ()
      %mul3A_164 = arith.constant 2 : i32
      %mul3A_165 = arith.muli %mul3A_164, %while3A_150 : i32
      %add3A_166 = arith.constant 3 : i32
      %add3A_167 = arith.addi %mul3A_165, %add3A_166 : i32
      %lt3A_168 = arith.cmpi slt, %add3A_167, %select_n3A_47 : i32
      %convert_element_type3A_169 = arith.extui %lt3A_168 : i1 to i32
      %cond3A_170 = arith.constant 0 : i32
      %cond3A_171 = arith.cmpi ne, %convert_element_type3A_169, %cond3A_170 : i32
      scf.if %cond3A_171 {
        %mul3A_172 = arith.constant 2 : i32
        %mul3A_173 = arith.muli %mul3A_172, %while3A_150 : i32
        %add3A_174 = arith.constant 3 : i32
        %add3A_175 = arith.addi %mul3A_173, %add3A_174 : i32
        %mul3A_176 = arith.constant 128 : i32
        %mul3A_177 = arith.muli %add3A_175, %mul3A_176 : i32
        %add3A_178 = arith.addi %select_n3A, %mul3A_177 : i32
        "tpu.region"() ({
          %run_scoped3A = tpu.sem_alloc : memref<!tpu.dma_semaphore, #tpu.memory_space<semaphore_mem>>
          %dma_start3A_181 = tpu.memref_slice %arg5[%add3A_178] : memref<102400xi32, #tpu.memory_space<hbm>> -> memref<128xi32, #tpu.memory_space<hbm>>
          %dma_start3A_182 = tpu.memref_slice %arg5[%add3A_178] : memref<102400xi32, #tpu.memory_space<hbm>> -> memref<128xi32, #tpu.memory_space<hbm>>
          tpu.enqueue_dma source(%dma_start3A_182 : memref<128xi32, #tpu.memory_space<hbm>>) target(%arg19 : memref<128xi32, #tpu.memory_space<vmem>>) target_semaphore(%run_scoped3A : memref<!tpu.dma_semaphore, #tpu.memory_space<semaphore_mem>>)
          %dma_wait3A_183 = tpu.memref_slice %arg5[%add3A_178] : memref<102400xi32, #tpu.memory_space<hbm>> -> memref<128xi32, #tpu.memory_space<hbm>>
          %dma_wait3A_184 = tpu.memref_slice %arg5[%add3A_178] : memref<102400xi32, #tpu.memory_space<hbm>> -> memref<128xi32, #tpu.memory_space<hbm>>
          tpu.wait_dma2 semaphore(%run_scoped3A : memref<!tpu.dma_semaphore, #tpu.memory_space<semaphore_mem>>) src(%dma_wait3A_184 : memref<128xi32, #tpu.memory_space<hbm>>) dst(%arg19 : memref<128xi32, #tpu.memory_space<vmem>>)
          tpu.yield
        }) : () -> ()
        "tpu.region"() ({
          %run_scoped3A = tpu.sem_alloc : memref<!tpu.dma_semaphore, #tpu.memory_space<semaphore_mem>>
          %dma_start3A_181 = tpu.memref_slice %arg6[%add3A_178] : memref<102400xi32, #tpu.memory_space<hbm>> -> memref<128xi32, #tpu.memory_space<hbm>>
          %dma_start3A_182 = tpu.memref_slice %arg6[%add3A_178] : memref<102400xi32, #tpu.memory_space<hbm>> -> memref<128xi32, #tpu.memory_space<hbm>>
          tpu.enqueue_dma source(%dma_start3A_182 : memref<128xi32, #tpu.memory_space<hbm>>) target(%arg21 : memref<128xi32, #tpu.memory_space<vmem>>) target_semaphore(%run_scoped3A : memref<!tpu.dma_semaphore, #tpu.memory_space<semaphore_mem>>)
          %dma_wait3A_183 = tpu.memref_slice %arg6[%add3A_178] : memref<102400xi32, #tpu.memory_space<hbm>> -> memref<128xi32, #tpu.memory_space<hbm>>
          %dma_wait3A_184 = tpu.memref_slice %arg6[%add3A_178] : memref<102400xi32, #tpu.memory_space<hbm>> -> memref<128xi32, #tpu.memory_space<hbm>>
          tpu.wait_dma2 semaphore(%run_scoped3A : memref<!tpu.dma_semaphore, #tpu.memory_space<semaphore_mem>>) src(%dma_wait3A_184 : memref<128xi32, #tpu.memory_space<hbm>>) dst(%arg21 : memref<128xi32, #tpu.memory_space<vmem>>)
          tpu.yield
        }) : () -> ()
        %dma_start3A = arith.constant 0 : i32
        %dma_start3A_179 = arith.constant 0 : i32
        %dma_start3A_180 = tpu.memref_slice %arg2[%dma_start3A, %dma_start3A_179] : memref<10000x128xf32, #tpu.memory_space<hbm>> -> memref<10000x128xf32, #tpu.memory_space<hbm>>
        tpu.enqueue_indirect_dma source(%dma_start3A_180 : memref<10000x128xf32, #tpu.memory_space<hbm>>) target(%arg23 : memref<128x128xf32, #tpu.memory_space<vmem>>) offsets(%arg19 : memref<128xi32, #tpu.memory_space<vmem>>) semaphore(%arg27 : memref<!tpu.dma_semaphore, #tpu.memory_space<semaphore_mem>>)
      } else {
      }
    }
    %barrier3A_115 = arith.constant 0 : index
    tpu.barrier barrier_id(%barrier3A_115)
    "tpu.trace_stop"() : () -> ()
    "tpu.trace_start"() <{level = 10 : i32, message = "copyout1"}> : () -> ()
    "tpu.region"() ({
      %run_scoped3A = tpu.sem_alloc : memref<!tpu.dma_semaphore, #tpu.memory_space<semaphore_mem>>
      %dma_start3A = arith.constant 0 : i32
      %dma_start3A_150 = tpu.memref_slice %arg10[%arg0, %mul3A_34, %dma_start3A] : memref<2x10112x128xf32, #tpu.memory_space<hbm>> -> memref<1x632x128xf32, #tpu.memory_space<hbm>>
      %dma_start3A_151 = tpu.memref_squeeze %dma_start3A_150 : memref<1x632x128xf32, #tpu.memory_space<hbm>> -> memref<632x128xf32, #tpu.memory_space<hbm>>
      %dma_start3A_152 = arith.constant 0 : i32
      %dma_start3A_153 = tpu.memref_slice %arg24[%mul3A_34, %dma_start3A_152] : memref<10112x128xf32, #tpu.memory_space<vmem_shared>> -> memref<632x128xf32, #tpu.memory_space<vmem_shared>>
      tpu.enqueue_dma source(%dma_start3A_153 : memref<632x128xf32, #tpu.memory_space<vmem_shared>>) target(%dma_start3A_151 : memref<632x128xf32, #tpu.memory_space<hbm>>) target_semaphore(%run_scoped3A : memref<!tpu.dma_semaphore, #tpu.memory_space<semaphore_mem>>)
      %dma_wait3A = arith.constant 0 : i32
      %dma_wait3A_154 = tpu.memref_slice %arg10[%arg0, %mul3A_34, %dma_wait3A] : memref<2x10112x128xf32, #tpu.memory_space<hbm>> -> memref<1x632x128xf32, #tpu.memory_space<hbm>>
      %dma_wait3A_155 = tpu.memref_squeeze %dma_wait3A_154 : memref<1x632x128xf32, #tpu.memory_space<hbm>> -> memref<632x128xf32, #tpu.memory_space<hbm>>
      %dma_wait3A_156 = arith.constant 0 : i32
      %dma_wait3A_157 = tpu.memref_slice %arg24[%mul3A_34, %dma_wait3A_156] : memref<10112x128xf32, #tpu.memory_space<vmem_shared>> -> memref<632x128xf32, #tpu.memory_space<vmem_shared>>
      tpu.wait_dma2 semaphore(%run_scoped3A : memref<!tpu.dma_semaphore, #tpu.memory_space<semaphore_mem>>) src(%dma_wait3A_157 : memref<632x128xf32, #tpu.memory_space<vmem_shared>>) dst(%dma_wait3A_155 : memref<632x128xf32, #tpu.memory_space<hbm>>)
      tpu.yield
    }) : () -> ()
    "tpu.region"() ({
      %run_scoped3A = tpu.sem_alloc : memref<!tpu.dma_semaphore, #tpu.memory_space<semaphore_mem>>
      %dma_start3A = tpu.memref_slice %arg13[%arg0, %mul3A_36] : memref<2x10240xf32, #tpu.memory_space<hbm>> -> memref<1x640xf32, #tpu.memory_space<hbm>>
      %dma_start3A_150 = tpu.memref_squeeze %dma_start3A : memref<1x640xf32, #tpu.memory_space<hbm>> -> memref<640xf32, #tpu.memory_space<hbm>>
      %dma_start3A_151 = tpu.memref_slice %arg25[%mul3A_36] : memref<10240xf32, #tpu.memory_space<vmem_shared>> -> memref<640xf32, #tpu.memory_space<vmem_shared>>
      tpu.enqueue_dma source(%dma_start3A_151 : memref<640xf32, #tpu.memory_space<vmem_shared>>) target(%dma_start3A_150 : memref<640xf32, #tpu.memory_space<hbm>>) target_semaphore(%run_scoped3A : memref<!tpu.dma_semaphore, #tpu.memory_space<semaphore_mem>>)
      %dma_wait3A = tpu.memref_slice %arg13[%arg0, %mul3A_36] : memref<2x10240xf32, #tpu.memory_space<hbm>> -> memref<1x640xf32, #tpu.memory_space<hbm>>
      %dma_wait3A_152 = tpu.memref_squeeze %dma_wait3A : memref<1x640xf32, #tpu.memory_space<hbm>> -> memref<640xf32, #tpu.memory_space<hbm>>
      %dma_wait3A_153 = tpu.memref_slice %arg25[%mul3A_36] : memref<10240xf32, #tpu.memory_space<vmem_shared>> -> memref<640xf32, #tpu.memory_space<vmem_shared>>
      tpu.wait_dma2 semaphore(%run_scoped3A : memref<!tpu.dma_semaphore, #tpu.memory_space<semaphore_mem>>) src(%dma_wait3A_153 : memref<640xf32, #tpu.memory_space<vmem_shared>>) dst(%dma_wait3A_152 : memref<640xf32, #tpu.memory_space<hbm>>)
      tpu.yield
    }) : () -> ()
    "tpu.trace_stop"() : () -> ()
    %barrier3A_116 = arith.constant 0 : index
    tpu.barrier barrier_id(%barrier3A_116)
    "tpu.trace_start"() <{level = 10 : i32, message = "zero2"}> : () -> ()
    %add3A_117 = arith.constant 0 : i32
    %add3A_118 = arith.addi %mul3A_34, %add3A_117 : i32
    "tpu.region"() ({
      %run_scoped3A = tpu.sem_alloc : memref<!tpu.dma_semaphore, #tpu.memory_space<semaphore_mem>>
      %dma_start3A = arith.constant 0 : i32
      %dma_start3A_150 = tpu.memref_slice %arg24[%add3A_118, %dma_start3A] : memref<10112x128xf32, #tpu.memory_space<vmem_shared>> -> memref<79x128xf32, #tpu.memory_space<vmem_shared>>
      %dma_start3A_151 = arith.constant 0 : i32
      %dma_start3A_152 = tpu.memref_slice %arg24[%add3A_118, %dma_start3A_151] : memref<10112x128xf32, #tpu.memory_space<vmem_shared>> -> memref<79x128xf32, #tpu.memory_space<vmem_shared>>
      tpu.enqueue_dma source(%arg15 : memref<79x128xf32, #tpu.memory_space<vmem>>) target(%dma_start3A_152 : memref<79x128xf32, #tpu.memory_space<vmem_shared>>) target_semaphore(%run_scoped3A : memref<!tpu.dma_semaphore, #tpu.memory_space<semaphore_mem>>)
      %dma_wait3A = arith.constant 0 : i32
      %dma_wait3A_153 = tpu.memref_slice %arg24[%add3A_118, %dma_wait3A] : memref<10112x128xf32, #tpu.memory_space<vmem_shared>> -> memref<79x128xf32, #tpu.memory_space<vmem_shared>>
      %dma_wait3A_154 = arith.constant 0 : i32
      %dma_wait3A_155 = tpu.memref_slice %arg24[%add3A_118, %dma_wait3A_154] : memref<10112x128xf32, #tpu.memory_space<vmem_shared>> -> memref<79x128xf32, #tpu.memory_space<vmem_shared>>
      tpu.wait_dma2 semaphore(%run_scoped3A : memref<!tpu.dma_semaphore, #tpu.memory_space<semaphore_mem>>) src(%arg15 : memref<79x128xf32, #tpu.memory_space<vmem>>) dst(%dma_wait3A_155 : memref<79x128xf32, #tpu.memory_space<vmem_shared>>)
      tpu.yield
    }) : () -> ()
    %add3A_119 = arith.constant 79 : i32
    %add3A_120 = arith.addi %mul3A_34, %add3A_119 : i32
    "tpu.region"() ({
      %run_scoped3A = tpu.sem_alloc : memref<!tpu.dma_semaphore, #tpu.memory_space<semaphore_mem>>
      %dma_start3A = arith.constant 0 : i32
      %dma_start3A_150 = tpu.memref_slice %arg24[%add3A_120, %dma_start3A] : memref<10112x128xf32, #tpu.memory_space<vmem_shared>> -> memref<79x128xf32, #tpu.memory_space<vmem_shared>>
      %dma_start3A_151 = arith.constant 0 : i32
      %dma_start3A_152 = tpu.memref_slice %arg24[%add3A_120, %dma_start3A_151] : memref<10112x128xf32, #tpu.memory_space<vmem_shared>> -> memref<79x128xf32, #tpu.memory_space<vmem_shared>>
      tpu.enqueue_dma source(%arg15 : memref<79x128xf32, #tpu.memory_space<vmem>>) target(%dma_start3A_152 : memref<79x128xf32, #tpu.memory_space<vmem_shared>>) target_semaphore(%run_scoped3A : memref<!tpu.dma_semaphore, #tpu.memory_space<semaphore_mem>>)
      %dma_wait3A = arith.constant 0 : i32
      %dma_wait3A_153 = tpu.memref_slice %arg24[%add3A_120, %dma_wait3A] : memref<10112x128xf32, #tpu.memory_space<vmem_shared>> -> memref<79x128xf32, #tpu.memory_space<vmem_shared>>
      %dma_wait3A_154 = arith.constant 0 : i32
      %dma_wait3A_155 = tpu.memref_slice %arg24[%add3A_120, %dma_wait3A_154] : memref<10112x128xf32, #tpu.memory_space<vmem_shared>> -> memref<79x128xf32, #tpu.memory_space<vmem_shared>>
      tpu.wait_dma2 semaphore(%run_scoped3A : memref<!tpu.dma_semaphore, #tpu.memory_space<semaphore_mem>>) src(%arg15 : memref<79x128xf32, #tpu.memory_space<vmem>>) dst(%dma_wait3A_155 : memref<79x128xf32, #tpu.memory_space<vmem_shared>>)
      tpu.yield
    }) : () -> ()
    %add3A_121 = arith.constant 158 : i32
    %add3A_122 = arith.addi %mul3A_34, %add3A_121 : i32
    "tpu.region"() ({
      %run_scoped3A = tpu.sem_alloc : memref<!tpu.dma_semaphore, #tpu.memory_space<semaphore_mem>>
      %dma_start3A = arith.constant 0 : i32
      %dma_start3A_150 = tpu.memref_slice %arg24[%add3A_122, %dma_start3A] : memref<10112x128xf32, #tpu.memory_space<vmem_shared>> -> memref<79x128xf32, #tpu.memory_space<vmem_shared>>
      %dma_start3A_151 = arith.constant 0 : i32
      %dma_start3A_152 = tpu.memref_slice %arg24[%add3A_122, %dma_start3A_151] : memref<10112x128xf32, #tpu.memory_space<vmem_shared>> -> memref<79x128xf32, #tpu.memory_space<vmem_shared>>
      tpu.enqueue_dma source(%arg15 : memref<79x128xf32, #tpu.memory_space<vmem>>) target(%dma_start3A_152 : memref<79x128xf32, #tpu.memory_space<vmem_shared>>) target_semaphore(%run_scoped3A : memref<!tpu.dma_semaphore, #tpu.memory_space<semaphore_mem>>)
      %dma_wait3A = arith.constant 0 : i32
      %dma_wait3A_153 = tpu.memref_slice %arg24[%add3A_122, %dma_wait3A] : memref<10112x128xf32, #tpu.memory_space<vmem_shared>> -> memref<79x128xf32, #tpu.memory_space<vmem_shared>>
      %dma_wait3A_154 = arith.constant 0 : i32
      %dma_wait3A_155 = tpu.memref_slice %arg24[%add3A_122, %dma_wait3A_154] : memref<10112x128xf32, #tpu.memory_space<vmem_shared>> -> memref<79x128xf32, #tpu.memory_space<vmem_shared>>
      tpu.wait_dma2 semaphore(%run_scoped3A : memref<!tpu.dma_semaphore, #tpu.memory_space<semaphore_mem>>) src(%arg15 : memref<79x128xf32, #tpu.memory_space<vmem>>) dst(%dma_wait3A_155 : memref<79x128xf32, #tpu.memory_space<vmem_shared>>)
      tpu.yield
    }) : () -> ()
    %add3A_123 = arith.constant 237 : i32
    %add3A_124 = arith.addi %mul3A_34, %add3A_123 : i32
    "tpu.region"() ({
      %run_scoped3A = tpu.sem_alloc : memref<!tpu.dma_semaphore, #tpu.memory_space<semaphore_mem>>
      %dma_start3A = arith.constant 0 : i32
      %dma_start3A_150 = tpu.memref_slice %arg24[%add3A_124, %dma_start3A] : memref<10112x128xf32, #tpu.memory_space<vmem_shared>> -> memref<79x128xf32, #tpu.memory_space<vmem_shared>>
      %dma_start3A_151 = arith.constant 0 : i32
      %dma_start3A_152 = tpu.memref_slice %arg24[%add3A_124, %dma_start3A_151] : memref<10112x128xf32, #tpu.memory_space<vmem_shared>> -> memref<79x128xf32, #tpu.memory_space<vmem_shared>>
      tpu.enqueue_dma source(%arg15 : memref<79x128xf32, #tpu.memory_space<vmem>>) target(%dma_start3A_152 : memref<79x128xf32, #tpu.memory_space<vmem_shared>>) target_semaphore(%run_scoped3A : memref<!tpu.dma_semaphore, #tpu.memory_space<semaphore_mem>>)
      %dma_wait3A = arith.constant 0 : i32
      %dma_wait3A_153 = tpu.memref_slice %arg24[%add3A_124, %dma_wait3A] : memref<10112x128xf32, #tpu.memory_space<vmem_shared>> -> memref<79x128xf32, #tpu.memory_space<vmem_shared>>
      %dma_wait3A_154 = arith.constant 0 : i32
      %dma_wait3A_155 = tpu.memref_slice %arg24[%add3A_124, %dma_wait3A_154] : memref<10112x128xf32, #tpu.memory_space<vmem_shared>> -> memref<79x128xf32, #tpu.memory_space<vmem_shared>>
      tpu.wait_dma2 semaphore(%run_scoped3A : memref<!tpu.dma_semaphore, #tpu.memory_space<semaphore_mem>>) src(%arg15 : memref<79x128xf32, #tpu.memory_space<vmem>>) dst(%dma_wait3A_155 : memref<79x128xf32, #tpu.memory_space<vmem_shared>>)
      tpu.yield
    }) : () -> ()
    %add3A_125 = arith.constant 316 : i32
    %add3A_126 = arith.addi %mul3A_34, %add3A_125 : i32
    "tpu.region"() ({
      %run_scoped3A = tpu.sem_alloc : memref<!tpu.dma_semaphore, #tpu.memory_space<semaphore_mem>>
      %dma_start3A = arith.constant 0 : i32
      %dma_start3A_150 = tpu.memref_slice %arg24[%add3A_126, %dma_start3A] : memref<10112x128xf32, #tpu.memory_space<vmem_shared>> -> memref<79x128xf32, #tpu.memory_space<vmem_shared>>
      %dma_start3A_151 = arith.constant 0 : i32
      %dma_start3A_152 = tpu.memref_slice %arg24[%add3A_126, %dma_start3A_151] : memref<10112x128xf32, #tpu.memory_space<vmem_shared>> -> memref<79x128xf32, #tpu.memory_space<vmem_shared>>
      tpu.enqueue_dma source(%arg15 : memref<79x128xf32, #tpu.memory_space<vmem>>) target(%dma_start3A_152 : memref<79x128xf32, #tpu.memory_space<vmem_shared>>) target_semaphore(%run_scoped3A : memref<!tpu.dma_semaphore, #tpu.memory_space<semaphore_mem>>)
      %dma_wait3A = arith.constant 0 : i32
      %dma_wait3A_153 = tpu.memref_slice %arg24[%add3A_126, %dma_wait3A] : memref<10112x128xf32, #tpu.memory_space<vmem_shared>> -> memref<79x128xf32, #tpu.memory_space<vmem_shared>>
      %dma_wait3A_154 = arith.constant 0 : i32
      %dma_wait3A_155 = tpu.memref_slice %arg24[%add3A_126, %dma_wait3A_154] : memref<10112x128xf32, #tpu.memory_space<vmem_shared>> -> memref<79x128xf32, #tpu.memory_space<vmem_shared>>
      tpu.wait_dma2 semaphore(%run_scoped3A : memref<!tpu.dma_semaphore, #tpu.memory_space<semaphore_mem>>) src(%arg15 : memref<79x128xf32, #tpu.memory_space<vmem>>) dst(%dma_wait3A_155 : memref<79x128xf32, #tpu.memory_space<vmem_shared>>)
      tpu.yield
    }) : () -> ()
    %add3A_127 = arith.constant 395 : i32
    %add3A_128 = arith.addi %mul3A_34, %add3A_127 : i32
    "tpu.region"() ({
      %run_scoped3A = tpu.sem_alloc : memref<!tpu.dma_semaphore, #tpu.memory_space<semaphore_mem>>
      %dma_start3A = arith.constant 0 : i32
      %dma_start3A_150 = tpu.memref_slice %arg24[%add3A_128, %dma_start3A] : memref<10112x128xf32, #tpu.memory_space<vmem_shared>> -> memref<79x128xf32, #tpu.memory_space<vmem_shared>>
      %dma_start3A_151 = arith.constant 0 : i32
      %dma_start3A_152 = tpu.memref_slice %arg24[%add3A_128, %dma_start3A_151] : memref<10112x128xf32, #tpu.memory_space<vmem_shared>> -> memref<79x128xf32, #tpu.memory_space<vmem_shared>>
      tpu.enqueue_dma source(%arg15 : memref<79x128xf32, #tpu.memory_space<vmem>>) target(%dma_start3A_152 : memref<79x128xf32, #tpu.memory_space<vmem_shared>>) target_semaphore(%run_scoped3A : memref<!tpu.dma_semaphore, #tpu.memory_space<semaphore_mem>>)
      %dma_wait3A = arith.constant 0 : i32
      %dma_wait3A_153 = tpu.memref_slice %arg24[%add3A_128, %dma_wait3A] : memref<10112x128xf32, #tpu.memory_space<vmem_shared>> -> memref<79x128xf32, #tpu.memory_space<vmem_shared>>
      %dma_wait3A_154 = arith.constant 0 : i32
      %dma_wait3A_155 = tpu.memref_slice %arg24[%add3A_128, %dma_wait3A_154] : memref<10112x128xf32, #tpu.memory_space<vmem_shared>> -> memref<79x128xf32, #tpu.memory_space<vmem_shared>>
      tpu.wait_dma2 semaphore(%run_scoped3A : memref<!tpu.dma_semaphore, #tpu.memory_space<semaphore_mem>>) src(%arg15 : memref<79x128xf32, #tpu.memory_space<vmem>>) dst(%dma_wait3A_155 : memref<79x128xf32, #tpu.memory_space<vmem_shared>>)
      tpu.yield
    }) : () -> ()
    %add3A_129 = arith.constant 474 : i32
    %add3A_130 = arith.addi %mul3A_34, %add3A_129 : i32
    "tpu.region"() ({
      %run_scoped3A = tpu.sem_alloc : memref<!tpu.dma_semaphore, #tpu.memory_space<semaphore_mem>>
      %dma_start3A = arith.constant 0 : i32
      %dma_start3A_150 = tpu.memref_slice %arg24[%add3A_130, %dma_start3A] : memref<10112x128xf32, #tpu.memory_space<vmem_shared>> -> memref<79x128xf32, #tpu.memory_space<vmem_shared>>
      %dma_start3A_151 = arith.constant 0 : i32
      %dma_start3A_152 = tpu.memref_slice %arg24[%add3A_130, %dma_start3A_151] : memref<10112x128xf32, #tpu.memory_space<vmem_shared>> -> memref<79x128xf32, #tpu.memory_space<vmem_shared>>
      tpu.enqueue_dma source(%arg15 : memref<79x128xf32, #tpu.memory_space<vmem>>) target(%dma_start3A_152 : memref<79x128xf32, #tpu.memory_space<vmem_shared>>) target_semaphore(%run_scoped3A : memref<!tpu.dma_semaphore, #tpu.memory_space<semaphore_mem>>)
      %dma_wait3A = arith.constant 0 : i32
      %dma_wait3A_153 = tpu.memref_slice %arg24[%add3A_130, %dma_wait3A] : memref<10112x128xf32, #tpu.memory_space<vmem_shared>> -> memref<79x128xf32, #tpu.memory_space<vmem_shared>>
      %dma_wait3A_154 = arith.constant 0 : i32
      %dma_wait3A_155 = tpu.memref_slice %arg24[%add3A_130, %dma_wait3A_154] : memref<10112x128xf32, #tpu.memory_space<vmem_shared>> -> memref<79x128xf32, #tpu.memory_space<vmem_shared>>
      tpu.wait_dma2 semaphore(%run_scoped3A : memref<!tpu.dma_semaphore, #tpu.memory_space<semaphore_mem>>) src(%arg15 : memref<79x128xf32, #tpu.memory_space<vmem>>) dst(%dma_wait3A_155 : memref<79x128xf32, #tpu.memory_space<vmem_shared>>)
      tpu.yield
    }) : () -> ()
    %add3A_131 = arith.constant 553 : i32
    %add3A_132 = arith.addi %mul3A_34, %add3A_131 : i32
    "tpu.region"() ({
      %run_scoped3A = tpu.sem_alloc : memref<!tpu.dma_semaphore, #tpu.memory_space<semaphore_mem>>
      %dma_start3A = arith.constant 0 : i32
      %dma_start3A_150 = tpu.memref_slice %arg24[%add3A_132, %dma_start3A] : memref<10112x128xf32, #tpu.memory_space<vmem_shared>> -> memref<79x128xf32, #tpu.memory_space<vmem_shared>>
      %dma_start3A_151 = arith.constant 0 : i32
      %dma_start3A_152 = tpu.memref_slice %arg24[%add3A_132, %dma_start3A_151] : memref<10112x128xf32, #tpu.memory_space<vmem_shared>> -> memref<79x128xf32, #tpu.memory_space<vmem_shared>>
      tpu.enqueue_dma source(%arg15 : memref<79x128xf32, #tpu.memory_space<vmem>>) target(%dma_start3A_152 : memref<79x128xf32, #tpu.memory_space<vmem_shared>>) target_semaphore(%run_scoped3A : memref<!tpu.dma_semaphore, #tpu.memory_space<semaphore_mem>>)
      %dma_wait3A = arith.constant 0 : i32
      %dma_wait3A_153 = tpu.memref_slice %arg24[%add3A_132, %dma_wait3A] : memref<10112x128xf32, #tpu.memory_space<vmem_shared>> -> memref<79x128xf32, #tpu.memory_space<vmem_shared>>
      %dma_wait3A_154 = arith.constant 0 : i32
      %dma_wait3A_155 = tpu.memref_slice %arg24[%add3A_132, %dma_wait3A_154] : memref<10112x128xf32, #tpu.memory_space<vmem_shared>> -> memref<79x128xf32, #tpu.memory_space<vmem_shared>>
      tpu.wait_dma2 semaphore(%run_scoped3A : memref<!tpu.dma_semaphore, #tpu.memory_space<semaphore_mem>>) src(%arg15 : memref<79x128xf32, #tpu.memory_space<vmem>>) dst(%dma_wait3A_155 : memref<79x128xf32, #tpu.memory_space<vmem_shared>>)
      tpu.yield
    }) : () -> ()
    "tpu.region"() ({
      %run_scoped3A = tpu.sem_alloc : memref<!tpu.dma_semaphore, #tpu.memory_space<semaphore_mem>>
      %dma_start3A = tpu.memref_slice %arg25[%mul3A_36] : memref<10240xf32, #tpu.memory_space<vmem_shared>> -> memref<640xf32, #tpu.memory_space<vmem_shared>>
      %dma_start3A_150 = tpu.memref_slice %arg25[%mul3A_36] : memref<10240xf32, #tpu.memory_space<vmem_shared>> -> memref<640xf32, #tpu.memory_space<vmem_shared>>
      tpu.enqueue_dma source(%arg16 : memref<640xf32, #tpu.memory_space<vmem>>) target(%dma_start3A_150 : memref<640xf32, #tpu.memory_space<vmem_shared>>) target_semaphore(%run_scoped3A : memref<!tpu.dma_semaphore, #tpu.memory_space<semaphore_mem>>)
      %dma_wait3A = tpu.memref_slice %arg25[%mul3A_36] : memref<10240xf32, #tpu.memory_space<vmem_shared>> -> memref<640xf32, #tpu.memory_space<vmem_shared>>
      %dma_wait3A_151 = tpu.memref_slice %arg25[%mul3A_36] : memref<10240xf32, #tpu.memory_space<vmem_shared>> -> memref<640xf32, #tpu.memory_space<vmem_shared>>
      tpu.wait_dma2 semaphore(%run_scoped3A : memref<!tpu.dma_semaphore, #tpu.memory_space<semaphore_mem>>) src(%arg16 : memref<640xf32, #tpu.memory_space<vmem>>) dst(%dma_wait3A_151 : memref<640xf32, #tpu.memory_space<vmem_shared>>)
      tpu.yield
    }) : () -> ()
    %barrier3A_133 = arith.constant 0 : index
    tpu.barrier barrier_id(%barrier3A_133)
    %lt3A_134 = arith.constant 0 : i32
    "tpu.trace_stop"() : () -> ()
    "tpu.trace_start"() <{level = 10 : i32, message = "chunks2"}> : () -> ()
    %lt3A_135 = arith.cmpi slt, %lt3A_134, %select_n3A_47 : i32
    %convert_element_type3A_136 = arith.extui %lt3A_135 : i1 to i32
    %cond3A_137 = arith.constant 0 : i32
    %cond3A_138 = arith.cmpi ne, %convert_element_type3A_136, %cond3A_137 : i32
    scf.if %cond3A_138 {
      %mul3A_150 = arith.constant 0 : i32
      %mul3A_151 = arith.constant 128 : i32
      %mul3A_152 = arith.muli %mul3A_150, %mul3A_151 : i32
      %add3A_153 = arith.addi %select_n3A, %mul3A_152 : i32
      "tpu.region"() ({
        %run_scoped3A = tpu.sem_alloc : memref<!tpu.dma_semaphore, #tpu.memory_space<semaphore_mem>>
        %dma_start3A_163 = tpu.memref_slice %arg7[%add3A_153] : memref<102400xi32, #tpu.memory_space<hbm>> -> memref<128xi32, #tpu.memory_space<hbm>>
        %dma_start3A_164 = tpu.memref_slice %arg7[%add3A_153] : memref<102400xi32, #tpu.memory_space<hbm>> -> memref<128xi32, #tpu.memory_space<hbm>>
        tpu.enqueue_dma source(%dma_start3A_164 : memref<128xi32, #tpu.memory_space<hbm>>) target(%arg18 : memref<128xi32, #tpu.memory_space<vmem>>) target_semaphore(%run_scoped3A : memref<!tpu.dma_semaphore, #tpu.memory_space<semaphore_mem>>)
        %dma_wait3A = tpu.memref_slice %arg7[%add3A_153] : memref<102400xi32, #tpu.memory_space<hbm>> -> memref<128xi32, #tpu.memory_space<hbm>>
        %dma_wait3A_165 = tpu.memref_slice %arg7[%add3A_153] : memref<102400xi32, #tpu.memory_space<hbm>> -> memref<128xi32, #tpu.memory_space<hbm>>
        tpu.wait_dma2 semaphore(%run_scoped3A : memref<!tpu.dma_semaphore, #tpu.memory_space<semaphore_mem>>) src(%dma_wait3A_165 : memref<128xi32, #tpu.memory_space<hbm>>) dst(%arg18 : memref<128xi32, #tpu.memory_space<vmem>>)
        tpu.yield
      }) : () -> ()
      "tpu.region"() ({
        %run_scoped3A = tpu.sem_alloc : memref<!tpu.dma_semaphore, #tpu.memory_space<semaphore_mem>>
        %dma_start3A_163 = tpu.memref_slice %arg8[%add3A_153] : memref<102400xi32, #tpu.memory_space<hbm>> -> memref<128xi32, #tpu.memory_space<hbm>>
        %dma_start3A_164 = tpu.memref_slice %arg8[%add3A_153] : memref<102400xi32, #tpu.memory_space<hbm>> -> memref<128xi32, #tpu.memory_space<hbm>>
        tpu.enqueue_dma source(%dma_start3A_164 : memref<128xi32, #tpu.memory_space<hbm>>) target(%arg20 : memref<128xi32, #tpu.memory_space<vmem>>) target_semaphore(%run_scoped3A : memref<!tpu.dma_semaphore, #tpu.memory_space<semaphore_mem>>)
        %dma_wait3A = tpu.memref_slice %arg8[%add3A_153] : memref<102400xi32, #tpu.memory_space<hbm>> -> memref<128xi32, #tpu.memory_space<hbm>>
        %dma_wait3A_165 = tpu.memref_slice %arg8[%add3A_153] : memref<102400xi32, #tpu.memory_space<hbm>> -> memref<128xi32, #tpu.memory_space<hbm>>
        tpu.wait_dma2 semaphore(%run_scoped3A : memref<!tpu.dma_semaphore, #tpu.memory_space<semaphore_mem>>) src(%dma_wait3A_165 : memref<128xi32, #tpu.memory_space<hbm>>) dst(%arg20 : memref<128xi32, #tpu.memory_space<vmem>>)
        tpu.yield
      }) : () -> ()
      %dma_start3A = arith.constant 0 : i32
      %dma_start3A_154 = arith.constant 0 : i32
      %dma_start3A_155 = tpu.memref_slice %arg2[%dma_start3A, %dma_start3A_154] : memref<10000x128xf32, #tpu.memory_space<hbm>> -> memref<10000x128xf32, #tpu.memory_space<hbm>>
      tpu.enqueue_indirect_dma source(%dma_start3A_155 : memref<10000x128xf32, #tpu.memory_space<hbm>>) target(%arg22 : memref<128x128xf32, #tpu.memory_space<vmem>>) offsets(%arg18 : memref<128xi32, #tpu.memory_space<vmem>>) semaphore(%arg26 : memref<!tpu.dma_semaphore, #tpu.memory_space<semaphore_mem>>)
      %mul3A_156 = arith.constant 1 : i32
      %mul3A_157 = arith.constant 128 : i32
      %mul3A_158 = arith.muli %mul3A_156, %mul3A_157 : i32
      %add3A_159 = arith.addi %select_n3A, %mul3A_158 : i32
      "tpu.region"() ({
        %run_scoped3A = tpu.sem_alloc : memref<!tpu.dma_semaphore, #tpu.memory_space<semaphore_mem>>
        %dma_start3A_163 = tpu.memref_slice %arg7[%add3A_159] : memref<102400xi32, #tpu.memory_space<hbm>> -> memref<128xi32, #tpu.memory_space<hbm>>
        %dma_start3A_164 = tpu.memref_slice %arg7[%add3A_159] : memref<102400xi32, #tpu.memory_space<hbm>> -> memref<128xi32, #tpu.memory_space<hbm>>
        tpu.enqueue_dma source(%dma_start3A_164 : memref<128xi32, #tpu.memory_space<hbm>>) target(%arg19 : memref<128xi32, #tpu.memory_space<vmem>>) target_semaphore(%run_scoped3A : memref<!tpu.dma_semaphore, #tpu.memory_space<semaphore_mem>>)
        %dma_wait3A = tpu.memref_slice %arg7[%add3A_159] : memref<102400xi32, #tpu.memory_space<hbm>> -> memref<128xi32, #tpu.memory_space<hbm>>
        %dma_wait3A_165 = tpu.memref_slice %arg7[%add3A_159] : memref<102400xi32, #tpu.memory_space<hbm>> -> memref<128xi32, #tpu.memory_space<hbm>>
        tpu.wait_dma2 semaphore(%run_scoped3A : memref<!tpu.dma_semaphore, #tpu.memory_space<semaphore_mem>>) src(%dma_wait3A_165 : memref<128xi32, #tpu.memory_space<hbm>>) dst(%arg19 : memref<128xi32, #tpu.memory_space<vmem>>)
        tpu.yield
      }) : () -> ()
      "tpu.region"() ({
        %run_scoped3A = tpu.sem_alloc : memref<!tpu.dma_semaphore, #tpu.memory_space<semaphore_mem>>
        %dma_start3A_163 = tpu.memref_slice %arg8[%add3A_159] : memref<102400xi32, #tpu.memory_space<hbm>> -> memref<128xi32, #tpu.memory_space<hbm>>
        %dma_start3A_164 = tpu.memref_slice %arg8[%add3A_159] : memref<102400xi32, #tpu.memory_space<hbm>> -> memref<128xi32, #tpu.memory_space<hbm>>
        tpu.enqueue_dma source(%dma_start3A_164 : memref<128xi32, #tpu.memory_space<hbm>>) target(%arg21 : memref<128xi32, #tpu.memory_space<vmem>>) target_semaphore(%run_scoped3A : memref<!tpu.dma_semaphore, #tpu.memory_space<semaphore_mem>>)
        %dma_wait3A = tpu.memref_slice %arg8[%add3A_159] : memref<102400xi32, #tpu.memory_space<hbm>> -> memref<128xi32, #tpu.memory_space<hbm>>
        %dma_wait3A_165 = tpu.memref_slice %arg8[%add3A_159] : memref<102400xi32, #tpu.memory_space<hbm>> -> memref<128xi32, #tpu.memory_space<hbm>>
        tpu.wait_dma2 semaphore(%run_scoped3A : memref<!tpu.dma_semaphore, #tpu.memory_space<semaphore_mem>>) src(%dma_wait3A_165 : memref<128xi32, #tpu.memory_space<hbm>>) dst(%arg21 : memref<128xi32, #tpu.memory_space<vmem>>)
        tpu.yield
      }) : () -> ()
      %dma_start3A_160 = arith.constant 0 : i32
      %dma_start3A_161 = arith.constant 0 : i32
      %dma_start3A_162 = tpu.memref_slice %arg2[%dma_start3A_160, %dma_start3A_161] : memref<10000x128xf32, #tpu.memory_space<hbm>> -> memref<10000x128xf32, #tpu.memory_space<hbm>>
      tpu.enqueue_indirect_dma source(%dma_start3A_162 : memref<10000x128xf32, #tpu.memory_space<hbm>>) target(%arg23 : memref<128x128xf32, #tpu.memory_space<vmem>>) offsets(%arg19 : memref<128xi32, #tpu.memory_space<vmem>>) semaphore(%arg27 : memref<!tpu.dma_semaphore, #tpu.memory_space<semaphore_mem>>)
    } else {
    }
    %while3A_139 = arith.constant 0 : i32
    %while3A_140 = arith.constant 0 : i32
    %while3A_141 = arith.subi %select_n3A_52, %while3A_140 : i32
    %while3A_142 = arith.addi %while3A_140, %while3A_141 : i32
    %while3A_143 = arith.constant 1 : i32
    %while3A_144 = arith.divsi %while3A_141, %while3A_143 : i32
    %while3A_145 = arith.muli %while3A_144, %while3A_143 : i32
    %while3A_146 = arith.addi %while3A_140, %while3A_145 : i32
    %while3A_147 = arith.constant 1 : i32
    scf.for %while3A_150 = %while3A_140 to %while3A_146 step %while3A_147  : i32 {
      %dma_wait3A = arith.constant 0 : i32
      %dma_wait3A_151 = arith.constant 0 : i32
      %dma_wait3A_152 = tpu.memref_slice %arg2[%dma_wait3A, %dma_wait3A_151] : memref<10000x128xf32, #tpu.memory_space<hbm>> -> memref<10000x128xf32, #tpu.memory_space<hbm>>
      tpu.wait_indirect_dma semaphore(%arg26 : memref<!tpu.dma_semaphore, #tpu.memory_space<semaphore_mem>>) src(%dma_wait3A_152 : memref<10000x128xf32, #tpu.memory_space<hbm>>) dst(%arg22 : memref<128x128xf32, #tpu.memory_space<vmem>>)
      "tpu.region"() ({
        %run_scoped3A = tpu.sem_alloc : memref<!tpu.dma_semaphore, #tpu.memory_space<semaphore_mem>>
        %dma_start3A = arith.constant 0 : i32
        %dma_start3A_172 = arith.constant 0 : i32
        %dma_start3A_173 = tpu.memref_slice %arg24[%dma_start3A, %dma_start3A_172] : memref<10112x128xf32, #tpu.memory_space<vmem_shared>> -> memref<10112x128xf32, #tpu.memory_space<vmem_shared>>
        tpu.enqueue_indirect_dma source(%arg22 : memref<128x128xf32, #tpu.memory_space<vmem>>) target(%dma_start3A_173 : memref<10112x128xf32, #tpu.memory_space<vmem_shared>>) offsets(%arg20 : memref<128xi32, #tpu.memory_space<vmem>>) semaphore(%run_scoped3A : memref<!tpu.dma_semaphore, #tpu.memory_space<semaphore_mem>>) {add = true}
        %dma_wait3A_174 = arith.constant 0 : i32
        %dma_wait3A_175 = arith.constant 0 : i32
        %dma_wait3A_176 = tpu.memref_slice %arg24[%dma_wait3A_174, %dma_wait3A_175] : memref<10112x128xf32, #tpu.memory_space<vmem_shared>> -> memref<10112x128xf32, #tpu.memory_space<vmem_shared>>
        tpu.wait_indirect_dma semaphore(%run_scoped3A : memref<!tpu.dma_semaphore, #tpu.memory_space<semaphore_mem>>) src(%arg22 : memref<128x128xf32, #tpu.memory_space<vmem>>) dst(%dma_wait3A_176 : memref<10112x128xf32, #tpu.memory_space<vmem_shared>>)
        tpu.yield
      }) : () -> ()
      "tpu.region"() ({
        %run_scoped3A = tpu.sem_alloc : memref<!tpu.dma_semaphore, #tpu.memory_space<semaphore_mem>>
        %dma_start3A = arith.constant 0 : i32
        %dma_start3A_172 = tpu.memref_slice %arg25[%dma_start3A] : memref<10240xf32, #tpu.memory_space<vmem_shared>> -> memref<10240xf32, #tpu.memory_space<vmem_shared>>
        tpu.enqueue_indirect_dma source(%arg17 : memref<128xf32, #tpu.memory_space<vmem>>) target(%dma_start3A_172 : memref<10240xf32, #tpu.memory_space<vmem_shared>>) offsets(%arg20 : memref<128xi32, #tpu.memory_space<vmem>>) semaphore(%run_scoped3A : memref<!tpu.dma_semaphore, #tpu.memory_space<semaphore_mem>>) {add = true}
        %dma_wait3A_173 = arith.constant 0 : i32
        %dma_wait3A_174 = tpu.memref_slice %arg25[%dma_wait3A_173] : memref<10240xf32, #tpu.memory_space<vmem_shared>> -> memref<10240xf32, #tpu.memory_space<vmem_shared>>
        tpu.wait_indirect_dma semaphore(%run_scoped3A : memref<!tpu.dma_semaphore, #tpu.memory_space<semaphore_mem>>) src(%arg17 : memref<128xf32, #tpu.memory_space<vmem>>) dst(%dma_wait3A_174 : memref<10240xf32, #tpu.memory_space<vmem_shared>>)
        tpu.yield
      }) : () -> ()
      %mul3A_153 = arith.constant 2 : i32
      %mul3A_154 = arith.muli %mul3A_153, %while3A_150 : i32
      %add3A_155 = arith.constant 2 : i32
      %add3A_156 = arith.addi %mul3A_154, %add3A_155 : i32
      %lt3A_157 = arith.cmpi slt, %add3A_156, %select_n3A_47 : i32
      %convert_element_type3A_158 = arith.extui %lt3A_157 : i1 to i32
      %cond3A_159 = arith.constant 0 : i32
      %cond3A_160 = arith.cmpi ne, %convert_element_type3A_158, %cond3A_159 : i32
      scf.if %cond3A_160 {
        %mul3A_172 = arith.constant 2 : i32
        %mul3A_173 = arith.muli %mul3A_172, %while3A_150 : i32
        %add3A_174 = arith.constant 2 : i32
        %add3A_175 = arith.addi %mul3A_173, %add3A_174 : i32
        %mul3A_176 = arith.constant 128 : i32
        %mul3A_177 = arith.muli %add3A_175, %mul3A_176 : i32
        %add3A_178 = arith.addi %select_n3A, %mul3A_177 : i32
        "tpu.region"() ({
          %run_scoped3A = tpu.sem_alloc : memref<!tpu.dma_semaphore, #tpu.memory_space<semaphore_mem>>
          %dma_start3A_181 = tpu.memref_slice %arg7[%add3A_178] : memref<102400xi32, #tpu.memory_space<hbm>> -> memref<128xi32, #tpu.memory_space<hbm>>
          %dma_start3A_182 = tpu.memref_slice %arg7[%add3A_178] : memref<102400xi32, #tpu.memory_space<hbm>> -> memref<128xi32, #tpu.memory_space<hbm>>
          tpu.enqueue_dma source(%dma_start3A_182 : memref<128xi32, #tpu.memory_space<hbm>>) target(%arg18 : memref<128xi32, #tpu.memory_space<vmem>>) target_semaphore(%run_scoped3A : memref<!tpu.dma_semaphore, #tpu.memory_space<semaphore_mem>>)
          %dma_wait3A_183 = tpu.memref_slice %arg7[%add3A_178] : memref<102400xi32, #tpu.memory_space<hbm>> -> memref<128xi32, #tpu.memory_space<hbm>>
          %dma_wait3A_184 = tpu.memref_slice %arg7[%add3A_178] : memref<102400xi32, #tpu.memory_space<hbm>> -> memref<128xi32, #tpu.memory_space<hbm>>
          tpu.wait_dma2 semaphore(%run_scoped3A : memref<!tpu.dma_semaphore, #tpu.memory_space<semaphore_mem>>) src(%dma_wait3A_184 : memref<128xi32, #tpu.memory_space<hbm>>) dst(%arg18 : memref<128xi32, #tpu.memory_space<vmem>>)
          tpu.yield
        }) : () -> ()
        "tpu.region"() ({
          %run_scoped3A = tpu.sem_alloc : memref<!tpu.dma_semaphore, #tpu.memory_space<semaphore_mem>>
          %dma_start3A_181 = tpu.memref_slice %arg8[%add3A_178] : memref<102400xi32, #tpu.memory_space<hbm>> -> memref<128xi32, #tpu.memory_space<hbm>>
          %dma_start3A_182 = tpu.memref_slice %arg8[%add3A_178] : memref<102400xi32, #tpu.memory_space<hbm>> -> memref<128xi32, #tpu.memory_space<hbm>>
          tpu.enqueue_dma source(%dma_start3A_182 : memref<128xi32, #tpu.memory_space<hbm>>) target(%arg20 : memref<128xi32, #tpu.memory_space<vmem>>) target_semaphore(%run_scoped3A : memref<!tpu.dma_semaphore, #tpu.memory_space<semaphore_mem>>)
          %dma_wait3A_183 = tpu.memref_slice %arg8[%add3A_178] : memref<102400xi32, #tpu.memory_space<hbm>> -> memref<128xi32, #tpu.memory_space<hbm>>
          %dma_wait3A_184 = tpu.memref_slice %arg8[%add3A_178] : memref<102400xi32, #tpu.memory_space<hbm>> -> memref<128xi32, #tpu.memory_space<hbm>>
          tpu.wait_dma2 semaphore(%run_scoped3A : memref<!tpu.dma_semaphore, #tpu.memory_space<semaphore_mem>>) src(%dma_wait3A_184 : memref<128xi32, #tpu.memory_space<hbm>>) dst(%arg20 : memref<128xi32, #tpu.memory_space<vmem>>)
          tpu.yield
        }) : () -> ()
        %dma_start3A = arith.constant 0 : i32
        %dma_start3A_179 = arith.constant 0 : i32
        %dma_start3A_180 = tpu.memref_slice %arg2[%dma_start3A, %dma_start3A_179] : memref<10000x128xf32, #tpu.memory_space<hbm>> -> memref<10000x128xf32, #tpu.memory_space<hbm>>
        tpu.enqueue_indirect_dma source(%dma_start3A_180 : memref<10000x128xf32, #tpu.memory_space<hbm>>) target(%arg22 : memref<128x128xf32, #tpu.memory_space<vmem>>) offsets(%arg18 : memref<128xi32, #tpu.memory_space<vmem>>) semaphore(%arg26 : memref<!tpu.dma_semaphore, #tpu.memory_space<semaphore_mem>>)
      } else {
      }
      %dma_wait3A_161 = arith.constant 0 : i32
      %dma_wait3A_162 = arith.constant 0 : i32
      %dma_wait3A_163 = tpu.memref_slice %arg2[%dma_wait3A_161, %dma_wait3A_162] : memref<10000x128xf32, #tpu.memory_space<hbm>> -> memref<10000x128xf32, #tpu.memory_space<hbm>>
      tpu.wait_indirect_dma semaphore(%arg27 : memref<!tpu.dma_semaphore, #tpu.memory_space<semaphore_mem>>) src(%dma_wait3A_163 : memref<10000x128xf32, #tpu.memory_space<hbm>>) dst(%arg23 : memref<128x128xf32, #tpu.memory_space<vmem>>)
      "tpu.region"() ({
        %run_scoped3A = tpu.sem_alloc : memref<!tpu.dma_semaphore, #tpu.memory_space<semaphore_mem>>
        %dma_start3A = arith.constant 0 : i32
        %dma_start3A_172 = arith.constant 0 : i32
        %dma_start3A_173 = tpu.memref_slice %arg24[%dma_start3A, %dma_start3A_172] : memref<10112x128xf32, #tpu.memory_space<vmem_shared>> -> memref<10112x128xf32, #tpu.memory_space<vmem_shared>>
        tpu.enqueue_indirect_dma source(%arg23 : memref<128x128xf32, #tpu.memory_space<vmem>>) target(%dma_start3A_173 : memref<10112x128xf32, #tpu.memory_space<vmem_shared>>) offsets(%arg21 : memref<128xi32, #tpu.memory_space<vmem>>) semaphore(%run_scoped3A : memref<!tpu.dma_semaphore, #tpu.memory_space<semaphore_mem>>) {add = true}
        %dma_wait3A_174 = arith.constant 0 : i32
        %dma_wait3A_175 = arith.constant 0 : i32
        %dma_wait3A_176 = tpu.memref_slice %arg24[%dma_wait3A_174, %dma_wait3A_175] : memref<10112x128xf32, #tpu.memory_space<vmem_shared>> -> memref<10112x128xf32, #tpu.memory_space<vmem_shared>>
        tpu.wait_indirect_dma semaphore(%run_scoped3A : memref<!tpu.dma_semaphore, #tpu.memory_space<semaphore_mem>>) src(%arg23 : memref<128x128xf32, #tpu.memory_space<vmem>>) dst(%dma_wait3A_176 : memref<10112x128xf32, #tpu.memory_space<vmem_shared>>)
        tpu.yield
      }) : () -> ()
      "tpu.region"() ({
        %run_scoped3A = tpu.sem_alloc : memref<!tpu.dma_semaphore, #tpu.memory_space<semaphore_mem>>
        %dma_start3A = arith.constant 0 : i32
        %dma_start3A_172 = tpu.memref_slice %arg25[%dma_start3A] : memref<10240xf32, #tpu.memory_space<vmem_shared>> -> memref<10240xf32, #tpu.memory_space<vmem_shared>>
        tpu.enqueue_indirect_dma source(%arg17 : memref<128xf32, #tpu.memory_space<vmem>>) target(%dma_start3A_172 : memref<10240xf32, #tpu.memory_space<vmem_shared>>) offsets(%arg21 : memref<128xi32, #tpu.memory_space<vmem>>) semaphore(%run_scoped3A : memref<!tpu.dma_semaphore, #tpu.memory_space<semaphore_mem>>) {add = true}
        %dma_wait3A_173 = arith.constant 0 : i32
        %dma_wait3A_174 = tpu.memref_slice %arg25[%dma_wait3A_173] : memref<10240xf32, #tpu.memory_space<vmem_shared>> -> memref<10240xf32, #tpu.memory_space<vmem_shared>>
        tpu.wait_indirect_dma semaphore(%run_scoped3A : memref<!tpu.dma_semaphore, #tpu.memory_space<semaphore_mem>>) src(%arg17 : memref<128xf32, #tpu.memory_space<vmem>>) dst(%dma_wait3A_174 : memref<10240xf32, #tpu.memory_space<vmem_shared>>)
        tpu.yield
      }) : () -> ()
      %mul3A_164 = arith.constant 2 : i32
      %mul3A_165 = arith.muli %mul3A_164, %while3A_150 : i32
      %add3A_166 = arith.constant 3 : i32
      %add3A_167 = arith.addi %mul3A_165, %add3A_166 : i32
      %lt3A_168 = arith.cmpi slt, %add3A_167, %select_n3A_47 : i32
      %convert_element_type3A_169 = arith.extui %lt3A_168 : i1 to i32
      %cond3A_170 = arith.constant 0 : i32
      %cond3A_171 = arith.cmpi ne, %convert_element_type3A_169, %cond3A_170 : i32
      scf.if %cond3A_171 {
        %mul3A_172 = arith.constant 2 : i32
        %mul3A_173 = arith.muli %mul3A_172, %while3A_150 : i32
        %add3A_174 = arith.constant 3 : i32
        %add3A_175 = arith.addi %mul3A_173, %add3A_174 : i32
        %mul3A_176 = arith.constant 128 : i32
        %mul3A_177 = arith.muli %add3A_175, %mul3A_176 : i32
        %add3A_178 = arith.addi %select_n3A, %mul3A_177 : i32
        "tpu.region"() ({
          %run_scoped3A = tpu.sem_alloc : memref<!tpu.dma_semaphore, #tpu.memory_space<semaphore_mem>>
          %dma_start3A_181 = tpu.memref_slice %arg7[%add3A_178] : memref<102400xi32, #tpu.memory_space<hbm>> -> memref<128xi32, #tpu.memory_space<hbm>>
          %dma_start3A_182 = tpu.memref_slice %arg7[%add3A_178] : memref<102400xi32, #tpu.memory_space<hbm>> -> memref<128xi32, #tpu.memory_space<hbm>>
          tpu.enqueue_dma source(%dma_start3A_182 : memref<128xi32, #tpu.memory_space<hbm>>) target(%arg19 : memref<128xi32, #tpu.memory_space<vmem>>) target_semaphore(%run_scoped3A : memref<!tpu.dma_semaphore, #tpu.memory_space<semaphore_mem>>)
          %dma_wait3A_183 = tpu.memref_slice %arg7[%add3A_178] : memref<102400xi32, #tpu.memory_space<hbm>> -> memref<128xi32, #tpu.memory_space<hbm>>
          %dma_wait3A_184 = tpu.memref_slice %arg7[%add3A_178] : memref<102400xi32, #tpu.memory_space<hbm>> -> memref<128xi32, #tpu.memory_space<hbm>>
          tpu.wait_dma2 semaphore(%run_scoped3A : memref<!tpu.dma_semaphore, #tpu.memory_space<semaphore_mem>>) src(%dma_wait3A_184 : memref<128xi32, #tpu.memory_space<hbm>>) dst(%arg19 : memref<128xi32, #tpu.memory_space<vmem>>)
          tpu.yield
        }) : () -> ()
        "tpu.region"() ({
          %run_scoped3A = tpu.sem_alloc : memref<!tpu.dma_semaphore, #tpu.memory_space<semaphore_mem>>
          %dma_start3A_181 = tpu.memref_slice %arg8[%add3A_178] : memref<102400xi32, #tpu.memory_space<hbm>> -> memref<128xi32, #tpu.memory_space<hbm>>
          %dma_start3A_182 = tpu.memref_slice %arg8[%add3A_178] : memref<102400xi32, #tpu.memory_space<hbm>> -> memref<128xi32, #tpu.memory_space<hbm>>
          tpu.enqueue_dma source(%dma_start3A_182 : memref<128xi32, #tpu.memory_space<hbm>>) target(%arg21 : memref<128xi32, #tpu.memory_space<vmem>>) target_semaphore(%run_scoped3A : memref<!tpu.dma_semaphore, #tpu.memory_space<semaphore_mem>>)
          %dma_wait3A_183 = tpu.memref_slice %arg8[%add3A_178] : memref<102400xi32, #tpu.memory_space<hbm>> -> memref<128xi32, #tpu.memory_space<hbm>>
          %dma_wait3A_184 = tpu.memref_slice %arg8[%add3A_178] : memref<102400xi32, #tpu.memory_space<hbm>> -> memref<128xi32, #tpu.memory_space<hbm>>
          tpu.wait_dma2 semaphore(%run_scoped3A : memref<!tpu.dma_semaphore, #tpu.memory_space<semaphore_mem>>) src(%dma_wait3A_184 : memref<128xi32, #tpu.memory_space<hbm>>) dst(%arg21 : memref<128xi32, #tpu.memory_space<vmem>>)
          tpu.yield
        }) : () -> ()
        %dma_start3A = arith.constant 0 : i32
        %dma_start3A_179 = arith.constant 0 : i32
        %dma_start3A_180 = tpu.memref_slice %arg2[%dma_start3A, %dma_start3A_179] : memref<10000x128xf32, #tpu.memory_space<hbm>> -> memref<10000x128xf32, #tpu.memory_space<hbm>>
        tpu.enqueue_indirect_dma source(%dma_start3A_180 : memref<10000x128xf32, #tpu.memory_space<hbm>>) target(%arg23 : memref<128x128xf32, #tpu.memory_space<vmem>>) offsets(%arg19 : memref<128xi32, #tpu.memory_space<vmem>>) semaphore(%arg27 : memref<!tpu.dma_semaphore, #tpu.memory_space<semaphore_mem>>)
      } else {
      }
    }
    %while3A_148 = arith.constant 1 : i32
    scf.for %while3A_150 = %while3A_146 to %while3A_142 step %while3A_148  : i32 {
      %dma_wait3A = arith.constant 0 : i32
      %dma_wait3A_151 = arith.constant 0 : i32
      %dma_wait3A_152 = tpu.memref_slice %arg2[%dma_wait3A, %dma_wait3A_151] : memref<10000x128xf32, #tpu.memory_space<hbm>> -> memref<10000x128xf32, #tpu.memory_space<hbm>>
      tpu.wait_indirect_dma semaphore(%arg26 : memref<!tpu.dma_semaphore, #tpu.memory_space<semaphore_mem>>) src(%dma_wait3A_152 : memref<10000x128xf32, #tpu.memory_space<hbm>>) dst(%arg22 : memref<128x128xf32, #tpu.memory_space<vmem>>)
      "tpu.region"() ({
        %run_scoped3A = tpu.sem_alloc : memref<!tpu.dma_semaphore, #tpu.memory_space<semaphore_mem>>
        %dma_start3A = arith.constant 0 : i32
        %dma_start3A_172 = arith.constant 0 : i32
        %dma_start3A_173 = tpu.memref_slice %arg24[%dma_start3A, %dma_start3A_172] : memref<10112x128xf32, #tpu.memory_space<vmem_shared>> -> memref<10112x128xf32, #tpu.memory_space<vmem_shared>>
        tpu.enqueue_indirect_dma source(%arg22 : memref<128x128xf32, #tpu.memory_space<vmem>>) target(%dma_start3A_173 : memref<10112x128xf32, #tpu.memory_space<vmem_shared>>) offsets(%arg20 : memref<128xi32, #tpu.memory_space<vmem>>) semaphore(%run_scoped3A : memref<!tpu.dma_semaphore, #tpu.memory_space<semaphore_mem>>) {add = true}
        %dma_wait3A_174 = arith.constant 0 : i32
        %dma_wait3A_175 = arith.constant 0 : i32
        %dma_wait3A_176 = tpu.memref_slice %arg24[%dma_wait3A_174, %dma_wait3A_175] : memref<10112x128xf32, #tpu.memory_space<vmem_shared>> -> memref<10112x128xf32, #tpu.memory_space<vmem_shared>>
        tpu.wait_indirect_dma semaphore(%run_scoped3A : memref<!tpu.dma_semaphore, #tpu.memory_space<semaphore_mem>>) src(%arg22 : memref<128x128xf32, #tpu.memory_space<vmem>>) dst(%dma_wait3A_176 : memref<10112x128xf32, #tpu.memory_space<vmem_shared>>)
        tpu.yield
      }) : () -> ()
      "tpu.region"() ({
        %run_scoped3A = tpu.sem_alloc : memref<!tpu.dma_semaphore, #tpu.memory_space<semaphore_mem>>
        %dma_start3A = arith.constant 0 : i32
        %dma_start3A_172 = tpu.memref_slice %arg25[%dma_start3A] : memref<10240xf32, #tpu.memory_space<vmem_shared>> -> memref<10240xf32, #tpu.memory_space<vmem_shared>>
        tpu.enqueue_indirect_dma source(%arg17 : memref<128xf32, #tpu.memory_space<vmem>>) target(%dma_start3A_172 : memref<10240xf32, #tpu.memory_space<vmem_shared>>) offsets(%arg20 : memref<128xi32, #tpu.memory_space<vmem>>) semaphore(%run_scoped3A : memref<!tpu.dma_semaphore, #tpu.memory_space<semaphore_mem>>) {add = true}
        %dma_wait3A_173 = arith.constant 0 : i32
        %dma_wait3A_174 = tpu.memref_slice %arg25[%dma_wait3A_173] : memref<10240xf32, #tpu.memory_space<vmem_shared>> -> memref<10240xf32, #tpu.memory_space<vmem_shared>>
        tpu.wait_indirect_dma semaphore(%run_scoped3A : memref<!tpu.dma_semaphore, #tpu.memory_space<semaphore_mem>>) src(%arg17 : memref<128xf32, #tpu.memory_space<vmem>>) dst(%dma_wait3A_174 : memref<10240xf32, #tpu.memory_space<vmem_shared>>)
        tpu.yield
      }) : () -> ()
      %mul3A_153 = arith.constant 2 : i32
      %mul3A_154 = arith.muli %mul3A_153, %while3A_150 : i32
      %add3A_155 = arith.constant 2 : i32
      %add3A_156 = arith.addi %mul3A_154, %add3A_155 : i32
      %lt3A_157 = arith.cmpi slt, %add3A_156, %select_n3A_47 : i32
      %convert_element_type3A_158 = arith.extui %lt3A_157 : i1 to i32
      %cond3A_159 = arith.constant 0 : i32
      %cond3A_160 = arith.cmpi ne, %convert_element_type3A_158, %cond3A_159 : i32
      scf.if %cond3A_160 {
        %mul3A_172 = arith.constant 2 : i32
        %mul3A_173 = arith.muli %mul3A_172, %while3A_150 : i32
        %add3A_174 = arith.constant 2 : i32
        %add3A_175 = arith.addi %mul3A_173, %add3A_174 : i32
        %mul3A_176 = arith.constant 128 : i32
        %mul3A_177 = arith.muli %add3A_175, %mul3A_176 : i32
        %add3A_178 = arith.addi %select_n3A, %mul3A_177 : i32
        "tpu.region"() ({
          %run_scoped3A = tpu.sem_alloc : memref<!tpu.dma_semaphore, #tpu.memory_space<semaphore_mem>>
          %dma_start3A_181 = tpu.memref_slice %arg7[%add3A_178] : memref<102400xi32, #tpu.memory_space<hbm>> -> memref<128xi32, #tpu.memory_space<hbm>>
          %dma_start3A_182 = tpu.memref_slice %arg7[%add3A_178] : memref<102400xi32, #tpu.memory_space<hbm>> -> memref<128xi32, #tpu.memory_space<hbm>>
          tpu.enqueue_dma source(%dma_start3A_182 : memref<128xi32, #tpu.memory_space<hbm>>) target(%arg18 : memref<128xi32, #tpu.memory_space<vmem>>) target_semaphore(%run_scoped3A : memref<!tpu.dma_semaphore, #tpu.memory_space<semaphore_mem>>)
          %dma_wait3A_183 = tpu.memref_slice %arg7[%add3A_178] : memref<102400xi32, #tpu.memory_space<hbm>> -> memref<128xi32, #tpu.memory_space<hbm>>
          %dma_wait3A_184 = tpu.memref_slice %arg7[%add3A_178] : memref<102400xi32, #tpu.memory_space<hbm>> -> memref<128xi32, #tpu.memory_space<hbm>>
          tpu.wait_dma2 semaphore(%run_scoped3A : memref<!tpu.dma_semaphore, #tpu.memory_space<semaphore_mem>>) src(%dma_wait3A_184 : memref<128xi32, #tpu.memory_space<hbm>>) dst(%arg18 : memref<128xi32, #tpu.memory_space<vmem>>)
          tpu.yield
        }) : () -> ()
        "tpu.region"() ({
          %run_scoped3A = tpu.sem_alloc : memref<!tpu.dma_semaphore, #tpu.memory_space<semaphore_mem>>
          %dma_start3A_181 = tpu.memref_slice %arg8[%add3A_178] : memref<102400xi32, #tpu.memory_space<hbm>> -> memref<128xi32, #tpu.memory_space<hbm>>
          %dma_start3A_182 = tpu.memref_slice %arg8[%add3A_178] : memref<102400xi32, #tpu.memory_space<hbm>> -> memref<128xi32, #tpu.memory_space<hbm>>
          tpu.enqueue_dma source(%dma_start3A_182 : memref<128xi32, #tpu.memory_space<hbm>>) target(%arg20 : memref<128xi32, #tpu.memory_space<vmem>>) target_semaphore(%run_scoped3A : memref<!tpu.dma_semaphore, #tpu.memory_space<semaphore_mem>>)
          %dma_wait3A_183 = tpu.memref_slice %arg8[%add3A_178] : memref<102400xi32, #tpu.memory_space<hbm>> -> memref<128xi32, #tpu.memory_space<hbm>>
          %dma_wait3A_184 = tpu.memref_slice %arg8[%add3A_178] : memref<102400xi32, #tpu.memory_space<hbm>> -> memref<128xi32, #tpu.memory_space<hbm>>
          tpu.wait_dma2 semaphore(%run_scoped3A : memref<!tpu.dma_semaphore, #tpu.memory_space<semaphore_mem>>) src(%dma_wait3A_184 : memref<128xi32, #tpu.memory_space<hbm>>) dst(%arg20 : memref<128xi32, #tpu.memory_space<vmem>>)
          tpu.yield
        }) : () -> ()
        %dma_start3A = arith.constant 0 : i32
        %dma_start3A_179 = arith.constant 0 : i32
        %dma_start3A_180 = tpu.memref_slice %arg2[%dma_start3A, %dma_start3A_179] : memref<10000x128xf32, #tpu.memory_space<hbm>> -> memref<10000x128xf32, #tpu.memory_space<hbm>>
        tpu.enqueue_indirect_dma source(%dma_start3A_180 : memref<10000x128xf32, #tpu.memory_space<hbm>>) target(%arg22 : memref<128x128xf32, #tpu.memory_space<vmem>>) offsets(%arg18 : memref<128xi32, #tpu.memory_space<vmem>>) semaphore(%arg26 : memref<!tpu.dma_semaphore, #tpu.memory_space<semaphore_mem>>)
      } else {
      }
      %dma_wait3A_161 = arith.constant 0 : i32
      %dma_wait3A_162 = arith.constant 0 : i32
      %dma_wait3A_163 = tpu.memref_slice %arg2[%dma_wait3A_161, %dma_wait3A_162] : memref<10000x128xf32, #tpu.memory_space<hbm>> -> memref<10000x128xf32, #tpu.memory_space<hbm>>
      tpu.wait_indirect_dma semaphore(%arg27 : memref<!tpu.dma_semaphore, #tpu.memory_space<semaphore_mem>>) src(%dma_wait3A_163 : memref<10000x128xf32, #tpu.memory_space<hbm>>) dst(%arg23 : memref<128x128xf32, #tpu.memory_space<vmem>>)
      "tpu.region"() ({
        %run_scoped3A = tpu.sem_alloc : memref<!tpu.dma_semaphore, #tpu.memory_space<semaphore_mem>>
        %dma_start3A = arith.constant 0 : i32
        %dma_start3A_172 = arith.constant 0 : i32
        %dma_start3A_173 = tpu.memref_slice %arg24[%dma_start3A, %dma_start3A_172] : memref<10112x128xf32, #tpu.memory_space<vmem_shared>> -> memref<10112x128xf32, #tpu.memory_space<vmem_shared>>
        tpu.enqueue_indirect_dma source(%arg23 : memref<128x128xf32, #tpu.memory_space<vmem>>) target(%dma_start3A_173 : memref<10112x128xf32, #tpu.memory_space<vmem_shared>>) offsets(%arg21 : memref<128xi32, #tpu.memory_space<vmem>>) semaphore(%run_scoped3A : memref<!tpu.dma_semaphore, #tpu.memory_space<semaphore_mem>>) {add = true}
        %dma_wait3A_174 = arith.constant 0 : i32
        %dma_wait3A_175 = arith.constant 0 : i32
        %dma_wait3A_176 = tpu.memref_slice %arg24[%dma_wait3A_174, %dma_wait3A_175] : memref<10112x128xf32, #tpu.memory_space<vmem_shared>> -> memref<10112x128xf32, #tpu.memory_space<vmem_shared>>
        tpu.wait_indirect_dma semaphore(%run_scoped3A : memref<!tpu.dma_semaphore, #tpu.memory_space<semaphore_mem>>) src(%arg23 : memref<128x128xf32, #tpu.memory_space<vmem>>) dst(%dma_wait3A_176 : memref<10112x128xf32, #tpu.memory_space<vmem_shared>>)
        tpu.yield
      }) : () -> ()
      "tpu.region"() ({
        %run_scoped3A = tpu.sem_alloc : memref<!tpu.dma_semaphore, #tpu.memory_space<semaphore_mem>>
        %dma_start3A = arith.constant 0 : i32
        %dma_start3A_172 = tpu.memref_slice %arg25[%dma_start3A] : memref<10240xf32, #tpu.memory_space<vmem_shared>> -> memref<10240xf32, #tpu.memory_space<vmem_shared>>
        tpu.enqueue_indirect_dma source(%arg17 : memref<128xf32, #tpu.memory_space<vmem>>) target(%dma_start3A_172 : memref<10240xf32, #tpu.memory_space<vmem_shared>>) offsets(%arg21 : memref<128xi32, #tpu.memory_space<vmem>>) semaphore(%run_scoped3A : memref<!tpu.dma_semaphore, #tpu.memory_space<semaphore_mem>>) {add = true}
        %dma_wait3A_173 = arith.constant 0 : i32
        %dma_wait3A_174 = tpu.memref_slice %arg25[%dma_wait3A_173] : memref<10240xf32, #tpu.memory_space<vmem_shared>> -> memref<10240xf32, #tpu.memory_space<vmem_shared>>
        tpu.wait_indirect_dma semaphore(%run_scoped3A : memref<!tpu.dma_semaphore, #tpu.memory_space<semaphore_mem>>) src(%arg17 : memref<128xf32, #tpu.memory_space<vmem>>) dst(%dma_wait3A_174 : memref<10240xf32, #tpu.memory_space<vmem_shared>>)
        tpu.yield
      }) : () -> ()
      %mul3A_164 = arith.constant 2 : i32
      %mul3A_165 = arith.muli %mul3A_164, %while3A_150 : i32
      %add3A_166 = arith.constant 3 : i32
      %add3A_167 = arith.addi %mul3A_165, %add3A_166 : i32
      %lt3A_168 = arith.cmpi slt, %add3A_167, %select_n3A_47 : i32
      %convert_element_type3A_169 = arith.extui %lt3A_168 : i1 to i32
      %cond3A_170 = arith.constant 0 : i32
      %cond3A_171 = arith.cmpi ne, %convert_element_type3A_169, %cond3A_170 : i32
      scf.if %cond3A_171 {
        %mul3A_172 = arith.constant 2 : i32
        %mul3A_173 = arith.muli %mul3A_172, %while3A_150 : i32
        %add3A_174 = arith.constant 3 : i32
        %add3A_175 = arith.addi %mul3A_173, %add3A_174 : i32
        %mul3A_176 = arith.constant 128 : i32
        %mul3A_177 = arith.muli %add3A_175, %mul3A_176 : i32
        %add3A_178 = arith.addi %select_n3A, %mul3A_177 : i32
        "tpu.region"() ({
          %run_scoped3A = tpu.sem_alloc : memref<!tpu.dma_semaphore, #tpu.memory_space<semaphore_mem>>
          %dma_start3A_181 = tpu.memref_slice %arg7[%add3A_178] : memref<102400xi32, #tpu.memory_space<hbm>> -> memref<128xi32, #tpu.memory_space<hbm>>
          %dma_start3A_182 = tpu.memref_slice %arg7[%add3A_178] : memref<102400xi32, #tpu.memory_space<hbm>> -> memref<128xi32, #tpu.memory_space<hbm>>
          tpu.enqueue_dma source(%dma_start3A_182 : memref<128xi32, #tpu.memory_space<hbm>>) target(%arg19 : memref<128xi32, #tpu.memory_space<vmem>>) target_semaphore(%run_scoped3A : memref<!tpu.dma_semaphore, #tpu.memory_space<semaphore_mem>>)
          %dma_wait3A_183 = tpu.memref_slice %arg7[%add3A_178] : memref<102400xi32, #tpu.memory_space<hbm>> -> memref<128xi32, #tpu.memory_space<hbm>>
          %dma_wait3A_184 = tpu.memref_slice %arg7[%add3A_178] : memref<102400xi32, #tpu.memory_space<hbm>> -> memref<128xi32, #tpu.memory_space<hbm>>
          tpu.wait_dma2 semaphore(%run_scoped3A : memref<!tpu.dma_semaphore, #tpu.memory_space<semaphore_mem>>) src(%dma_wait3A_184 : memref<128xi32, #tpu.memory_space<hbm>>) dst(%arg19 : memref<128xi32, #tpu.memory_space<vmem>>)
          tpu.yield
        }) : () -> ()
        "tpu.region"() ({
          %run_scoped3A = tpu.sem_alloc : memref<!tpu.dma_semaphore, #tpu.memory_space<semaphore_mem>>
          %dma_start3A_181 = tpu.memref_slice %arg8[%add3A_178] : memref<102400xi32, #tpu.memory_space<hbm>> -> memref<128xi32, #tpu.memory_space<hbm>>
          %dma_start3A_182 = tpu.memref_slice %arg8[%add3A_178] : memref<102400xi32, #tpu.memory_space<hbm>> -> memref<128xi32, #tpu.memory_space<hbm>>
          tpu.enqueue_dma source(%dma_start3A_182 : memref<128xi32, #tpu.memory_space<hbm>>) target(%arg21 : memref<128xi32, #tpu.memory_space<vmem>>) target_semaphore(%run_scoped3A : memref<!tpu.dma_semaphore, #tpu.memory_space<semaphore_mem>>)
          %dma_wait3A_183 = tpu.memref_slice %arg8[%add3A_178] : memref<102400xi32, #tpu.memory_space<hbm>> -> memref<128xi32, #tpu.memory_space<hbm>>
          %dma_wait3A_184 = tpu.memref_slice %arg8[%add3A_178] : memref<102400xi32, #tpu.memory_space<hbm>> -> memref<128xi32, #tpu.memory_space<hbm>>
          tpu.wait_dma2 semaphore(%run_scoped3A : memref<!tpu.dma_semaphore, #tpu.memory_space<semaphore_mem>>) src(%dma_wait3A_184 : memref<128xi32, #tpu.memory_space<hbm>>) dst(%arg21 : memref<128xi32, #tpu.memory_space<vmem>>)
          tpu.yield
        }) : () -> ()
        %dma_start3A = arith.constant 0 : i32
        %dma_start3A_179 = arith.constant 0 : i32
        %dma_start3A_180 = tpu.memref_slice %arg2[%dma_start3A, %dma_start3A_179] : memref<10000x128xf32, #tpu.memory_space<hbm>> -> memref<10000x128xf32, #tpu.memory_space<hbm>>
        tpu.enqueue_indirect_dma source(%dma_start3A_180 : memref<10000x128xf32, #tpu.memory_space<hbm>>) target(%arg23 : memref<128x128xf32, #tpu.memory_space<vmem>>) offsets(%arg19 : memref<128xi32, #tpu.memory_space<vmem>>) semaphore(%arg27 : memref<!tpu.dma_semaphore, #tpu.memory_space<semaphore_mem>>)
      } else {
      }
    }
    %barrier3A_149 = arith.constant 0 : index
    tpu.barrier barrier_id(%barrier3A_149)
    "tpu.trace_stop"() : () -> ()
    "tpu.trace_start"() <{level = 10 : i32, message = "copyout2"}> : () -> ()
    "tpu.region"() ({
      %run_scoped3A = tpu.sem_alloc : memref<!tpu.dma_semaphore, #tpu.memory_space<semaphore_mem>>
      %dma_start3A = arith.constant 0 : i32
      %dma_start3A_150 = tpu.memref_slice %arg11[%arg0, %mul3A_34, %dma_start3A] : memref<2x10112x128xf32, #tpu.memory_space<hbm>> -> memref<1x632x128xf32, #tpu.memory_space<hbm>>
      %dma_start3A_151 = tpu.memref_squeeze %dma_start3A_150 : memref<1x632x128xf32, #tpu.memory_space<hbm>> -> memref<632x128xf32, #tpu.memory_space<hbm>>
      %dma_start3A_152 = arith.constant 0 : i32
      %dma_start3A_153 = tpu.memref_slice %arg24[%mul3A_34, %dma_start3A_152] : memref<10112x128xf32, #tpu.memory_space<vmem_shared>> -> memref<632x128xf32, #tpu.memory_space<vmem_shared>>
      tpu.enqueue_dma source(%dma_start3A_153 : memref<632x128xf32, #tpu.memory_space<vmem_shared>>) target(%dma_start3A_151 : memref<632x128xf32, #tpu.memory_space<hbm>>) target_semaphore(%run_scoped3A : memref<!tpu.dma_semaphore, #tpu.memory_space<semaphore_mem>>)
      %dma_wait3A = arith.constant 0 : i32
      %dma_wait3A_154 = tpu.memref_slice %arg11[%arg0, %mul3A_34, %dma_wait3A] : memref<2x10112x128xf32, #tpu.memory_space<hbm>> -> memref<1x632x128xf32, #tpu.memory_space<hbm>>
      %dma_wait3A_155 = tpu.memref_squeeze %dma_wait3A_154 : memref<1x632x128xf32, #tpu.memory_space<hbm>> -> memref<632x128xf32, #tpu.memory_space<hbm>>
      %dma_wait3A_156 = arith.constant 0 : i32
      %dma_wait3A_157 = tpu.memref_slice %arg24[%mul3A_34, %dma_wait3A_156] : memref<10112x128xf32, #tpu.memory_space<vmem_shared>> -> memref<632x128xf32, #tpu.memory_space<vmem_shared>>
      tpu.wait_dma2 semaphore(%run_scoped3A : memref<!tpu.dma_semaphore, #tpu.memory_space<semaphore_mem>>) src(%dma_wait3A_157 : memref<632x128xf32, #tpu.memory_space<vmem_shared>>) dst(%dma_wait3A_155 : memref<632x128xf32, #tpu.memory_space<hbm>>)
      tpu.yield
    }) : () -> ()
    "tpu.region"() ({
      %run_scoped3A = tpu.sem_alloc : memref<!tpu.dma_semaphore, #tpu.memory_space<semaphore_mem>>
      %dma_start3A = tpu.memref_slice %arg14[%arg0, %mul3A_36] : memref<2x10240xf32, #tpu.memory_space<hbm>> -> memref<1x640xf32, #tpu.memory_space<hbm>>
      %dma_start3A_150 = tpu.memref_squeeze %dma_start3A : memref<1x640xf32, #tpu.memory_space<hbm>> -> memref<640xf32, #tpu.memory_space<hbm>>
      %dma_start3A_151 = tpu.memref_slice %arg25[%mul3A_36] : memref<10240xf32, #tpu.memory_space<vmem_shared>> -> memref<640xf32, #tpu.memory_space<vmem_shared>>
      tpu.enqueue_dma source(%dma_start3A_151 : memref<640xf32, #tpu.memory_space<vmem_shared>>) target(%dma_start3A_150 : memref<640xf32, #tpu.memory_space<hbm>>) target_semaphore(%run_scoped3A : memref<!tpu.dma_semaphore, #tpu.memory_space<semaphore_mem>>)
      %dma_wait3A = tpu.memref_slice %arg14[%arg0, %mul3A_36] : memref<2x10240xf32, #tpu.memory_space<hbm>> -> memref<1x640xf32, #tpu.memory_space<hbm>>
      %dma_wait3A_152 = tpu.memref_squeeze %dma_wait3A : memref<1x640xf32, #tpu.memory_space<hbm>> -> memref<640xf32, #tpu.memory_space<hbm>>
      %dma_wait3A_153 = tpu.memref_slice %arg25[%mul3A_36] : memref<10240xf32, #tpu.memory_space<vmem_shared>> -> memref<640xf32, #tpu.memory_space<vmem_shared>>
      tpu.wait_dma2 semaphore(%run_scoped3A : memref<!tpu.dma_semaphore, #tpu.memory_space<semaphore_mem>>) src(%dma_wait3A_153 : memref<640xf32, #tpu.memory_space<vmem_shared>>) dst(%dma_wait3A_152 : memref<640xf32, #tpu.memory_space<hbm>>)
      tpu.yield
    }) : () -> ()
    "tpu.trace_stop"() : () -> ()
    return
  }
}

#map = affine_map<(d0, d1) -> (0, 0)>
#map1 = affine_map<(d0, d1) -> (0)>
#map2 = affine_map<(d0, d1) -> (0, 0, 0)>
module attributes {stable_mosaic.version = 14 : i64} {
  func.func @_sc_agg_body(%arg0: i32, %arg1: i32, %arg2: memref<10000x128xf32, #tpu.memory_space<hbm>>, %arg3: memref<102400xi32, #tpu.memory_space<hbm>>, %arg4: memref<102400xi32, #tpu.memory_space<hbm>>, %arg5: memref<102400xi32, #tpu.memory_space<hbm>>, %arg6: memref<102400xi32, #tpu.memory_space<hbm>>, %arg7: memref<102400xi32, #tpu.memory_space<hbm>>, %arg8: memref<102400xi32, #tpu.memory_space<hbm>>, %arg9: memref<2x10112x128xf32, #tpu.memory_space<hbm>>, %arg10: memref<2x10112x128xf32, #tpu.memory_space<hbm>>, %arg11: memref<2x10112x128xf32, #tpu.memory_space<hbm>>, %arg12: memref<79x128xf32, #tpu.memory_space<vmem>>, %arg13: memref<640xf32, #tpu.memory_space<vmem>>, %arg14: memref<128xf32, #tpu.memory_space<vmem>>, %arg15: memref<128xi32, #tpu.memory_space<vmem>>, %arg16: memref<128xi32, #tpu.memory_space<vmem>>, %arg17: memref<128xi32, #tpu.memory_space<vmem>>, %arg18: memref<128xi32, #tpu.memory_space<vmem>>, %arg19: memref<128x128xf32, #tpu.memory_space<vmem>>, %arg20: memref<128x128xf32, #tpu.memory_space<vmem>>, %arg21: memref<10112x128xf32, #tpu.memory_space<vmem_shared>>, %arg22: memref<10240xf32, #tpu.memory_space<vmem_shared>>, %arg23: memref<!tpu.dma_semaphore, #tpu.memory_space<semaphore_mem>>, %arg24: memref<!tpu.dma_semaphore, #tpu.memory_space<semaphore_mem>>) attributes {dimension_semantics = [#tpu.dimension_semantics<core_parallel>, #tpu.dimension_semantics<subcore_parallel>], iteration_bounds = array<i64: 2, 16>, scalar_prefetch = 0 : i64, scratch_operands = 13 : i64, tpu.core_type = #tpu.core_type<sc_vector_subcore>, window_params = [{transform_indices = #map}, {transform_indices = #map1}, {transform_indices = #map1}, {transform_indices = #map1}, {transform_indices = #map1}, {transform_indices = #map1}, {transform_indices = #map1}, {transform_indices = #map2}, {transform_indices = #map2}, {transform_indices = #map2}]} {
    %mul3A = arith.constant 16 : i32
    %mul3A_0 = arith.muli %arg0, %mul3A : i32
    %add3A = arith.addi %mul3A_0, %arg1 : i32
    %while3A = arith.constant 0 : i32
    %while3A_1 = arith.constant 0 : i32
    %while3A_2 = arith.constant 79 : i32
    %while3A_3 = arith.subi %while3A_2, %while3A_1 : i32
    %while3A_4 = arith.addi %while3A_1, %while3A_3 : i32
    %while3A_5 = arith.constant 1 : i32
    %while3A_6 = arith.divsi %while3A_3, %while3A_5 : i32
    %while3A_7 = arith.muli %while3A_6, %while3A_5 : i32
    %while3A_8 = arith.addi %while3A_1, %while3A_7 : i32
    %while3A_9 = arith.constant 1 : i32
    scf.for %while3A_139 = %while3A_1 to %while3A_8 step %while3A_9  : i32 {
      %broadcast_in_dim3A = arith.constant 0.000000e+00 : f32
      %broadcast_in_dim3A_140 = vector.broadcast %broadcast_in_dim3A : f32 to vector<16xf32>
      %swap3A = arith.index_cast %while3A_139 : i32 to index
      %swap3A_141 = arith.constant 0 : index
      %swap3A_142 = tpu.vector_load %arg12[%swap3A, %swap3A_141] {strides = array<i32>} : memref<79x128xf32, #tpu.memory_space<vmem>>, vector<1x16xf32>,
      %swap3A_143 = vector.shape_cast %swap3A_142 : vector<1x16xf32> to vector<16xf32>
      %swap3A_144 = vector.shape_cast %broadcast_in_dim3A_140 : vector<16xf32> to vector<1x16xf32>
      tpu.vector_store %arg12[%swap3A, %swap3A_141], %swap3A_144 {strides = array<i32>} : memref<79x128xf32, #tpu.memory_space<vmem>>, vector<1x16xf32>,
      %broadcast_in_dim3A_145 = arith.constant 0.000000e+00 : f32
      %broadcast_in_dim3A_146 = vector.broadcast %broadcast_in_dim3A_145 : f32 to vector<16xf32>
      %swap3A_147 = arith.index_cast %while3A_139 : i32 to index
      %swap3A_148 = arith.constant 16 : index
      %swap3A_149 = tpu.vector_load %arg12[%swap3A_147, %swap3A_148] {strides = array<i32>} : memref<79x128xf32, #tpu.memory_space<vmem>>, vector<1x16xf32>,
      %swap3A_150 = vector.shape_cast %swap3A_149 : vector<1x16xf32> to vector<16xf32>
      %swap3A_151 = vector.shape_cast %broadcast_in_dim3A_146 : vector<16xf32> to vector<1x16xf32>
      tpu.vector_store %arg12[%swap3A_147, %swap3A_148], %swap3A_151 {strides = array<i32>} : memref<79x128xf32, #tpu.memory_space<vmem>>, vector<1x16xf32>,
      %broadcast_in_dim3A_152 = arith.constant 0.000000e+00 : f32
      %broadcast_in_dim3A_153 = vector.broadcast %broadcast_in_dim3A_152 : f32 to vector<16xf32>
      %swap3A_154 = arith.index_cast %while3A_139 : i32 to index
      %swap3A_155 = arith.constant 32 : index
      %swap3A_156 = tpu.vector_load %arg12[%swap3A_154, %swap3A_155] {strides = array<i32>} : memref<79x128xf32, #tpu.memory_space<vmem>>, vector<1x16xf32>,
      %swap3A_157 = vector.shape_cast %swap3A_156 : vector<1x16xf32> to vector<16xf32>
      %swap3A_158 = vector.shape_cast %broadcast_in_dim3A_153 : vector<16xf32> to vector<1x16xf32>
      tpu.vector_store %arg12[%swap3A_154, %swap3A_155], %swap3A_158 {strides = array<i32>} : memref<79x128xf32, #tpu.memory_space<vmem>>, vector<1x16xf32>,
      %broadcast_in_dim3A_159 = arith.constant 0.000000e+00 : f32
      %broadcast_in_dim3A_160 = vector.broadcast %broadcast_in_dim3A_159 : f32 to vector<16xf32>
      %swap3A_161 = arith.index_cast %while3A_139 : i32 to index
      %swap3A_162 = arith.constant 48 : index
      %swap3A_163 = tpu.vector_load %arg12[%swap3A_161, %swap3A_162] {strides = array<i32>} : memref<79x128xf32, #tpu.memory_space<vmem>>, vector<1x16xf32>,
      %swap3A_164 = vector.shape_cast %swap3A_163 : vector<1x16xf32> to vector<16xf32>
      %swap3A_165 = vector.shape_cast %broadcast_in_dim3A_160 : vector<16xf32> to vector<1x16xf32>
      tpu.vector_store %arg12[%swap3A_161, %swap3A_162], %swap3A_165 {strides = array<i32>} : memref<79x128xf32, #tpu.memory_space<vmem>>, vector<1x16xf32>,
      %broadcast_in_dim3A_166 = arith.constant 0.000000e+00 : f32
      %broadcast_in_dim3A_167 = vector.broadcast %broadcast_in_dim3A_166 : f32 to vector<16xf32>
      %swap3A_168 = arith.index_cast %while3A_139 : i32 to index
      %swap3A_169 = arith.constant 64 : index
      %swap3A_170 = tpu.vector_load %arg12[%swap3A_168, %swap3A_169] {strides = array<i32>} : memref<79x128xf32, #tpu.memory_space<vmem>>, vector<1x16xf32>,
      %swap3A_171 = vector.shape_cast %swap3A_170 : vector<1x16xf32> to vector<16xf32>
      %swap3A_172 = vector.shape_cast %broadcast_in_dim3A_167 : vector<16xf32> to vector<1x16xf32>
      tpu.vector_store %arg12[%swap3A_168, %swap3A_169], %swap3A_172 {strides = array<i32>} : memref<79x128xf32, #tpu.memory_space<vmem>>, vector<1x16xf32>,
      %broadcast_in_dim3A_173 = arith.constant 0.000000e+00 : f32
      %broadcast_in_dim3A_174 = vector.broadcast %broadcast_in_dim3A_173 : f32 to vector<16xf32>
      %swap3A_175 = arith.index_cast %while3A_139 : i32 to index
      %swap3A_176 = arith.constant 80 : index
      %swap3A_177 = tpu.vector_load %arg12[%swap3A_175, %swap3A_176] {strides = array<i32>} : memref<79x128xf32, #tpu.memory_space<vmem>>, vector<1x16xf32>,
      %swap3A_178 = vector.shape_cast %swap3A_177 : vector<1x16xf32> to vector<16xf32>
      %swap3A_179 = vector.shape_cast %broadcast_in_dim3A_174 : vector<16xf32> to vector<1x16xf32>
      tpu.vector_store %arg12[%swap3A_175, %swap3A_176], %swap3A_179 {strides = array<i32>} : memref<79x128xf32, #tpu.memory_space<vmem>>, vector<1x16xf32>,
      %broadcast_in_dim3A_180 = arith.constant 0.000000e+00 : f32
      %broadcast_in_dim3A_181 = vector.broadcast %broadcast_in_dim3A_180 : f32 to vector<16xf32>
      %swap3A_182 = arith.index_cast %while3A_139 : i32 to index
      %swap3A_183 = arith.constant 96 : index
      %swap3A_184 = tpu.vector_load %arg12[%swap3A_182, %swap3A_183] {strides = array<i32>} : memref<79x128xf32, #tpu.memory_space<vmem>>, vector<1x16xf32>,
      %swap3A_185 = vector.shape_cast %swap3A_184 : vector<1x16xf32> to vector<16xf32>
      %swap3A_186 = vector.shape_cast %broadcast_in_dim3A_181 : vector<16xf32> to vector<1x16xf32>
      tpu.vector_store %arg12[%swap3A_182, %swap3A_183], %swap3A_186 {strides = array<i32>} : memref<79x128xf32, #tpu.memory_space<vmem>>, vector<1x16xf32>,
      %broadcast_in_dim3A_187 = arith.constant 0.000000e+00 : f32
      %broadcast_in_dim3A_188 = vector.broadcast %broadcast_in_dim3A_187 : f32 to vector<16xf32>
      %swap3A_189 = arith.index_cast %while3A_139 : i32 to index
      %swap3A_190 = arith.constant 112 : index
      %swap3A_191 = tpu.vector_load %arg12[%swap3A_189, %swap3A_190] {strides = array<i32>} : memref<79x128xf32, #tpu.memory_space<vmem>>, vector<1x16xf32>,
      %swap3A_192 = vector.shape_cast %swap3A_191 : vector<1x16xf32> to vector<16xf32>
      %swap3A_193 = vector.shape_cast %broadcast_in_dim3A_188 : vector<16xf32> to vector<1x16xf32>
      tpu.vector_store %arg12[%swap3A_189, %swap3A_190], %swap3A_193 {strides = array<i32>} : memref<79x128xf32, #tpu.memory_space<vmem>>, vector<1x16xf32>,
    }
    %while3A_10 = arith.constant 1 : i32
    scf.for %while3A_139 = %while3A_8 to %while3A_4 step %while3A_10  : i32 {
      %broadcast_in_dim3A = arith.constant 0.000000e+00 : f32
      %broadcast_in_dim3A_140 = vector.broadcast %broadcast_in_dim3A : f32 to vector<16xf32>
      %swap3A = arith.index_cast %while3A_139 : i32 to index
      %swap3A_141 = arith.constant 0 : index
      %swap3A_142 = tpu.vector_load %arg12[%swap3A, %swap3A_141] {strides = array<i32>} : memref<79x128xf32, #tpu.memory_space<vmem>>, vector<1x16xf32>,
      %swap3A_143 = vector.shape_cast %swap3A_142 : vector<1x16xf32> to vector<16xf32>
      %swap3A_144 = vector.shape_cast %broadcast_in_dim3A_140 : vector<16xf32> to vector<1x16xf32>
      tpu.vector_store %arg12[%swap3A, %swap3A_141], %swap3A_144 {strides = array<i32>} : memref<79x128xf32, #tpu.memory_space<vmem>>, vector<1x16xf32>,
      %broadcast_in_dim3A_145 = arith.constant 0.000000e+00 : f32
      %broadcast_in_dim3A_146 = vector.broadcast %broadcast_in_dim3A_145 : f32 to vector<16xf32>
      %swap3A_147 = arith.index_cast %while3A_139 : i32 to index
      %swap3A_148 = arith.constant 16 : index
      %swap3A_149 = tpu.vector_load %arg12[%swap3A_147, %swap3A_148] {strides = array<i32>} : memref<79x128xf32, #tpu.memory_space<vmem>>, vector<1x16xf32>,
      %swap3A_150 = vector.shape_cast %swap3A_149 : vector<1x16xf32> to vector<16xf32>
      %swap3A_151 = vector.shape_cast %broadcast_in_dim3A_146 : vector<16xf32> to vector<1x16xf32>
      tpu.vector_store %arg12[%swap3A_147, %swap3A_148], %swap3A_151 {strides = array<i32>} : memref<79x128xf32, #tpu.memory_space<vmem>>, vector<1x16xf32>,
      %broadcast_in_dim3A_152 = arith.constant 0.000000e+00 : f32
      %broadcast_in_dim3A_153 = vector.broadcast %broadcast_in_dim3A_152 : f32 to vector<16xf32>
      %swap3A_154 = arith.index_cast %while3A_139 : i32 to index
      %swap3A_155 = arith.constant 32 : index
      %swap3A_156 = tpu.vector_load %arg12[%swap3A_154, %swap3A_155] {strides = array<i32>} : memref<79x128xf32, #tpu.memory_space<vmem>>, vector<1x16xf32>,
      %swap3A_157 = vector.shape_cast %swap3A_156 : vector<1x16xf32> to vector<16xf32>
      %swap3A_158 = vector.shape_cast %broadcast_in_dim3A_153 : vector<16xf32> to vector<1x16xf32>
      tpu.vector_store %arg12[%swap3A_154, %swap3A_155], %swap3A_158 {strides = array<i32>} : memref<79x128xf32, #tpu.memory_space<vmem>>, vector<1x16xf32>,
      %broadcast_in_dim3A_159 = arith.constant 0.000000e+00 : f32
      %broadcast_in_dim3A_160 = vector.broadcast %broadcast_in_dim3A_159 : f32 to vector<16xf32>
      %swap3A_161 = arith.index_cast %while3A_139 : i32 to index
      %swap3A_162 = arith.constant 48 : index
      %swap3A_163 = tpu.vector_load %arg12[%swap3A_161, %swap3A_162] {strides = array<i32>} : memref<79x128xf32, #tpu.memory_space<vmem>>, vector<1x16xf32>,
      %swap3A_164 = vector.shape_cast %swap3A_163 : vector<1x16xf32> to vector<16xf32>
      %swap3A_165 = vector.shape_cast %broadcast_in_dim3A_160 : vector<16xf32> to vector<1x16xf32>
      tpu.vector_store %arg12[%swap3A_161, %swap3A_162], %swap3A_165 {strides = array<i32>} : memref<79x128xf32, #tpu.memory_space<vmem>>, vector<1x16xf32>,
      %broadcast_in_dim3A_166 = arith.constant 0.000000e+00 : f32
      %broadcast_in_dim3A_167 = vector.broadcast %broadcast_in_dim3A_166 : f32 to vector<16xf32>
      %swap3A_168 = arith.index_cast %while3A_139 : i32 to index
      %swap3A_169 = arith.constant 64 : index
      %swap3A_170 = tpu.vector_load %arg12[%swap3A_168, %swap3A_169] {strides = array<i32>} : memref<79x128xf32, #tpu.memory_space<vmem>>, vector<1x16xf32>,
      %swap3A_171 = vector.shape_cast %swap3A_170 : vector<1x16xf32> to vector<16xf32>
      %swap3A_172 = vector.shape_cast %broadcast_in_dim3A_167 : vector<16xf32> to vector<1x16xf32>
      tpu.vector_store %arg12[%swap3A_168, %swap3A_169], %swap3A_172 {strides = array<i32>} : memref<79x128xf32, #tpu.memory_space<vmem>>, vector<1x16xf32>,
      %broadcast_in_dim3A_173 = arith.constant 0.000000e+00 : f32
      %broadcast_in_dim3A_174 = vector.broadcast %broadcast_in_dim3A_173 : f32 to vector<16xf32>
      %swap3A_175 = arith.index_cast %while3A_139 : i32 to index
      %swap3A_176 = arith.constant 80 : index
      %swap3A_177 = tpu.vector_load %arg12[%swap3A_175, %swap3A_176] {strides = array<i32>} : memref<79x128xf32, #tpu.memory_space<vmem>>, vector<1x16xf32>,
      %swap3A_178 = vector.shape_cast %swap3A_177 : vector<1x16xf32> to vector<16xf32>
      %swap3A_179 = vector.shape_cast %broadcast_in_dim3A_174 : vector<16xf32> to vector<1x16xf32>
      tpu.vector_store %arg12[%swap3A_175, %swap3A_176], %swap3A_179 {strides = array<i32>} : memref<79x128xf32, #tpu.memory_space<vmem>>, vector<1x16xf32>,
      %broadcast_in_dim3A_180 = arith.constant 0.000000e+00 : f32
      %broadcast_in_dim3A_181 = vector.broadcast %broadcast_in_dim3A_180 : f32 to vector<16xf32>
      %swap3A_182 = arith.index_cast %while3A_139 : i32 to index
      %swap3A_183 = arith.constant 96 : index
      %swap3A_184 = tpu.vector_load %arg12[%swap3A_182, %swap3A_183] {strides = array<i32>} : memref<79x128xf32, #tpu.memory_space<vmem>>, vector<1x16xf32>,
      %swap3A_185 = vector.shape_cast %swap3A_184 : vector<1x16xf32> to vector<16xf32>
      %swap3A_186 = vector.shape_cast %broadcast_in_dim3A_181 : vector<16xf32> to vector<1x16xf32>
      tpu.vector_store %arg12[%swap3A_182, %swap3A_183], %swap3A_186 {strides = array<i32>} : memref<79x128xf32, #tpu.memory_space<vmem>>, vector<1x16xf32>,
      %broadcast_in_dim3A_187 = arith.constant 0.000000e+00 : f32
      %broadcast_in_dim3A_188 = vector.broadcast %broadcast_in_dim3A_187 : f32 to vector<16xf32>
      %swap3A_189 = arith.index_cast %while3A_139 : i32 to index
      %swap3A_190 = arith.constant 112 : index
      %swap3A_191 = tpu.vector_load %arg12[%swap3A_189, %swap3A_190] {strides = array<i32>} : memref<79x128xf32, #tpu.memory_space<vmem>>, vector<1x16xf32>,
      %swap3A_192 = vector.shape_cast %swap3A_191 : vector<1x16xf32> to vector<16xf32>
      %swap3A_193 = vector.shape_cast %broadcast_in_dim3A_188 : vector<16xf32> to vector<1x16xf32>
      tpu.vector_store %arg12[%swap3A_189, %swap3A_190], %swap3A_193 {strides = array<i32>} : memref<79x128xf32, #tpu.memory_space<vmem>>, vector<1x16xf32>,
    }
    %while3A_11 = arith.constant 0 : i32
    %while3A_12 = arith.constant 0 : i32
    %while3A_13 = arith.constant 40 : i32
    %while3A_14 = arith.subi %while3A_13, %while3A_12 : i32
    %while3A_15 = arith.addi %while3A_12, %while3A_14 : i32
    %while3A_16 = arith.constant 1 : i32
    %while3A_17 = arith.divsi %while3A_14, %while3A_16 : i32
    %while3A_18 = arith.muli %while3A_17, %while3A_16 : i32
    %while3A_19 = arith.addi %while3A_12, %while3A_18 : i32
    %while3A_20 = arith.constant 1 : i32
    scf.for %while3A_139 = %while3A_12 to %while3A_19 step %while3A_20  : i32 {
      %broadcast_in_dim3A = arith.constant 0.000000e+00 : f32
      %broadcast_in_dim3A_140 = vector.broadcast %broadcast_in_dim3A : f32 to vector<16xf32>
      %mul3A_141 = arith.constant 16 : i32
      %mul3A_142 = arith.muli %while3A_139, %mul3A_141 : i32
      %swap3A = arith.index_cast %mul3A_142 : i32 to index
      %swap3A_143 = tpu.vector_load %arg13[%swap3A] {strides = array<i32>} : memref<640xf32, #tpu.memory_space<vmem>>, vector<16xf32>,
      %swap3A_144 = vector.shape_cast %swap3A_143 : vector<16xf32> to vector<16xf32>
      %swap3A_145 = vector.shape_cast %broadcast_in_dim3A_140 : vector<16xf32> to vector<16xf32>
      tpu.vector_store %arg13[%swap3A], %swap3A_145 {strides = array<i32>} : memref<640xf32, #tpu.memory_space<vmem>>, vector<16xf32>,
    }
    %while3A_21 = arith.constant 1 : i32
    scf.for %while3A_139 = %while3A_19 to %while3A_15 step %while3A_21  : i32 {
      %broadcast_in_dim3A = arith.constant 0.000000e+00 : f32
      %broadcast_in_dim3A_140 = vector.broadcast %broadcast_in_dim3A : f32 to vector<16xf32>
      %mul3A_141 = arith.constant 16 : i32
      %mul3A_142 = arith.muli %while3A_139, %mul3A_141 : i32
      %swap3A = arith.index_cast %mul3A_142 : i32 to index
      %swap3A_143 = tpu.vector_load %arg13[%swap3A] {strides = array<i32>} : memref<640xf32, #tpu.memory_space<vmem>>, vector<16xf32>,
      %swap3A_144 = vector.shape_cast %swap3A_143 : vector<16xf32> to vector<16xf32>
      %swap3A_145 = vector.shape_cast %broadcast_in_dim3A_140 : vector<16xf32> to vector<16xf32>
      tpu.vector_store %arg13[%swap3A], %swap3A_145 {strides = array<i32>} : memref<640xf32, #tpu.memory_space<vmem>>, vector<16xf32>,
    }
    %mul3A_22 = arith.constant 632 : i32
    %mul3A_23 = arith.muli %arg1, %mul3A_22 : i32
    %mul3A_24 = arith.constant 640 : i32
    %mul3A_25 = arith.muli %arg1, %mul3A_24 : i32
    %eq3A = arith.constant 0 : i32
    %eq3A_26 = arith.cmpi eq, %arg0, %eq3A : i32
    %mul3A_27 = arith.constant 5120 : i32
    %mul3A_28 = arith.muli %arg1, %mul3A_27 : i32
    %mul3A_29 = arith.constant 1280 : i32
    %mul3A_30 = arith.muli %arg1, %mul3A_29 : i32
    %add3A_31 = arith.constant 81920 : i32
    %add3A_32 = arith.addi %add3A_31, %mul3A_30 : i32
    %select_n3A = arith.select %eq3A_26, %mul3A_28, %add3A_32 : i32
    %eq3A_33 = arith.constant 0 : i32
    %eq3A_34 = arith.cmpi eq, %arg0, %eq3A_33 : i32
    %jit3A = arith.constant 40 : i32
    %jit3A_35 = arith.constant 10 : i32
    %select_n3A_36 = arith.select %eq3A_34, %jit3A, %jit3A_35 : i32
    %eq3A_37 = arith.constant 0 : i32
    %eq3A_38 = arith.cmpi eq, %arg0, %eq3A_37 : i32
    %jit3A_39 = arith.constant 20 : i32
    %jit3A_40 = arith.constant 5 : i32
    %select_n3A_41 = arith.select %eq3A_38, %jit3A_39, %jit3A_40 : i32
    "tpu.trace_start"() <{level = 10 : i32, message = "zero0"}> : () -> ()
    %add3A_42 = arith.constant 0 : i32
    %add3A_43 = arith.addi %mul3A_23, %add3A_42 : i32
    "tpu.region"() ({
      %run_scoped3A = tpu.sem_alloc : memref<!tpu.dma_semaphore, #tpu.memory_space<semaphore_mem>>
      %dma_start3A = arith.constant 0 : i32
      %dma_start3A_139 = tpu.memref_slice %arg21[%add3A_43, %dma_start3A] : memref<10112x128xf32, #tpu.memory_space<vmem_shared>> -> memref<79x128xf32, #tpu.memory_space<vmem_shared>>
      %dma_start3A_140 = arith.constant 0 : i32
      %dma_start3A_141 = tpu.memref_slice %arg21[%add3A_43, %dma_start3A_140] : memref<10112x128xf32, #tpu.memory_space<vmem_shared>> -> memref<79x128xf32, #tpu.memory_space<vmem_shared>>
      tpu.enqueue_dma source(%arg12 : memref<79x128xf32, #tpu.memory_space<vmem>>) target(%dma_start3A_141 : memref<79x128xf32, #tpu.memory_space<vmem_shared>>) target_semaphore(%run_scoped3A : memref<!tpu.dma_semaphore, #tpu.memory_space<semaphore_mem>>)
      %dma_wait3A = arith.constant 0 : i32
      %dma_wait3A_142 = tpu.memref_slice %arg21[%add3A_43, %dma_wait3A] : memref<10112x128xf32, #tpu.memory_space<vmem_shared>> -> memref<79x128xf32, #tpu.memory_space<vmem_shared>>
      %dma_wait3A_143 = arith.constant 0 : i32
      %dma_wait3A_144 = tpu.memref_slice %arg21[%add3A_43, %dma_wait3A_143] : memref<10112x128xf32, #tpu.memory_space<vmem_shared>> -> memref<79x128xf32, #tpu.memory_space<vmem_shared>>
      tpu.wait_dma2 semaphore(%run_scoped3A : memref<!tpu.dma_semaphore, #tpu.memory_space<semaphore_mem>>) src(%arg12 : memref<79x128xf32, #tpu.memory_space<vmem>>) dst(%dma_wait3A_144 : memref<79x128xf32, #tpu.memory_space<vmem_shared>>)
      tpu.yield
    }) : () -> ()
    %add3A_44 = arith.constant 79 : i32
    %add3A_45 = arith.addi %mul3A_23, %add3A_44 : i32
    "tpu.region"() ({
      %run_scoped3A = tpu.sem_alloc : memref<!tpu.dma_semaphore, #tpu.memory_space<semaphore_mem>>
      %dma_start3A = arith.constant 0 : i32
      %dma_start3A_139 = tpu.memref_slice %arg21[%add3A_45, %dma_start3A] : memref<10112x128xf32, #tpu.memory_space<vmem_shared>> -> memref<79x128xf32, #tpu.memory_space<vmem_shared>>
      %dma_start3A_140 = arith.constant 0 : i32
      %dma_start3A_141 = tpu.memref_slice %arg21[%add3A_45, %dma_start3A_140] : memref<10112x128xf32, #tpu.memory_space<vmem_shared>> -> memref<79x128xf32, #tpu.memory_space<vmem_shared>>
      tpu.enqueue_dma source(%arg12 : memref<79x128xf32, #tpu.memory_space<vmem>>) target(%dma_start3A_141 : memref<79x128xf32, #tpu.memory_space<vmem_shared>>) target_semaphore(%run_scoped3A : memref<!tpu.dma_semaphore, #tpu.memory_space<semaphore_mem>>)
      %dma_wait3A = arith.constant 0 : i32
      %dma_wait3A_142 = tpu.memref_slice %arg21[%add3A_45, %dma_wait3A] : memref<10112x128xf32, #tpu.memory_space<vmem_shared>> -> memref<79x128xf32, #tpu.memory_space<vmem_shared>>
      %dma_wait3A_143 = arith.constant 0 : i32
      %dma_wait3A_144 = tpu.memref_slice %arg21[%add3A_45, %dma_wait3A_143] : memref<10112x128xf32, #tpu.memory_space<vmem_shared>> -> memref<79x128xf32, #tpu.memory_space<vmem_shared>>
      tpu.wait_dma2 semaphore(%run_scoped3A : memref<!tpu.dma_semaphore, #tpu.memory_space<semaphore_mem>>) src(%arg12 : memref<79x128xf32, #tpu.memory_space<vmem>>) dst(%dma_wait3A_144 : memref<79x128xf32, #tpu.memory_space<vmem_shared>>)
      tpu.yield
    }) : () -> ()
    %add3A_46 = arith.constant 158 : i32
    %add3A_47 = arith.addi %mul3A_23, %add3A_46 : i32
    "tpu.region"() ({
      %run_scoped3A = tpu.sem_alloc : memref<!tpu.dma_semaphore, #tpu.memory_space<semaphore_mem>>
      %dma_start3A = arith.constant 0 : i32
      %dma_start3A_139 = tpu.memref_slice %arg21[%add3A_47, %dma_start3A] : memref<10112x128xf32, #tpu.memory_space<vmem_shared>> -> memref<79x128xf32, #tpu.memory_space<vmem_shared>>
      %dma_start3A_140 = arith.constant 0 : i32
      %dma_start3A_141 = tpu.memref_slice %arg21[%add3A_47, %dma_start3A_140] : memref<10112x128xf32, #tpu.memory_space<vmem_shared>> -> memref<79x128xf32, #tpu.memory_space<vmem_shared>>
      tpu.enqueue_dma source(%arg12 : memref<79x128xf32, #tpu.memory_space<vmem>>) target(%dma_start3A_141 : memref<79x128xf32, #tpu.memory_space<vmem_shared>>) target_semaphore(%run_scoped3A : memref<!tpu.dma_semaphore, #tpu.memory_space<semaphore_mem>>)
      %dma_wait3A = arith.constant 0 : i32
      %dma_wait3A_142 = tpu.memref_slice %arg21[%add3A_47, %dma_wait3A] : memref<10112x128xf32, #tpu.memory_space<vmem_shared>> -> memref<79x128xf32, #tpu.memory_space<vmem_shared>>
      %dma_wait3A_143 = arith.constant 0 : i32
      %dma_wait3A_144 = tpu.memref_slice %arg21[%add3A_47, %dma_wait3A_143] : memref<10112x128xf32, #tpu.memory_space<vmem_shared>> -> memref<79x128xf32, #tpu.memory_space<vmem_shared>>
      tpu.wait_dma2 semaphore(%run_scoped3A : memref<!tpu.dma_semaphore, #tpu.memory_space<semaphore_mem>>) src(%arg12 : memref<79x128xf32, #tpu.memory_space<vmem>>) dst(%dma_wait3A_144 : memref<79x128xf32, #tpu.memory_space<vmem_shared>>)
      tpu.yield
    }) : () -> ()
    %add3A_48 = arith.constant 237 : i32
    %add3A_49 = arith.addi %mul3A_23, %add3A_48 : i32
    "tpu.region"() ({
      %run_scoped3A = tpu.sem_alloc : memref<!tpu.dma_semaphore, #tpu.memory_space<semaphore_mem>>
      %dma_start3A = arith.constant 0 : i32
      %dma_start3A_139 = tpu.memref_slice %arg21[%add3A_49, %dma_start3A] : memref<10112x128xf32, #tpu.memory_space<vmem_shared>> -> memref<79x128xf32, #tpu.memory_space<vmem_shared>>
      %dma_start3A_140 = arith.constant 0 : i32
      %dma_start3A_141 = tpu.memref_slice %arg21[%add3A_49, %dma_start3A_140] : memref<10112x128xf32, #tpu.memory_space<vmem_shared>> -> memref<79x128xf32, #tpu.memory_space<vmem_shared>>
      tpu.enqueue_dma source(%arg12 : memref<79x128xf32, #tpu.memory_space<vmem>>) target(%dma_start3A_141 : memref<79x128xf32, #tpu.memory_space<vmem_shared>>) target_semaphore(%run_scoped3A : memref<!tpu.dma_semaphore, #tpu.memory_space<semaphore_mem>>)
      %dma_wait3A = arith.constant 0 : i32
      %dma_wait3A_142 = tpu.memref_slice %arg21[%add3A_49, %dma_wait3A] : memref<10112x128xf32, #tpu.memory_space<vmem_shared>> -> memref<79x128xf32, #tpu.memory_space<vmem_shared>>
      %dma_wait3A_143 = arith.constant 0 : i32
      %dma_wait3A_144 = tpu.memref_slice %arg21[%add3A_49, %dma_wait3A_143] : memref<10112x128xf32, #tpu.memory_space<vmem_shared>> -> memref<79x128xf32, #tpu.memory_space<vmem_shared>>
      tpu.wait_dma2 semaphore(%run_scoped3A : memref<!tpu.dma_semaphore, #tpu.memory_space<semaphore_mem>>) src(%arg12 : memref<79x128xf32, #tpu.memory_space<vmem>>) dst(%dma_wait3A_144 : memref<79x128xf32, #tpu.memory_space<vmem_shared>>)
      tpu.yield
    }) : () -> ()
    %add3A_50 = arith.constant 316 : i32
    %add3A_51 = arith.addi %mul3A_23, %add3A_50 : i32
    "tpu.region"() ({
      %run_scoped3A = tpu.sem_alloc : memref<!tpu.dma_semaphore, #tpu.memory_space<semaphore_mem>>
      %dma_start3A = arith.constant 0 : i32
      %dma_start3A_139 = tpu.memref_slice %arg21[%add3A_51, %dma_start3A] : memref<10112x128xf32, #tpu.memory_space<vmem_shared>> -> memref<79x128xf32, #tpu.memory_space<vmem_shared>>
      %dma_start3A_140 = arith.constant 0 : i32
      %dma_start3A_141 = tpu.memref_slice %arg21[%add3A_51, %dma_start3A_140] : memref<10112x128xf32, #tpu.memory_space<vmem_shared>> -> memref<79x128xf32, #tpu.memory_space<vmem_shared>>
      tpu.enqueue_dma source(%arg12 : memref<79x128xf32, #tpu.memory_space<vmem>>) target(%dma_start3A_141 : memref<79x128xf32, #tpu.memory_space<vmem_shared>>) target_semaphore(%run_scoped3A : memref<!tpu.dma_semaphore, #tpu.memory_space<semaphore_mem>>)
      %dma_wait3A = arith.constant 0 : i32
      %dma_wait3A_142 = tpu.memref_slice %arg21[%add3A_51, %dma_wait3A] : memref<10112x128xf32, #tpu.memory_space<vmem_shared>> -> memref<79x128xf32, #tpu.memory_space<vmem_shared>>
      %dma_wait3A_143 = arith.constant 0 : i32
      %dma_wait3A_144 = tpu.memref_slice %arg21[%add3A_51, %dma_wait3A_143] : memref<10112x128xf32, #tpu.memory_space<vmem_shared>> -> memref<79x128xf32, #tpu.memory_space<vmem_shared>>
      tpu.wait_dma2 semaphore(%run_scoped3A : memref<!tpu.dma_semaphore, #tpu.memory_space<semaphore_mem>>) src(%arg12 : memref<79x128xf32, #tpu.memory_space<vmem>>) dst(%dma_wait3A_144 : memref<79x128xf32, #tpu.memory_space<vmem_shared>>)
      tpu.yield
    }) : () -> ()
    %add3A_52 = arith.constant 395 : i32
    %add3A_53 = arith.addi %mul3A_23, %add3A_52 : i32
    "tpu.region"() ({
      %run_scoped3A = tpu.sem_alloc : memref<!tpu.dma_semaphore, #tpu.memory_space<semaphore_mem>>
      %dma_start3A = arith.constant 0 : i32
      %dma_start3A_139 = tpu.memref_slice %arg21[%add3A_53, %dma_start3A] : memref<10112x128xf32, #tpu.memory_space<vmem_shared>> -> memref<79x128xf32, #tpu.memory_space<vmem_shared>>
      %dma_start3A_140 = arith.constant 0 : i32
      %dma_start3A_141 = tpu.memref_slice %arg21[%add3A_53, %dma_start3A_140] : memref<10112x128xf32, #tpu.memory_space<vmem_shared>> -> memref<79x128xf32, #tpu.memory_space<vmem_shared>>
      tpu.enqueue_dma source(%arg12 : memref<79x128xf32, #tpu.memory_space<vmem>>) target(%dma_start3A_141 : memref<79x128xf32, #tpu.memory_space<vmem_shared>>) target_semaphore(%run_scoped3A : memref<!tpu.dma_semaphore, #tpu.memory_space<semaphore_mem>>)
      %dma_wait3A = arith.constant 0 : i32
      %dma_wait3A_142 = tpu.memref_slice %arg21[%add3A_53, %dma_wait3A] : memref<10112x128xf32, #tpu.memory_space<vmem_shared>> -> memref<79x128xf32, #tpu.memory_space<vmem_shared>>
      %dma_wait3A_143 = arith.constant 0 : i32
      %dma_wait3A_144 = tpu.memref_slice %arg21[%add3A_53, %dma_wait3A_143] : memref<10112x128xf32, #tpu.memory_space<vmem_shared>> -> memref<79x128xf32, #tpu.memory_space<vmem_shared>>
      tpu.wait_dma2 semaphore(%run_scoped3A : memref<!tpu.dma_semaphore, #tpu.memory_space<semaphore_mem>>) src(%arg12 : memref<79x128xf32, #tpu.memory_space<vmem>>) dst(%dma_wait3A_144 : memref<79x128xf32, #tpu.memory_space<vmem_shared>>)
      tpu.yield
    }) : () -> ()
    %add3A_54 = arith.constant 474 : i32
    %add3A_55 = arith.addi %mul3A_23, %add3A_54 : i32
    "tpu.region"() ({
      %run_scoped3A = tpu.sem_alloc : memref<!tpu.dma_semaphore, #tpu.memory_space<semaphore_mem>>
      %dma_start3A = arith.constant 0 : i32
      %dma_start3A_139 = tpu.memref_slice %arg21[%add3A_55, %dma_start3A] : memref<10112x128xf32, #tpu.memory_space<vmem_shared>> -> memref<79x128xf32, #tpu.memory_space<vmem_shared>>
      %dma_start3A_140 = arith.constant 0 : i32
      %dma_start3A_141 = tpu.memref_slice %arg21[%add3A_55, %dma_start3A_140] : memref<10112x128xf32, #tpu.memory_space<vmem_shared>> -> memref<79x128xf32, #tpu.memory_space<vmem_shared>>
      tpu.enqueue_dma source(%arg12 : memref<79x128xf32, #tpu.memory_space<vmem>>) target(%dma_start3A_141 : memref<79x128xf32, #tpu.memory_space<vmem_shared>>) target_semaphore(%run_scoped3A : memref<!tpu.dma_semaphore, #tpu.memory_space<semaphore_mem>>)
      %dma_wait3A = arith.constant 0 : i32
      %dma_wait3A_142 = tpu.memref_slice %arg21[%add3A_55, %dma_wait3A] : memref<10112x128xf32, #tpu.memory_space<vmem_shared>> -> memref<79x128xf32, #tpu.memory_space<vmem_shared>>
      %dma_wait3A_143 = arith.constant 0 : i32
      %dma_wait3A_144 = tpu.memref_slice %arg21[%add3A_55, %dma_wait3A_143] : memref<10112x128xf32, #tpu.memory_space<vmem_shared>> -> memref<79x128xf32, #tpu.memory_space<vmem_shared>>
      tpu.wait_dma2 semaphore(%run_scoped3A : memref<!tpu.dma_semaphore, #tpu.memory_space<semaphore_mem>>) src(%arg12 : memref<79x128xf32, #tpu.memory_space<vmem>>) dst(%dma_wait3A_144 : memref<79x128xf32, #tpu.memory_space<vmem_shared>>)
      tpu.yield
    }) : () -> ()
    %add3A_56 = arith.constant 553 : i32
    %add3A_57 = arith.addi %mul3A_23, %add3A_56 : i32
    "tpu.region"() ({
      %run_scoped3A = tpu.sem_alloc : memref<!tpu.dma_semaphore, #tpu.memory_space<semaphore_mem>>
      %dma_start3A = arith.constant 0 : i32
      %dma_start3A_139 = tpu.memref_slice %arg21[%add3A_57, %dma_start3A] : memref<10112x128xf32, #tpu.memory_space<vmem_shared>> -> memref<79x128xf32, #tpu.memory_space<vmem_shared>>
      %dma_start3A_140 = arith.constant 0 : i32
      %dma_start3A_141 = tpu.memref_slice %arg21[%add3A_57, %dma_start3A_140] : memref<10112x128xf32, #tpu.memory_space<vmem_shared>> -> memref<79x128xf32, #tpu.memory_space<vmem_shared>>
      tpu.enqueue_dma source(%arg12 : memref<79x128xf32, #tpu.memory_space<vmem>>) target(%dma_start3A_141 : memref<79x128xf32, #tpu.memory_space<vmem_shared>>) target_semaphore(%run_scoped3A : memref<!tpu.dma_semaphore, #tpu.memory_space<semaphore_mem>>)
      %dma_wait3A = arith.constant 0 : i32
      %dma_wait3A_142 = tpu.memref_slice %arg21[%add3A_57, %dma_wait3A] : memref<10112x128xf32, #tpu.memory_space<vmem_shared>> -> memref<79x128xf32, #tpu.memory_space<vmem_shared>>
      %dma_wait3A_143 = arith.constant 0 : i32
      %dma_wait3A_144 = tpu.memref_slice %arg21[%add3A_57, %dma_wait3A_143] : memref<10112x128xf32, #tpu.memory_space<vmem_shared>> -> memref<79x128xf32, #tpu.memory_space<vmem_shared>>
      tpu.wait_dma2 semaphore(%run_scoped3A : memref<!tpu.dma_semaphore, #tpu.memory_space<semaphore_mem>>) src(%arg12 : memref<79x128xf32, #tpu.memory_space<vmem>>) dst(%dma_wait3A_144 : memref<79x128xf32, #tpu.memory_space<vmem_shared>>)
      tpu.yield
    }) : () -> ()
    %barrier3A = arith.constant 0 : index
    tpu.barrier barrier_id(%barrier3A)
    %lt3A = arith.constant 0 : i32
    "tpu.trace_stop"() : () -> ()
    "tpu.trace_start"() <{level = 10 : i32, message = "chunks0"}> : () -> ()
    %lt3A_58 = arith.cmpi slt, %lt3A, %select_n3A_36 : i32
    %convert_element_type3A = arith.extui %lt3A_58 : i1 to i32
    %cond3A = arith.constant 0 : i32
    %cond3A_59 = arith.cmpi ne, %convert_element_type3A, %cond3A : i32
    scf.if %cond3A_59 {
      %mul3A_139 = arith.constant 0 : i32
      %mul3A_140 = arith.constant 128 : i32
      %mul3A_141 = arith.muli %mul3A_139, %mul3A_140 : i32
      %add3A_142 = arith.addi %select_n3A, %mul3A_141 : i32
      "tpu.region"() ({
        %run_scoped3A = tpu.sem_alloc : memref<!tpu.dma_semaphore, #tpu.memory_space<semaphore_mem>>
        %dma_start3A_152 = tpu.memref_slice %arg3[%add3A_142] : memref<102400xi32, #tpu.memory_space<hbm>> -> memref<128xi32, #tpu.memory_space<hbm>>
        %dma_start3A_153 = tpu.memref_slice %arg3[%add3A_142] : memref<102400xi32, #tpu.memory_space<hbm>> -> memref<128xi32, #tpu.memory_space<hbm>>
        tpu.enqueue_dma source(%dma_start3A_153 : memref<128xi32, #tpu.memory_space<hbm>>) target(%arg15 : memref<128xi32, #tpu.memory_space<vmem>>) target_semaphore(%run_scoped3A : memref<!tpu.dma_semaphore, #tpu.memory_space<semaphore_mem>>)
        %dma_wait3A = tpu.memref_slice %arg3[%add3A_142] : memref<102400xi32, #tpu.memory_space<hbm>> -> memref<128xi32, #tpu.memory_space<hbm>>
        %dma_wait3A_154 = tpu.memref_slice %arg3[%add3A_142] : memref<102400xi32, #tpu.memory_space<hbm>> -> memref<128xi32, #tpu.memory_space<hbm>>
        tpu.wait_dma2 semaphore(%run_scoped3A : memref<!tpu.dma_semaphore, #tpu.memory_space<semaphore_mem>>) src(%dma_wait3A_154 : memref<128xi32, #tpu.memory_space<hbm>>) dst(%arg15 : memref<128xi32, #tpu.memory_space<vmem>>)
        tpu.yield
      }) : () -> ()
      "tpu.region"() ({
        %run_scoped3A = tpu.sem_alloc : memref<!tpu.dma_semaphore, #tpu.memory_space<semaphore_mem>>
        %dma_start3A_152 = tpu.memref_slice %arg4[%add3A_142] : memref<102400xi32, #tpu.memory_space<hbm>> -> memref<128xi32, #tpu.memory_space<hbm>>
        %dma_start3A_153 = tpu.memref_slice %arg4[%add3A_142] : memref<102400xi32, #tpu.memory_space<hbm>> -> memref<128xi32, #tpu.memory_space<hbm>>
        tpu.enqueue_dma source(%dma_start3A_153 : memref<128xi32, #tpu.memory_space<hbm>>) target(%arg17 : memref<128xi32, #tpu.memory_space<vmem>>) target_semaphore(%run_scoped3A : memref<!tpu.dma_semaphore, #tpu.memory_space<semaphore_mem>>)
        %dma_wait3A = tpu.memref_slice %arg4[%add3A_142] : memref<102400xi32, #tpu.memory_space<hbm>> -> memref<128xi32, #tpu.memory_space<hbm>>
        %dma_wait3A_154 = tpu.memref_slice %arg4[%add3A_142] : memref<102400xi32, #tpu.memory_space<hbm>> -> memref<128xi32, #tpu.memory_space<hbm>>
        tpu.wait_dma2 semaphore(%run_scoped3A : memref<!tpu.dma_semaphore, #tpu.memory_space<semaphore_mem>>) src(%dma_wait3A_154 : memref<128xi32, #tpu.memory_space<hbm>>) dst(%arg17 : memref<128xi32, #tpu.memory_space<vmem>>)
        tpu.yield
      }) : () -> ()
      %dma_start3A = arith.constant 0 : i32
      %dma_start3A_143 = arith.constant 0 : i32
      %dma_start3A_144 = tpu.memref_slice %arg2[%dma_start3A, %dma_start3A_143] : memref<10000x128xf32, #tpu.memory_space<hbm>> -> memref<10000x128xf32, #tpu.memory_space<hbm>>
      tpu.enqueue_indirect_dma source(%dma_start3A_144 : memref<10000x128xf32, #tpu.memory_space<hbm>>) target(%arg19 : memref<128x128xf32, #tpu.memory_space<vmem>>) offsets(%arg15 : memref<128xi32, #tpu.memory_space<vmem>>) semaphore(%arg23 : memref<!tpu.dma_semaphore, #tpu.memory_space<semaphore_mem>>)
      %mul3A_145 = arith.constant 1 : i32
      %mul3A_146 = arith.constant 128 : i32
      %mul3A_147 = arith.muli %mul3A_145, %mul3A_146 : i32
      %add3A_148 = arith.addi %select_n3A, %mul3A_147 : i32
      "tpu.region"() ({
        %run_scoped3A = tpu.sem_alloc : memref<!tpu.dma_semaphore, #tpu.memory_space<semaphore_mem>>
        %dma_start3A_152 = tpu.memref_slice %arg3[%add3A_148] : memref<102400xi32, #tpu.memory_space<hbm>> -> memref<128xi32, #tpu.memory_space<hbm>>
        %dma_start3A_153 = tpu.memref_slice %arg3[%add3A_148] : memref<102400xi32, #tpu.memory_space<hbm>> -> memref<128xi32, #tpu.memory_space<hbm>>
        tpu.enqueue_dma source(%dma_start3A_153 : memref<128xi32, #tpu.memory_space<hbm>>) target(%arg16 : memref<128xi32, #tpu.memory_space<vmem>>) target_semaphore(%run_scoped3A : memref<!tpu.dma_semaphore, #tpu.memory_space<semaphore_mem>>)
        %dma_wait3A = tpu.memref_slice %arg3[%add3A_148] : memref<102400xi32, #tpu.memory_space<hbm>> -> memref<128xi32, #tpu.memory_space<hbm>>
        %dma_wait3A_154 = tpu.memref_slice %arg3[%add3A_148] : memref<102400xi32, #tpu.memory_space<hbm>> -> memref<128xi32, #tpu.memory_space<hbm>>
        tpu.wait_dma2 semaphore(%run_scoped3A : memref<!tpu.dma_semaphore, #tpu.memory_space<semaphore_mem>>) src(%dma_wait3A_154 : memref<128xi32, #tpu.memory_space<hbm>>) dst(%arg16 : memref<128xi32, #tpu.memory_space<vmem>>)
        tpu.yield
      }) : () -> ()
      "tpu.region"() ({
        %run_scoped3A = tpu.sem_alloc : memref<!tpu.dma_semaphore, #tpu.memory_space<semaphore_mem>>
        %dma_start3A_152 = tpu.memref_slice %arg4[%add3A_148] : memref<102400xi32, #tpu.memory_space<hbm>> -> memref<128xi32, #tpu.memory_space<hbm>>
        %dma_start3A_153 = tpu.memref_slice %arg4[%add3A_148] : memref<102400xi32, #tpu.memory_space<hbm>> -> memref<128xi32, #tpu.memory_space<hbm>>
        tpu.enqueue_dma source(%dma_start3A_153 : memref<128xi32, #tpu.memory_space<hbm>>) target(%arg18 : memref<128xi32, #tpu.memory_space<vmem>>) target_semaphore(%run_scoped3A : memref<!tpu.dma_semaphore, #tpu.memory_space<semaphore_mem>>)
        %dma_wait3A = tpu.memref_slice %arg4[%add3A_148] : memref<102400xi32, #tpu.memory_space<hbm>> -> memref<128xi32, #tpu.memory_space<hbm>>
        %dma_wait3A_154 = tpu.memref_slice %arg4[%add3A_148] : memref<102400xi32, #tpu.memory_space<hbm>> -> memref<128xi32, #tpu.memory_space<hbm>>
        tpu.wait_dma2 semaphore(%run_scoped3A : memref<!tpu.dma_semaphore, #tpu.memory_space<semaphore_mem>>) src(%dma_wait3A_154 : memref<128xi32, #tpu.memory_space<hbm>>) dst(%arg18 : memref<128xi32, #tpu.memory_space<vmem>>)
        tpu.yield
      }) : () -> ()
      %dma_start3A_149 = arith.constant 0 : i32
      %dma_start3A_150 = arith.constant 0 : i32
      %dma_start3A_151 = tpu.memref_slice %arg2[%dma_start3A_149, %dma_start3A_150] : memref<10000x128xf32, #tpu.memory_space<hbm>> -> memref<10000x128xf32, #tpu.memory_space<hbm>>
      tpu.enqueue_indirect_dma source(%dma_start3A_151 : memref<10000x128xf32, #tpu.memory_space<hbm>>) target(%arg20 : memref<128x128xf32, #tpu.memory_space<vmem>>) offsets(%arg16 : memref<128xi32, #tpu.memory_space<vmem>>) semaphore(%arg24 : memref<!tpu.dma_semaphore, #tpu.memory_space<semaphore_mem>>)
    } else {
    }
    %while3A_60 = arith.constant 0 : i32
    %while3A_61 = arith.constant 0 : i32
    %while3A_62 = arith.subi %select_n3A_41, %while3A_61 : i32
    %while3A_63 = arith.addi %while3A_61, %while3A_62 : i32
    %while3A_64 = arith.constant 1 : i32
    %while3A_65 = arith.divsi %while3A_62, %while3A_64 : i32
    %while3A_66 = arith.muli %while3A_65, %while3A_64 : i32
    %while3A_67 = arith.addi %while3A_61, %while3A_66 : i32
    %while3A_68 = arith.constant 1 : i32
    scf.for %while3A_139 = %while3A_61 to %while3A_67 step %while3A_68  : i32 {
      %dma_wait3A = arith.constant 0 : i32
      %dma_wait3A_140 = arith.constant 0 : i32
      %dma_wait3A_141 = tpu.memref_slice %arg2[%dma_wait3A, %dma_wait3A_140] : memref<10000x128xf32, #tpu.memory_space<hbm>> -> memref<10000x128xf32, #tpu.memory_space<hbm>>
      tpu.wait_indirect_dma semaphore(%arg23 : memref<!tpu.dma_semaphore, #tpu.memory_space<semaphore_mem>>) src(%dma_wait3A_141 : memref<10000x128xf32, #tpu.memory_space<hbm>>) dst(%arg19 : memref<128x128xf32, #tpu.memory_space<vmem>>)
      "tpu.region"() ({
        %run_scoped3A = tpu.sem_alloc : memref<!tpu.dma_semaphore, #tpu.memory_space<semaphore_mem>>
        %dma_start3A = arith.constant 0 : i32
        %dma_start3A_161 = arith.constant 0 : i32
        %dma_start3A_162 = tpu.memref_slice %arg21[%dma_start3A, %dma_start3A_161] : memref<10112x128xf32, #tpu.memory_space<vmem_shared>> -> memref<10112x128xf32, #tpu.memory_space<vmem_shared>>
        tpu.enqueue_indirect_dma source(%arg19 : memref<128x128xf32, #tpu.memory_space<vmem>>) target(%dma_start3A_162 : memref<10112x128xf32, #tpu.memory_space<vmem_shared>>) offsets(%arg17 : memref<128xi32, #tpu.memory_space<vmem>>) semaphore(%run_scoped3A : memref<!tpu.dma_semaphore, #tpu.memory_space<semaphore_mem>>) {add = true}
        %dma_wait3A_163 = arith.constant 0 : i32
        %dma_wait3A_164 = arith.constant 0 : i32
        %dma_wait3A_165 = tpu.memref_slice %arg21[%dma_wait3A_163, %dma_wait3A_164] : memref<10112x128xf32, #tpu.memory_space<vmem_shared>> -> memref<10112x128xf32, #tpu.memory_space<vmem_shared>>
        tpu.wait_indirect_dma semaphore(%run_scoped3A : memref<!tpu.dma_semaphore, #tpu.memory_space<semaphore_mem>>) src(%arg19 : memref<128x128xf32, #tpu.memory_space<vmem>>) dst(%dma_wait3A_165 : memref<10112x128xf32, #tpu.memory_space<vmem_shared>>)
        tpu.yield
      }) : () -> ()
      %mul3A_142 = arith.constant 2 : i32
      %mul3A_143 = arith.muli %mul3A_142, %while3A_139 : i32
      %add3A_144 = arith.constant 2 : i32
      %add3A_145 = arith.addi %mul3A_143, %add3A_144 : i32
      %lt3A_146 = arith.cmpi slt, %add3A_145, %select_n3A_36 : i32
      %convert_element_type3A_147 = arith.extui %lt3A_146 : i1 to i32
      %cond3A_148 = arith.constant 0 : i32
      %cond3A_149 = arith.cmpi ne, %convert_element_type3A_147, %cond3A_148 : i32
      scf.if %cond3A_149 {
        %mul3A_161 = arith.constant 2 : i32
        %mul3A_162 = arith.muli %mul3A_161, %while3A_139 : i32
        %add3A_163 = arith.constant 2 : i32
        %add3A_164 = arith.addi %mul3A_162, %add3A_163 : i32
        %mul3A_165 = arith.constant 128 : i32
        %mul3A_166 = arith.muli %add3A_164, %mul3A_165 : i32
        %add3A_167 = arith.addi %select_n3A, %mul3A_166 : i32
        "tpu.region"() ({
          %run_scoped3A = tpu.sem_alloc : memref<!tpu.dma_semaphore, #tpu.memory_space<semaphore_mem>>
          %dma_start3A_170 = tpu.memref_slice %arg3[%add3A_167] : memref<102400xi32, #tpu.memory_space<hbm>> -> memref<128xi32, #tpu.memory_space<hbm>>
          %dma_start3A_171 = tpu.memref_slice %arg3[%add3A_167] : memref<102400xi32, #tpu.memory_space<hbm>> -> memref<128xi32, #tpu.memory_space<hbm>>
          tpu.enqueue_dma source(%dma_start3A_171 : memref<128xi32, #tpu.memory_space<hbm>>) target(%arg15 : memref<128xi32, #tpu.memory_space<vmem>>) target_semaphore(%run_scoped3A : memref<!tpu.dma_semaphore, #tpu.memory_space<semaphore_mem>>)
          %dma_wait3A_172 = tpu.memref_slice %arg3[%add3A_167] : memref<102400xi32, #tpu.memory_space<hbm>> -> memref<128xi32, #tpu.memory_space<hbm>>
          %dma_wait3A_173 = tpu.memref_slice %arg3[%add3A_167] : memref<102400xi32, #tpu.memory_space<hbm>> -> memref<128xi32, #tpu.memory_space<hbm>>
          tpu.wait_dma2 semaphore(%run_scoped3A : memref<!tpu.dma_semaphore, #tpu.memory_space<semaphore_mem>>) src(%dma_wait3A_173 : memref<128xi32, #tpu.memory_space<hbm>>) dst(%arg15 : memref<128xi32, #tpu.memory_space<vmem>>)
          tpu.yield
        }) : () -> ()
        "tpu.region"() ({
          %run_scoped3A = tpu.sem_alloc : memref<!tpu.dma_semaphore, #tpu.memory_space<semaphore_mem>>
          %dma_start3A_170 = tpu.memref_slice %arg4[%add3A_167] : memref<102400xi32, #tpu.memory_space<hbm>> -> memref<128xi32, #tpu.memory_space<hbm>>
          %dma_start3A_171 = tpu.memref_slice %arg4[%add3A_167] : memref<102400xi32, #tpu.memory_space<hbm>> -> memref<128xi32, #tpu.memory_space<hbm>>
          tpu.enqueue_dma source(%dma_start3A_171 : memref<128xi32, #tpu.memory_space<hbm>>) target(%arg17 : memref<128xi32, #tpu.memory_space<vmem>>) target_semaphore(%run_scoped3A : memref<!tpu.dma_semaphore, #tpu.memory_space<semaphore_mem>>)
          %dma_wait3A_172 = tpu.memref_slice %arg4[%add3A_167] : memref<102400xi32, #tpu.memory_space<hbm>> -> memref<128xi32, #tpu.memory_space<hbm>>
          %dma_wait3A_173 = tpu.memref_slice %arg4[%add3A_167] : memref<102400xi32, #tpu.memory_space<hbm>> -> memref<128xi32, #tpu.memory_space<hbm>>
          tpu.wait_dma2 semaphore(%run_scoped3A : memref<!tpu.dma_semaphore, #tpu.memory_space<semaphore_mem>>) src(%dma_wait3A_173 : memref<128xi32, #tpu.memory_space<hbm>>) dst(%arg17 : memref<128xi32, #tpu.memory_space<vmem>>)
          tpu.yield
        }) : () -> ()
        %dma_start3A = arith.constant 0 : i32
        %dma_start3A_168 = arith.constant 0 : i32
        %dma_start3A_169 = tpu.memref_slice %arg2[%dma_start3A, %dma_start3A_168] : memref<10000x128xf32, #tpu.memory_space<hbm>> -> memref<10000x128xf32, #tpu.memory_space<hbm>>
        tpu.enqueue_indirect_dma source(%dma_start3A_169 : memref<10000x128xf32, #tpu.memory_space<hbm>>) target(%arg19 : memref<128x128xf32, #tpu.memory_space<vmem>>) offsets(%arg15 : memref<128xi32, #tpu.memory_space<vmem>>) semaphore(%arg23 : memref<!tpu.dma_semaphore, #tpu.memory_space<semaphore_mem>>)
      } else {
      }
      %dma_wait3A_150 = arith.constant 0 : i32
      %dma_wait3A_151 = arith.constant 0 : i32
      %dma_wait3A_152 = tpu.memref_slice %arg2[%dma_wait3A_150, %dma_wait3A_151] : memref<10000x128xf32, #tpu.memory_space<hbm>> -> memref<10000x128xf32, #tpu.memory_space<hbm>>
      tpu.wait_indirect_dma semaphore(%arg24 : memref<!tpu.dma_semaphore, #tpu.memory_space<semaphore_mem>>) src(%dma_wait3A_152 : memref<10000x128xf32, #tpu.memory_space<hbm>>) dst(%arg20 : memref<128x128xf32, #tpu.memory_space<vmem>>)
      "tpu.region"() ({
        %run_scoped3A = tpu.sem_alloc : memref<!tpu.dma_semaphore, #tpu.memory_space<semaphore_mem>>
        %dma_start3A = arith.constant 0 : i32
        %dma_start3A_161 = arith.constant 0 : i32
        %dma_start3A_162 = tpu.memref_slice %arg21[%dma_start3A, %dma_start3A_161] : memref<10112x128xf32, #tpu.memory_space<vmem_shared>> -> memref<10112x128xf32, #tpu.memory_space<vmem_shared>>
        tpu.enqueue_indirect_dma source(%arg20 : memref<128x128xf32, #tpu.memory_space<vmem>>) target(%dma_start3A_162 : memref<10112x128xf32, #tpu.memory_space<vmem_shared>>) offsets(%arg18 : memref<128xi32, #tpu.memory_space<vmem>>) semaphore(%run_scoped3A : memref<!tpu.dma_semaphore, #tpu.memory_space<semaphore_mem>>) {add = true}
        %dma_wait3A_163 = arith.constant 0 : i32
        %dma_wait3A_164 = arith.constant 0 : i32
        %dma_wait3A_165 = tpu.memref_slice %arg21[%dma_wait3A_163, %dma_wait3A_164] : memref<10112x128xf32, #tpu.memory_space<vmem_shared>> -> memref<10112x128xf32, #tpu.memory_space<vmem_shared>>
        tpu.wait_indirect_dma semaphore(%run_scoped3A : memref<!tpu.dma_semaphore, #tpu.memory_space<semaphore_mem>>) src(%arg20 : memref<128x128xf32, #tpu.memory_space<vmem>>) dst(%dma_wait3A_165 : memref<10112x128xf32, #tpu.memory_space<vmem_shared>>)
        tpu.yield
      }) : () -> ()
      %mul3A_153 = arith.constant 2 : i32
      %mul3A_154 = arith.muli %mul3A_153, %while3A_139 : i32
      %add3A_155 = arith.constant 3 : i32
      %add3A_156 = arith.addi %mul3A_154, %add3A_155 : i32
      %lt3A_157 = arith.cmpi slt, %add3A_156, %select_n3A_36 : i32
      %convert_element_type3A_158 = arith.extui %lt3A_157 : i1 to i32
      %cond3A_159 = arith.constant 0 : i32
      %cond3A_160 = arith.cmpi ne, %convert_element_type3A_158, %cond3A_159 : i32
      scf.if %cond3A_160 {
        %mul3A_161 = arith.constant 2 : i32
        %mul3A_162 = arith.muli %mul3A_161, %while3A_139 : i32
        %add3A_163 = arith.constant 3 : i32
        %add3A_164 = arith.addi %mul3A_162, %add3A_163 : i32
        %mul3A_165 = arith.constant 128 : i32
        %mul3A_166 = arith.muli %add3A_164, %mul3A_165 : i32
        %add3A_167 = arith.addi %select_n3A, %mul3A_166 : i32
        "tpu.region"() ({
          %run_scoped3A = tpu.sem_alloc : memref<!tpu.dma_semaphore, #tpu.memory_space<semaphore_mem>>
          %dma_start3A_170 = tpu.memref_slice %arg3[%add3A_167] : memref<102400xi32, #tpu.memory_space<hbm>> -> memref<128xi32, #tpu.memory_space<hbm>>
          %dma_start3A_171 = tpu.memref_slice %arg3[%add3A_167] : memref<102400xi32, #tpu.memory_space<hbm>> -> memref<128xi32, #tpu.memory_space<hbm>>
          tpu.enqueue_dma source(%dma_start3A_171 : memref<128xi32, #tpu.memory_space<hbm>>) target(%arg16 : memref<128xi32, #tpu.memory_space<vmem>>) target_semaphore(%run_scoped3A : memref<!tpu.dma_semaphore, #tpu.memory_space<semaphore_mem>>)
          %dma_wait3A_172 = tpu.memref_slice %arg3[%add3A_167] : memref<102400xi32, #tpu.memory_space<hbm>> -> memref<128xi32, #tpu.memory_space<hbm>>
          %dma_wait3A_173 = tpu.memref_slice %arg3[%add3A_167] : memref<102400xi32, #tpu.memory_space<hbm>> -> memref<128xi32, #tpu.memory_space<hbm>>
          tpu.wait_dma2 semaphore(%run_scoped3A : memref<!tpu.dma_semaphore, #tpu.memory_space<semaphore_mem>>) src(%dma_wait3A_173 : memref<128xi32, #tpu.memory_space<hbm>>) dst(%arg16 : memref<128xi32, #tpu.memory_space<vmem>>)
          tpu.yield
        }) : () -> ()
        "tpu.region"() ({
          %run_scoped3A = tpu.sem_alloc : memref<!tpu.dma_semaphore, #tpu.memory_space<semaphore_mem>>
          %dma_start3A_170 = tpu.memref_slice %arg4[%add3A_167] : memref<102400xi32, #tpu.memory_space<hbm>> -> memref<128xi32, #tpu.memory_space<hbm>>
          %dma_start3A_171 = tpu.memref_slice %arg4[%add3A_167] : memref<102400xi32, #tpu.memory_space<hbm>> -> memref<128xi32, #tpu.memory_space<hbm>>
          tpu.enqueue_dma source(%dma_start3A_171 : memref<128xi32, #tpu.memory_space<hbm>>) target(%arg18 : memref<128xi32, #tpu.memory_space<vmem>>) target_semaphore(%run_scoped3A : memref<!tpu.dma_semaphore, #tpu.memory_space<semaphore_mem>>)
          %dma_wait3A_172 = tpu.memref_slice %arg4[%add3A_167] : memref<102400xi32, #tpu.memory_space<hbm>> -> memref<128xi32, #tpu.memory_space<hbm>>
          %dma_wait3A_173 = tpu.memref_slice %arg4[%add3A_167] : memref<102400xi32, #tpu.memory_space<hbm>> -> memref<128xi32, #tpu.memory_space<hbm>>
          tpu.wait_dma2 semaphore(%run_scoped3A : memref<!tpu.dma_semaphore, #tpu.memory_space<semaphore_mem>>) src(%dma_wait3A_173 : memref<128xi32, #tpu.memory_space<hbm>>) dst(%arg18 : memref<128xi32, #tpu.memory_space<vmem>>)
          tpu.yield
        }) : () -> ()
        %dma_start3A = arith.constant 0 : i32
        %dma_start3A_168 = arith.constant 0 : i32
        %dma_start3A_169 = tpu.memref_slice %arg2[%dma_start3A, %dma_start3A_168] : memref<10000x128xf32, #tpu.memory_space<hbm>> -> memref<10000x128xf32, #tpu.memory_space<hbm>>
        tpu.enqueue_indirect_dma source(%dma_start3A_169 : memref<10000x128xf32, #tpu.memory_space<hbm>>) target(%arg20 : memref<128x128xf32, #tpu.memory_space<vmem>>) offsets(%arg16 : memref<128xi32, #tpu.memory_space<vmem>>) semaphore(%arg24 : memref<!tpu.dma_semaphore, #tpu.memory_space<semaphore_mem>>)
      } else {
      }
    }
    %while3A_69 = arith.constant 1 : i32
    scf.for %while3A_139 = %while3A_67 to %while3A_63 step %while3A_69  : i32 {
      %dma_wait3A = arith.constant 0 : i32
      %dma_wait3A_140 = arith.constant 0 : i32
      %dma_wait3A_141 = tpu.memref_slice %arg2[%dma_wait3A, %dma_wait3A_140] : memref<10000x128xf32, #tpu.memory_space<hbm>> -> memref<10000x128xf32, #tpu.memory_space<hbm>>
      tpu.wait_indirect_dma semaphore(%arg23 : memref<!tpu.dma_semaphore, #tpu.memory_space<semaphore_mem>>) src(%dma_wait3A_141 : memref<10000x128xf32, #tpu.memory_space<hbm>>) dst(%arg19 : memref<128x128xf32, #tpu.memory_space<vmem>>)
      "tpu.region"() ({
        %run_scoped3A = tpu.sem_alloc : memref<!tpu.dma_semaphore, #tpu.memory_space<semaphore_mem>>
        %dma_start3A = arith.constant 0 : i32
        %dma_start3A_161 = arith.constant 0 : i32
        %dma_start3A_162 = tpu.memref_slice %arg21[%dma_start3A, %dma_start3A_161] : memref<10112x128xf32, #tpu.memory_space<vmem_shared>> -> memref<10112x128xf32, #tpu.memory_space<vmem_shared>>
        tpu.enqueue_indirect_dma source(%arg19 : memref<128x128xf32, #tpu.memory_space<vmem>>) target(%dma_start3A_162 : memref<10112x128xf32, #tpu.memory_space<vmem_shared>>) offsets(%arg17 : memref<128xi32, #tpu.memory_space<vmem>>) semaphore(%run_scoped3A : memref<!tpu.dma_semaphore, #tpu.memory_space<semaphore_mem>>) {add = true}
        %dma_wait3A_163 = arith.constant 0 : i32
        %dma_wait3A_164 = arith.constant 0 : i32
        %dma_wait3A_165 = tpu.memref_slice %arg21[%dma_wait3A_163, %dma_wait3A_164] : memref<10112x128xf32, #tpu.memory_space<vmem_shared>> -> memref<10112x128xf32, #tpu.memory_space<vmem_shared>>
        tpu.wait_indirect_dma semaphore(%run_scoped3A : memref<!tpu.dma_semaphore, #tpu.memory_space<semaphore_mem>>) src(%arg19 : memref<128x128xf32, #tpu.memory_space<vmem>>) dst(%dma_wait3A_165 : memref<10112x128xf32, #tpu.memory_space<vmem_shared>>)
        tpu.yield
      }) : () -> ()
      %mul3A_142 = arith.constant 2 : i32
      %mul3A_143 = arith.muli %mul3A_142, %while3A_139 : i32
      %add3A_144 = arith.constant 2 : i32
      %add3A_145 = arith.addi %mul3A_143, %add3A_144 : i32
      %lt3A_146 = arith.cmpi slt, %add3A_145, %select_n3A_36 : i32
      %convert_element_type3A_147 = arith.extui %lt3A_146 : i1 to i32
      %cond3A_148 = arith.constant 0 : i32
      %cond3A_149 = arith.cmpi ne, %convert_element_type3A_147, %cond3A_148 : i32
      scf.if %cond3A_149 {
        %mul3A_161 = arith.constant 2 : i32
        %mul3A_162 = arith.muli %mul3A_161, %while3A_139 : i32
        %add3A_163 = arith.constant 2 : i32
        %add3A_164 = arith.addi %mul3A_162, %add3A_163 : i32
        %mul3A_165 = arith.constant 128 : i32
        %mul3A_166 = arith.muli %add3A_164, %mul3A_165 : i32
        %add3A_167 = arith.addi %select_n3A, %mul3A_166 : i32
        "tpu.region"() ({
          %run_scoped3A = tpu.sem_alloc : memref<!tpu.dma_semaphore, #tpu.memory_space<semaphore_mem>>
          %dma_start3A_170 = tpu.memref_slice %arg3[%add3A_167] : memref<102400xi32, #tpu.memory_space<hbm>> -> memref<128xi32, #tpu.memory_space<hbm>>
          %dma_start3A_171 = tpu.memref_slice %arg3[%add3A_167] : memref<102400xi32, #tpu.memory_space<hbm>> -> memref<128xi32, #tpu.memory_space<hbm>>
          tpu.enqueue_dma source(%dma_start3A_171 : memref<128xi32, #tpu.memory_space<hbm>>) target(%arg15 : memref<128xi32, #tpu.memory_space<vmem>>) target_semaphore(%run_scoped3A : memref<!tpu.dma_semaphore, #tpu.memory_space<semaphore_mem>>)
          %dma_wait3A_172 = tpu.memref_slice %arg3[%add3A_167] : memref<102400xi32, #tpu.memory_space<hbm>> -> memref<128xi32, #tpu.memory_space<hbm>>
          %dma_wait3A_173 = tpu.memref_slice %arg3[%add3A_167] : memref<102400xi32, #tpu.memory_space<hbm>> -> memref<128xi32, #tpu.memory_space<hbm>>
          tpu.wait_dma2 semaphore(%run_scoped3A : memref<!tpu.dma_semaphore, #tpu.memory_space<semaphore_mem>>) src(%dma_wait3A_173 : memref<128xi32, #tpu.memory_space<hbm>>) dst(%arg15 : memref<128xi32, #tpu.memory_space<vmem>>)
          tpu.yield
        }) : () -> ()
        "tpu.region"() ({
          %run_scoped3A = tpu.sem_alloc : memref<!tpu.dma_semaphore, #tpu.memory_space<semaphore_mem>>
          %dma_start3A_170 = tpu.memref_slice %arg4[%add3A_167] : memref<102400xi32, #tpu.memory_space<hbm>> -> memref<128xi32, #tpu.memory_space<hbm>>
          %dma_start3A_171 = tpu.memref_slice %arg4[%add3A_167] : memref<102400xi32, #tpu.memory_space<hbm>> -> memref<128xi32, #tpu.memory_space<hbm>>
          tpu.enqueue_dma source(%dma_start3A_171 : memref<128xi32, #tpu.memory_space<hbm>>) target(%arg17 : memref<128xi32, #tpu.memory_space<vmem>>) target_semaphore(%run_scoped3A : memref<!tpu.dma_semaphore, #tpu.memory_space<semaphore_mem>>)
          %dma_wait3A_172 = tpu.memref_slice %arg4[%add3A_167] : memref<102400xi32, #tpu.memory_space<hbm>> -> memref<128xi32, #tpu.memory_space<hbm>>
          %dma_wait3A_173 = tpu.memref_slice %arg4[%add3A_167] : memref<102400xi32, #tpu.memory_space<hbm>> -> memref<128xi32, #tpu.memory_space<hbm>>
          tpu.wait_dma2 semaphore(%run_scoped3A : memref<!tpu.dma_semaphore, #tpu.memory_space<semaphore_mem>>) src(%dma_wait3A_173 : memref<128xi32, #tpu.memory_space<hbm>>) dst(%arg17 : memref<128xi32, #tpu.memory_space<vmem>>)
          tpu.yield
        }) : () -> ()
        %dma_start3A = arith.constant 0 : i32
        %dma_start3A_168 = arith.constant 0 : i32
        %dma_start3A_169 = tpu.memref_slice %arg2[%dma_start3A, %dma_start3A_168] : memref<10000x128xf32, #tpu.memory_space<hbm>> -> memref<10000x128xf32, #tpu.memory_space<hbm>>
        tpu.enqueue_indirect_dma source(%dma_start3A_169 : memref<10000x128xf32, #tpu.memory_space<hbm>>) target(%arg19 : memref<128x128xf32, #tpu.memory_space<vmem>>) offsets(%arg15 : memref<128xi32, #tpu.memory_space<vmem>>) semaphore(%arg23 : memref<!tpu.dma_semaphore, #tpu.memory_space<semaphore_mem>>)
      } else {
      }
      %dma_wait3A_150 = arith.constant 0 : i32
      %dma_wait3A_151 = arith.constant 0 : i32
      %dma_wait3A_152 = tpu.memref_slice %arg2[%dma_wait3A_150, %dma_wait3A_151] : memref<10000x128xf32, #tpu.memory_space<hbm>> -> memref<10000x128xf32, #tpu.memory_space<hbm>>
      tpu.wait_indirect_dma semaphore(%arg24 : memref<!tpu.dma_semaphore, #tpu.memory_space<semaphore_mem>>) src(%dma_wait3A_152 : memref<10000x128xf32, #tpu.memory_space<hbm>>) dst(%arg20 : memref<128x128xf32, #tpu.memory_space<vmem>>)
      "tpu.region"() ({
        %run_scoped3A = tpu.sem_alloc : memref<!tpu.dma_semaphore, #tpu.memory_space<semaphore_mem>>
        %dma_start3A = arith.constant 0 : i32
        %dma_start3A_161 = arith.constant 0 : i32
        %dma_start3A_162 = tpu.memref_slice %arg21[%dma_start3A, %dma_start3A_161] : memref<10112x128xf32, #tpu.memory_space<vmem_shared>> -> memref<10112x128xf32, #tpu.memory_space<vmem_shared>>
        tpu.enqueue_indirect_dma source(%arg20 : memref<128x128xf32, #tpu.memory_space<vmem>>) target(%dma_start3A_162 : memref<10112x128xf32, #tpu.memory_space<vmem_shared>>) offsets(%arg18 : memref<128xi32, #tpu.memory_space<vmem>>) semaphore(%run_scoped3A : memref<!tpu.dma_semaphore, #tpu.memory_space<semaphore_mem>>) {add = true}
        %dma_wait3A_163 = arith.constant 0 : i32
        %dma_wait3A_164 = arith.constant 0 : i32
        %dma_wait3A_165 = tpu.memref_slice %arg21[%dma_wait3A_163, %dma_wait3A_164] : memref<10112x128xf32, #tpu.memory_space<vmem_shared>> -> memref<10112x128xf32, #tpu.memory_space<vmem_shared>>
        tpu.wait_indirect_dma semaphore(%run_scoped3A : memref<!tpu.dma_semaphore, #tpu.memory_space<semaphore_mem>>) src(%arg20 : memref<128x128xf32, #tpu.memory_space<vmem>>) dst(%dma_wait3A_165 : memref<10112x128xf32, #tpu.memory_space<vmem_shared>>)
        tpu.yield
      }) : () -> ()
      %mul3A_153 = arith.constant 2 : i32
      %mul3A_154 = arith.muli %mul3A_153, %while3A_139 : i32
      %add3A_155 = arith.constant 3 : i32
      %add3A_156 = arith.addi %mul3A_154, %add3A_155 : i32
      %lt3A_157 = arith.cmpi slt, %add3A_156, %select_n3A_36 : i32
      %convert_element_type3A_158 = arith.extui %lt3A_157 : i1 to i32
      %cond3A_159 = arith.constant 0 : i32
      %cond3A_160 = arith.cmpi ne, %convert_element_type3A_158, %cond3A_159 : i32
      scf.if %cond3A_160 {
        %mul3A_161 = arith.constant 2 : i32
        %mul3A_162 = arith.muli %mul3A_161, %while3A_139 : i32
        %add3A_163 = arith.constant 3 : i32
        %add3A_164 = arith.addi %mul3A_162, %add3A_163 : i32
        %mul3A_165 = arith.constant 128 : i32
        %mul3A_166 = arith.muli %add3A_164, %mul3A_165 : i32
        %add3A_167 = arith.addi %select_n3A, %mul3A_166 : i32
        "tpu.region"() ({
          %run_scoped3A = tpu.sem_alloc : memref<!tpu.dma_semaphore, #tpu.memory_space<semaphore_mem>>
          %dma_start3A_170 = tpu.memref_slice %arg3[%add3A_167] : memref<102400xi32, #tpu.memory_space<hbm>> -> memref<128xi32, #tpu.memory_space<hbm>>
          %dma_start3A_171 = tpu.memref_slice %arg3[%add3A_167] : memref<102400xi32, #tpu.memory_space<hbm>> -> memref<128xi32, #tpu.memory_space<hbm>>
          tpu.enqueue_dma source(%dma_start3A_171 : memref<128xi32, #tpu.memory_space<hbm>>) target(%arg16 : memref<128xi32, #tpu.memory_space<vmem>>) target_semaphore(%run_scoped3A : memref<!tpu.dma_semaphore, #tpu.memory_space<semaphore_mem>>)
          %dma_wait3A_172 = tpu.memref_slice %arg3[%add3A_167] : memref<102400xi32, #tpu.memory_space<hbm>> -> memref<128xi32, #tpu.memory_space<hbm>>
          %dma_wait3A_173 = tpu.memref_slice %arg3[%add3A_167] : memref<102400xi32, #tpu.memory_space<hbm>> -> memref<128xi32, #tpu.memory_space<hbm>>
          tpu.wait_dma2 semaphore(%run_scoped3A : memref<!tpu.dma_semaphore, #tpu.memory_space<semaphore_mem>>) src(%dma_wait3A_173 : memref<128xi32, #tpu.memory_space<hbm>>) dst(%arg16 : memref<128xi32, #tpu.memory_space<vmem>>)
          tpu.yield
        }) : () -> ()
        "tpu.region"() ({
          %run_scoped3A = tpu.sem_alloc : memref<!tpu.dma_semaphore, #tpu.memory_space<semaphore_mem>>
          %dma_start3A_170 = tpu.memref_slice %arg4[%add3A_167] : memref<102400xi32, #tpu.memory_space<hbm>> -> memref<128xi32, #tpu.memory_space<hbm>>
          %dma_start3A_171 = tpu.memref_slice %arg4[%add3A_167] : memref<102400xi32, #tpu.memory_space<hbm>> -> memref<128xi32, #tpu.memory_space<hbm>>
          tpu.enqueue_dma source(%dma_start3A_171 : memref<128xi32, #tpu.memory_space<hbm>>) target(%arg18 : memref<128xi32, #tpu.memory_space<vmem>>) target_semaphore(%run_scoped3A : memref<!tpu.dma_semaphore, #tpu.memory_space<semaphore_mem>>)
          %dma_wait3A_172 = tpu.memref_slice %arg4[%add3A_167] : memref<102400xi32, #tpu.memory_space<hbm>> -> memref<128xi32, #tpu.memory_space<hbm>>
          %dma_wait3A_173 = tpu.memref_slice %arg4[%add3A_167] : memref<102400xi32, #tpu.memory_space<hbm>> -> memref<128xi32, #tpu.memory_space<hbm>>
          tpu.wait_dma2 semaphore(%run_scoped3A : memref<!tpu.dma_semaphore, #tpu.memory_space<semaphore_mem>>) src(%dma_wait3A_173 : memref<128xi32, #tpu.memory_space<hbm>>) dst(%arg18 : memref<128xi32, #tpu.memory_space<vmem>>)
          tpu.yield
        }) : () -> ()
        %dma_start3A = arith.constant 0 : i32
        %dma_start3A_168 = arith.constant 0 : i32
        %dma_start3A_169 = tpu.memref_slice %arg2[%dma_start3A, %dma_start3A_168] : memref<10000x128xf32, #tpu.memory_space<hbm>> -> memref<10000x128xf32, #tpu.memory_space<hbm>>
        tpu.enqueue_indirect_dma source(%dma_start3A_169 : memref<10000x128xf32, #tpu.memory_space<hbm>>) target(%arg20 : memref<128x128xf32, #tpu.memory_space<vmem>>) offsets(%arg16 : memref<128xi32, #tpu.memory_space<vmem>>) semaphore(%arg24 : memref<!tpu.dma_semaphore, #tpu.memory_space<semaphore_mem>>)
      } else {
      }
    }
    %barrier3A_70 = arith.constant 0 : index
    tpu.barrier barrier_id(%barrier3A_70)
    "tpu.trace_stop"() : () -> ()
    "tpu.trace_start"() <{level = 10 : i32, message = "copyout0"}> : () -> ()
    "tpu.region"() ({
      %run_scoped3A = tpu.sem_alloc : memref<!tpu.dma_semaphore, #tpu.memory_space<semaphore_mem>>
      %dma_start3A = arith.constant 0 : i32
      %dma_start3A_139 = tpu.memref_slice %arg9[%arg0, %mul3A_23, %dma_start3A] : memref<2x10112x128xf32, #tpu.memory_space<hbm>> -> memref<1x632x128xf32, #tpu.memory_space<hbm>>
      %dma_start3A_140 = tpu.memref_squeeze %dma_start3A_139 : memref<1x632x128xf32, #tpu.memory_space<hbm>> -> memref<632x128xf32, #tpu.memory_space<hbm>>
      %dma_start3A_141 = arith.constant 0 : i32
      %dma_start3A_142 = tpu.memref_slice %arg21[%mul3A_23, %dma_start3A_141] : memref<10112x128xf32, #tpu.memory_space<vmem_shared>> -> memref<632x128xf32, #tpu.memory_space<vmem_shared>>
      tpu.enqueue_dma source(%dma_start3A_142 : memref<632x128xf32, #tpu.memory_space<vmem_shared>>) target(%dma_start3A_140 : memref<632x128xf32, #tpu.memory_space<hbm>>) target_semaphore(%run_scoped3A : memref<!tpu.dma_semaphore, #tpu.memory_space<semaphore_mem>>)
      %dma_wait3A = arith.constant 0 : i32
      %dma_wait3A_143 = tpu.memref_slice %arg9[%arg0, %mul3A_23, %dma_wait3A] : memref<2x10112x128xf32, #tpu.memory_space<hbm>> -> memref<1x632x128xf32, #tpu.memory_space<hbm>>
      %dma_wait3A_144 = tpu.memref_squeeze %dma_wait3A_143 : memref<1x632x128xf32, #tpu.memory_space<hbm>> -> memref<632x128xf32, #tpu.memory_space<hbm>>
      %dma_wait3A_145 = arith.constant 0 : i32
      %dma_wait3A_146 = tpu.memref_slice %arg21[%mul3A_23, %dma_wait3A_145] : memref<10112x128xf32, #tpu.memory_space<vmem_shared>> -> memref<632x128xf32, #tpu.memory_space<vmem_shared>>
      tpu.wait_dma2 semaphore(%run_scoped3A : memref<!tpu.dma_semaphore, #tpu.memory_space<semaphore_mem>>) src(%dma_wait3A_146 : memref<632x128xf32, #tpu.memory_space<vmem_shared>>) dst(%dma_wait3A_144 : memref<632x128xf32, #tpu.memory_space<hbm>>)
      tpu.yield
    }) : () -> ()
    "tpu.trace_stop"() : () -> ()
    %barrier3A_71 = arith.constant 0 : index
    tpu.barrier barrier_id(%barrier3A_71)
    "tpu.trace_start"() <{level = 10 : i32, message = "zero1"}> : () -> ()
    %add3A_72 = arith.constant 0 : i32
    %add3A_73 = arith.addi %mul3A_23, %add3A_72 : i32
    "tpu.region"() ({
      %run_scoped3A = tpu.sem_alloc : memref<!tpu.dma_semaphore, #tpu.memory_space<semaphore_mem>>
      %dma_start3A = arith.constant 0 : i32
      %dma_start3A_139 = tpu.memref_slice %arg21[%add3A_73, %dma_start3A] : memref<10112x128xf32, #tpu.memory_space<vmem_shared>> -> memref<79x128xf32, #tpu.memory_space<vmem_shared>>
      %dma_start3A_140 = arith.constant 0 : i32
      %dma_start3A_141 = tpu.memref_slice %arg21[%add3A_73, %dma_start3A_140] : memref<10112x128xf32, #tpu.memory_space<vmem_shared>> -> memref<79x128xf32, #tpu.memory_space<vmem_shared>>
      tpu.enqueue_dma source(%arg12 : memref<79x128xf32, #tpu.memory_space<vmem>>) target(%dma_start3A_141 : memref<79x128xf32, #tpu.memory_space<vmem_shared>>) target_semaphore(%run_scoped3A : memref<!tpu.dma_semaphore, #tpu.memory_space<semaphore_mem>>)
      %dma_wait3A = arith.constant 0 : i32
      %dma_wait3A_142 = tpu.memref_slice %arg21[%add3A_73, %dma_wait3A] : memref<10112x128xf32, #tpu.memory_space<vmem_shared>> -> memref<79x128xf32, #tpu.memory_space<vmem_shared>>
      %dma_wait3A_143 = arith.constant 0 : i32
      %dma_wait3A_144 = tpu.memref_slice %arg21[%add3A_73, %dma_wait3A_143] : memref<10112x128xf32, #tpu.memory_space<vmem_shared>> -> memref<79x128xf32, #tpu.memory_space<vmem_shared>>
      tpu.wait_dma2 semaphore(%run_scoped3A : memref<!tpu.dma_semaphore, #tpu.memory_space<semaphore_mem>>) src(%arg12 : memref<79x128xf32, #tpu.memory_space<vmem>>) dst(%dma_wait3A_144 : memref<79x128xf32, #tpu.memory_space<vmem_shared>>)
      tpu.yield
    }) : () -> ()
    %add3A_74 = arith.constant 79 : i32
    %add3A_75 = arith.addi %mul3A_23, %add3A_74 : i32
    "tpu.region"() ({
      %run_scoped3A = tpu.sem_alloc : memref<!tpu.dma_semaphore, #tpu.memory_space<semaphore_mem>>
      %dma_start3A = arith.constant 0 : i32
      %dma_start3A_139 = tpu.memref_slice %arg21[%add3A_75, %dma_start3A] : memref<10112x128xf32, #tpu.memory_space<vmem_shared>> -> memref<79x128xf32, #tpu.memory_space<vmem_shared>>
      %dma_start3A_140 = arith.constant 0 : i32
      %dma_start3A_141 = tpu.memref_slice %arg21[%add3A_75, %dma_start3A_140] : memref<10112x128xf32, #tpu.memory_space<vmem_shared>> -> memref<79x128xf32, #tpu.memory_space<vmem_shared>>
      tpu.enqueue_dma source(%arg12 : memref<79x128xf32, #tpu.memory_space<vmem>>) target(%dma_start3A_141 : memref<79x128xf32, #tpu.memory_space<vmem_shared>>) target_semaphore(%run_scoped3A : memref<!tpu.dma_semaphore, #tpu.memory_space<semaphore_mem>>)
      %dma_wait3A = arith.constant 0 : i32
      %dma_wait3A_142 = tpu.memref_slice %arg21[%add3A_75, %dma_wait3A] : memref<10112x128xf32, #tpu.memory_space<vmem_shared>> -> memref<79x128xf32, #tpu.memory_space<vmem_shared>>
      %dma_wait3A_143 = arith.constant 0 : i32
      %dma_wait3A_144 = tpu.memref_slice %arg21[%add3A_75, %dma_wait3A_143] : memref<10112x128xf32, #tpu.memory_space<vmem_shared>> -> memref<79x128xf32, #tpu.memory_space<vmem_shared>>
      tpu.wait_dma2 semaphore(%run_scoped3A : memref<!tpu.dma_semaphore, #tpu.memory_space<semaphore_mem>>) src(%arg12 : memref<79x128xf32, #tpu.memory_space<vmem>>) dst(%dma_wait3A_144 : memref<79x128xf32, #tpu.memory_space<vmem_shared>>)
      tpu.yield
    }) : () -> ()
    %add3A_76 = arith.constant 158 : i32
    %add3A_77 = arith.addi %mul3A_23, %add3A_76 : i32
    "tpu.region"() ({
      %run_scoped3A = tpu.sem_alloc : memref<!tpu.dma_semaphore, #tpu.memory_space<semaphore_mem>>
      %dma_start3A = arith.constant 0 : i32
      %dma_start3A_139 = tpu.memref_slice %arg21[%add3A_77, %dma_start3A] : memref<10112x128xf32, #tpu.memory_space<vmem_shared>> -> memref<79x128xf32, #tpu.memory_space<vmem_shared>>
      %dma_start3A_140 = arith.constant 0 : i32
      %dma_start3A_141 = tpu.memref_slice %arg21[%add3A_77, %dma_start3A_140] : memref<10112x128xf32, #tpu.memory_space<vmem_shared>> -> memref<79x128xf32, #tpu.memory_space<vmem_shared>>
      tpu.enqueue_dma source(%arg12 : memref<79x128xf32, #tpu.memory_space<vmem>>) target(%dma_start3A_141 : memref<79x128xf32, #tpu.memory_space<vmem_shared>>) target_semaphore(%run_scoped3A : memref<!tpu.dma_semaphore, #tpu.memory_space<semaphore_mem>>)
      %dma_wait3A = arith.constant 0 : i32
      %dma_wait3A_142 = tpu.memref_slice %arg21[%add3A_77, %dma_wait3A] : memref<10112x128xf32, #tpu.memory_space<vmem_shared>> -> memref<79x128xf32, #tpu.memory_space<vmem_shared>>
      %dma_wait3A_143 = arith.constant 0 : i32
      %dma_wait3A_144 = tpu.memref_slice %arg21[%add3A_77, %dma_wait3A_143] : memref<10112x128xf32, #tpu.memory_space<vmem_shared>> -> memref<79x128xf32, #tpu.memory_space<vmem_shared>>
      tpu.wait_dma2 semaphore(%run_scoped3A : memref<!tpu.dma_semaphore, #tpu.memory_space<semaphore_mem>>) src(%arg12 : memref<79x128xf32, #tpu.memory_space<vmem>>) dst(%dma_wait3A_144 : memref<79x128xf32, #tpu.memory_space<vmem_shared>>)
      tpu.yield
    }) : () -> ()
    %add3A_78 = arith.constant 237 : i32
    %add3A_79 = arith.addi %mul3A_23, %add3A_78 : i32
    "tpu.region"() ({
      %run_scoped3A = tpu.sem_alloc : memref<!tpu.dma_semaphore, #tpu.memory_space<semaphore_mem>>
      %dma_start3A = arith.constant 0 : i32
      %dma_start3A_139 = tpu.memref_slice %arg21[%add3A_79, %dma_start3A] : memref<10112x128xf32, #tpu.memory_space<vmem_shared>> -> memref<79x128xf32, #tpu.memory_space<vmem_shared>>
      %dma_start3A_140 = arith.constant 0 : i32
      %dma_start3A_141 = tpu.memref_slice %arg21[%add3A_79, %dma_start3A_140] : memref<10112x128xf32, #tpu.memory_space<vmem_shared>> -> memref<79x128xf32, #tpu.memory_space<vmem_shared>>
      tpu.enqueue_dma source(%arg12 : memref<79x128xf32, #tpu.memory_space<vmem>>) target(%dma_start3A_141 : memref<79x128xf32, #tpu.memory_space<vmem_shared>>) target_semaphore(%run_scoped3A : memref<!tpu.dma_semaphore, #tpu.memory_space<semaphore_mem>>)
      %dma_wait3A = arith.constant 0 : i32
      %dma_wait3A_142 = tpu.memref_slice %arg21[%add3A_79, %dma_wait3A] : memref<10112x128xf32, #tpu.memory_space<vmem_shared>> -> memref<79x128xf32, #tpu.memory_space<vmem_shared>>
      %dma_wait3A_143 = arith.constant 0 : i32
      %dma_wait3A_144 = tpu.memref_slice %arg21[%add3A_79, %dma_wait3A_143] : memref<10112x128xf32, #tpu.memory_space<vmem_shared>> -> memref<79x128xf32, #tpu.memory_space<vmem_shared>>
      tpu.wait_dma2 semaphore(%run_scoped3A : memref<!tpu.dma_semaphore, #tpu.memory_space<semaphore_mem>>) src(%arg12 : memref<79x128xf32, #tpu.memory_space<vmem>>) dst(%dma_wait3A_144 : memref<79x128xf32, #tpu.memory_space<vmem_shared>>)
      tpu.yield
    }) : () -> ()
    %add3A_80 = arith.constant 316 : i32
    %add3A_81 = arith.addi %mul3A_23, %add3A_80 : i32
    "tpu.region"() ({
      %run_scoped3A = tpu.sem_alloc : memref<!tpu.dma_semaphore, #tpu.memory_space<semaphore_mem>>
      %dma_start3A = arith.constant 0 : i32
      %dma_start3A_139 = tpu.memref_slice %arg21[%add3A_81, %dma_start3A] : memref<10112x128xf32, #tpu.memory_space<vmem_shared>> -> memref<79x128xf32, #tpu.memory_space<vmem_shared>>
      %dma_start3A_140 = arith.constant 0 : i32
      %dma_start3A_141 = tpu.memref_slice %arg21[%add3A_81, %dma_start3A_140] : memref<10112x128xf32, #tpu.memory_space<vmem_shared>> -> memref<79x128xf32, #tpu.memory_space<vmem_shared>>
      tpu.enqueue_dma source(%arg12 : memref<79x128xf32, #tpu.memory_space<vmem>>) target(%dma_start3A_141 : memref<79x128xf32, #tpu.memory_space<vmem_shared>>) target_semaphore(%run_scoped3A : memref<!tpu.dma_semaphore, #tpu.memory_space<semaphore_mem>>)
      %dma_wait3A = arith.constant 0 : i32
      %dma_wait3A_142 = tpu.memref_slice %arg21[%add3A_81, %dma_wait3A] : memref<10112x128xf32, #tpu.memory_space<vmem_shared>> -> memref<79x128xf32, #tpu.memory_space<vmem_shared>>
      %dma_wait3A_143 = arith.constant 0 : i32
      %dma_wait3A_144 = tpu.memref_slice %arg21[%add3A_81, %dma_wait3A_143] : memref<10112x128xf32, #tpu.memory_space<vmem_shared>> -> memref<79x128xf32, #tpu.memory_space<vmem_shared>>
      tpu.wait_dma2 semaphore(%run_scoped3A : memref<!tpu.dma_semaphore, #tpu.memory_space<semaphore_mem>>) src(%arg12 : memref<79x128xf32, #tpu.memory_space<vmem>>) dst(%dma_wait3A_144 : memref<79x128xf32, #tpu.memory_space<vmem_shared>>)
      tpu.yield
    }) : () -> ()
    %add3A_82 = arith.constant 395 : i32
    %add3A_83 = arith.addi %mul3A_23, %add3A_82 : i32
    "tpu.region"() ({
      %run_scoped3A = tpu.sem_alloc : memref<!tpu.dma_semaphore, #tpu.memory_space<semaphore_mem>>
      %dma_start3A = arith.constant 0 : i32
      %dma_start3A_139 = tpu.memref_slice %arg21[%add3A_83, %dma_start3A] : memref<10112x128xf32, #tpu.memory_space<vmem_shared>> -> memref<79x128xf32, #tpu.memory_space<vmem_shared>>
      %dma_start3A_140 = arith.constant 0 : i32
      %dma_start3A_141 = tpu.memref_slice %arg21[%add3A_83, %dma_start3A_140] : memref<10112x128xf32, #tpu.memory_space<vmem_shared>> -> memref<79x128xf32, #tpu.memory_space<vmem_shared>>
      tpu.enqueue_dma source(%arg12 : memref<79x128xf32, #tpu.memory_space<vmem>>) target(%dma_start3A_141 : memref<79x128xf32, #tpu.memory_space<vmem_shared>>) target_semaphore(%run_scoped3A : memref<!tpu.dma_semaphore, #tpu.memory_space<semaphore_mem>>)
      %dma_wait3A = arith.constant 0 : i32
      %dma_wait3A_142 = tpu.memref_slice %arg21[%add3A_83, %dma_wait3A] : memref<10112x128xf32, #tpu.memory_space<vmem_shared>> -> memref<79x128xf32, #tpu.memory_space<vmem_shared>>
      %dma_wait3A_143 = arith.constant 0 : i32
      %dma_wait3A_144 = tpu.memref_slice %arg21[%add3A_83, %dma_wait3A_143] : memref<10112x128xf32, #tpu.memory_space<vmem_shared>> -> memref<79x128xf32, #tpu.memory_space<vmem_shared>>
      tpu.wait_dma2 semaphore(%run_scoped3A : memref<!tpu.dma_semaphore, #tpu.memory_space<semaphore_mem>>) src(%arg12 : memref<79x128xf32, #tpu.memory_space<vmem>>) dst(%dma_wait3A_144 : memref<79x128xf32, #tpu.memory_space<vmem_shared>>)
      tpu.yield
    }) : () -> ()
    %add3A_84 = arith.constant 474 : i32
    %add3A_85 = arith.addi %mul3A_23, %add3A_84 : i32
    "tpu.region"() ({
      %run_scoped3A = tpu.sem_alloc : memref<!tpu.dma_semaphore, #tpu.memory_space<semaphore_mem>>
      %dma_start3A = arith.constant 0 : i32
      %dma_start3A_139 = tpu.memref_slice %arg21[%add3A_85, %dma_start3A] : memref<10112x128xf32, #tpu.memory_space<vmem_shared>> -> memref<79x128xf32, #tpu.memory_space<vmem_shared>>
      %dma_start3A_140 = arith.constant 0 : i32
      %dma_start3A_141 = tpu.memref_slice %arg21[%add3A_85, %dma_start3A_140] : memref<10112x128xf32, #tpu.memory_space<vmem_shared>> -> memref<79x128xf32, #tpu.memory_space<vmem_shared>>
      tpu.enqueue_dma source(%arg12 : memref<79x128xf32, #tpu.memory_space<vmem>>) target(%dma_start3A_141 : memref<79x128xf32, #tpu.memory_space<vmem_shared>>) target_semaphore(%run_scoped3A : memref<!tpu.dma_semaphore, #tpu.memory_space<semaphore_mem>>)
      %dma_wait3A = arith.constant 0 : i32
      %dma_wait3A_142 = tpu.memref_slice %arg21[%add3A_85, %dma_wait3A] : memref<10112x128xf32, #tpu.memory_space<vmem_shared>> -> memref<79x128xf32, #tpu.memory_space<vmem_shared>>
      %dma_wait3A_143 = arith.constant 0 : i32
      %dma_wait3A_144 = tpu.memref_slice %arg21[%add3A_85, %dma_wait3A_143] : memref<10112x128xf32, #tpu.memory_space<vmem_shared>> -> memref<79x128xf32, #tpu.memory_space<vmem_shared>>
      tpu.wait_dma2 semaphore(%run_scoped3A : memref<!tpu.dma_semaphore, #tpu.memory_space<semaphore_mem>>) src(%arg12 : memref<79x128xf32, #tpu.memory_space<vmem>>) dst(%dma_wait3A_144 : memref<79x128xf32, #tpu.memory_space<vmem_shared>>)
      tpu.yield
    }) : () -> ()
    %add3A_86 = arith.constant 553 : i32
    %add3A_87 = arith.addi %mul3A_23, %add3A_86 : i32
    "tpu.region"() ({
      %run_scoped3A = tpu.sem_alloc : memref<!tpu.dma_semaphore, #tpu.memory_space<semaphore_mem>>
      %dma_start3A = arith.constant 0 : i32
      %dma_start3A_139 = tpu.memref_slice %arg21[%add3A_87, %dma_start3A] : memref<10112x128xf32, #tpu.memory_space<vmem_shared>> -> memref<79x128xf32, #tpu.memory_space<vmem_shared>>
      %dma_start3A_140 = arith.constant 0 : i32
      %dma_start3A_141 = tpu.memref_slice %arg21[%add3A_87, %dma_start3A_140] : memref<10112x128xf32, #tpu.memory_space<vmem_shared>> -> memref<79x128xf32, #tpu.memory_space<vmem_shared>>
      tpu.enqueue_dma source(%arg12 : memref<79x128xf32, #tpu.memory_space<vmem>>) target(%dma_start3A_141 : memref<79x128xf32, #tpu.memory_space<vmem_shared>>) target_semaphore(%run_scoped3A : memref<!tpu.dma_semaphore, #tpu.memory_space<semaphore_mem>>)
      %dma_wait3A = arith.constant 0 : i32
      %dma_wait3A_142 = tpu.memref_slice %arg21[%add3A_87, %dma_wait3A] : memref<10112x128xf32, #tpu.memory_space<vmem_shared>> -> memref<79x128xf32, #tpu.memory_space<vmem_shared>>
      %dma_wait3A_143 = arith.constant 0 : i32
      %dma_wait3A_144 = tpu.memref_slice %arg21[%add3A_87, %dma_wait3A_143] : memref<10112x128xf32, #tpu.memory_space<vmem_shared>> -> memref<79x128xf32, #tpu.memory_space<vmem_shared>>
      tpu.wait_dma2 semaphore(%run_scoped3A : memref<!tpu.dma_semaphore, #tpu.memory_space<semaphore_mem>>) src(%arg12 : memref<79x128xf32, #tpu.memory_space<vmem>>) dst(%dma_wait3A_144 : memref<79x128xf32, #tpu.memory_space<vmem_shared>>)
      tpu.yield
    }) : () -> ()
    %barrier3A_88 = arith.constant 0 : index
    tpu.barrier barrier_id(%barrier3A_88)
    %lt3A_89 = arith.constant 0 : i32
    "tpu.trace_stop"() : () -> ()
    "tpu.trace_start"() <{level = 10 : i32, message = "chunks1"}> : () -> ()
    %lt3A_90 = arith.cmpi slt, %lt3A_89, %select_n3A_36 : i32
    %convert_element_type3A_91 = arith.extui %lt3A_90 : i1 to i32
    %cond3A_92 = arith.constant 0 : i32
    %cond3A_93 = arith.cmpi ne, %convert_element_type3A_91, %cond3A_92 : i32
    scf.if %cond3A_93 {
      %mul3A_139 = arith.constant 0 : i32
      %mul3A_140 = arith.constant 128 : i32
      %mul3A_141 = arith.muli %mul3A_139, %mul3A_140 : i32
      %add3A_142 = arith.addi %select_n3A, %mul3A_141 : i32
      "tpu.region"() ({
        %run_scoped3A = tpu.sem_alloc : memref<!tpu.dma_semaphore, #tpu.memory_space<semaphore_mem>>
        %dma_start3A_152 = tpu.memref_slice %arg5[%add3A_142] : memref<102400xi32, #tpu.memory_space<hbm>> -> memref<128xi32, #tpu.memory_space<hbm>>
        %dma_start3A_153 = tpu.memref_slice %arg5[%add3A_142] : memref<102400xi32, #tpu.memory_space<hbm>> -> memref<128xi32, #tpu.memory_space<hbm>>
        tpu.enqueue_dma source(%dma_start3A_153 : memref<128xi32, #tpu.memory_space<hbm>>) target(%arg15 : memref<128xi32, #tpu.memory_space<vmem>>) target_semaphore(%run_scoped3A : memref<!tpu.dma_semaphore, #tpu.memory_space<semaphore_mem>>)
        %dma_wait3A = tpu.memref_slice %arg5[%add3A_142] : memref<102400xi32, #tpu.memory_space<hbm>> -> memref<128xi32, #tpu.memory_space<hbm>>
        %dma_wait3A_154 = tpu.memref_slice %arg5[%add3A_142] : memref<102400xi32, #tpu.memory_space<hbm>> -> memref<128xi32, #tpu.memory_space<hbm>>
        tpu.wait_dma2 semaphore(%run_scoped3A : memref<!tpu.dma_semaphore, #tpu.memory_space<semaphore_mem>>) src(%dma_wait3A_154 : memref<128xi32, #tpu.memory_space<hbm>>) dst(%arg15 : memref<128xi32, #tpu.memory_space<vmem>>)
        tpu.yield
      }) : () -> ()
      "tpu.region"() ({
        %run_scoped3A = tpu.sem_alloc : memref<!tpu.dma_semaphore, #tpu.memory_space<semaphore_mem>>
        %dma_start3A_152 = tpu.memref_slice %arg6[%add3A_142] : memref<102400xi32, #tpu.memory_space<hbm>> -> memref<128xi32, #tpu.memory_space<hbm>>
        %dma_start3A_153 = tpu.memref_slice %arg6[%add3A_142] : memref<102400xi32, #tpu.memory_space<hbm>> -> memref<128xi32, #tpu.memory_space<hbm>>
        tpu.enqueue_dma source(%dma_start3A_153 : memref<128xi32, #tpu.memory_space<hbm>>) target(%arg17 : memref<128xi32, #tpu.memory_space<vmem>>) target_semaphore(%run_scoped3A : memref<!tpu.dma_semaphore, #tpu.memory_space<semaphore_mem>>)
        %dma_wait3A = tpu.memref_slice %arg6[%add3A_142] : memref<102400xi32, #tpu.memory_space<hbm>> -> memref<128xi32, #tpu.memory_space<hbm>>
        %dma_wait3A_154 = tpu.memref_slice %arg6[%add3A_142] : memref<102400xi32, #tpu.memory_space<hbm>> -> memref<128xi32, #tpu.memory_space<hbm>>
        tpu.wait_dma2 semaphore(%run_scoped3A : memref<!tpu.dma_semaphore, #tpu.memory_space<semaphore_mem>>) src(%dma_wait3A_154 : memref<128xi32, #tpu.memory_space<hbm>>) dst(%arg17 : memref<128xi32, #tpu.memory_space<vmem>>)
        tpu.yield
      }) : () -> ()
      %dma_start3A = arith.constant 0 : i32
      %dma_start3A_143 = arith.constant 0 : i32
      %dma_start3A_144 = tpu.memref_slice %arg2[%dma_start3A, %dma_start3A_143] : memref<10000x128xf32, #tpu.memory_space<hbm>> -> memref<10000x128xf32, #tpu.memory_space<hbm>>
      tpu.enqueue_indirect_dma source(%dma_start3A_144 : memref<10000x128xf32, #tpu.memory_space<hbm>>) target(%arg19 : memref<128x128xf32, #tpu.memory_space<vmem>>) offsets(%arg15 : memref<128xi32, #tpu.memory_space<vmem>>) semaphore(%arg23 : memref<!tpu.dma_semaphore, #tpu.memory_space<semaphore_mem>>)
      %mul3A_145 = arith.constant 1 : i32
      %mul3A_146 = arith.constant 128 : i32
      %mul3A_147 = arith.muli %mul3A_145, %mul3A_146 : i32
      %add3A_148 = arith.addi %select_n3A, %mul3A_147 : i32
      "tpu.region"() ({
        %run_scoped3A = tpu.sem_alloc : memref<!tpu.dma_semaphore, #tpu.memory_space<semaphore_mem>>
        %dma_start3A_152 = tpu.memref_slice %arg5[%add3A_148] : memref<102400xi32, #tpu.memory_space<hbm>> -> memref<128xi32, #tpu.memory_space<hbm>>
        %dma_start3A_153 = tpu.memref_slice %arg5[%add3A_148] : memref<102400xi32, #tpu.memory_space<hbm>> -> memref<128xi32, #tpu.memory_space<hbm>>
        tpu.enqueue_dma source(%dma_start3A_153 : memref<128xi32, #tpu.memory_space<hbm>>) target(%arg16 : memref<128xi32, #tpu.memory_space<vmem>>) target_semaphore(%run_scoped3A : memref<!tpu.dma_semaphore, #tpu.memory_space<semaphore_mem>>)
        %dma_wait3A = tpu.memref_slice %arg5[%add3A_148] : memref<102400xi32, #tpu.memory_space<hbm>> -> memref<128xi32, #tpu.memory_space<hbm>>
        %dma_wait3A_154 = tpu.memref_slice %arg5[%add3A_148] : memref<102400xi32, #tpu.memory_space<hbm>> -> memref<128xi32, #tpu.memory_space<hbm>>
        tpu.wait_dma2 semaphore(%run_scoped3A : memref<!tpu.dma_semaphore, #tpu.memory_space<semaphore_mem>>) src(%dma_wait3A_154 : memref<128xi32, #tpu.memory_space<hbm>>) dst(%arg16 : memref<128xi32, #tpu.memory_space<vmem>>)
        tpu.yield
      }) : () -> ()
      "tpu.region"() ({
        %run_scoped3A = tpu.sem_alloc : memref<!tpu.dma_semaphore, #tpu.memory_space<semaphore_mem>>
        %dma_start3A_152 = tpu.memref_slice %arg6[%add3A_148] : memref<102400xi32, #tpu.memory_space<hbm>> -> memref<128xi32, #tpu.memory_space<hbm>>
        %dma_start3A_153 = tpu.memref_slice %arg6[%add3A_148] : memref<102400xi32, #tpu.memory_space<hbm>> -> memref<128xi32, #tpu.memory_space<hbm>>
        tpu.enqueue_dma source(%dma_start3A_153 : memref<128xi32, #tpu.memory_space<hbm>>) target(%arg18 : memref<128xi32, #tpu.memory_space<vmem>>) target_semaphore(%run_scoped3A : memref<!tpu.dma_semaphore, #tpu.memory_space<semaphore_mem>>)
        %dma_wait3A = tpu.memref_slice %arg6[%add3A_148] : memref<102400xi32, #tpu.memory_space<hbm>> -> memref<128xi32, #tpu.memory_space<hbm>>
        %dma_wait3A_154 = tpu.memref_slice %arg6[%add3A_148] : memref<102400xi32, #tpu.memory_space<hbm>> -> memref<128xi32, #tpu.memory_space<hbm>>
        tpu.wait_dma2 semaphore(%run_scoped3A : memref<!tpu.dma_semaphore, #tpu.memory_space<semaphore_mem>>) src(%dma_wait3A_154 : memref<128xi32, #tpu.memory_space<hbm>>) dst(%arg18 : memref<128xi32, #tpu.memory_space<vmem>>)
        tpu.yield
      }) : () -> ()
      %dma_start3A_149 = arith.constant 0 : i32
      %dma_start3A_150 = arith.constant 0 : i32
      %dma_start3A_151 = tpu.memref_slice %arg2[%dma_start3A_149, %dma_start3A_150] : memref<10000x128xf32, #tpu.memory_space<hbm>> -> memref<10000x128xf32, #tpu.memory_space<hbm>>
      tpu.enqueue_indirect_dma source(%dma_start3A_151 : memref<10000x128xf32, #tpu.memory_space<hbm>>) target(%arg20 : memref<128x128xf32, #tpu.memory_space<vmem>>) offsets(%arg16 : memref<128xi32, #tpu.memory_space<vmem>>) semaphore(%arg24 : memref<!tpu.dma_semaphore, #tpu.memory_space<semaphore_mem>>)
    } else {
    }
    %while3A_94 = arith.constant 0 : i32
    %while3A_95 = arith.constant 0 : i32
    %while3A_96 = arith.subi %select_n3A_41, %while3A_95 : i32
    %while3A_97 = arith.addi %while3A_95, %while3A_96 : i32
    %while3A_98 = arith.constant 1 : i32
    %while3A_99 = arith.divsi %while3A_96, %while3A_98 : i32
    %while3A_100 = arith.muli %while3A_99, %while3A_98 : i32
    %while3A_101 = arith.addi %while3A_95, %while3A_100 : i32
    %while3A_102 = arith.constant 1 : i32
    scf.for %while3A_139 = %while3A_95 to %while3A_101 step %while3A_102  : i32 {
      %dma_wait3A = arith.constant 0 : i32
      %dma_wait3A_140 = arith.constant 0 : i32
      %dma_wait3A_141 = tpu.memref_slice %arg2[%dma_wait3A, %dma_wait3A_140] : memref<10000x128xf32, #tpu.memory_space<hbm>> -> memref<10000x128xf32, #tpu.memory_space<hbm>>
      tpu.wait_indirect_dma semaphore(%arg23 : memref<!tpu.dma_semaphore, #tpu.memory_space<semaphore_mem>>) src(%dma_wait3A_141 : memref<10000x128xf32, #tpu.memory_space<hbm>>) dst(%arg19 : memref<128x128xf32, #tpu.memory_space<vmem>>)
      "tpu.region"() ({
        %run_scoped3A = tpu.sem_alloc : memref<!tpu.dma_semaphore, #tpu.memory_space<semaphore_mem>>
        %dma_start3A = arith.constant 0 : i32
        %dma_start3A_161 = arith.constant 0 : i32
        %dma_start3A_162 = tpu.memref_slice %arg21[%dma_start3A, %dma_start3A_161] : memref<10112x128xf32, #tpu.memory_space<vmem_shared>> -> memref<10112x128xf32, #tpu.memory_space<vmem_shared>>
        tpu.enqueue_indirect_dma source(%arg19 : memref<128x128xf32, #tpu.memory_space<vmem>>) target(%dma_start3A_162 : memref<10112x128xf32, #tpu.memory_space<vmem_shared>>) offsets(%arg17 : memref<128xi32, #tpu.memory_space<vmem>>) semaphore(%run_scoped3A : memref<!tpu.dma_semaphore, #tpu.memory_space<semaphore_mem>>) {add = true}
        %dma_wait3A_163 = arith.constant 0 : i32
        %dma_wait3A_164 = arith.constant 0 : i32
        %dma_wait3A_165 = tpu.memref_slice %arg21[%dma_wait3A_163, %dma_wait3A_164] : memref<10112x128xf32, #tpu.memory_space<vmem_shared>> -> memref<10112x128xf32, #tpu.memory_space<vmem_shared>>
        tpu.wait_indirect_dma semaphore(%run_scoped3A : memref<!tpu.dma_semaphore, #tpu.memory_space<semaphore_mem>>) src(%arg19 : memref<128x128xf32, #tpu.memory_space<vmem>>) dst(%dma_wait3A_165 : memref<10112x128xf32, #tpu.memory_space<vmem_shared>>)
        tpu.yield
      }) : () -> ()
      %mul3A_142 = arith.constant 2 : i32
      %mul3A_143 = arith.muli %mul3A_142, %while3A_139 : i32
      %add3A_144 = arith.constant 2 : i32
      %add3A_145 = arith.addi %mul3A_143, %add3A_144 : i32
      %lt3A_146 = arith.cmpi slt, %add3A_145, %select_n3A_36 : i32
      %convert_element_type3A_147 = arith.extui %lt3A_146 : i1 to i32
      %cond3A_148 = arith.constant 0 : i32
      %cond3A_149 = arith.cmpi ne, %convert_element_type3A_147, %cond3A_148 : i32
      scf.if %cond3A_149 {
        %mul3A_161 = arith.constant 2 : i32
        %mul3A_162 = arith.muli %mul3A_161, %while3A_139 : i32
        %add3A_163 = arith.constant 2 : i32
        %add3A_164 = arith.addi %mul3A_162, %add3A_163 : i32
        %mul3A_165 = arith.constant 128 : i32
        %mul3A_166 = arith.muli %add3A_164, %mul3A_165 : i32
        %add3A_167 = arith.addi %select_n3A, %mul3A_166 : i32
        "tpu.region"() ({
          %run_scoped3A = tpu.sem_alloc : memref<!tpu.dma_semaphore, #tpu.memory_space<semaphore_mem>>
          %dma_start3A_170 = tpu.memref_slice %arg5[%add3A_167] : memref<102400xi32, #tpu.memory_space<hbm>> -> memref<128xi32, #tpu.memory_space<hbm>>
          %dma_start3A_171 = tpu.memref_slice %arg5[%add3A_167] : memref<102400xi32, #tpu.memory_space<hbm>> -> memref<128xi32, #tpu.memory_space<hbm>>
          tpu.enqueue_dma source(%dma_start3A_171 : memref<128xi32, #tpu.memory_space<hbm>>) target(%arg15 : memref<128xi32, #tpu.memory_space<vmem>>) target_semaphore(%run_scoped3A : memref<!tpu.dma_semaphore, #tpu.memory_space<semaphore_mem>>)
          %dma_wait3A_172 = tpu.memref_slice %arg5[%add3A_167] : memref<102400xi32, #tpu.memory_space<hbm>> -> memref<128xi32, #tpu.memory_space<hbm>>
          %dma_wait3A_173 = tpu.memref_slice %arg5[%add3A_167] : memref<102400xi32, #tpu.memory_space<hbm>> -> memref<128xi32, #tpu.memory_space<hbm>>
          tpu.wait_dma2 semaphore(%run_scoped3A : memref<!tpu.dma_semaphore, #tpu.memory_space<semaphore_mem>>) src(%dma_wait3A_173 : memref<128xi32, #tpu.memory_space<hbm>>) dst(%arg15 : memref<128xi32, #tpu.memory_space<vmem>>)
          tpu.yield
        }) : () -> ()
        "tpu.region"() ({
          %run_scoped3A = tpu.sem_alloc : memref<!tpu.dma_semaphore, #tpu.memory_space<semaphore_mem>>
          %dma_start3A_170 = tpu.memref_slice %arg6[%add3A_167] : memref<102400xi32, #tpu.memory_space<hbm>> -> memref<128xi32, #tpu.memory_space<hbm>>
          %dma_start3A_171 = tpu.memref_slice %arg6[%add3A_167] : memref<102400xi32, #tpu.memory_space<hbm>> -> memref<128xi32, #tpu.memory_space<hbm>>
          tpu.enqueue_dma source(%dma_start3A_171 : memref<128xi32, #tpu.memory_space<hbm>>) target(%arg17 : memref<128xi32, #tpu.memory_space<vmem>>) target_semaphore(%run_scoped3A : memref<!tpu.dma_semaphore, #tpu.memory_space<semaphore_mem>>)
          %dma_wait3A_172 = tpu.memref_slice %arg6[%add3A_167] : memref<102400xi32, #tpu.memory_space<hbm>> -> memref<128xi32, #tpu.memory_space<hbm>>
          %dma_wait3A_173 = tpu.memref_slice %arg6[%add3A_167] : memref<102400xi32, #tpu.memory_space<hbm>> -> memref<128xi32, #tpu.memory_space<hbm>>
          tpu.wait_dma2 semaphore(%run_scoped3A : memref<!tpu.dma_semaphore, #tpu.memory_space<semaphore_mem>>) src(%dma_wait3A_173 : memref<128xi32, #tpu.memory_space<hbm>>) dst(%arg17 : memref<128xi32, #tpu.memory_space<vmem>>)
          tpu.yield
        }) : () -> ()
        %dma_start3A = arith.constant 0 : i32
        %dma_start3A_168 = arith.constant 0 : i32
        %dma_start3A_169 = tpu.memref_slice %arg2[%dma_start3A, %dma_start3A_168] : memref<10000x128xf32, #tpu.memory_space<hbm>> -> memref<10000x128xf32, #tpu.memory_space<hbm>>
        tpu.enqueue_indirect_dma source(%dma_start3A_169 : memref<10000x128xf32, #tpu.memory_space<hbm>>) target(%arg19 : memref<128x128xf32, #tpu.memory_space<vmem>>) offsets(%arg15 : memref<128xi32, #tpu.memory_space<vmem>>) semaphore(%arg23 : memref<!tpu.dma_semaphore, #tpu.memory_space<semaphore_mem>>)
      } else {
      }
      %dma_wait3A_150 = arith.constant 0 : i32
      %dma_wait3A_151 = arith.constant 0 : i32
      %dma_wait3A_152 = tpu.memref_slice %arg2[%dma_wait3A_150, %dma_wait3A_151] : memref<10000x128xf32, #tpu.memory_space<hbm>> -> memref<10000x128xf32, #tpu.memory_space<hbm>>
      tpu.wait_indirect_dma semaphore(%arg24 : memref<!tpu.dma_semaphore, #tpu.memory_space<semaphore_mem>>) src(%dma_wait3A_152 : memref<10000x128xf32, #tpu.memory_space<hbm>>) dst(%arg20 : memref<128x128xf32, #tpu.memory_space<vmem>>)
      "tpu.region"() ({
        %run_scoped3A = tpu.sem_alloc : memref<!tpu.dma_semaphore, #tpu.memory_space<semaphore_mem>>
        %dma_start3A = arith.constant 0 : i32
        %dma_start3A_161 = arith.constant 0 : i32
        %dma_start3A_162 = tpu.memref_slice %arg21[%dma_start3A, %dma_start3A_161] : memref<10112x128xf32, #tpu.memory_space<vmem_shared>> -> memref<10112x128xf32, #tpu.memory_space<vmem_shared>>
        tpu.enqueue_indirect_dma source(%arg20 : memref<128x128xf32, #tpu.memory_space<vmem>>) target(%dma_start3A_162 : memref<10112x128xf32, #tpu.memory_space<vmem_shared>>) offsets(%arg18 : memref<128xi32, #tpu.memory_space<vmem>>) semaphore(%run_scoped3A : memref<!tpu.dma_semaphore, #tpu.memory_space<semaphore_mem>>) {add = true}
        %dma_wait3A_163 = arith.constant 0 : i32
        %dma_wait3A_164 = arith.constant 0 : i32
        %dma_wait3A_165 = tpu.memref_slice %arg21[%dma_wait3A_163, %dma_wait3A_164] : memref<10112x128xf32, #tpu.memory_space<vmem_shared>> -> memref<10112x128xf32, #tpu.memory_space<vmem_shared>>
        tpu.wait_indirect_dma semaphore(%run_scoped3A : memref<!tpu.dma_semaphore, #tpu.memory_space<semaphore_mem>>) src(%arg20 : memref<128x128xf32, #tpu.memory_space<vmem>>) dst(%dma_wait3A_165 : memref<10112x128xf32, #tpu.memory_space<vmem_shared>>)
        tpu.yield
      }) : () -> ()
      %mul3A_153 = arith.constant 2 : i32
      %mul3A_154 = arith.muli %mul3A_153, %while3A_139 : i32
      %add3A_155 = arith.constant 3 : i32
      %add3A_156 = arith.addi %mul3A_154, %add3A_155 : i32
      %lt3A_157 = arith.cmpi slt, %add3A_156, %select_n3A_36 : i32
      %convert_element_type3A_158 = arith.extui %lt3A_157 : i1 to i32
      %cond3A_159 = arith.constant 0 : i32
      %cond3A_160 = arith.cmpi ne, %convert_element_type3A_158, %cond3A_159 : i32
      scf.if %cond3A_160 {
        %mul3A_161 = arith.constant 2 : i32
        %mul3A_162 = arith.muli %mul3A_161, %while3A_139 : i32
        %add3A_163 = arith.constant 3 : i32
        %add3A_164 = arith.addi %mul3A_162, %add3A_163 : i32
        %mul3A_165 = arith.constant 128 : i32
        %mul3A_166 = arith.muli %add3A_164, %mul3A_165 : i32
        %add3A_167 = arith.addi %select_n3A, %mul3A_166 : i32
        "tpu.region"() ({
          %run_scoped3A = tpu.sem_alloc : memref<!tpu.dma_semaphore, #tpu.memory_space<semaphore_mem>>
          %dma_start3A_170 = tpu.memref_slice %arg5[%add3A_167] : memref<102400xi32, #tpu.memory_space<hbm>> -> memref<128xi32, #tpu.memory_space<hbm>>
          %dma_start3A_171 = tpu.memref_slice %arg5[%add3A_167] : memref<102400xi32, #tpu.memory_space<hbm>> -> memref<128xi32, #tpu.memory_space<hbm>>
          tpu.enqueue_dma source(%dma_start3A_171 : memref<128xi32, #tpu.memory_space<hbm>>) target(%arg16 : memref<128xi32, #tpu.memory_space<vmem>>) target_semaphore(%run_scoped3A : memref<!tpu.dma_semaphore, #tpu.memory_space<semaphore_mem>>)
          %dma_wait3A_172 = tpu.memref_slice %arg5[%add3A_167] : memref<102400xi32, #tpu.memory_space<hbm>> -> memref<128xi32, #tpu.memory_space<hbm>>
          %dma_wait3A_173 = tpu.memref_slice %arg5[%add3A_167] : memref<102400xi32, #tpu.memory_space<hbm>> -> memref<128xi32, #tpu.memory_space<hbm>>
          tpu.wait_dma2 semaphore(%run_scoped3A : memref<!tpu.dma_semaphore, #tpu.memory_space<semaphore_mem>>) src(%dma_wait3A_173 : memref<128xi32, #tpu.memory_space<hbm>>) dst(%arg16 : memref<128xi32, #tpu.memory_space<vmem>>)
          tpu.yield
        }) : () -> ()
        "tpu.region"() ({
          %run_scoped3A = tpu.sem_alloc : memref<!tpu.dma_semaphore, #tpu.memory_space<semaphore_mem>>
          %dma_start3A_170 = tpu.memref_slice %arg6[%add3A_167] : memref<102400xi32, #tpu.memory_space<hbm>> -> memref<128xi32, #tpu.memory_space<hbm>>
          %dma_start3A_171 = tpu.memref_slice %arg6[%add3A_167] : memref<102400xi32, #tpu.memory_space<hbm>> -> memref<128xi32, #tpu.memory_space<hbm>>
          tpu.enqueue_dma source(%dma_start3A_171 : memref<128xi32, #tpu.memory_space<hbm>>) target(%arg18 : memref<128xi32, #tpu.memory_space<vmem>>) target_semaphore(%run_scoped3A : memref<!tpu.dma_semaphore, #tpu.memory_space<semaphore_mem>>)
          %dma_wait3A_172 = tpu.memref_slice %arg6[%add3A_167] : memref<102400xi32, #tpu.memory_space<hbm>> -> memref<128xi32, #tpu.memory_space<hbm>>
          %dma_wait3A_173 = tpu.memref_slice %arg6[%add3A_167] : memref<102400xi32, #tpu.memory_space<hbm>> -> memref<128xi32, #tpu.memory_space<hbm>>
          tpu.wait_dma2 semaphore(%run_scoped3A : memref<!tpu.dma_semaphore, #tpu.memory_space<semaphore_mem>>) src(%dma_wait3A_173 : memref<128xi32, #tpu.memory_space<hbm>>) dst(%arg18 : memref<128xi32, #tpu.memory_space<vmem>>)
          tpu.yield
        }) : () -> ()
        %dma_start3A = arith.constant 0 : i32
        %dma_start3A_168 = arith.constant 0 : i32
        %dma_start3A_169 = tpu.memref_slice %arg2[%dma_start3A, %dma_start3A_168] : memref<10000x128xf32, #tpu.memory_space<hbm>> -> memref<10000x128xf32, #tpu.memory_space<hbm>>
        tpu.enqueue_indirect_dma source(%dma_start3A_169 : memref<10000x128xf32, #tpu.memory_space<hbm>>) target(%arg20 : memref<128x128xf32, #tpu.memory_space<vmem>>) offsets(%arg16 : memref<128xi32, #tpu.memory_space<vmem>>) semaphore(%arg24 : memref<!tpu.dma_semaphore, #tpu.memory_space<semaphore_mem>>)
      } else {
      }
    }
    %while3A_103 = arith.constant 1 : i32
    scf.for %while3A_139 = %while3A_101 to %while3A_97 step %while3A_103  : i32 {
      %dma_wait3A = arith.constant 0 : i32
      %dma_wait3A_140 = arith.constant 0 : i32
      %dma_wait3A_141 = tpu.memref_slice %arg2[%dma_wait3A, %dma_wait3A_140] : memref<10000x128xf32, #tpu.memory_space<hbm>> -> memref<10000x128xf32, #tpu.memory_space<hbm>>
      tpu.wait_indirect_dma semaphore(%arg23 : memref<!tpu.dma_semaphore, #tpu.memory_space<semaphore_mem>>) src(%dma_wait3A_141 : memref<10000x128xf32, #tpu.memory_space<hbm>>) dst(%arg19 : memref<128x128xf32, #tpu.memory_space<vmem>>)
      "tpu.region"() ({
        %run_scoped3A = tpu.sem_alloc : memref<!tpu.dma_semaphore, #tpu.memory_space<semaphore_mem>>
        %dma_start3A = arith.constant 0 : i32
        %dma_start3A_161 = arith.constant 0 : i32
        %dma_start3A_162 = tpu.memref_slice %arg21[%dma_start3A, %dma_start3A_161] : memref<10112x128xf32, #tpu.memory_space<vmem_shared>> -> memref<10112x128xf32, #tpu.memory_space<vmem_shared>>
        tpu.enqueue_indirect_dma source(%arg19 : memref<128x128xf32, #tpu.memory_space<vmem>>) target(%dma_start3A_162 : memref<10112x128xf32, #tpu.memory_space<vmem_shared>>) offsets(%arg17 : memref<128xi32, #tpu.memory_space<vmem>>) semaphore(%run_scoped3A : memref<!tpu.dma_semaphore, #tpu.memory_space<semaphore_mem>>) {add = true}
        %dma_wait3A_163 = arith.constant 0 : i32
        %dma_wait3A_164 = arith.constant 0 : i32
        %dma_wait3A_165 = tpu.memref_slice %arg21[%dma_wait3A_163, %dma_wait3A_164] : memref<10112x128xf32, #tpu.memory_space<vmem_shared>> -> memref<10112x128xf32, #tpu.memory_space<vmem_shared>>
        tpu.wait_indirect_dma semaphore(%run_scoped3A : memref<!tpu.dma_semaphore, #tpu.memory_space<semaphore_mem>>) src(%arg19 : memref<128x128xf32, #tpu.memory_space<vmem>>) dst(%dma_wait3A_165 : memref<10112x128xf32, #tpu.memory_space<vmem_shared>>)
        tpu.yield
      }) : () -> ()
      %mul3A_142 = arith.constant 2 : i32
      %mul3A_143 = arith.muli %mul3A_142, %while3A_139 : i32
      %add3A_144 = arith.constant 2 : i32
      %add3A_145 = arith.addi %mul3A_143, %add3A_144 : i32
      %lt3A_146 = arith.cmpi slt, %add3A_145, %select_n3A_36 : i32
      %convert_element_type3A_147 = arith.extui %lt3A_146 : i1 to i32
      %cond3A_148 = arith.constant 0 : i32
      %cond3A_149 = arith.cmpi ne, %convert_element_type3A_147, %cond3A_148 : i32
      scf.if %cond3A_149 {
        %mul3A_161 = arith.constant 2 : i32
        %mul3A_162 = arith.muli %mul3A_161, %while3A_139 : i32
        %add3A_163 = arith.constant 2 : i32
        %add3A_164 = arith.addi %mul3A_162, %add3A_163 : i32
        %mul3A_165 = arith.constant 128 : i32
        %mul3A_166 = arith.muli %add3A_164, %mul3A_165 : i32
        %add3A_167 = arith.addi %select_n3A, %mul3A_166 : i32
        "tpu.region"() ({
          %run_scoped3A = tpu.sem_alloc : memref<!tpu.dma_semaphore, #tpu.memory_space<semaphore_mem>>
          %dma_start3A_170 = tpu.memref_slice %arg5[%add3A_167] : memref<102400xi32, #tpu.memory_space<hbm>> -> memref<128xi32, #tpu.memory_space<hbm>>
          %dma_start3A_171 = tpu.memref_slice %arg5[%add3A_167] : memref<102400xi32, #tpu.memory_space<hbm>> -> memref<128xi32, #tpu.memory_space<hbm>>
          tpu.enqueue_dma source(%dma_start3A_171 : memref<128xi32, #tpu.memory_space<hbm>>) target(%arg15 : memref<128xi32, #tpu.memory_space<vmem>>) target_semaphore(%run_scoped3A : memref<!tpu.dma_semaphore, #tpu.memory_space<semaphore_mem>>)
          %dma_wait3A_172 = tpu.memref_slice %arg5[%add3A_167] : memref<102400xi32, #tpu.memory_space<hbm>> -> memref<128xi32, #tpu.memory_space<hbm>>
          %dma_wait3A_173 = tpu.memref_slice %arg5[%add3A_167] : memref<102400xi32, #tpu.memory_space<hbm>> -> memref<128xi32, #tpu.memory_space<hbm>>
          tpu.wait_dma2 semaphore(%run_scoped3A : memref<!tpu.dma_semaphore, #tpu.memory_space<semaphore_mem>>) src(%dma_wait3A_173 : memref<128xi32, #tpu.memory_space<hbm>>) dst(%arg15 : memref<128xi32, #tpu.memory_space<vmem>>)
          tpu.yield
        }) : () -> ()
        "tpu.region"() ({
          %run_scoped3A = tpu.sem_alloc : memref<!tpu.dma_semaphore, #tpu.memory_space<semaphore_mem>>
          %dma_start3A_170 = tpu.memref_slice %arg6[%add3A_167] : memref<102400xi32, #tpu.memory_space<hbm>> -> memref<128xi32, #tpu.memory_space<hbm>>
          %dma_start3A_171 = tpu.memref_slice %arg6[%add3A_167] : memref<102400xi32, #tpu.memory_space<hbm>> -> memref<128xi32, #tpu.memory_space<hbm>>
          tpu.enqueue_dma source(%dma_start3A_171 : memref<128xi32, #tpu.memory_space<hbm>>) target(%arg17 : memref<128xi32, #tpu.memory_space<vmem>>) target_semaphore(%run_scoped3A : memref<!tpu.dma_semaphore, #tpu.memory_space<semaphore_mem>>)
          %dma_wait3A_172 = tpu.memref_slice %arg6[%add3A_167] : memref<102400xi32, #tpu.memory_space<hbm>> -> memref<128xi32, #tpu.memory_space<hbm>>
          %dma_wait3A_173 = tpu.memref_slice %arg6[%add3A_167] : memref<102400xi32, #tpu.memory_space<hbm>> -> memref<128xi32, #tpu.memory_space<hbm>>
          tpu.wait_dma2 semaphore(%run_scoped3A : memref<!tpu.dma_semaphore, #tpu.memory_space<semaphore_mem>>) src(%dma_wait3A_173 : memref<128xi32, #tpu.memory_space<hbm>>) dst(%arg17 : memref<128xi32, #tpu.memory_space<vmem>>)
          tpu.yield
        }) : () -> ()
        %dma_start3A = arith.constant 0 : i32
        %dma_start3A_168 = arith.constant 0 : i32
        %dma_start3A_169 = tpu.memref_slice %arg2[%dma_start3A, %dma_start3A_168] : memref<10000x128xf32, #tpu.memory_space<hbm>> -> memref<10000x128xf32, #tpu.memory_space<hbm>>
        tpu.enqueue_indirect_dma source(%dma_start3A_169 : memref<10000x128xf32, #tpu.memory_space<hbm>>) target(%arg19 : memref<128x128xf32, #tpu.memory_space<vmem>>) offsets(%arg15 : memref<128xi32, #tpu.memory_space<vmem>>) semaphore(%arg23 : memref<!tpu.dma_semaphore, #tpu.memory_space<semaphore_mem>>)
      } else {
      }
      %dma_wait3A_150 = arith.constant 0 : i32
      %dma_wait3A_151 = arith.constant 0 : i32
      %dma_wait3A_152 = tpu.memref_slice %arg2[%dma_wait3A_150, %dma_wait3A_151] : memref<10000x128xf32, #tpu.memory_space<hbm>> -> memref<10000x128xf32, #tpu.memory_space<hbm>>
      tpu.wait_indirect_dma semaphore(%arg24 : memref<!tpu.dma_semaphore, #tpu.memory_space<semaphore_mem>>) src(%dma_wait3A_152 : memref<10000x128xf32, #tpu.memory_space<hbm>>) dst(%arg20 : memref<128x128xf32, #tpu.memory_space<vmem>>)
      "tpu.region"() ({
        %run_scoped3A = tpu.sem_alloc : memref<!tpu.dma_semaphore, #tpu.memory_space<semaphore_mem>>
        %dma_start3A = arith.constant 0 : i32
        %dma_start3A_161 = arith.constant 0 : i32
        %dma_start3A_162 = tpu.memref_slice %arg21[%dma_start3A, %dma_start3A_161] : memref<10112x128xf32, #tpu.memory_space<vmem_shared>> -> memref<10112x128xf32, #tpu.memory_space<vmem_shared>>
        tpu.enqueue_indirect_dma source(%arg20 : memref<128x128xf32, #tpu.memory_space<vmem>>) target(%dma_start3A_162 : memref<10112x128xf32, #tpu.memory_space<vmem_shared>>) offsets(%arg18 : memref<128xi32, #tpu.memory_space<vmem>>) semaphore(%run_scoped3A : memref<!tpu.dma_semaphore, #tpu.memory_space<semaphore_mem>>) {add = true}
        %dma_wait3A_163 = arith.constant 0 : i32
        %dma_wait3A_164 = arith.constant 0 : i32
        %dma_wait3A_165 = tpu.memref_slice %arg21[%dma_wait3A_163, %dma_wait3A_164] : memref<10112x128xf32, #tpu.memory_space<vmem_shared>> -> memref<10112x128xf32, #tpu.memory_space<vmem_shared>>
        tpu.wait_indirect_dma semaphore(%run_scoped3A : memref<!tpu.dma_semaphore, #tpu.memory_space<semaphore_mem>>) src(%arg20 : memref<128x128xf32, #tpu.memory_space<vmem>>) dst(%dma_wait3A_165 : memref<10112x128xf32, #tpu.memory_space<vmem_shared>>)
        tpu.yield
      }) : () -> ()
      %mul3A_153 = arith.constant 2 : i32
      %mul3A_154 = arith.muli %mul3A_153, %while3A_139 : i32
      %add3A_155 = arith.constant 3 : i32
      %add3A_156 = arith.addi %mul3A_154, %add3A_155 : i32
      %lt3A_157 = arith.cmpi slt, %add3A_156, %select_n3A_36 : i32
      %convert_element_type3A_158 = arith.extui %lt3A_157 : i1 to i32
      %cond3A_159 = arith.constant 0 : i32
      %cond3A_160 = arith.cmpi ne, %convert_element_type3A_158, %cond3A_159 : i32
      scf.if %cond3A_160 {
        %mul3A_161 = arith.constant 2 : i32
        %mul3A_162 = arith.muli %mul3A_161, %while3A_139 : i32
        %add3A_163 = arith.constant 3 : i32
        %add3A_164 = arith.addi %mul3A_162, %add3A_163 : i32
        %mul3A_165 = arith.constant 128 : i32
        %mul3A_166 = arith.muli %add3A_164, %mul3A_165 : i32
        %add3A_167 = arith.addi %select_n3A, %mul3A_166 : i32
        "tpu.region"() ({
          %run_scoped3A = tpu.sem_alloc : memref<!tpu.dma_semaphore, #tpu.memory_space<semaphore_mem>>
          %dma_start3A_170 = tpu.memref_slice %arg5[%add3A_167] : memref<102400xi32, #tpu.memory_space<hbm>> -> memref<128xi32, #tpu.memory_space<hbm>>
          %dma_start3A_171 = tpu.memref_slice %arg5[%add3A_167] : memref<102400xi32, #tpu.memory_space<hbm>> -> memref<128xi32, #tpu.memory_space<hbm>>
          tpu.enqueue_dma source(%dma_start3A_171 : memref<128xi32, #tpu.memory_space<hbm>>) target(%arg16 : memref<128xi32, #tpu.memory_space<vmem>>) target_semaphore(%run_scoped3A : memref<!tpu.dma_semaphore, #tpu.memory_space<semaphore_mem>>)
          %dma_wait3A_172 = tpu.memref_slice %arg5[%add3A_167] : memref<102400xi32, #tpu.memory_space<hbm>> -> memref<128xi32, #tpu.memory_space<hbm>>
          %dma_wait3A_173 = tpu.memref_slice %arg5[%add3A_167] : memref<102400xi32, #tpu.memory_space<hbm>> -> memref<128xi32, #tpu.memory_space<hbm>>
          tpu.wait_dma2 semaphore(%run_scoped3A : memref<!tpu.dma_semaphore, #tpu.memory_space<semaphore_mem>>) src(%dma_wait3A_173 : memref<128xi32, #tpu.memory_space<hbm>>) dst(%arg16 : memref<128xi32, #tpu.memory_space<vmem>>)
          tpu.yield
        }) : () -> ()
        "tpu.region"() ({
          %run_scoped3A = tpu.sem_alloc : memref<!tpu.dma_semaphore, #tpu.memory_space<semaphore_mem>>
          %dma_start3A_170 = tpu.memref_slice %arg6[%add3A_167] : memref<102400xi32, #tpu.memory_space<hbm>> -> memref<128xi32, #tpu.memory_space<hbm>>
          %dma_start3A_171 = tpu.memref_slice %arg6[%add3A_167] : memref<102400xi32, #tpu.memory_space<hbm>> -> memref<128xi32, #tpu.memory_space<hbm>>
          tpu.enqueue_dma source(%dma_start3A_171 : memref<128xi32, #tpu.memory_space<hbm>>) target(%arg18 : memref<128xi32, #tpu.memory_space<vmem>>) target_semaphore(%run_scoped3A : memref<!tpu.dma_semaphore, #tpu.memory_space<semaphore_mem>>)
          %dma_wait3A_172 = tpu.memref_slice %arg6[%add3A_167] : memref<102400xi32, #tpu.memory_space<hbm>> -> memref<128xi32, #tpu.memory_space<hbm>>
          %dma_wait3A_173 = tpu.memref_slice %arg6[%add3A_167] : memref<102400xi32, #tpu.memory_space<hbm>> -> memref<128xi32, #tpu.memory_space<hbm>>
          tpu.wait_dma2 semaphore(%run_scoped3A : memref<!tpu.dma_semaphore, #tpu.memory_space<semaphore_mem>>) src(%dma_wait3A_173 : memref<128xi32, #tpu.memory_space<hbm>>) dst(%arg18 : memref<128xi32, #tpu.memory_space<vmem>>)
          tpu.yield
        }) : () -> ()
        %dma_start3A = arith.constant 0 : i32
        %dma_start3A_168 = arith.constant 0 : i32
        %dma_start3A_169 = tpu.memref_slice %arg2[%dma_start3A, %dma_start3A_168] : memref<10000x128xf32, #tpu.memory_space<hbm>> -> memref<10000x128xf32, #tpu.memory_space<hbm>>
        tpu.enqueue_indirect_dma source(%dma_start3A_169 : memref<10000x128xf32, #tpu.memory_space<hbm>>) target(%arg20 : memref<128x128xf32, #tpu.memory_space<vmem>>) offsets(%arg16 : memref<128xi32, #tpu.memory_space<vmem>>) semaphore(%arg24 : memref<!tpu.dma_semaphore, #tpu.memory_space<semaphore_mem>>)
      } else {
      }
    }
    %barrier3A_104 = arith.constant 0 : index
    tpu.barrier barrier_id(%barrier3A_104)
    "tpu.trace_stop"() : () -> ()
    "tpu.trace_start"() <{level = 10 : i32, message = "copyout1"}> : () -> ()
    "tpu.region"() ({
      %run_scoped3A = tpu.sem_alloc : memref<!tpu.dma_semaphore, #tpu.memory_space<semaphore_mem>>
      %dma_start3A = arith.constant 0 : i32
      %dma_start3A_139 = tpu.memref_slice %arg10[%arg0, %mul3A_23, %dma_start3A] : memref<2x10112x128xf32, #tpu.memory_space<hbm>> -> memref<1x632x128xf32, #tpu.memory_space<hbm>>
      %dma_start3A_140 = tpu.memref_squeeze %dma_start3A_139 : memref<1x632x128xf32, #tpu.memory_space<hbm>> -> memref<632x128xf32, #tpu.memory_space<hbm>>
      %dma_start3A_141 = arith.constant 0 : i32
      %dma_start3A_142 = tpu.memref_slice %arg21[%mul3A_23, %dma_start3A_141] : memref<10112x128xf32, #tpu.memory_space<vmem_shared>> -> memref<632x128xf32, #tpu.memory_space<vmem_shared>>
      tpu.enqueue_dma source(%dma_start3A_142 : memref<632x128xf32, #tpu.memory_space<vmem_shared>>) target(%dma_start3A_140 : memref<632x128xf32, #tpu.memory_space<hbm>>) target_semaphore(%run_scoped3A : memref<!tpu.dma_semaphore, #tpu.memory_space<semaphore_mem>>)
      %dma_wait3A = arith.constant 0 : i32
      %dma_wait3A_143 = tpu.memref_slice %arg10[%arg0, %mul3A_23, %dma_wait3A] : memref<2x10112x128xf32, #tpu.memory_space<hbm>> -> memref<1x632x128xf32, #tpu.memory_space<hbm>>
      %dma_wait3A_144 = tpu.memref_squeeze %dma_wait3A_143 : memref<1x632x128xf32, #tpu.memory_space<hbm>> -> memref<632x128xf32, #tpu.memory_space<hbm>>
      %dma_wait3A_145 = arith.constant 0 : i32
      %dma_wait3A_146 = tpu.memref_slice %arg21[%mul3A_23, %dma_wait3A_145] : memref<10112x128xf32, #tpu.memory_space<vmem_shared>> -> memref<632x128xf32, #tpu.memory_space<vmem_shared>>
      tpu.wait_dma2 semaphore(%run_scoped3A : memref<!tpu.dma_semaphore, #tpu.memory_space<semaphore_mem>>) src(%dma_wait3A_146 : memref<632x128xf32, #tpu.memory_space<vmem_shared>>) dst(%dma_wait3A_144 : memref<632x128xf32, #tpu.memory_space<hbm>>)
      tpu.yield
    }) : () -> ()
    "tpu.trace_stop"() : () -> ()
    %barrier3A_105 = arith.constant 0 : index
    tpu.barrier barrier_id(%barrier3A_105)
    "tpu.trace_start"() <{level = 10 : i32, message = "zero2"}> : () -> ()
    %add3A_106 = arith.constant 0 : i32
    %add3A_107 = arith.addi %mul3A_23, %add3A_106 : i32
    "tpu.region"() ({
      %run_scoped3A = tpu.sem_alloc : memref<!tpu.dma_semaphore, #tpu.memory_space<semaphore_mem>>
      %dma_start3A = arith.constant 0 : i32
      %dma_start3A_139 = tpu.memref_slice %arg21[%add3A_107, %dma_start3A] : memref<10112x128xf32, #tpu.memory_space<vmem_shared>> -> memref<79x128xf32, #tpu.memory_space<vmem_shared>>
      %dma_start3A_140 = arith.constant 0 : i32
      %dma_start3A_141 = tpu.memref_slice %arg21[%add3A_107, %dma_start3A_140] : memref<10112x128xf32, #tpu.memory_space<vmem_shared>> -> memref<79x128xf32, #tpu.memory_space<vmem_shared>>
      tpu.enqueue_dma source(%arg12 : memref<79x128xf32, #tpu.memory_space<vmem>>) target(%dma_start3A_141 : memref<79x128xf32, #tpu.memory_space<vmem_shared>>) target_semaphore(%run_scoped3A : memref<!tpu.dma_semaphore, #tpu.memory_space<semaphore_mem>>)
      %dma_wait3A = arith.constant 0 : i32
      %dma_wait3A_142 = tpu.memref_slice %arg21[%add3A_107, %dma_wait3A] : memref<10112x128xf32, #tpu.memory_space<vmem_shared>> -> memref<79x128xf32, #tpu.memory_space<vmem_shared>>
      %dma_wait3A_143 = arith.constant 0 : i32
      %dma_wait3A_144 = tpu.memref_slice %arg21[%add3A_107, %dma_wait3A_143] : memref<10112x128xf32, #tpu.memory_space<vmem_shared>> -> memref<79x128xf32, #tpu.memory_space<vmem_shared>>
      tpu.wait_dma2 semaphore(%run_scoped3A : memref<!tpu.dma_semaphore, #tpu.memory_space<semaphore_mem>>) src(%arg12 : memref<79x128xf32, #tpu.memory_space<vmem>>) dst(%dma_wait3A_144 : memref<79x128xf32, #tpu.memory_space<vmem_shared>>)
      tpu.yield
    }) : () -> ()
    %add3A_108 = arith.constant 79 : i32
    %add3A_109 = arith.addi %mul3A_23, %add3A_108 : i32
    "tpu.region"() ({
      %run_scoped3A = tpu.sem_alloc : memref<!tpu.dma_semaphore, #tpu.memory_space<semaphore_mem>>
      %dma_start3A = arith.constant 0 : i32
      %dma_start3A_139 = tpu.memref_slice %arg21[%add3A_109, %dma_start3A] : memref<10112x128xf32, #tpu.memory_space<vmem_shared>> -> memref<79x128xf32, #tpu.memory_space<vmem_shared>>
      %dma_start3A_140 = arith.constant 0 : i32
      %dma_start3A_141 = tpu.memref_slice %arg21[%add3A_109, %dma_start3A_140] : memref<10112x128xf32, #tpu.memory_space<vmem_shared>> -> memref<79x128xf32, #tpu.memory_space<vmem_shared>>
      tpu.enqueue_dma source(%arg12 : memref<79x128xf32, #tpu.memory_space<vmem>>) target(%dma_start3A_141 : memref<79x128xf32, #tpu.memory_space<vmem_shared>>) target_semaphore(%run_scoped3A : memref<!tpu.dma_semaphore, #tpu.memory_space<semaphore_mem>>)
      %dma_wait3A = arith.constant 0 : i32
      %dma_wait3A_142 = tpu.memref_slice %arg21[%add3A_109, %dma_wait3A] : memref<10112x128xf32, #tpu.memory_space<vmem_shared>> -> memref<79x128xf32, #tpu.memory_space<vmem_shared>>
      %dma_wait3A_143 = arith.constant 0 : i32
      %dma_wait3A_144 = tpu.memref_slice %arg21[%add3A_109, %dma_wait3A_143] : memref<10112x128xf32, #tpu.memory_space<vmem_shared>> -> memref<79x128xf32, #tpu.memory_space<vmem_shared>>
      tpu.wait_dma2 semaphore(%run_scoped3A : memref<!tpu.dma_semaphore, #tpu.memory_space<semaphore_mem>>) src(%arg12 : memref<79x128xf32, #tpu.memory_space<vmem>>) dst(%dma_wait3A_144 : memref<79x128xf32, #tpu.memory_space<vmem_shared>>)
      tpu.yield
    }) : () -> ()
    %add3A_110 = arith.constant 158 : i32
    %add3A_111 = arith.addi %mul3A_23, %add3A_110 : i32
    "tpu.region"() ({
      %run_scoped3A = tpu.sem_alloc : memref<!tpu.dma_semaphore, #tpu.memory_space<semaphore_mem>>
      %dma_start3A = arith.constant 0 : i32
      %dma_start3A_139 = tpu.memref_slice %arg21[%add3A_111, %dma_start3A] : memref<10112x128xf32, #tpu.memory_space<vmem_shared>> -> memref<79x128xf32, #tpu.memory_space<vmem_shared>>
      %dma_start3A_140 = arith.constant 0 : i32
      %dma_start3A_141 = tpu.memref_slice %arg21[%add3A_111, %dma_start3A_140] : memref<10112x128xf32, #tpu.memory_space<vmem_shared>> -> memref<79x128xf32, #tpu.memory_space<vmem_shared>>
      tpu.enqueue_dma source(%arg12 : memref<79x128xf32, #tpu.memory_space<vmem>>) target(%dma_start3A_141 : memref<79x128xf32, #tpu.memory_space<vmem_shared>>) target_semaphore(%run_scoped3A : memref<!tpu.dma_semaphore, #tpu.memory_space<semaphore_mem>>)
      %dma_wait3A = arith.constant 0 : i32
      %dma_wait3A_142 = tpu.memref_slice %arg21[%add3A_111, %dma_wait3A] : memref<10112x128xf32, #tpu.memory_space<vmem_shared>> -> memref<79x128xf32, #tpu.memory_space<vmem_shared>>
      %dma_wait3A_143 = arith.constant 0 : i32
      %dma_wait3A_144 = tpu.memref_slice %arg21[%add3A_111, %dma_wait3A_143] : memref<10112x128xf32, #tpu.memory_space<vmem_shared>> -> memref<79x128xf32, #tpu.memory_space<vmem_shared>>
      tpu.wait_dma2 semaphore(%run_scoped3A : memref<!tpu.dma_semaphore, #tpu.memory_space<semaphore_mem>>) src(%arg12 : memref<79x128xf32, #tpu.memory_space<vmem>>) dst(%dma_wait3A_144 : memref<79x128xf32, #tpu.memory_space<vmem_shared>>)
      tpu.yield
    }) : () -> ()
    %add3A_112 = arith.constant 237 : i32
    %add3A_113 = arith.addi %mul3A_23, %add3A_112 : i32
    "tpu.region"() ({
      %run_scoped3A = tpu.sem_alloc : memref<!tpu.dma_semaphore, #tpu.memory_space<semaphore_mem>>
      %dma_start3A = arith.constant 0 : i32
      %dma_start3A_139 = tpu.memref_slice %arg21[%add3A_113, %dma_start3A] : memref<10112x128xf32, #tpu.memory_space<vmem_shared>> -> memref<79x128xf32, #tpu.memory_space<vmem_shared>>
      %dma_start3A_140 = arith.constant 0 : i32
      %dma_start3A_141 = tpu.memref_slice %arg21[%add3A_113, %dma_start3A_140] : memref<10112x128xf32, #tpu.memory_space<vmem_shared>> -> memref<79x128xf32, #tpu.memory_space<vmem_shared>>
      tpu.enqueue_dma source(%arg12 : memref<79x128xf32, #tpu.memory_space<vmem>>) target(%dma_start3A_141 : memref<79x128xf32, #tpu.memory_space<vmem_shared>>) target_semaphore(%run_scoped3A : memref<!tpu.dma_semaphore, #tpu.memory_space<semaphore_mem>>)
      %dma_wait3A = arith.constant 0 : i32
      %dma_wait3A_142 = tpu.memref_slice %arg21[%add3A_113, %dma_wait3A] : memref<10112x128xf32, #tpu.memory_space<vmem_shared>> -> memref<79x128xf32, #tpu.memory_space<vmem_shared>>
      %dma_wait3A_143 = arith.constant 0 : i32
      %dma_wait3A_144 = tpu.memref_slice %arg21[%add3A_113, %dma_wait3A_143] : memref<10112x128xf32, #tpu.memory_space<vmem_shared>> -> memref<79x128xf32, #tpu.memory_space<vmem_shared>>
      tpu.wait_dma2 semaphore(%run_scoped3A : memref<!tpu.dma_semaphore, #tpu.memory_space<semaphore_mem>>) src(%arg12 : memref<79x128xf32, #tpu.memory_space<vmem>>) dst(%dma_wait3A_144 : memref<79x128xf32, #tpu.memory_space<vmem_shared>>)
      tpu.yield
    }) : () -> ()
    %add3A_114 = arith.constant 316 : i32
    %add3A_115 = arith.addi %mul3A_23, %add3A_114 : i32
    "tpu.region"() ({
      %run_scoped3A = tpu.sem_alloc : memref<!tpu.dma_semaphore, #tpu.memory_space<semaphore_mem>>
      %dma_start3A = arith.constant 0 : i32
      %dma_start3A_139 = tpu.memref_slice %arg21[%add3A_115, %dma_start3A] : memref<10112x128xf32, #tpu.memory_space<vmem_shared>> -> memref<79x128xf32, #tpu.memory_space<vmem_shared>>
      %dma_start3A_140 = arith.constant 0 : i32
      %dma_start3A_141 = tpu.memref_slice %arg21[%add3A_115, %dma_start3A_140] : memref<10112x128xf32, #tpu.memory_space<vmem_shared>> -> memref<79x128xf32, #tpu.memory_space<vmem_shared>>
      tpu.enqueue_dma source(%arg12 : memref<79x128xf32, #tpu.memory_space<vmem>>) target(%dma_start3A_141 : memref<79x128xf32, #tpu.memory_space<vmem_shared>>) target_semaphore(%run_scoped3A : memref<!tpu.dma_semaphore, #tpu.memory_space<semaphore_mem>>)
      %dma_wait3A = arith.constant 0 : i32
      %dma_wait3A_142 = tpu.memref_slice %arg21[%add3A_115, %dma_wait3A] : memref<10112x128xf32, #tpu.memory_space<vmem_shared>> -> memref<79x128xf32, #tpu.memory_space<vmem_shared>>
      %dma_wait3A_143 = arith.constant 0 : i32
      %dma_wait3A_144 = tpu.memref_slice %arg21[%add3A_115, %dma_wait3A_143] : memref<10112x128xf32, #tpu.memory_space<vmem_shared>> -> memref<79x128xf32, #tpu.memory_space<vmem_shared>>
      tpu.wait_dma2 semaphore(%run_scoped3A : memref<!tpu.dma_semaphore, #tpu.memory_space<semaphore_mem>>) src(%arg12 : memref<79x128xf32, #tpu.memory_space<vmem>>) dst(%dma_wait3A_144 : memref<79x128xf32, #tpu.memory_space<vmem_shared>>)
      tpu.yield
    }) : () -> ()
    %add3A_116 = arith.constant 395 : i32
    %add3A_117 = arith.addi %mul3A_23, %add3A_116 : i32
    "tpu.region"() ({
      %run_scoped3A = tpu.sem_alloc : memref<!tpu.dma_semaphore, #tpu.memory_space<semaphore_mem>>
      %dma_start3A = arith.constant 0 : i32
      %dma_start3A_139 = tpu.memref_slice %arg21[%add3A_117, %dma_start3A] : memref<10112x128xf32, #tpu.memory_space<vmem_shared>> -> memref<79x128xf32, #tpu.memory_space<vmem_shared>>
      %dma_start3A_140 = arith.constant 0 : i32
      %dma_start3A_141 = tpu.memref_slice %arg21[%add3A_117, %dma_start3A_140] : memref<10112x128xf32, #tpu.memory_space<vmem_shared>> -> memref<79x128xf32, #tpu.memory_space<vmem_shared>>
      tpu.enqueue_dma source(%arg12 : memref<79x128xf32, #tpu.memory_space<vmem>>) target(%dma_start3A_141 : memref<79x128xf32, #tpu.memory_space<vmem_shared>>) target_semaphore(%run_scoped3A : memref<!tpu.dma_semaphore, #tpu.memory_space<semaphore_mem>>)
      %dma_wait3A = arith.constant 0 : i32
      %dma_wait3A_142 = tpu.memref_slice %arg21[%add3A_117, %dma_wait3A] : memref<10112x128xf32, #tpu.memory_space<vmem_shared>> -> memref<79x128xf32, #tpu.memory_space<vmem_shared>>
      %dma_wait3A_143 = arith.constant 0 : i32
      %dma_wait3A_144 = tpu.memref_slice %arg21[%add3A_117, %dma_wait3A_143] : memref<10112x128xf32, #tpu.memory_space<vmem_shared>> -> memref<79x128xf32, #tpu.memory_space<vmem_shared>>
      tpu.wait_dma2 semaphore(%run_scoped3A : memref<!tpu.dma_semaphore, #tpu.memory_space<semaphore_mem>>) src(%arg12 : memref<79x128xf32, #tpu.memory_space<vmem>>) dst(%dma_wait3A_144 : memref<79x128xf32, #tpu.memory_space<vmem_shared>>)
      tpu.yield
    }) : () -> ()
    %add3A_118 = arith.constant 474 : i32
    %add3A_119 = arith.addi %mul3A_23, %add3A_118 : i32
    "tpu.region"() ({
      %run_scoped3A = tpu.sem_alloc : memref<!tpu.dma_semaphore, #tpu.memory_space<semaphore_mem>>
      %dma_start3A = arith.constant 0 : i32
      %dma_start3A_139 = tpu.memref_slice %arg21[%add3A_119, %dma_start3A] : memref<10112x128xf32, #tpu.memory_space<vmem_shared>> -> memref<79x128xf32, #tpu.memory_space<vmem_shared>>
      %dma_start3A_140 = arith.constant 0 : i32
      %dma_start3A_141 = tpu.memref_slice %arg21[%add3A_119, %dma_start3A_140] : memref<10112x128xf32, #tpu.memory_space<vmem_shared>> -> memref<79x128xf32, #tpu.memory_space<vmem_shared>>
      tpu.enqueue_dma source(%arg12 : memref<79x128xf32, #tpu.memory_space<vmem>>) target(%dma_start3A_141 : memref<79x128xf32, #tpu.memory_space<vmem_shared>>) target_semaphore(%run_scoped3A : memref<!tpu.dma_semaphore, #tpu.memory_space<semaphore_mem>>)
      %dma_wait3A = arith.constant 0 : i32
      %dma_wait3A_142 = tpu.memref_slice %arg21[%add3A_119, %dma_wait3A] : memref<10112x128xf32, #tpu.memory_space<vmem_shared>> -> memref<79x128xf32, #tpu.memory_space<vmem_shared>>
      %dma_wait3A_143 = arith.constant 0 : i32
      %dma_wait3A_144 = tpu.memref_slice %arg21[%add3A_119, %dma_wait3A_143] : memref<10112x128xf32, #tpu.memory_space<vmem_shared>> -> memref<79x128xf32, #tpu.memory_space<vmem_shared>>
      tpu.wait_dma2 semaphore(%run_scoped3A : memref<!tpu.dma_semaphore, #tpu.memory_space<semaphore_mem>>) src(%arg12 : memref<79x128xf32, #tpu.memory_space<vmem>>) dst(%dma_wait3A_144 : memref<79x128xf32, #tpu.memory_space<vmem_shared>>)
      tpu.yield
    }) : () -> ()
    %add3A_120 = arith.constant 553 : i32
    %add3A_121 = arith.addi %mul3A_23, %add3A_120 : i32
    "tpu.region"() ({
      %run_scoped3A = tpu.sem_alloc : memref<!tpu.dma_semaphore, #tpu.memory_space<semaphore_mem>>
      %dma_start3A = arith.constant 0 : i32
      %dma_start3A_139 = tpu.memref_slice %arg21[%add3A_121, %dma_start3A] : memref<10112x128xf32, #tpu.memory_space<vmem_shared>> -> memref<79x128xf32, #tpu.memory_space<vmem_shared>>
      %dma_start3A_140 = arith.constant 0 : i32
      %dma_start3A_141 = tpu.memref_slice %arg21[%add3A_121, %dma_start3A_140] : memref<10112x128xf32, #tpu.memory_space<vmem_shared>> -> memref<79x128xf32, #tpu.memory_space<vmem_shared>>
      tpu.enqueue_dma source(%arg12 : memref<79x128xf32, #tpu.memory_space<vmem>>) target(%dma_start3A_141 : memref<79x128xf32, #tpu.memory_space<vmem_shared>>) target_semaphore(%run_scoped3A : memref<!tpu.dma_semaphore, #tpu.memory_space<semaphore_mem>>)
      %dma_wait3A = arith.constant 0 : i32
      %dma_wait3A_142 = tpu.memref_slice %arg21[%add3A_121, %dma_wait3A] : memref<10112x128xf32, #tpu.memory_space<vmem_shared>> -> memref<79x128xf32, #tpu.memory_space<vmem_shared>>
      %dma_wait3A_143 = arith.constant 0 : i32
      %dma_wait3A_144 = tpu.memref_slice %arg21[%add3A_121, %dma_wait3A_143] : memref<10112x128xf32, #tpu.memory_space<vmem_shared>> -> memref<79x128xf32, #tpu.memory_space<vmem_shared>>
      tpu.wait_dma2 semaphore(%run_scoped3A : memref<!tpu.dma_semaphore, #tpu.memory_space<semaphore_mem>>) src(%arg12 : memref<79x128xf32, #tpu.memory_space<vmem>>) dst(%dma_wait3A_144 : memref<79x128xf32, #tpu.memory_space<vmem_shared>>)
      tpu.yield
    }) : () -> ()
    %barrier3A_122 = arith.constant 0 : index
    tpu.barrier barrier_id(%barrier3A_122)
    %lt3A_123 = arith.constant 0 : i32
    "tpu.trace_stop"() : () -> ()
    "tpu.trace_start"() <{level = 10 : i32, message = "chunks2"}> : () -> ()
    %lt3A_124 = arith.cmpi slt, %lt3A_123, %select_n3A_36 : i32
    %convert_element_type3A_125 = arith.extui %lt3A_124 : i1 to i32
    %cond3A_126 = arith.constant 0 : i32
    %cond3A_127 = arith.cmpi ne, %convert_element_type3A_125, %cond3A_126 : i32
    scf.if %cond3A_127 {
      %mul3A_139 = arith.constant 0 : i32
      %mul3A_140 = arith.constant 128 : i32
      %mul3A_141 = arith.muli %mul3A_139, %mul3A_140 : i32
      %add3A_142 = arith.addi %select_n3A, %mul3A_141 : i32
      "tpu.region"() ({
        %run_scoped3A = tpu.sem_alloc : memref<!tpu.dma_semaphore, #tpu.memory_space<semaphore_mem>>
        %dma_start3A_152 = tpu.memref_slice %arg7[%add3A_142] : memref<102400xi32, #tpu.memory_space<hbm>> -> memref<128xi32, #tpu.memory_space<hbm>>
        %dma_start3A_153 = tpu.memref_slice %arg7[%add3A_142] : memref<102400xi32, #tpu.memory_space<hbm>> -> memref<128xi32, #tpu.memory_space<hbm>>
        tpu.enqueue_dma source(%dma_start3A_153 : memref<128xi32, #tpu.memory_space<hbm>>) target(%arg15 : memref<128xi32, #tpu.memory_space<vmem>>) target_semaphore(%run_scoped3A : memref<!tpu.dma_semaphore, #tpu.memory_space<semaphore_mem>>)
        %dma_wait3A = tpu.memref_slice %arg7[%add3A_142] : memref<102400xi32, #tpu.memory_space<hbm>> -> memref<128xi32, #tpu.memory_space<hbm>>
        %dma_wait3A_154 = tpu.memref_slice %arg7[%add3A_142] : memref<102400xi32, #tpu.memory_space<hbm>> -> memref<128xi32, #tpu.memory_space<hbm>>
        tpu.wait_dma2 semaphore(%run_scoped3A : memref<!tpu.dma_semaphore, #tpu.memory_space<semaphore_mem>>) src(%dma_wait3A_154 : memref<128xi32, #tpu.memory_space<hbm>>) dst(%arg15 : memref<128xi32, #tpu.memory_space<vmem>>)
        tpu.yield
      }) : () -> ()
      "tpu.region"() ({
        %run_scoped3A = tpu.sem_alloc : memref<!tpu.dma_semaphore, #tpu.memory_space<semaphore_mem>>
        %dma_start3A_152 = tpu.memref_slice %arg8[%add3A_142] : memref<102400xi32, #tpu.memory_space<hbm>> -> memref<128xi32, #tpu.memory_space<hbm>>
        %dma_start3A_153 = tpu.memref_slice %arg8[%add3A_142] : memref<102400xi32, #tpu.memory_space<hbm>> -> memref<128xi32, #tpu.memory_space<hbm>>
        tpu.enqueue_dma source(%dma_start3A_153 : memref<128xi32, #tpu.memory_space<hbm>>) target(%arg17 : memref<128xi32, #tpu.memory_space<vmem>>) target_semaphore(%run_scoped3A : memref<!tpu.dma_semaphore, #tpu.memory_space<semaphore_mem>>)
        %dma_wait3A = tpu.memref_slice %arg8[%add3A_142] : memref<102400xi32, #tpu.memory_space<hbm>> -> memref<128xi32, #tpu.memory_space<hbm>>
        %dma_wait3A_154 = tpu.memref_slice %arg8[%add3A_142] : memref<102400xi32, #tpu.memory_space<hbm>> -> memref<128xi32, #tpu.memory_space<hbm>>
        tpu.wait_dma2 semaphore(%run_scoped3A : memref<!tpu.dma_semaphore, #tpu.memory_space<semaphore_mem>>) src(%dma_wait3A_154 : memref<128xi32, #tpu.memory_space<hbm>>) dst(%arg17 : memref<128xi32, #tpu.memory_space<vmem>>)
        tpu.yield
      }) : () -> ()
      %dma_start3A = arith.constant 0 : i32
      %dma_start3A_143 = arith.constant 0 : i32
      %dma_start3A_144 = tpu.memref_slice %arg2[%dma_start3A, %dma_start3A_143] : memref<10000x128xf32, #tpu.memory_space<hbm>> -> memref<10000x128xf32, #tpu.memory_space<hbm>>
      tpu.enqueue_indirect_dma source(%dma_start3A_144 : memref<10000x128xf32, #tpu.memory_space<hbm>>) target(%arg19 : memref<128x128xf32, #tpu.memory_space<vmem>>) offsets(%arg15 : memref<128xi32, #tpu.memory_space<vmem>>) semaphore(%arg23 : memref<!tpu.dma_semaphore, #tpu.memory_space<semaphore_mem>>)
      %mul3A_145 = arith.constant 1 : i32
      %mul3A_146 = arith.constant 128 : i32
      %mul3A_147 = arith.muli %mul3A_145, %mul3A_146 : i32
      %add3A_148 = arith.addi %select_n3A, %mul3A_147 : i32
      "tpu.region"() ({
        %run_scoped3A = tpu.sem_alloc : memref<!tpu.dma_semaphore, #tpu.memory_space<semaphore_mem>>
        %dma_start3A_152 = tpu.memref_slice %arg7[%add3A_148] : memref<102400xi32, #tpu.memory_space<hbm>> -> memref<128xi32, #tpu.memory_space<hbm>>
        %dma_start3A_153 = tpu.memref_slice %arg7[%add3A_148] : memref<102400xi32, #tpu.memory_space<hbm>> -> memref<128xi32, #tpu.memory_space<hbm>>
        tpu.enqueue_dma source(%dma_start3A_153 : memref<128xi32, #tpu.memory_space<hbm>>) target(%arg16 : memref<128xi32, #tpu.memory_space<vmem>>) target_semaphore(%run_scoped3A : memref<!tpu.dma_semaphore, #tpu.memory_space<semaphore_mem>>)
        %dma_wait3A = tpu.memref_slice %arg7[%add3A_148] : memref<102400xi32, #tpu.memory_space<hbm>> -> memref<128xi32, #tpu.memory_space<hbm>>
        %dma_wait3A_154 = tpu.memref_slice %arg7[%add3A_148] : memref<102400xi32, #tpu.memory_space<hbm>> -> memref<128xi32, #tpu.memory_space<hbm>>
        tpu.wait_dma2 semaphore(%run_scoped3A : memref<!tpu.dma_semaphore, #tpu.memory_space<semaphore_mem>>) src(%dma_wait3A_154 : memref<128xi32, #tpu.memory_space<hbm>>) dst(%arg16 : memref<128xi32, #tpu.memory_space<vmem>>)
        tpu.yield
      }) : () -> ()
      "tpu.region"() ({
        %run_scoped3A = tpu.sem_alloc : memref<!tpu.dma_semaphore, #tpu.memory_space<semaphore_mem>>
        %dma_start3A_152 = tpu.memref_slice %arg8[%add3A_148] : memref<102400xi32, #tpu.memory_space<hbm>> -> memref<128xi32, #tpu.memory_space<hbm>>
        %dma_start3A_153 = tpu.memref_slice %arg8[%add3A_148] : memref<102400xi32, #tpu.memory_space<hbm>> -> memref<128xi32, #tpu.memory_space<hbm>>
        tpu.enqueue_dma source(%dma_start3A_153 : memref<128xi32, #tpu.memory_space<hbm>>) target(%arg18 : memref<128xi32, #tpu.memory_space<vmem>>) target_semaphore(%run_scoped3A : memref<!tpu.dma_semaphore, #tpu.memory_space<semaphore_mem>>)
        %dma_wait3A = tpu.memref_slice %arg8[%add3A_148] : memref<102400xi32, #tpu.memory_space<hbm>> -> memref<128xi32, #tpu.memory_space<hbm>>
        %dma_wait3A_154 = tpu.memref_slice %arg8[%add3A_148] : memref<102400xi32, #tpu.memory_space<hbm>> -> memref<128xi32, #tpu.memory_space<hbm>>
        tpu.wait_dma2 semaphore(%run_scoped3A : memref<!tpu.dma_semaphore, #tpu.memory_space<semaphore_mem>>) src(%dma_wait3A_154 : memref<128xi32, #tpu.memory_space<hbm>>) dst(%arg18 : memref<128xi32, #tpu.memory_space<vmem>>)
        tpu.yield
      }) : () -> ()
      %dma_start3A_149 = arith.constant 0 : i32
      %dma_start3A_150 = arith.constant 0 : i32
      %dma_start3A_151 = tpu.memref_slice %arg2[%dma_start3A_149, %dma_start3A_150] : memref<10000x128xf32, #tpu.memory_space<hbm>> -> memref<10000x128xf32, #tpu.memory_space<hbm>>
      tpu.enqueue_indirect_dma source(%dma_start3A_151 : memref<10000x128xf32, #tpu.memory_space<hbm>>) target(%arg20 : memref<128x128xf32, #tpu.memory_space<vmem>>) offsets(%arg16 : memref<128xi32, #tpu.memory_space<vmem>>) semaphore(%arg24 : memref<!tpu.dma_semaphore, #tpu.memory_space<semaphore_mem>>)
    } else {
    }
    %while3A_128 = arith.constant 0 : i32
    %while3A_129 = arith.constant 0 : i32
    %while3A_130 = arith.subi %select_n3A_41, %while3A_129 : i32
    %while3A_131 = arith.addi %while3A_129, %while3A_130 : i32
    %while3A_132 = arith.constant 1 : i32
    %while3A_133 = arith.divsi %while3A_130, %while3A_132 : i32
    %while3A_134 = arith.muli %while3A_133, %while3A_132 : i32
    %while3A_135 = arith.addi %while3A_129, %while3A_134 : i32
    %while3A_136 = arith.constant 1 : i32
    scf.for %while3A_139 = %while3A_129 to %while3A_135 step %while3A_136  : i32 {
      %dma_wait3A = arith.constant 0 : i32
      %dma_wait3A_140 = arith.constant 0 : i32
      %dma_wait3A_141 = tpu.memref_slice %arg2[%dma_wait3A, %dma_wait3A_140] : memref<10000x128xf32, #tpu.memory_space<hbm>> -> memref<10000x128xf32, #tpu.memory_space<hbm>>
      tpu.wait_indirect_dma semaphore(%arg23 : memref<!tpu.dma_semaphore, #tpu.memory_space<semaphore_mem>>) src(%dma_wait3A_141 : memref<10000x128xf32, #tpu.memory_space<hbm>>) dst(%arg19 : memref<128x128xf32, #tpu.memory_space<vmem>>)
      "tpu.region"() ({
        %run_scoped3A = tpu.sem_alloc : memref<!tpu.dma_semaphore, #tpu.memory_space<semaphore_mem>>
        %dma_start3A = arith.constant 0 : i32
        %dma_start3A_161 = arith.constant 0 : i32
        %dma_start3A_162 = tpu.memref_slice %arg21[%dma_start3A, %dma_start3A_161] : memref<10112x128xf32, #tpu.memory_space<vmem_shared>> -> memref<10112x128xf32, #tpu.memory_space<vmem_shared>>
        tpu.enqueue_indirect_dma source(%arg19 : memref<128x128xf32, #tpu.memory_space<vmem>>) target(%dma_start3A_162 : memref<10112x128xf32, #tpu.memory_space<vmem_shared>>) offsets(%arg17 : memref<128xi32, #tpu.memory_space<vmem>>) semaphore(%run_scoped3A : memref<!tpu.dma_semaphore, #tpu.memory_space<semaphore_mem>>) {add = true}
        %dma_wait3A_163 = arith.constant 0 : i32
        %dma_wait3A_164 = arith.constant 0 : i32
        %dma_wait3A_165 = tpu.memref_slice %arg21[%dma_wait3A_163, %dma_wait3A_164] : memref<10112x128xf32, #tpu.memory_space<vmem_shared>> -> memref<10112x128xf32, #tpu.memory_space<vmem_shared>>
        tpu.wait_indirect_dma semaphore(%run_scoped3A : memref<!tpu.dma_semaphore, #tpu.memory_space<semaphore_mem>>) src(%arg19 : memref<128x128xf32, #tpu.memory_space<vmem>>) dst(%dma_wait3A_165 : memref<10112x128xf32, #tpu.memory_space<vmem_shared>>)
        tpu.yield
      }) : () -> ()
      %mul3A_142 = arith.constant 2 : i32
      %mul3A_143 = arith.muli %mul3A_142, %while3A_139 : i32
      %add3A_144 = arith.constant 2 : i32
      %add3A_145 = arith.addi %mul3A_143, %add3A_144 : i32
      %lt3A_146 = arith.cmpi slt, %add3A_145, %select_n3A_36 : i32
      %convert_element_type3A_147 = arith.extui %lt3A_146 : i1 to i32
      %cond3A_148 = arith.constant 0 : i32
      %cond3A_149 = arith.cmpi ne, %convert_element_type3A_147, %cond3A_148 : i32
      scf.if %cond3A_149 {
        %mul3A_161 = arith.constant 2 : i32
        %mul3A_162 = arith.muli %mul3A_161, %while3A_139 : i32
        %add3A_163 = arith.constant 2 : i32
        %add3A_164 = arith.addi %mul3A_162, %add3A_163 : i32
        %mul3A_165 = arith.constant 128 : i32
        %mul3A_166 = arith.muli %add3A_164, %mul3A_165 : i32
        %add3A_167 = arith.addi %select_n3A, %mul3A_166 : i32
        "tpu.region"() ({
          %run_scoped3A = tpu.sem_alloc : memref<!tpu.dma_semaphore, #tpu.memory_space<semaphore_mem>>
          %dma_start3A_170 = tpu.memref_slice %arg7[%add3A_167] : memref<102400xi32, #tpu.memory_space<hbm>> -> memref<128xi32, #tpu.memory_space<hbm>>
          %dma_start3A_171 = tpu.memref_slice %arg7[%add3A_167] : memref<102400xi32, #tpu.memory_space<hbm>> -> memref<128xi32, #tpu.memory_space<hbm>>
          tpu.enqueue_dma source(%dma_start3A_171 : memref<128xi32, #tpu.memory_space<hbm>>) target(%arg15 : memref<128xi32, #tpu.memory_space<vmem>>) target_semaphore(%run_scoped3A : memref<!tpu.dma_semaphore, #tpu.memory_space<semaphore_mem>>)
          %dma_wait3A_172 = tpu.memref_slice %arg7[%add3A_167] : memref<102400xi32, #tpu.memory_space<hbm>> -> memref<128xi32, #tpu.memory_space<hbm>>
          %dma_wait3A_173 = tpu.memref_slice %arg7[%add3A_167] : memref<102400xi32, #tpu.memory_space<hbm>> -> memref<128xi32, #tpu.memory_space<hbm>>
          tpu.wait_dma2 semaphore(%run_scoped3A : memref<!tpu.dma_semaphore, #tpu.memory_space<semaphore_mem>>) src(%dma_wait3A_173 : memref<128xi32, #tpu.memory_space<hbm>>) dst(%arg15 : memref<128xi32, #tpu.memory_space<vmem>>)
          tpu.yield
        }) : () -> ()
        "tpu.region"() ({
          %run_scoped3A = tpu.sem_alloc : memref<!tpu.dma_semaphore, #tpu.memory_space<semaphore_mem>>
          %dma_start3A_170 = tpu.memref_slice %arg8[%add3A_167] : memref<102400xi32, #tpu.memory_space<hbm>> -> memref<128xi32, #tpu.memory_space<hbm>>
          %dma_start3A_171 = tpu.memref_slice %arg8[%add3A_167] : memref<102400xi32, #tpu.memory_space<hbm>> -> memref<128xi32, #tpu.memory_space<hbm>>
          tpu.enqueue_dma source(%dma_start3A_171 : memref<128xi32, #tpu.memory_space<hbm>>) target(%arg17 : memref<128xi32, #tpu.memory_space<vmem>>) target_semaphore(%run_scoped3A : memref<!tpu.dma_semaphore, #tpu.memory_space<semaphore_mem>>)
          %dma_wait3A_172 = tpu.memref_slice %arg8[%add3A_167] : memref<102400xi32, #tpu.memory_space<hbm>> -> memref<128xi32, #tpu.memory_space<hbm>>
          %dma_wait3A_173 = tpu.memref_slice %arg8[%add3A_167] : memref<102400xi32, #tpu.memory_space<hbm>> -> memref<128xi32, #tpu.memory_space<hbm>>
          tpu.wait_dma2 semaphore(%run_scoped3A : memref<!tpu.dma_semaphore, #tpu.memory_space<semaphore_mem>>) src(%dma_wait3A_173 : memref<128xi32, #tpu.memory_space<hbm>>) dst(%arg17 : memref<128xi32, #tpu.memory_space<vmem>>)
          tpu.yield
        }) : () -> ()
        %dma_start3A = arith.constant 0 : i32
        %dma_start3A_168 = arith.constant 0 : i32
        %dma_start3A_169 = tpu.memref_slice %arg2[%dma_start3A, %dma_start3A_168] : memref<10000x128xf32, #tpu.memory_space<hbm>> -> memref<10000x128xf32, #tpu.memory_space<hbm>>
        tpu.enqueue_indirect_dma source(%dma_start3A_169 : memref<10000x128xf32, #tpu.memory_space<hbm>>) target(%arg19 : memref<128x128xf32, #tpu.memory_space<vmem>>) offsets(%arg15 : memref<128xi32, #tpu.memory_space<vmem>>) semaphore(%arg23 : memref<!tpu.dma_semaphore, #tpu.memory_space<semaphore_mem>>)
      } else {
      }
      %dma_wait3A_150 = arith.constant 0 : i32
      %dma_wait3A_151 = arith.constant 0 : i32
      %dma_wait3A_152 = tpu.memref_slice %arg2[%dma_wait3A_150, %dma_wait3A_151] : memref<10000x128xf32, #tpu.memory_space<hbm>> -> memref<10000x128xf32, #tpu.memory_space<hbm>>
      tpu.wait_indirect_dma semaphore(%arg24 : memref<!tpu.dma_semaphore, #tpu.memory_space<semaphore_mem>>) src(%dma_wait3A_152 : memref<10000x128xf32, #tpu.memory_space<hbm>>) dst(%arg20 : memref<128x128xf32, #tpu.memory_space<vmem>>)
      "tpu.region"() ({
        %run_scoped3A = tpu.sem_alloc : memref<!tpu.dma_semaphore, #tpu.memory_space<semaphore_mem>>
        %dma_start3A = arith.constant 0 : i32
        %dma_start3A_161 = arith.constant 0 : i32
        %dma_start3A_162 = tpu.memref_slice %arg21[%dma_start3A, %dma_start3A_161] : memref<10112x128xf32, #tpu.memory_space<vmem_shared>> -> memref<10112x128xf32, #tpu.memory_space<vmem_shared>>
        tpu.enqueue_indirect_dma source(%arg20 : memref<128x128xf32, #tpu.memory_space<vmem>>) target(%dma_start3A_162 : memref<10112x128xf32, #tpu.memory_space<vmem_shared>>) offsets(%arg18 : memref<128xi32, #tpu.memory_space<vmem>>) semaphore(%run_scoped3A : memref<!tpu.dma_semaphore, #tpu.memory_space<semaphore_mem>>) {add = true}
        %dma_wait3A_163 = arith.constant 0 : i32
        %dma_wait3A_164 = arith.constant 0 : i32
        %dma_wait3A_165 = tpu.memref_slice %arg21[%dma_wait3A_163, %dma_wait3A_164] : memref<10112x128xf32, #tpu.memory_space<vmem_shared>> -> memref<10112x128xf32, #tpu.memory_space<vmem_shared>>
        tpu.wait_indirect_dma semaphore(%run_scoped3A : memref<!tpu.dma_semaphore, #tpu.memory_space<semaphore_mem>>) src(%arg20 : memref<128x128xf32, #tpu.memory_space<vmem>>) dst(%dma_wait3A_165 : memref<10112x128xf32, #tpu.memory_space<vmem_shared>>)
        tpu.yield
      }) : () -> ()
      %mul3A_153 = arith.constant 2 : i32
      %mul3A_154 = arith.muli %mul3A_153, %while3A_139 : i32
      %add3A_155 = arith.constant 3 : i32
      %add3A_156 = arith.addi %mul3A_154, %add3A_155 : i32
      %lt3A_157 = arith.cmpi slt, %add3A_156, %select_n3A_36 : i32
      %convert_element_type3A_158 = arith.extui %lt3A_157 : i1 to i32
      %cond3A_159 = arith.constant 0 : i32
      %cond3A_160 = arith.cmpi ne, %convert_element_type3A_158, %cond3A_159 : i32
      scf.if %cond3A_160 {
        %mul3A_161 = arith.constant 2 : i32
        %mul3A_162 = arith.muli %mul3A_161, %while3A_139 : i32
        %add3A_163 = arith.constant 3 : i32
        %add3A_164 = arith.addi %mul3A_162, %add3A_163 : i32
        %mul3A_165 = arith.constant 128 : i32
        %mul3A_166 = arith.muli %add3A_164, %mul3A_165 : i32
        %add3A_167 = arith.addi %select_n3A, %mul3A_166 : i32
        "tpu.region"() ({
          %run_scoped3A = tpu.sem_alloc : memref<!tpu.dma_semaphore, #tpu.memory_space<semaphore_mem>>
          %dma_start3A_170 = tpu.memref_slice %arg7[%add3A_167] : memref<102400xi32, #tpu.memory_space<hbm>> -> memref<128xi32, #tpu.memory_space<hbm>>
          %dma_start3A_171 = tpu.memref_slice %arg7[%add3A_167] : memref<102400xi32, #tpu.memory_space<hbm>> -> memref<128xi32, #tpu.memory_space<hbm>>
          tpu.enqueue_dma source(%dma_start3A_171 : memref<128xi32, #tpu.memory_space<hbm>>) target(%arg16 : memref<128xi32, #tpu.memory_space<vmem>>) target_semaphore(%run_scoped3A : memref<!tpu.dma_semaphore, #tpu.memory_space<semaphore_mem>>)
          %dma_wait3A_172 = tpu.memref_slice %arg7[%add3A_167] : memref<102400xi32, #tpu.memory_space<hbm>> -> memref<128xi32, #tpu.memory_space<hbm>>
          %dma_wait3A_173 = tpu.memref_slice %arg7[%add3A_167] : memref<102400xi32, #tpu.memory_space<hbm>> -> memref<128xi32, #tpu.memory_space<hbm>>
          tpu.wait_dma2 semaphore(%run_scoped3A : memref<!tpu.dma_semaphore, #tpu.memory_space<semaphore_mem>>) src(%dma_wait3A_173 : memref<128xi32, #tpu.memory_space<hbm>>) dst(%arg16 : memref<128xi32, #tpu.memory_space<vmem>>)
          tpu.yield
        }) : () -> ()
        "tpu.region"() ({
          %run_scoped3A = tpu.sem_alloc : memref<!tpu.dma_semaphore, #tpu.memory_space<semaphore_mem>>
          %dma_start3A_170 = tpu.memref_slice %arg8[%add3A_167] : memref<102400xi32, #tpu.memory_space<hbm>> -> memref<128xi32, #tpu.memory_space<hbm>>
          %dma_start3A_171 = tpu.memref_slice %arg8[%add3A_167] : memref<102400xi32, #tpu.memory_space<hbm>> -> memref<128xi32, #tpu.memory_space<hbm>>
          tpu.enqueue_dma source(%dma_start3A_171 : memref<128xi32, #tpu.memory_space<hbm>>) target(%arg18 : memref<128xi32, #tpu.memory_space<vmem>>) target_semaphore(%run_scoped3A : memref<!tpu.dma_semaphore, #tpu.memory_space<semaphore_mem>>)
          %dma_wait3A_172 = tpu.memref_slice %arg8[%add3A_167] : memref<102400xi32, #tpu.memory_space<hbm>> -> memref<128xi32, #tpu.memory_space<hbm>>
          %dma_wait3A_173 = tpu.memref_slice %arg8[%add3A_167] : memref<102400xi32, #tpu.memory_space<hbm>> -> memref<128xi32, #tpu.memory_space<hbm>>
          tpu.wait_dma2 semaphore(%run_scoped3A : memref<!tpu.dma_semaphore, #tpu.memory_space<semaphore_mem>>) src(%dma_wait3A_173 : memref<128xi32, #tpu.memory_space<hbm>>) dst(%arg18 : memref<128xi32, #tpu.memory_space<vmem>>)
          tpu.yield
        }) : () -> ()
        %dma_start3A = arith.constant 0 : i32
        %dma_start3A_168 = arith.constant 0 : i32
        %dma_start3A_169 = tpu.memref_slice %arg2[%dma_start3A, %dma_start3A_168] : memref<10000x128xf32, #tpu.memory_space<hbm>> -> memref<10000x128xf32, #tpu.memory_space<hbm>>
        tpu.enqueue_indirect_dma source(%dma_start3A_169 : memref<10000x128xf32, #tpu.memory_space<hbm>>) target(%arg20 : memref<128x128xf32, #tpu.memory_space<vmem>>) offsets(%arg16 : memref<128xi32, #tpu.memory_space<vmem>>) semaphore(%arg24 : memref<!tpu.dma_semaphore, #tpu.memory_space<semaphore_mem>>)
      } else {
      }
    }
    %while3A_137 = arith.constant 1 : i32
    scf.for %while3A_139 = %while3A_135 to %while3A_131 step %while3A_137  : i32 {
      %dma_wait3A = arith.constant 0 : i32
      %dma_wait3A_140 = arith.constant 0 : i32
      %dma_wait3A_141 = tpu.memref_slice %arg2[%dma_wait3A, %dma_wait3A_140] : memref<10000x128xf32, #tpu.memory_space<hbm>> -> memref<10000x128xf32, #tpu.memory_space<hbm>>
      tpu.wait_indirect_dma semaphore(%arg23 : memref<!tpu.dma_semaphore, #tpu.memory_space<semaphore_mem>>) src(%dma_wait3A_141 : memref<10000x128xf32, #tpu.memory_space<hbm>>) dst(%arg19 : memref<128x128xf32, #tpu.memory_space<vmem>>)
      "tpu.region"() ({
        %run_scoped3A = tpu.sem_alloc : memref<!tpu.dma_semaphore, #tpu.memory_space<semaphore_mem>>
        %dma_start3A = arith.constant 0 : i32
        %dma_start3A_161 = arith.constant 0 : i32
        %dma_start3A_162 = tpu.memref_slice %arg21[%dma_start3A, %dma_start3A_161] : memref<10112x128xf32, #tpu.memory_space<vmem_shared>> -> memref<10112x128xf32, #tpu.memory_space<vmem_shared>>
        tpu.enqueue_indirect_dma source(%arg19 : memref<128x128xf32, #tpu.memory_space<vmem>>) target(%dma_start3A_162 : memref<10112x128xf32, #tpu.memory_space<vmem_shared>>) offsets(%arg17 : memref<128xi32, #tpu.memory_space<vmem>>) semaphore(%run_scoped3A : memref<!tpu.dma_semaphore, #tpu.memory_space<semaphore_mem>>) {add = true}
        %dma_wait3A_163 = arith.constant 0 : i32
        %dma_wait3A_164 = arith.constant 0 : i32
        %dma_wait3A_165 = tpu.memref_slice %arg21[%dma_wait3A_163, %dma_wait3A_164] : memref<10112x128xf32, #tpu.memory_space<vmem_shared>> -> memref<10112x128xf32, #tpu.memory_space<vmem_shared>>
        tpu.wait_indirect_dma semaphore(%run_scoped3A : memref<!tpu.dma_semaphore, #tpu.memory_space<semaphore_mem>>) src(%arg19 : memref<128x128xf32, #tpu.memory_space<vmem>>) dst(%dma_wait3A_165 : memref<10112x128xf32, #tpu.memory_space<vmem_shared>>)
        tpu.yield
      }) : () -> ()
      %mul3A_142 = arith.constant 2 : i32
      %mul3A_143 = arith.muli %mul3A_142, %while3A_139 : i32
      %add3A_144 = arith.constant 2 : i32
      %add3A_145 = arith.addi %mul3A_143, %add3A_144 : i32
      %lt3A_146 = arith.cmpi slt, %add3A_145, %select_n3A_36 : i32
      %convert_element_type3A_147 = arith.extui %lt3A_146 : i1 to i32
      %cond3A_148 = arith.constant 0 : i32
      %cond3A_149 = arith.cmpi ne, %convert_element_type3A_147, %cond3A_148 : i32
      scf.if %cond3A_149 {
        %mul3A_161 = arith.constant 2 : i32
        %mul3A_162 = arith.muli %mul3A_161, %while3A_139 : i32
        %add3A_163 = arith.constant 2 : i32
        %add3A_164 = arith.addi %mul3A_162, %add3A_163 : i32
        %mul3A_165 = arith.constant 128 : i32
        %mul3A_166 = arith.muli %add3A_164, %mul3A_165 : i32
        %add3A_167 = arith.addi %select_n3A, %mul3A_166 : i32
        "tpu.region"() ({
          %run_scoped3A = tpu.sem_alloc : memref<!tpu.dma_semaphore, #tpu.memory_space<semaphore_mem>>
          %dma_start3A_170 = tpu.memref_slice %arg7[%add3A_167] : memref<102400xi32, #tpu.memory_space<hbm>> -> memref<128xi32, #tpu.memory_space<hbm>>
          %dma_start3A_171 = tpu.memref_slice %arg7[%add3A_167] : memref<102400xi32, #tpu.memory_space<hbm>> -> memref<128xi32, #tpu.memory_space<hbm>>
          tpu.enqueue_dma source(%dma_start3A_171 : memref<128xi32, #tpu.memory_space<hbm>>) target(%arg15 : memref<128xi32, #tpu.memory_space<vmem>>) target_semaphore(%run_scoped3A : memref<!tpu.dma_semaphore, #tpu.memory_space<semaphore_mem>>)
          %dma_wait3A_172 = tpu.memref_slice %arg7[%add3A_167] : memref<102400xi32, #tpu.memory_space<hbm>> -> memref<128xi32, #tpu.memory_space<hbm>>
          %dma_wait3A_173 = tpu.memref_slice %arg7[%add3A_167] : memref<102400xi32, #tpu.memory_space<hbm>> -> memref<128xi32, #tpu.memory_space<hbm>>
          tpu.wait_dma2 semaphore(%run_scoped3A : memref<!tpu.dma_semaphore, #tpu.memory_space<semaphore_mem>>) src(%dma_wait3A_173 : memref<128xi32, #tpu.memory_space<hbm>>) dst(%arg15 : memref<128xi32, #tpu.memory_space<vmem>>)
          tpu.yield
        }) : () -> ()
        "tpu.region"() ({
          %run_scoped3A = tpu.sem_alloc : memref<!tpu.dma_semaphore, #tpu.memory_space<semaphore_mem>>
          %dma_start3A_170 = tpu.memref_slice %arg8[%add3A_167] : memref<102400xi32, #tpu.memory_space<hbm>> -> memref<128xi32, #tpu.memory_space<hbm>>
          %dma_start3A_171 = tpu.memref_slice %arg8[%add3A_167] : memref<102400xi32, #tpu.memory_space<hbm>> -> memref<128xi32, #tpu.memory_space<hbm>>
          tpu.enqueue_dma source(%dma_start3A_171 : memref<128xi32, #tpu.memory_space<hbm>>) target(%arg17 : memref<128xi32, #tpu.memory_space<vmem>>) target_semaphore(%run_scoped3A : memref<!tpu.dma_semaphore, #tpu.memory_space<semaphore_mem>>)
          %dma_wait3A_172 = tpu.memref_slice %arg8[%add3A_167] : memref<102400xi32, #tpu.memory_space<hbm>> -> memref<128xi32, #tpu.memory_space<hbm>>
          %dma_wait3A_173 = tpu.memref_slice %arg8[%add3A_167] : memref<102400xi32, #tpu.memory_space<hbm>> -> memref<128xi32, #tpu.memory_space<hbm>>
          tpu.wait_dma2 semaphore(%run_scoped3A : memref<!tpu.dma_semaphore, #tpu.memory_space<semaphore_mem>>) src(%dma_wait3A_173 : memref<128xi32, #tpu.memory_space<hbm>>) dst(%arg17 : memref<128xi32, #tpu.memory_space<vmem>>)
          tpu.yield
        }) : () -> ()
        %dma_start3A = arith.constant 0 : i32
        %dma_start3A_168 = arith.constant 0 : i32
        %dma_start3A_169 = tpu.memref_slice %arg2[%dma_start3A, %dma_start3A_168] : memref<10000x128xf32, #tpu.memory_space<hbm>> -> memref<10000x128xf32, #tpu.memory_space<hbm>>
        tpu.enqueue_indirect_dma source(%dma_start3A_169 : memref<10000x128xf32, #tpu.memory_space<hbm>>) target(%arg19 : memref<128x128xf32, #tpu.memory_space<vmem>>) offsets(%arg15 : memref<128xi32, #tpu.memory_space<vmem>>) semaphore(%arg23 : memref<!tpu.dma_semaphore, #tpu.memory_space<semaphore_mem>>)
      } else {
      }
      %dma_wait3A_150 = arith.constant 0 : i32
      %dma_wait3A_151 = arith.constant 0 : i32
      %dma_wait3A_152 = tpu.memref_slice %arg2[%dma_wait3A_150, %dma_wait3A_151] : memref<10000x128xf32, #tpu.memory_space<hbm>> -> memref<10000x128xf32, #tpu.memory_space<hbm>>
      tpu.wait_indirect_dma semaphore(%arg24 : memref<!tpu.dma_semaphore, #tpu.memory_space<semaphore_mem>>) src(%dma_wait3A_152 : memref<10000x128xf32, #tpu.memory_space<hbm>>) dst(%arg20 : memref<128x128xf32, #tpu.memory_space<vmem>>)
      "tpu.region"() ({
        %run_scoped3A = tpu.sem_alloc : memref<!tpu.dma_semaphore, #tpu.memory_space<semaphore_mem>>
        %dma_start3A = arith.constant 0 : i32
        %dma_start3A_161 = arith.constant 0 : i32
        %dma_start3A_162 = tpu.memref_slice %arg21[%dma_start3A, %dma_start3A_161] : memref<10112x128xf32, #tpu.memory_space<vmem_shared>> -> memref<10112x128xf32, #tpu.memory_space<vmem_shared>>
        tpu.enqueue_indirect_dma source(%arg20 : memref<128x128xf32, #tpu.memory_space<vmem>>) target(%dma_start3A_162 : memref<10112x128xf32, #tpu.memory_space<vmem_shared>>) offsets(%arg18 : memref<128xi32, #tpu.memory_space<vmem>>) semaphore(%run_scoped3A : memref<!tpu.dma_semaphore, #tpu.memory_space<semaphore_mem>>) {add = true}
        %dma_wait3A_163 = arith.constant 0 : i32
        %dma_wait3A_164 = arith.constant 0 : i32
        %dma_wait3A_165 = tpu.memref_slice %arg21[%dma_wait3A_163, %dma_wait3A_164] : memref<10112x128xf32, #tpu.memory_space<vmem_shared>> -> memref<10112x128xf32, #tpu.memory_space<vmem_shared>>
        tpu.wait_indirect_dma semaphore(%run_scoped3A : memref<!tpu.dma_semaphore, #tpu.memory_space<semaphore_mem>>) src(%arg20 : memref<128x128xf32, #tpu.memory_space<vmem>>) dst(%dma_wait3A_165 : memref<10112x128xf32, #tpu.memory_space<vmem_shared>>)
        tpu.yield
      }) : () -> ()
      %mul3A_153 = arith.constant 2 : i32
      %mul3A_154 = arith.muli %mul3A_153, %while3A_139 : i32
      %add3A_155 = arith.constant 3 : i32
      %add3A_156 = arith.addi %mul3A_154, %add3A_155 : i32
      %lt3A_157 = arith.cmpi slt, %add3A_156, %select_n3A_36 : i32
      %convert_element_type3A_158 = arith.extui %lt3A_157 : i1 to i32
      %cond3A_159 = arith.constant 0 : i32
      %cond3A_160 = arith.cmpi ne, %convert_element_type3A_158, %cond3A_159 : i32
      scf.if %cond3A_160 {
        %mul3A_161 = arith.constant 2 : i32
        %mul3A_162 = arith.muli %mul3A_161, %while3A_139 : i32
        %add3A_163 = arith.constant 3 : i32
        %add3A_164 = arith.addi %mul3A_162, %add3A_163 : i32
        %mul3A_165 = arith.constant 128 : i32
        %mul3A_166 = arith.muli %add3A_164, %mul3A_165 : i32
        %add3A_167 = arith.addi %select_n3A, %mul3A_166 : i32
        "tpu.region"() ({
          %run_scoped3A = tpu.sem_alloc : memref<!tpu.dma_semaphore, #tpu.memory_space<semaphore_mem>>
          %dma_start3A_170 = tpu.memref_slice %arg7[%add3A_167] : memref<102400xi32, #tpu.memory_space<hbm>> -> memref<128xi32, #tpu.memory_space<hbm>>
          %dma_start3A_171 = tpu.memref_slice %arg7[%add3A_167] : memref<102400xi32, #tpu.memory_space<hbm>> -> memref<128xi32, #tpu.memory_space<hbm>>
          tpu.enqueue_dma source(%dma_start3A_171 : memref<128xi32, #tpu.memory_space<hbm>>) target(%arg16 : memref<128xi32, #tpu.memory_space<vmem>>) target_semaphore(%run_scoped3A : memref<!tpu.dma_semaphore, #tpu.memory_space<semaphore_mem>>)
          %dma_wait3A_172 = tpu.memref_slice %arg7[%add3A_167] : memref<102400xi32, #tpu.memory_space<hbm>> -> memref<128xi32, #tpu.memory_space<hbm>>
          %dma_wait3A_173 = tpu.memref_slice %arg7[%add3A_167] : memref<102400xi32, #tpu.memory_space<hbm>> -> memref<128xi32, #tpu.memory_space<hbm>>
          tpu.wait_dma2 semaphore(%run_scoped3A : memref<!tpu.dma_semaphore, #tpu.memory_space<semaphore_mem>>) src(%dma_wait3A_173 : memref<128xi32, #tpu.memory_space<hbm>>) dst(%arg16 : memref<128xi32, #tpu.memory_space<vmem>>)
          tpu.yield
        }) : () -> ()
        "tpu.region"() ({
          %run_scoped3A = tpu.sem_alloc : memref<!tpu.dma_semaphore, #tpu.memory_space<semaphore_mem>>
          %dma_start3A_170 = tpu.memref_slice %arg8[%add3A_167] : memref<102400xi32, #tpu.memory_space<hbm>> -> memref<128xi32, #tpu.memory_space<hbm>>
          %dma_start3A_171 = tpu.memref_slice %arg8[%add3A_167] : memref<102400xi32, #tpu.memory_space<hbm>> -> memref<128xi32, #tpu.memory_space<hbm>>
          tpu.enqueue_dma source(%dma_start3A_171 : memref<128xi32, #tpu.memory_space<hbm>>) target(%arg18 : memref<128xi32, #tpu.memory_space<vmem>>) target_semaphore(%run_scoped3A : memref<!tpu.dma_semaphore, #tpu.memory_space<semaphore_mem>>)
          %dma_wait3A_172 = tpu.memref_slice %arg8[%add3A_167] : memref<102400xi32, #tpu.memory_space<hbm>> -> memref<128xi32, #tpu.memory_space<hbm>>
          %dma_wait3A_173 = tpu.memref_slice %arg8[%add3A_167] : memref<102400xi32, #tpu.memory_space<hbm>> -> memref<128xi32, #tpu.memory_space<hbm>>
          tpu.wait_dma2 semaphore(%run_scoped3A : memref<!tpu.dma_semaphore, #tpu.memory_space<semaphore_mem>>) src(%dma_wait3A_173 : memref<128xi32, #tpu.memory_space<hbm>>) dst(%arg18 : memref<128xi32, #tpu.memory_space<vmem>>)
          tpu.yield
        }) : () -> ()
        %dma_start3A = arith.constant 0 : i32
        %dma_start3A_168 = arith.constant 0 : i32
        %dma_start3A_169 = tpu.memref_slice %arg2[%dma_start3A, %dma_start3A_168] : memref<10000x128xf32, #tpu.memory_space<hbm>> -> memref<10000x128xf32, #tpu.memory_space<hbm>>
        tpu.enqueue_indirect_dma source(%dma_start3A_169 : memref<10000x128xf32, #tpu.memory_space<hbm>>) target(%arg20 : memref<128x128xf32, #tpu.memory_space<vmem>>) offsets(%arg16 : memref<128xi32, #tpu.memory_space<vmem>>) semaphore(%arg24 : memref<!tpu.dma_semaphore, #tpu.memory_space<semaphore_mem>>)
      } else {
      }
    }
    %barrier3A_138 = arith.constant 0 : index
    tpu.barrier barrier_id(%barrier3A_138)
    "tpu.trace_stop"() : () -> ()
    "tpu.trace_start"() <{level = 10 : i32, message = "copyout2"}> : () -> ()
    "tpu.region"() ({
      %run_scoped3A = tpu.sem_alloc : memref<!tpu.dma_semaphore, #tpu.memory_space<semaphore_mem>>
      %dma_start3A = arith.constant 0 : i32
      %dma_start3A_139 = tpu.memref_slice %arg11[%arg0, %mul3A_23, %dma_start3A] : memref<2x10112x128xf32, #tpu.memory_space<hbm>> -> memref<1x632x128xf32, #tpu.memory_space<hbm>>
      %dma_start3A_140 = tpu.memref_squeeze %dma_start3A_139 : memref<1x632x128xf32, #tpu.memory_space<hbm>> -> memref<632x128xf32, #tpu.memory_space<hbm>>
      %dma_start3A_141 = arith.constant 0 : i32
      %dma_start3A_142 = tpu.memref_slice %arg21[%mul3A_23, %dma_start3A_141] : memref<10112x128xf32, #tpu.memory_space<vmem_shared>> -> memref<632x128xf32, #tpu.memory_space<vmem_shared>>
      tpu.enqueue_dma source(%dma_start3A_142 : memref<632x128xf32, #tpu.memory_space<vmem_shared>>) target(%dma_start3A_140 : memref<632x128xf32, #tpu.memory_space<hbm>>) target_semaphore(%run_scoped3A : memref<!tpu.dma_semaphore, #tpu.memory_space<semaphore_mem>>)
      %dma_wait3A = arith.constant 0 : i32
      %dma_wait3A_143 = tpu.memref_slice %arg11[%arg0, %mul3A_23, %dma_wait3A] : memref<2x10112x128xf32, #tpu.memory_space<hbm>> -> memref<1x632x128xf32, #tpu.memory_space<hbm>>
      %dma_wait3A_144 = tpu.memref_squeeze %dma_wait3A_143 : memref<1x632x128xf32, #tpu.memory_space<hbm>> -> memref<632x128xf32, #tpu.memory_space<hbm>>
      %dma_wait3A_145 = arith.constant 0 : i32
      %dma_wait3A_146 = tpu.memref_slice %arg21[%mul3A_23, %dma_wait3A_145] : memref<10112x128xf32, #tpu.memory_space<vmem_shared>> -> memref<632x128xf32, #tpu.memory_space<vmem_shared>>
      tpu.wait_dma2 semaphore(%run_scoped3A : memref<!tpu.dma_semaphore, #tpu.memory_space<semaphore_mem>>) src(%dma_wait3A_146 : memref<632x128xf32, #tpu.memory_space<vmem_shared>>) dst(%dma_wait3A_144 : memref<632x128xf32, #tpu.memory_space<hbm>>)
      tpu.yield
    }) : () -> ()
    "tpu.trace_stop"() : () -> ()
    return
  }
}

module attributes {stable_mosaic.version = 14 : i64} {
  func.func @_tc_layer_body(%arg0: i32, %arg1: memref<2x400x128xf32, #tpu.memory_space<vmem>>, %arg2: memref<2x400x128xf32, #tpu.memory_space<vmem>>, %arg3: memref<2x400x128xf32, #tpu.memory_space<vmem>>, %arg4: memref<400x1xf32, #tpu.memory_space<vmem>>, %arg5: memref<400x1xf32, #tpu.memory_space<vmem>>, %arg6: memref<400x1xf32, #tpu.memory_space<vmem>>, %arg7: memref<400x1xf32, #tpu.memory_space<vmem>>, %arg8: memref<400x1xf32, #tpu.memory_space<vmem>>, %arg9: memref<400x1xf32, #tpu.memory_space<vmem>>, %arg10: memref<128x128xf32, #tpu.memory_space<vmem>>, %arg11: memref<128x128xf32, #tpu.memory_space<vmem>>, %arg12: memref<128x128xf32, #tpu.memory_space<vmem>>, %arg13: memref<1x128xf32, #tpu.memory_space<vmem>>, %arg14: memref<1x128xf32, #tpu.memory_space<vmem>>, %arg15: memref<1x128xf32, #tpu.memory_space<vmem>>, %arg16: memref<400x128xf32, #tpu.memory_space<vmem>>) attributes {dimension_semantics = [#tpu.dimension_semantics<arbitrary>], iteration_bounds = array<i64: 25>, scalar_prefetch = 0 : i64, scratch_operands = 0 : i64, tpu.core_type = #tpu.core_type<tc>, window_params = [{transform_indices = @transform_0, window_bounds = array<i64: 2, 400, 128>}, {transform_indices = @transform_1, window_bounds = array<i64: 2, 400, 128>}, {transform_indices = @transform_2, window_bounds = array<i64: 2, 400, 128>}, {transform_indices = @transform_3, window_bounds = array<i64: 400, 1>}, {transform_indices = @transform_4, window_bounds = array<i64: 400, 1>}, {transform_indices = @transform_5, window_bounds = array<i64: 400, 1>}, {transform_indices = @transform_6, window_bounds = array<i64: 400, 1>}, {transform_indices = @transform_7, window_bounds = array<i64: 400, 1>}, {transform_indices = @transform_8, window_bounds = array<i64: 400, 1>}, {transform_indices = @transform_9, window_bounds = array<i64: 128, 128>}, {transform_indices = @transform_10, window_bounds = array<i64: 128, 128>}, {transform_indices = @transform_11, window_bounds = array<i64: 128, 128>}, {transform_indices = @transform_12, window_bounds = array<i64: 1, 128>}, {transform_indices = @transform_13, window_bounds = array<i64: 1, 128>}, {transform_indices = @transform_14, window_bounds = array<i64: 1, 128>}, {transform_indices = @transform_15, window_bounds = array<i64: 400, 128>}]} {
    %get3A = arith.constant 0 : index
    %get3A_0 = arith.constant 0 : index
    %get3A_1 = vector.load %arg13[%get3A, %get3A_0] : memref<1x128xf32, #tpu.memory_space<vmem>>, vector<1x128xf32>
    %get3A_2 = arith.constant 0 : index
    %get3A_3 = arith.constant 0 : index
    %get3A_4 = vector.load %arg14[%get3A_2, %get3A_3] : memref<1x128xf32, #tpu.memory_space<vmem>>, vector<1x128xf32>
    %add3A = arith.addf %get3A_1, %get3A_4 : vector<1x128xf32>
    %get3A_5 = arith.constant 0 : index
    %get3A_6 = arith.constant 0 : index
    %get3A_7 = vector.load %arg15[%get3A_5, %get3A_6] : memref<1x128xf32, #tpu.memory_space<vmem>>, vector<1x128xf32>
    %add3A_8 = arith.addf %add3A, %get3A_7 : vector<1x128xf32>
    %get3A_9 = arith.constant 0 : index
    %get3A_10 = arith.constant 0 : index
    %get3A_11 = arith.constant 0 : index
    %get3A_12 = vector.load %arg1[%get3A_9, %get3A_10, %get3A_11] : memref<2x400x128xf32, #tpu.memory_space<vmem>>, vector<1x400x128xf32>
    %get3A_13 = vector.shape_cast %get3A_12 : vector<1x400x128xf32> to vector<400x128xf32>
    %get3A_14 = arith.constant 1 : index
    %get3A_15 = arith.constant 0 : index
    %get3A_16 = arith.constant 0 : index
    %get3A_17 = vector.load %arg1[%get3A_14, %get3A_15, %get3A_16] : memref<2x400x128xf32, #tpu.memory_space<vmem>>, vector<1x400x128xf32>
    %get3A_18 = vector.shape_cast %get3A_17 : vector<1x400x128xf32> to vector<400x128xf32>
    %add3A_19 = arith.addf %get3A_13, %get3A_18 : vector<400x128xf32>
    %get3A_20 = arith.constant 0 : index
    %get3A_21 = arith.constant 0 : index
    %get3A_22 = vector.load %arg4[%get3A_20, %get3A_21] : memref<400x1xf32, #tpu.memory_space<vmem>>, vector<400x1xf32>
    %get3A_23 = arith.constant 0 : index
    %get3A_24 = arith.constant 0 : index
    %get3A_25 = vector.load %arg5[%get3A_23, %get3A_24] : memref<400x1xf32, #tpu.memory_space<vmem>>, vector<400x1xf32>
    %add3A_26 = arith.addf %get3A_22, %get3A_25 : vector<400x1xf32>
    %max3A = arith.constant 1.000000e+00 : f32
    %max3A_27 = vector.broadcast %max3A : f32 to vector<400x1xf32>
    %max3A_28 = arith.maximumf %add3A_26, %max3A_27 : vector<400x1xf32>
    %div3A = arith.constant 1.000000e+00 : f32
    %div3A_29 = vector.broadcast %div3A : f32 to vector<400x1xf32>
    %div3A_30 = arith.divf %div3A_29, %max3A_28 : vector<400x1xf32>
    %mul3A = vector.broadcast %div3A_30 : vector<400x1xf32> to vector<400x128xf32>
    %mul3A_31 = arith.mulf %add3A_19, %mul3A : vector<400x128xf32>
    %get3A_32 = arith.constant 0 : index
    %get3A_33 = arith.constant 0 : index
    %get3A_34 = vector.load %arg10[%get3A_32, %get3A_33] : memref<128x128xf32, #tpu.memory_space<vmem>>, vector<128x128xf32>
    %dot_general3A = arith.constant dense<0.000000e+00> : vector<400x128xf32>
    %dot_general3A_35 = tpu.matmul %mul3A_31, %get3A_34, %dot_general3A {dimension_numbers = #tpu.dot_dimension_numbers<[1], [0], [0], [1], [0, 0, 1, 1], [], []>, transpose_lhs_hint = false} : vector<400x128xf32>, vector<128x128xf32>, vector<400x128xf32> -> vector<400x128xf32>
    %add3A_36 = vector.broadcast %add3A_8 : vector<1x128xf32> to vector<400x128xf32>
    %add3A_37 = arith.addf %add3A_36, %dot_general3A_35 : vector<400x128xf32>
    %get3A_38 = arith.constant 0 : index
    %get3A_39 = arith.constant 0 : index
    %get3A_40 = arith.constant 0 : index
    %get3A_41 = vector.load %arg2[%get3A_38, %get3A_39, %get3A_40] : memref<2x400x128xf32, #tpu.memory_space<vmem>>, vector<1x400x128xf32>
    %get3A_42 = vector.shape_cast %get3A_41 : vector<1x400x128xf32> to vector<400x128xf32>
    %get3A_43 = arith.constant 1 : index
    %get3A_44 = arith.constant 0 : index
    %get3A_45 = arith.constant 0 : index
    %get3A_46 = vector.load %arg2[%get3A_43, %get3A_44, %get3A_45] : memref<2x400x128xf32, #tpu.memory_space<vmem>>, vector<1x400x128xf32>
    %get3A_47 = vector.shape_cast %get3A_46 : vector<1x400x128xf32> to vector<400x128xf32>
    %add3A_48 = arith.addf %get3A_42, %get3A_47 : vector<400x128xf32>
    %get3A_49 = arith.constant 0 : index
    %get3A_50 = arith.constant 0 : index
    %get3A_51 = vector.load %arg6[%get3A_49, %get3A_50] : memref<400x1xf32, #tpu.memory_space<vmem>>, vector<400x1xf32>
    %get3A_52 = arith.constant 0 : index
    %get3A_53 = arith.constant 0 : index
    %get3A_54 = vector.load %arg7[%get3A_52, %get3A_53] : memref<400x1xf32, #tpu.memory_space<vmem>>, vector<400x1xf32>
    %add3A_55 = arith.addf %get3A_51, %get3A_54 : vector<400x1xf32>
    %max3A_56 = arith.constant 1.000000e+00 : f32
    %max3A_57 = vector.broadcast %max3A_56 : f32 to vector<400x1xf32>
    %max3A_58 = arith.maximumf %add3A_55, %max3A_57 : vector<400x1xf32>
    %div3A_59 = arith.constant 1.000000e+00 : f32
    %div3A_60 = vector.broadcast %div3A_59 : f32 to vector<400x1xf32>
    %div3A_61 = arith.divf %div3A_60, %max3A_58 : vector<400x1xf32>
    %mul3A_62 = vector.broadcast %div3A_61 : vector<400x1xf32> to vector<400x128xf32>
    %mul3A_63 = arith.mulf %add3A_48, %mul3A_62 : vector<400x128xf32>
    %get3A_64 = arith.constant 0 : index
    %get3A_65 = arith.constant 0 : index
    %get3A_66 = vector.load %arg11[%get3A_64, %get3A_65] : memref<128x128xf32, #tpu.memory_space<vmem>>, vector<128x128xf32>
    %dot_general3A_67 = arith.constant dense<0.000000e+00> : vector<400x128xf32>
    %dot_general3A_68 = tpu.matmul %mul3A_63, %get3A_66, %dot_general3A_67 {dimension_numbers = #tpu.dot_dimension_numbers<[1], [0], [0], [1], [0, 0, 1, 1], [], []>, transpose_lhs_hint = false} : vector<400x128xf32>, vector<128x128xf32>, vector<400x128xf32> -> vector<400x128xf32>
    %add3A_69 = arith.addf %add3A_37, %dot_general3A_68 : vector<400x128xf32>
    %get3A_70 = arith.constant 0 : index
    %get3A_71 = arith.constant 0 : index
    %get3A_72 = arith.constant 0 : index
    %get3A_73 = vector.load %arg3[%get3A_70, %get3A_71, %get3A_72] : memref<2x400x128xf32, #tpu.memory_space<vmem>>, vector<1x400x128xf32>
    %get3A_74 = vector.shape_cast %get3A_73 : vector<1x400x128xf32> to vector<400x128xf32>
    %get3A_75 = arith.constant 1 : index
    %get3A_76 = arith.constant 0 : index
    %get3A_77 = arith.constant 0 : index
    %get3A_78 = vector.load %arg3[%get3A_75, %get3A_76, %get3A_77] : memref<2x400x128xf32, #tpu.memory_space<vmem>>, vector<1x400x128xf32>
    %get3A_79 = vector.shape_cast %get3A_78 : vector<1x400x128xf32> to vector<400x128xf32>
    %add3A_80 = arith.addf %get3A_74, %get3A_79 : vector<400x128xf32>
    %get3A_81 = arith.constant 0 : index
    %get3A_82 = arith.constant 0 : index
    %get3A_83 = vector.load %arg8[%get3A_81, %get3A_82] : memref<400x1xf32, #tpu.memory_space<vmem>>, vector<400x1xf32>
    %get3A_84 = arith.constant 0 : index
    %get3A_85 = arith.constant 0 : index
    %get3A_86 = vector.load %arg9[%get3A_84, %get3A_85] : memref<400x1xf32, #tpu.memory_space<vmem>>, vector<400x1xf32>
    %add3A_87 = arith.addf %get3A_83, %get3A_86 : vector<400x1xf32>
    %max3A_88 = arith.constant 1.000000e+00 : f32
    %max3A_89 = vector.broadcast %max3A_88 : f32 to vector<400x1xf32>
    %max3A_90 = arith.maximumf %add3A_87, %max3A_89 : vector<400x1xf32>
    %div3A_91 = arith.constant 1.000000e+00 : f32
    %div3A_92 = vector.broadcast %div3A_91 : f32 to vector<400x1xf32>
    %div3A_93 = arith.divf %div3A_92, %max3A_90 : vector<400x1xf32>
    %mul3A_94 = vector.broadcast %div3A_93 : vector<400x1xf32> to vector<400x128xf32>
    %mul3A_95 = arith.mulf %add3A_80, %mul3A_94 : vector<400x128xf32>
    %get3A_96 = arith.constant 0 : index
    %get3A_97 = arith.constant 0 : index
    %get3A_98 = vector.load %arg12[%get3A_96, %get3A_97] : memref<128x128xf32, #tpu.memory_space<vmem>>, vector<128x128xf32>
    %dot_general3A_99 = arith.constant dense<0.000000e+00> : vector<400x128xf32>
    %dot_general3A_100 = tpu.matmul %mul3A_95, %get3A_98, %dot_general3A_99 {dimension_numbers = #tpu.dot_dimension_numbers<[1], [0], [0], [1], [0, 0, 1, 1], [], []>, transpose_lhs_hint = false} : vector<400x128xf32>, vector<128x128xf32>, vector<400x128xf32> -> vector<400x128xf32>
    %add3A_101 = arith.addf %add3A_69, %dot_general3A_100 : vector<400x128xf32>
    %gt3A = arith.constant 0.000000e+00 : f32
    %gt3A_102 = vector.broadcast %gt3A : f32 to vector<400x128xf32>
    %gt3A_103 = arith.cmpf ogt, %add3A_101, %gt3A_102 : vector<400x128xf32>
    %mul3A_104 = arith.constant 0.00999999977 : f32
    %mul3A_105 = vector.broadcast %mul3A_104 : f32 to vector<400x128xf32>
    %mul3A_106 = arith.mulf %mul3A_105, %add3A_101 : vector<400x128xf32>
    %select_n3A = arith.select %gt3A_103, %add3A_101, %mul3A_106 : vector<400x128xi1>, vector<400x128xf32>
    %swap3A = arith.constant 0 : index
    %swap3A_107 = arith.constant 0 : index
    %swap3A_108 = vector.load %arg16[%swap3A, %swap3A_107] : memref<400x128xf32, #tpu.memory_space<vmem>>, vector<400x128xf32>
    tpu.vector_store %arg16[%swap3A, %swap3A_107], %select_n3A {strides = array<i32>} : memref<400x128xf32, #tpu.memory_space<vmem>>, vector<400x128xf32>,
    return
  }
  func.func @transform_0(%arg0: i32) -> (i32, i32, i32) {
    %mul3A = arith.constant 0 : i32
    %mul3A_0 = arith.muli %arg0, %mul3A : i32
    %mul3A_1 = arith.constant 0 : i32
    %mul3A_2 = arith.muli %arg0, %mul3A_1 : i32
    %c0_i32 = arith.constant 0 : i32
    return %mul3A_0, %arg0, %mul3A_2 : i32, i32, i32
  }
  func.func @transform_1(%arg0: i32) -> (i32, i32, i32) {
    %mul3A = arith.constant 0 : i32
    %mul3A_0 = arith.muli %arg0, %mul3A : i32
    %mul3A_1 = arith.constant 0 : i32
    %mul3A_2 = arith.muli %arg0, %mul3A_1 : i32
    %c0_i32 = arith.constant 0 : i32
    return %mul3A_0, %arg0, %mul3A_2 : i32, i32, i32
  }
  func.func @transform_2(%arg0: i32) -> (i32, i32, i32) {
    %mul3A = arith.constant 0 : i32
    %mul3A_0 = arith.muli %arg0, %mul3A : i32
    %mul3A_1 = arith.constant 0 : i32
    %mul3A_2 = arith.muli %arg0, %mul3A_1 : i32
    %c0_i32 = arith.constant 0 : i32
    return %mul3A_0, %arg0, %mul3A_2 : i32, i32, i32
  }
  func.func @transform_3(%arg0: i32) -> (i32, i32) {
    %mul3A = arith.constant 0 : i32
    %mul3A_0 = arith.muli %arg0, %mul3A : i32
    %c0_i32 = arith.constant 0 : i32
    return %arg0, %mul3A_0 : i32, i32
  }
  func.func @transform_4(%arg0: i32) -> (i32, i32) {
    %mul3A = arith.constant 0 : i32
    %mul3A_0 = arith.muli %arg0, %mul3A : i32
    %c0_i32 = arith.constant 0 : i32
    return %arg0, %mul3A_0 : i32, i32
  }
  func.func @transform_5(%arg0: i32) -> (i32, i32) {
    %mul3A = arith.constant 0 : i32
    %mul3A_0 = arith.muli %arg0, %mul3A : i32
    %c0_i32 = arith.constant 0 : i32
    return %arg0, %mul3A_0 : i32, i32
  }
  func.func @transform_6(%arg0: i32) -> (i32, i32) {
    %mul3A = arith.constant 0 : i32
    %mul3A_0 = arith.muli %arg0, %mul3A : i32
    %c0_i32 = arith.constant 0 : i32
    return %arg0, %mul3A_0 : i32, i32
  }
  func.func @transform_7(%arg0: i32) -> (i32, i32) {
    %mul3A = arith.constant 0 : i32
    %mul3A_0 = arith.muli %arg0, %mul3A : i32
    %c0_i32 = arith.constant 0 : i32
    return %arg0, %mul3A_0 : i32, i32
  }
  func.func @transform_8(%arg0: i32) -> (i32, i32) {
    %mul3A = arith.constant 0 : i32
    %mul3A_0 = arith.muli %arg0, %mul3A : i32
    %c0_i32 = arith.constant 0 : i32
    return %arg0, %mul3A_0 : i32, i32
  }
  func.func @transform_9(%arg0: i32) -> (i32, i32) {
    %mul3A = arith.constant 0 : i32
    %mul3A_0 = arith.muli %arg0, %mul3A : i32
    %mul3A_1 = arith.constant 0 : i32
    %mul3A_2 = arith.muli %arg0, %mul3A_1 : i32
    %c0_i32 = arith.constant 0 : i32
    return %mul3A_0, %mul3A_2 : i32, i32
  }
  func.func @transform_10(%arg0: i32) -> (i32, i32) {
    %mul3A = arith.constant 0 : i32
    %mul3A_0 = arith.muli %arg0, %mul3A : i32
    %mul3A_1 = arith.constant 0 : i32
    %mul3A_2 = arith.muli %arg0, %mul3A_1 : i32
    %c0_i32 = arith.constant 0 : i32
    return %mul3A_0, %mul3A_2 : i32, i32
  }
  func.func @transform_11(%arg0: i32) -> (i32, i32) {
    %mul3A = arith.constant 0 : i32
    %mul3A_0 = arith.muli %arg0, %mul3A : i32
    %mul3A_1 = arith.constant 0 : i32
    %mul3A_2 = arith.muli %arg0, %mul3A_1 : i32
    %c0_i32 = arith.constant 0 : i32
    return %mul3A_0, %mul3A_2 : i32, i32
  }
  func.func @transform_12(%arg0: i32) -> (i32, i32) {
    %mul3A = arith.constant 0 : i32
    %mul3A_0 = arith.muli %arg0, %mul3A : i32
    %mul3A_1 = arith.constant 0 : i32
    %mul3A_2 = arith.muli %arg0, %mul3A_1 : i32
    %c0_i32 = arith.constant 0 : i32
    return %mul3A_0, %mul3A_2 : i32, i32
  }
  func.func @transform_13(%arg0: i32) -> (i32, i32) {
    %mul3A = arith.constant 0 : i32
    %mul3A_0 = arith.muli %arg0, %mul3A : i32
    %mul3A_1 = arith.constant 0 : i32
    %mul3A_2 = arith.muli %arg0, %mul3A_1 : i32
    %c0_i32 = arith.constant 0 : i32
    return %mul3A_0, %mul3A_2 : i32, i32
  }
  func.func @transform_14(%arg0: i32) -> (i32, i32) {
    %mul3A = arith.constant 0 : i32
    %mul3A_0 = arith.muli %arg0, %mul3A : i32
    %mul3A_1 = arith.constant 0 : i32
    %mul3A_2 = arith.muli %arg0, %mul3A_1 : i32
    %c0_i32 = arith.constant 0 : i32
    return %mul3A_0, %mul3A_2 : i32, i32
  }
  func.func @transform_15(%arg0: i32) -> (i32, i32) {
    %mul3A = arith.constant 0 : i32
    %mul3A_0 = arith.muli %arg0, %mul3A : i32
    %c0_i32 = arith.constant 0 : i32
    return %arg0, %mul3A_0 : i32, i32
  }
}

module attributes {stable_mosaic.version = 14 : i64} {
  func.func @_tc_layer_body(%arg0: i32, %arg1: memref<2x400x128xf32, #tpu.memory_space<vmem>>, %arg2: memref<2x400x128xf32, #tpu.memory_space<vmem>>, %arg3: memref<2x400x128xf32, #tpu.memory_space<vmem>>, %arg4: memref<400x1xf32, #tpu.memory_space<vmem>>, %arg5: memref<400x1xf32, #tpu.memory_space<vmem>>, %arg6: memref<400x1xf32, #tpu.memory_space<vmem>>, %arg7: memref<400x1xf32, #tpu.memory_space<vmem>>, %arg8: memref<400x1xf32, #tpu.memory_space<vmem>>, %arg9: memref<400x1xf32, #tpu.memory_space<vmem>>, %arg10: memref<128x128xf32, #tpu.memory_space<vmem>>, %arg11: memref<128x128xf32, #tpu.memory_space<vmem>>, %arg12: memref<128x128xf32, #tpu.memory_space<vmem>>, %arg13: memref<1x128xf32, #tpu.memory_space<vmem>>, %arg14: memref<1x128xf32, #tpu.memory_space<vmem>>, %arg15: memref<1x128xf32, #tpu.memory_space<vmem>>, %arg16: memref<400x128xf32, #tpu.memory_space<vmem>>) attributes {dimension_semantics = [#tpu.dimension_semantics<arbitrary>], iteration_bounds = array<i64: 25>, scalar_prefetch = 0 : i64, scratch_operands = 0 : i64, tpu.core_type = #tpu.core_type<tc>, window_params = [{transform_indices = @transform_0, window_bounds = array<i64: 2, 400, 128>}, {transform_indices = @transform_1, window_bounds = array<i64: 2, 400, 128>}, {transform_indices = @transform_2, window_bounds = array<i64: 2, 400, 128>}, {transform_indices = @transform_3, window_bounds = array<i64: 400, 1>}, {transform_indices = @transform_4, window_bounds = array<i64: 400, 1>}, {transform_indices = @transform_5, window_bounds = array<i64: 400, 1>}, {transform_indices = @transform_6, window_bounds = array<i64: 400, 1>}, {transform_indices = @transform_7, window_bounds = array<i64: 400, 1>}, {transform_indices = @transform_8, window_bounds = array<i64: 400, 1>}, {transform_indices = @transform_9, window_bounds = array<i64: 128, 128>}, {transform_indices = @transform_10, window_bounds = array<i64: 128, 128>}, {transform_indices = @transform_11, window_bounds = array<i64: 128, 128>}, {transform_indices = @transform_12, window_bounds = array<i64: 1, 128>}, {transform_indices = @transform_13, window_bounds = array<i64: 1, 128>}, {transform_indices = @transform_14, window_bounds = array<i64: 1, 128>}, {transform_indices = @transform_15, window_bounds = array<i64: 400, 128>}]} {
    %get3A = arith.constant 0 : index
    %get3A_0 = arith.constant 0 : index
    %get3A_1 = vector.load %arg13[%get3A, %get3A_0] : memref<1x128xf32, #tpu.memory_space<vmem>>, vector<1x128xf32>
    %get3A_2 = arith.constant 0 : index
    %get3A_3 = arith.constant 0 : index
    %get3A_4 = vector.load %arg14[%get3A_2, %get3A_3] : memref<1x128xf32, #tpu.memory_space<vmem>>, vector<1x128xf32>
    %add3A = arith.addf %get3A_1, %get3A_4 : vector<1x128xf32>
    %get3A_5 = arith.constant 0 : index
    %get3A_6 = arith.constant 0 : index
    %get3A_7 = vector.load %arg15[%get3A_5, %get3A_6] : memref<1x128xf32, #tpu.memory_space<vmem>>, vector<1x128xf32>
    %add3A_8 = arith.addf %add3A, %get3A_7 : vector<1x128xf32>
    %get3A_9 = arith.constant 0 : index
    %get3A_10 = arith.constant 0 : index
    %get3A_11 = arith.constant 0 : index
    %get3A_12 = vector.load %arg1[%get3A_9, %get3A_10, %get3A_11] : memref<2x400x128xf32, #tpu.memory_space<vmem>>, vector<1x400x128xf32>
    %get3A_13 = vector.shape_cast %get3A_12 : vector<1x400x128xf32> to vector<400x128xf32>
    %get3A_14 = arith.constant 1 : index
    %get3A_15 = arith.constant 0 : index
    %get3A_16 = arith.constant 0 : index
    %get3A_17 = vector.load %arg1[%get3A_14, %get3A_15, %get3A_16] : memref<2x400x128xf32, #tpu.memory_space<vmem>>, vector<1x400x128xf32>
    %get3A_18 = vector.shape_cast %get3A_17 : vector<1x400x128xf32> to vector<400x128xf32>
    %add3A_19 = arith.addf %get3A_13, %get3A_18 : vector<400x128xf32>
    %get3A_20 = arith.constant 0 : index
    %get3A_21 = arith.constant 0 : index
    %get3A_22 = vector.load %arg4[%get3A_20, %get3A_21] : memref<400x1xf32, #tpu.memory_space<vmem>>, vector<400x1xf32>
    %get3A_23 = arith.constant 0 : index
    %get3A_24 = arith.constant 0 : index
    %get3A_25 = vector.load %arg5[%get3A_23, %get3A_24] : memref<400x1xf32, #tpu.memory_space<vmem>>, vector<400x1xf32>
    %add3A_26 = arith.addf %get3A_22, %get3A_25 : vector<400x1xf32>
    %max3A = arith.constant 1.000000e+00 : f32
    %max3A_27 = vector.broadcast %max3A : f32 to vector<400x1xf32>
    %max3A_28 = arith.maximumf %add3A_26, %max3A_27 : vector<400x1xf32>
    %div3A = arith.constant 1.000000e+00 : f32
    %div3A_29 = vector.broadcast %div3A : f32 to vector<400x1xf32>
    %div3A_30 = arith.divf %div3A_29, %max3A_28 : vector<400x1xf32>
    %mul3A = vector.broadcast %div3A_30 : vector<400x1xf32> to vector<400x128xf32>
    %mul3A_31 = arith.mulf %add3A_19, %mul3A : vector<400x128xf32>
    %get3A_32 = arith.constant 0 : index
    %get3A_33 = arith.constant 0 : index
    %get3A_34 = vector.load %arg10[%get3A_32, %get3A_33] : memref<128x128xf32, #tpu.memory_space<vmem>>, vector<128x128xf32>
    %dot_general3A = arith.constant dense<0.000000e+00> : vector<400x128xf32>
    %dot_general3A_35 = tpu.matmul %mul3A_31, %get3A_34, %dot_general3A {dimension_numbers = #tpu.dot_dimension_numbers<[1], [0], [0], [1], [0, 0, 1, 1], [], []>, transpose_lhs_hint = false} : vector<400x128xf32>, vector<128x128xf32>, vector<400x128xf32> -> vector<400x128xf32>
    %add3A_36 = vector.broadcast %add3A_8 : vector<1x128xf32> to vector<400x128xf32>
    %add3A_37 = arith.addf %add3A_36, %dot_general3A_35 : vector<400x128xf32>
    %get3A_38 = arith.constant 0 : index
    %get3A_39 = arith.constant 0 : index
    %get3A_40 = arith.constant 0 : index
    %get3A_41 = vector.load %arg2[%get3A_38, %get3A_39, %get3A_40] : memref<2x400x128xf32, #tpu.memory_space<vmem>>, vector<1x400x128xf32>
    %get3A_42 = vector.shape_cast %get3A_41 : vector<1x400x128xf32> to vector<400x128xf32>
    %get3A_43 = arith.constant 1 : index
    %get3A_44 = arith.constant 0 : index
    %get3A_45 = arith.constant 0 : index
    %get3A_46 = vector.load %arg2[%get3A_43, %get3A_44, %get3A_45] : memref<2x400x128xf32, #tpu.memory_space<vmem>>, vector<1x400x128xf32>
    %get3A_47 = vector.shape_cast %get3A_46 : vector<1x400x128xf32> to vector<400x128xf32>
    %add3A_48 = arith.addf %get3A_42, %get3A_47 : vector<400x128xf32>
    %get3A_49 = arith.constant 0 : index
    %get3A_50 = arith.constant 0 : index
    %get3A_51 = vector.load %arg6[%get3A_49, %get3A_50] : memref<400x1xf32, #tpu.memory_space<vmem>>, vector<400x1xf32>
    %get3A_52 = arith.constant 0 : index
    %get3A_53 = arith.constant 0 : index
    %get3A_54 = vector.load %arg7[%get3A_52, %get3A_53] : memref<400x1xf32, #tpu.memory_space<vmem>>, vector<400x1xf32>
    %add3A_55 = arith.addf %get3A_51, %get3A_54 : vector<400x1xf32>
    %max3A_56 = arith.constant 1.000000e+00 : f32
    %max3A_57 = vector.broadcast %max3A_56 : f32 to vector<400x1xf32>
    %max3A_58 = arith.maximumf %add3A_55, %max3A_57 : vector<400x1xf32>
    %div3A_59 = arith.constant 1.000000e+00 : f32
    %div3A_60 = vector.broadcast %div3A_59 : f32 to vector<400x1xf32>
    %div3A_61 = arith.divf %div3A_60, %max3A_58 : vector<400x1xf32>
    %mul3A_62 = vector.broadcast %div3A_61 : vector<400x1xf32> to vector<400x128xf32>
    %mul3A_63 = arith.mulf %add3A_48, %mul3A_62 : vector<400x128xf32>
    %get3A_64 = arith.constant 0 : index
    %get3A_65 = arith.constant 0 : index
    %get3A_66 = vector.load %arg11[%get3A_64, %get3A_65] : memref<128x128xf32, #tpu.memory_space<vmem>>, vector<128x128xf32>
    %dot_general3A_67 = arith.constant dense<0.000000e+00> : vector<400x128xf32>
    %dot_general3A_68 = tpu.matmul %mul3A_63, %get3A_66, %dot_general3A_67 {dimension_numbers = #tpu.dot_dimension_numbers<[1], [0], [0], [1], [0, 0, 1, 1], [], []>, transpose_lhs_hint = false} : vector<400x128xf32>, vector<128x128xf32>, vector<400x128xf32> -> vector<400x128xf32>
    %add3A_69 = arith.addf %add3A_37, %dot_general3A_68 : vector<400x128xf32>
    %get3A_70 = arith.constant 0 : index
    %get3A_71 = arith.constant 0 : index
    %get3A_72 = arith.constant 0 : index
    %get3A_73 = vector.load %arg3[%get3A_70, %get3A_71, %get3A_72] : memref<2x400x128xf32, #tpu.memory_space<vmem>>, vector<1x400x128xf32>
    %get3A_74 = vector.shape_cast %get3A_73 : vector<1x400x128xf32> to vector<400x128xf32>
    %get3A_75 = arith.constant 1 : index
    %get3A_76 = arith.constant 0 : index
    %get3A_77 = arith.constant 0 : index
    %get3A_78 = vector.load %arg3[%get3A_75, %get3A_76, %get3A_77] : memref<2x400x128xf32, #tpu.memory_space<vmem>>, vector<1x400x128xf32>
    %get3A_79 = vector.shape_cast %get3A_78 : vector<1x400x128xf32> to vector<400x128xf32>
    %add3A_80 = arith.addf %get3A_74, %get3A_79 : vector<400x128xf32>
    %get3A_81 = arith.constant 0 : index
    %get3A_82 = arith.constant 0 : index
    %get3A_83 = vector.load %arg8[%get3A_81, %get3A_82] : memref<400x1xf32, #tpu.memory_space<vmem>>, vector<400x1xf32>
    %get3A_84 = arith.constant 0 : index
    %get3A_85 = arith.constant 0 : index
    %get3A_86 = vector.load %arg9[%get3A_84, %get3A_85] : memref<400x1xf32, #tpu.memory_space<vmem>>, vector<400x1xf32>
    %add3A_87 = arith.addf %get3A_83, %get3A_86 : vector<400x1xf32>
    %max3A_88 = arith.constant 1.000000e+00 : f32
    %max3A_89 = vector.broadcast %max3A_88 : f32 to vector<400x1xf32>
    %max3A_90 = arith.maximumf %add3A_87, %max3A_89 : vector<400x1xf32>
    %div3A_91 = arith.constant 1.000000e+00 : f32
    %div3A_92 = vector.broadcast %div3A_91 : f32 to vector<400x1xf32>
    %div3A_93 = arith.divf %div3A_92, %max3A_90 : vector<400x1xf32>
    %mul3A_94 = vector.broadcast %div3A_93 : vector<400x1xf32> to vector<400x128xf32>
    %mul3A_95 = arith.mulf %add3A_80, %mul3A_94 : vector<400x128xf32>
    %get3A_96 = arith.constant 0 : index
    %get3A_97 = arith.constant 0 : index
    %get3A_98 = vector.load %arg12[%get3A_96, %get3A_97] : memref<128x128xf32, #tpu.memory_space<vmem>>, vector<128x128xf32>
    %dot_general3A_99 = arith.constant dense<0.000000e+00> : vector<400x128xf32>
    %dot_general3A_100 = tpu.matmul %mul3A_95, %get3A_98, %dot_general3A_99 {dimension_numbers = #tpu.dot_dimension_numbers<[1], [0], [0], [1], [0, 0, 1, 1], [], []>, transpose_lhs_hint = false} : vector<400x128xf32>, vector<128x128xf32>, vector<400x128xf32> -> vector<400x128xf32>
    %add3A_101 = arith.addf %add3A_69, %dot_general3A_100 : vector<400x128xf32>
    %swap3A = arith.constant 0 : index
    %swap3A_102 = arith.constant 0 : index
    %swap3A_103 = vector.load %arg16[%swap3A, %swap3A_102] : memref<400x128xf32, #tpu.memory_space<vmem>>, vector<400x128xf32>
    tpu.vector_store %arg16[%swap3A, %swap3A_102], %add3A_101 {strides = array<i32>} : memref<400x128xf32, #tpu.memory_space<vmem>>, vector<400x128xf32>,
    return
  }
  func.func @transform_0(%arg0: i32) -> (i32, i32, i32) {
    %mul3A = arith.constant 0 : i32
    %mul3A_0 = arith.muli %arg0, %mul3A : i32
    %mul3A_1 = arith.constant 0 : i32
    %mul3A_2 = arith.muli %arg0, %mul3A_1 : i32
    %c0_i32 = arith.constant 0 : i32
    return %mul3A_0, %arg0, %mul3A_2 : i32, i32, i32
  }
  func.func @transform_1(%arg0: i32) -> (i32, i32, i32) {
    %mul3A = arith.constant 0 : i32
    %mul3A_0 = arith.muli %arg0, %mul3A : i32
    %mul3A_1 = arith.constant 0 : i32
    %mul3A_2 = arith.muli %arg0, %mul3A_1 : i32
    %c0_i32 = arith.constant 0 : i32
    return %mul3A_0, %arg0, %mul3A_2 : i32, i32, i32
  }
  func.func @transform_2(%arg0: i32) -> (i32, i32, i32) {
    %mul3A = arith.constant 0 : i32
    %mul3A_0 = arith.muli %arg0, %mul3A : i32
    %mul3A_1 = arith.constant 0 : i32
    %mul3A_2 = arith.muli %arg0, %mul3A_1 : i32
    %c0_i32 = arith.constant 0 : i32
    return %mul3A_0, %arg0, %mul3A_2 : i32, i32, i32
  }
  func.func @transform_3(%arg0: i32) -> (i32, i32) {
    %mul3A = arith.constant 0 : i32
    %mul3A_0 = arith.muli %arg0, %mul3A : i32
    %c0_i32 = arith.constant 0 : i32
    return %arg0, %mul3A_0 : i32, i32
  }
  func.func @transform_4(%arg0: i32) -> (i32, i32) {
    %mul3A = arith.constant 0 : i32
    %mul3A_0 = arith.muli %arg0, %mul3A : i32
    %c0_i32 = arith.constant 0 : i32
    return %arg0, %mul3A_0 : i32, i32
  }
  func.func @transform_5(%arg0: i32) -> (i32, i32) {
    %mul3A = arith.constant 0 : i32
    %mul3A_0 = arith.muli %arg0, %mul3A : i32
    %c0_i32 = arith.constant 0 : i32
    return %arg0, %mul3A_0 : i32, i32
  }
  func.func @transform_6(%arg0: i32) -> (i32, i32) {
    %mul3A = arith.constant 0 : i32
    %mul3A_0 = arith.muli %arg0, %mul3A : i32
    %c0_i32 = arith.constant 0 : i32
    return %arg0, %mul3A_0 : i32, i32
  }
  func.func @transform_7(%arg0: i32) -> (i32, i32) {
    %mul3A = arith.constant 0 : i32
    %mul3A_0 = arith.muli %arg0, %mul3A : i32
    %c0_i32 = arith.constant 0 : i32
    return %arg0, %mul3A_0 : i32, i32
  }
  func.func @transform_8(%arg0: i32) -> (i32, i32) {
    %mul3A = arith.constant 0 : i32
    %mul3A_0 = arith.muli %arg0, %mul3A : i32
    %c0_i32 = arith.constant 0 : i32
    return %arg0, %mul3A_0 : i32, i32
  }
  func.func @transform_9(%arg0: i32) -> (i32, i32) {
    %mul3A = arith.constant 0 : i32
    %mul3A_0 = arith.muli %arg0, %mul3A : i32
    %mul3A_1 = arith.constant 0 : i32
    %mul3A_2 = arith.muli %arg0, %mul3A_1 : i32
    %c0_i32 = arith.constant 0 : i32
    return %mul3A_0, %mul3A_2 : i32, i32
  }
  func.func @transform_10(%arg0: i32) -> (i32, i32) {
    %mul3A = arith.constant 0 : i32
    %mul3A_0 = arith.muli %arg0, %mul3A : i32
    %mul3A_1 = arith.constant 0 : i32
    %mul3A_2 = arith.muli %arg0, %mul3A_1 : i32
    %c0_i32 = arith.constant 0 : i32
    return %mul3A_0, %mul3A_2 : i32, i32
  }
  func.func @transform_11(%arg0: i32) -> (i32, i32) {
    %mul3A = arith.constant 0 : i32
    %mul3A_0 = arith.muli %arg0, %mul3A : i32
    %mul3A_1 = arith.constant 0 : i32
    %mul3A_2 = arith.muli %arg0, %mul3A_1 : i32
    %c0_i32 = arith.constant 0 : i32
    return %mul3A_0, %mul3A_2 : i32, i32
  }
  func.func @transform_12(%arg0: i32) -> (i32, i32) {
    %mul3A = arith.constant 0 : i32
    %mul3A_0 = arith.muli %arg0, %mul3A : i32
    %mul3A_1 = arith.constant 0 : i32
    %mul3A_2 = arith.muli %arg0, %mul3A_1 : i32
    %c0_i32 = arith.constant 0 : i32
    return %mul3A_0, %mul3A_2 : i32, i32
  }
  func.func @transform_13(%arg0: i32) -> (i32, i32) {
    %mul3A = arith.constant 0 : i32
    %mul3A_0 = arith.muli %arg0, %mul3A : i32
    %mul3A_1 = arith.constant 0 : i32
    %mul3A_2 = arith.muli %arg0, %mul3A_1 : i32
    %c0_i32 = arith.constant 0 : i32
    return %mul3A_0, %mul3A_2 : i32, i32
  }
  func.func @transform_14(%arg0: i32) -> (i32, i32) {
    %mul3A = arith.constant 0 : i32
    %mul3A_0 = arith.muli %arg0, %mul3A : i32
    %mul3A_1 = arith.constant 0 : i32
    %mul3A_2 = arith.muli %arg0, %mul3A_1 : i32
    %c0_i32 = arith.constant 0 : i32
    return %mul3A_0, %mul3A_2 : i32, i32
  }
  func.func @transform_15(%arg0: i32) -> (i32, i32) {
    %mul3A = arith.constant 0 : i32
    %mul3A_0 = arith.muli %arg0, %mul3A : i32
    %c0_i32 = arith.constant 0 : i32
    return %arg0, %mul3A_0 : i32, i32
  }
}

</mosaic_0001>

<sc_bundles>
// kernel: kernel.6.cloned.1.call-start
scs
__scs_entry_jumppad:
0x0: {  	(pc) =	sbr.rel $0x88, $3  }
0x1: {  	(tag) =	ssettag $0x0;
	lr =	simm.s32 $0x1  }
0x2: {  	[smem:$0x3F91] =	sst lr;
	_ =	strace $0xD0000000  }
0x3: {  	_ = 	snop  }
0x4: {  	_ = 	snop  }
0x5: {  	_ = 	snop  }
0x6: {  	_ = 	snop  }
0x7: {  	_ = 	snop  }
__scs_overlays_trampoline_lowered:
0x8: {  	[smem:$0x3FA0] =	sst s0  }
0x9: {  	[smem:$0x3FA1] =	sst s1  }
0xa: {  	[smem:$0x3FA2] =	sst s2  }
0xb: {  	[smem:$0x3FA3] =	sst s3  }
0xc: {  	[smem:$0x3FA4] =	sst s4  }
0xd: {  	[smem:$0x3FA5] =	sst s5  }
0xe: {  	[smem:$0x3FA6] =	sst s6  }
0xf: {  	[smem:$0x3FA7] =	sst s7  }
0x10: {  	[smem:$0x3FA8] =	sst s8  }
0x11: {  	[smem:$0x3FA9] =	sst s9;
	s0 =	simm.s32 @!p0 $0x0  }
0x12: {  	s1 =	sld [smem:$0x3F8F];
	s0 =	simm.s32 @p0 $0x1  }
0x13: {  	[smem:$0x3FAA] =	sst s0;
	s0 =	simm.s32 @!p1 $0x0  }
0x14: {  	s2 =	sld [smem:$0x3F8E];
	s0 =	simm.s32 @p1 $0x1  }
0x15: {  	[smem:$0x3FAB] =	sst s0;
	s0 =	simm.s32 @!p2 $0x0  }
0x16: {  	s3 =	sld [smem:$0x3FDB];
	s0 =	simm.s32 @p2 $0x1  }
0x17: {  	s4 =	simm.s32 $0x1BF5;
	[smem:$0x3FAD] =	sst s0  }
0x18: {  	s0 =	sld [smem:$0x3F90];
	_ =	swait.ge [sflag:s4], $0x0  }
0x19: {  	s7 =	sld [smem:$0x3F91]  }
0x1a: {  	s8 =	sadd.s32 $0xFFFFE003, lr  }
0x1b: {  	s9 =	sadd.s32 $0xFFFFFEF7, lr;
	s5 =	simm.s32 $0xFFFFFFFF;
	p2 =	slt.u32 s8, $0xFFFFF086  }
0x1c: {  	p1 =	slt.u32 s9, $0xF7A;
	s5 =	simm.s32 @!p2 $0x0  }
0x1d: {  	s5 =	simm.s32 @p1 $0x1;
	p0 =	seq.s32 s7, s2  }
0x1e: {  	s7 =	smul.u32 @!p0 $0xF7A, s2;
	p2 =	seq.s32 @!p0 s5, $0x0  }
0x1f: {  	s9 =	smul.u32 $0xF7A, s1;
	s8 =	simm.s32 @!p0 $0x1BF5;
	p2 =	por !p2, p0  }
0x20: {  	[sflag:s8] =	ssyncset.s32 @!p0 $0xFFFFF086;
	s6 =	sadd.s32 @!p0 s3, s7;
	s7 =	simm.s32 @!p0 $0x108  }
0x21: {  	s3 =	sadd.s32 s3, s9;
	s6 =	sadd.s32 @!p0 $0x88, s6;
	s7 =	simm.s32 @p2 $0x1082  }
0x22: {  	[simem:s7], [sflag:s8] =	dma.local @!p0 [hbm:s6], $0xF7A  }
0x23: {  	s9 =	sor.u32 $0xD0000000, s2;
	s6 =	simm.s32 $0x108;
	_ =	swait.ge @!p0 [sflag:s8], $0x0  }
0x24: {  	s3 =	sadd.s32 $0x88, s3;
	s6 =	simm.s32 @!p1 $0x1082;
	[sflag:s4] =	ssyncset.s32 $0xFFFFF086  }
0x25: {  	[simem:s6], [sflag:s4] =	dma.local [hbm:s3], $0xF7A  }
0x26: {  	[smem:$0x3F91] =	sst s1;
	(tag) =	ssettag s2;
	_ =	strace s9  }
0x27: {  	s1 =	sld [smem:$0x3FA1]  }
0x28: {  	s2 =	sld [smem:$0x3FA2]  }
0x29: {  	s4 =	sld [smem:$0x3FA4]  }
0x2a: {  	p0 =	seq.s32 s5, $0x0;
	s5 =	sld [smem:$0x3FA5]  }
0x2b: {  	s6 =	sld [smem:$0x3FA6]  }
0x2c: {  	s7 =	sld [smem:$0x3FA7]  }
0x2d: {  	s3 =	simm.s32 $0x108;
	s8 =	sld [smem:$0x3FA8]  }
0x2e: {  	s3 =	simm.s32 @!p0 $0x1082;
	s9 =	sld [smem:$0x3FA9]  }
0x2f: {  	lr =	sadd.s32 s0, s3;
	s0 =	sld [smem:$0x3FA0]  }
0x30: {  	s3 =	sld [smem:$0x3FA3]  }
0x31: {  	[smem:$0x3FAC] =	sst s10  }
0x32: {  	s10 =	sld [smem:$0x3FAA];
	_ =	sdelay $0x3  }
0x33: {  	p0 =	seq.s32 s10, $0x1;
	s10 =	sld [smem:$0x3FAC];
	_ =	sdelay $0x3  }
0x34: {  	[smem:$0x3FAC] =	sst s10  }
0x35: {  	s10 =	sld [smem:$0x3FAB];
	_ =	sdelay $0x3  }
0x36: {  	p1 =	seq.s32 s10, $0x1;
	s10 =	sld [smem:$0x3FAC];
	_ =	sdelay $0x3  }
0x37: {  	[smem:$0x3FAC] =	sst s10  }
0x38: {  	s10 =	sld [smem:$0x3FAD]  }
0x39: {  	_ = 	snop;
	(pc) =	sbr.ind lr, $3  }
0x3a: {  	_ = 	snop  }
0x3b: {  	_ = 	snop  }
0x3c: {  	p2 =	seq.s32 s10, $0x1;
	s10 =	sld [smem:$0x3FAC]  }
0x3d: {  	_ =	shalt  }
0x3e: {  	_ =	shalt  }
0x3f: {  	_ =	shalt  }
0x40: {  	_ =	shalt  }
0x41: {  	_ =	shalt  }
0x42: {  	_ =	shalt  }
0x43: {  	_ =	shalt  }
0x44: {  	_ =	shalt  }
0x45: {  	_ =	shalt  }
0x46: {  	_ =	shalt  }
0x47: {  	_ =	shalt  }
0x48: {  	_ =	shalt  }
0x49: {  	_ =	shalt  }
0x4a: {  	_ =	shalt  }
0x4b: {  	_ =	shalt  }
0x4c: {  	_ =	shalt  }
0x4d: {  	_ =	shalt  }
0x4e: {  	_ =	shalt  }
0x4f: {  	_ =	shalt  }
0x50: {  	_ =	shalt  }
0x51: {  	_ =	shalt  }
0x52: {  	_ =	shalt  }
0x53: {  	_ =	shalt  }
0x54: {  	_ =	shalt  }
0x55: {  	_ =	shalt  }
0x56: {  	_ =	shalt  }
0x57: {  	_ =	shalt  }
0x58: {  	_ =	shalt  }
0x59: {  	_ =	shalt  }
0x5a: {  	_ =	shalt  }
0x5b: {  	_ =	shalt  }
0x5c: {  	_ =	shalt  }
0x5d: {  	_ =	shalt  }
0x5e: {  	_ =	shalt  }
0x5f: {  	_ =	shalt  }
0x60: {  	_ =	shalt  }
0x61: {  	_ =	shalt  }
0x62: {  	_ =	shalt  }
0x63: {  	_ =	shalt  }
0x64: {  	_ =	shalt  }
0x65: {  	_ =	shalt  }
0x66: {  	_ =	shalt  }
0x67: {  	_ =	shalt  }
0x68: {  	_ =	shalt  }
0x69: {  	_ =	shalt  }
0x6a: {  	_ =	shalt  }
0x6b: {  	_ =	shalt  }
0x6c: {  	_ =	shalt  }
0x6d: {  	_ =	shalt  }
0x6e: {  	_ =	shalt  }
0x6f: {  	_ =	shalt  }
0x70: {  	_ =	shalt  }
0x71: {  	_ =	shalt  }
0x72: {  	_ =	shalt  }
0x73: {  	_ =	shalt  }
0x74: {  	_ =	shalt  }
0x75: {  	_ =	shalt  }
0x76: {  	_ =	shalt  }
0x77: {  	_ =	shalt  }
0x78: {  	_ =	shalt  }
0x79: {  	_ =	shalt  }
0x7a: {  	_ =	shalt  }
0x7b: {  	_ =	shalt  }
0x7c: {  	_ =	shalt  }
0x7d: {  	_ =	shalt  }
0x7e: {  	_ =	shalt  }
0x7f: {  	_ =	shalt  }
0x80: {  	_ =	shalt  }
0x81: {  	_ =	shalt  }
0x82: {  	_ =	shalt  }
0x83: {  	_ =	shalt  }
0x84: {  	_ =	shalt  }
0x85: {  	_ =	shalt  }
0x86: {  	_ =	shalt  }
0x87: {  	_ =	shalt  }
.Lfunc_end0:
.L_simem_size_0:
called_computation_lowered:
.L_overlay_start_0:
0x88: {  	s2 =	sld [smem:$0x3FD9]  }
0x89: {  	s3 =	sld [smem:$0x3FFE];
	_ =	sdelay $0x1  }
0x8a: {  	s1 =	srdreg.scid  }
0x8b: {  	s0 =	sand.u32 $0x1, s1  }
0x8c: {  	s17 =	sshll.u32 s0, $0xA;
	s2 =	sadd.s32 s3, s2  }
0x8d: {  	s2 =	sadd.s32 s2, s17  }
0x8e: {  	[smem:$0x3FB8] =	sst s2  }
0x8f: {  	_ = 	snop  }
0x90: {  	s2 =	sld [smem:$0x3FC9]  }
0x91: {  	s18 =	sld [smem:$0x3FD0];
	(tm) =	ssettm $0x1  }
0x92: {  	s4 =	sld [smem:$0x3FFB];
	_ =	sdelay $0x3  }
0x93: {  	_ =	strace s4  }
0x94: {  	s4 =	sld [smem:$0x3FFC];
	_ =	sdelay $0x3  }
0x95: {  	_ =	strace s4  }
0x96: {  	s4 =	sld [smem:$0x3FFD];
	_ =	sdelay $0x3  }
0x97: {  	_ =	strace s4  }
0x98: {  	_ =	strace $0x8FFFFFFF  }
0x99: {  	s19 =	sld [smem:$0x3FDB];
	_ =	sdelay $0x1  }
0x9a: {  	s5 =	simm.s32 $_scs_section_size  }
0x9b: {  	s6 =	simm.s32 $_size__tile_overlayer_lowered;
	s7 =	simm.s32 $_tile_overlayer_lowered  }
0x9c: {  	s22 =	simm.s32 $0x1BFF;
	s21 =	sshll.u32 s7, $0x1;
	s4 =	sadd.s32 s5, s19  }
0x9d: {  	s8 =	simm.s32 $0x0;
	s20 =	sshll.u32 s6, $0x1;
	s6 =	sadd.s32 s21, s4  }
0x9e: {  	[timem:s8], [sflag:s22] =	dma.local [hbm:s6], s20  }
0x9f: {  	_ =	swait.ge [sflag:s22], s20  }
0xa0: {  	s5 =	ssub.s32 $0x0, s20;
	[sflag:s22] =	ssyncset.done $0x0  }
0xa1: {  	[sflag:s22] =	ssyncadd.s32 s5;
	_ =	sdelay $0x1  }
0xa2: {  	s23 =	simm.s32 $0x1B8B  }
0xa3: {  	_ =	swait.ge [sflag:s23], $0x1  }
0xa4: {  	[sflag:s23] =	ssyncset.done $0x0  }
0xa5: {  	s25 =	simm.s32 $0x1B8E;
	s24 =	sld [smem:$0x3FFE];
	[sflag:s23] =	ssyncadd.s32 $0xFFFFFFFF  }
0xa6: {  	s26 =	simm.s32 $execute0_lowered;
	[smem:$0x3FD2] =	sst s25  }
0xa7: {  	s6 =	sshll.u32 s26, $0x1;
	_ =	strace $0x80000046;
	[dreg:$0x1] =	wrdreg $0xFFFFFFFF  }
0xa8: {  	s28 =	simm.s32 $_size_execute0_lowered;
	s4 =	sadd.s32 s4, s6;
	[dreg:$0x0] =	wrdreg $0x0  }
0xa9: {  	s6 =	sshll.u32 s28, $0x1;
	[dreg:$0x2] =	wrdreg s4  }
0xaa: {  	[dreg:$0x3] =	wrdreg s6  }
0xab: {  	[dreg:$0x4] =	wrdreg $0xC0  }
0xac: {  	_ =	task [dreg:s8], $0x5FFFF  }
0xad: {  	[dreg:$0x1] =	wrdreg $0xFFFFFFFF  }
0xae: {  	[dreg:$0x0] =	wrdreg $0x60  }
0xaf: {  	[dreg:$0x2] =	wrdreg s2  }
0xb0: {  	[dreg:$0x3] =	wrdreg s24  }
0xb1: {  	[dreg:$0x4] =	wrdreg s18  }
0xb2: {  	[dreg:$0x5] =	wrdreg $0xAD000  }
0xb3: {  	[dreg:$0x6] =	wrdreg $0x1E9000  }
0xb4: {  	[dreg:$0x7] =	wrdreg $0x9  }
0xb5: {  	_ =	task.clear_ibuf [dreg:s8], $0x8FFFF;
	_ =	strace $0x90000046  }
0xb6: {  	s29 =	simm.s32 $0x9;
	_ =	strace $0x80000051  }
0xb7: {  	_ =	swait.ge [sflag:s29], $0x1  }
0xb8: {  	[sflag:s29] =	ssyncadd.s32 $0xFFFFFFFF  }
0xb9: {  	_ =	strace $0x90000051  }
0xba: {  	_ =	sfence  }
0xbb: {  	s30 =	sld [smem:$0x0];
	_ =	sdelay $0x2  }
0xbc: {  	s31 =	sshll.u32 s1, $0xD;
	s1 =	sshrl.u32 s1, $0x2  }
0xbd: {  	s3 =	sand.u32 $0x4000, s31;
	s1 =	sadd.s32 s1, s30  }
0xbe: {  	s0 =	sor.u32 s3, s0;
	s1 =	sshll.u32 s1, $0x11  }
0xbf: {  	s0 =	sor.u32 s1, s0  }
0xc0: {  	s0 =	sadd.s32 $0x8F2B, s0  }
0xc1: {  	[sflag:s0] =	ssyncadd.remote.s32 $0x1  }
0xc2: {  	_ =	sfence.sel $0xFFFF  }
0xc3: {  	[dreg:$0x0] =	wrdreg $0xFFFFFFFF;
	(pc) =	sbr.abs _section_cstart, $3  }
0xc4: {  	[dreg:$0x1] =	wrdreg $0xFFFFFFFF  }
0xc5: {  	_ =	task.clear_ibuf [dreg:s8], $0x2FFFF;
	_ =	strace $0x9FFFFFFF  }
0xc6: {  	(tm) =	ssettm $0x7FFFFFFF  }
0xc7: {  	_ =	shalt  }
tec
execute0_lowered:
.L_overlay_start_1:
0x0: {  	(tag) =	ssettag $0x1  }
0x1: {  	s1 =	rddreg [dreg:$0x0]  }
0x2: {  	s0 =	rddreg [dreg:$0x1]  }
0x3: {  	s4 =	rddreg [dreg:$0x2]  }
0x4: {  	s2 =	rddreg [dreg:$0x3]  }
0x5: {  	s3 =	rddreg [dreg:$0x4];
	s5 =	simm.s32 $0x0;
	s6 =	srdreg.scid  }
0x6: {  	s14 =	stileid.u32;
	[smem:$0x7FF] =	sst s5  }
0x7: {  	s6 =	sand.u32 $0x1, s6;
	s15 =	sadd.s32 $0x1C00, s0;
	s8 =	smul.u32 $0x13C00, s14  }
0x8: {  	s16 =	sadd.s32 $0x11600, s0;
	s17 =	sadd.s32 $0x8000, s0;
	s9 =	smul.u32 $0x500, s14  }
0x9: {  	s11 =	smul.u32 $0x1400, s14;
	_ =	strace $0x80000047;
	[dreg:$0x6] =	wrdreg s15  }
0xa: {  	s18 =	sadd.s32 $0xE400, s0;
	s26 =	smul.u32 $0x4F000, s14;
	[dreg:$0x7] =	wrdreg s16  }
0xb: {  	s19 =	sadd.s32 $0x4E00, s0;
	s14 =	smul.u32 $0xA00, s14;
	[dreg:$0x8] =	wrdreg s17  }
0xc: {  	s20 =	sadd.s32 $0xB200, s0;
	s7 =	smul.u32 $0x13C000, s6;
	[dreg:$0x9] =	wrdreg s18  }
0xd: {  	s25 =	sshll.u32 s6, $0x7;
	s10 =	ssub.s32 $0x2, s6;
	[dreg:$0xa] =	wrdreg s19  }
0xe: {  	p0 =	seq.s32 s6, $0x0;
	[dreg:$0xb] =	wrdreg s20;
	s13 =	sshrl.u32 s10, $0x1  }
0xf: {  	s6 =	sshrl.u32 s26, $0x2;
	s28 =	sshrl.u32 s14, $0x2;
	s7 =	sadd.s32 s8, s7  }
0x10: {  	s8 =	sor.u32 s25, s9;
	s9 =	sadd.s32 $0x14000, s9;
	s10 =	ssub.s32 s10, s13  }
0x11: {  	s13 =	sadd.s32 s6, s2;
	s7 =	sshrl.u32 s7, $0x3;
	s8 =	sshrl.u32 s8, $0x3  }
0x12: {  	s9 =	smov.u32 @p0 s11;
	s11 =	sadd.s32 s28, s3;
	[dreg:$0xc] =	wrdreg s13  }
0x13: {  	s7 =	sadd.s32 s7, s0;
	[dreg:$0xd] =	wrdreg s11;
	s4 =	sadd.s32 s4, s8  }
0x14: {  	[dreg:$0x10] =	wrdreg s4;
	s28 =	sadd.s32 $0x15C00, s7  }
0x15: {  	s6 =	sadd.s32 $0x64C00, s7;
	[dreg:$0x15] =	wrdreg s28  }
0x16: {  	s0 =	sadd.s32 s8, s0;
	s8 =	sadd.s32 $0xB3C00, s7;
	[dreg:$0x16] =	wrdreg s6  }
0x17: {  	s9 =	sshrl.u32 s9, $0x3;
	s11 =	sadd.s32 $0x14800, s0;
	[dreg:$0x17] =	wrdreg s8  }
0x18: {  	s14 =	sor.u32 $0x10, s9;
	s0 =	sadd.s32 $0x15200, s0;
	[dreg:$0x18] =	wrdreg s11  }
0x19: {  	s21 =	sadd.s32 s15, s14;
	[dreg:$0x19] =	wrdreg s0  }
0x1a: {  	s22 =	sadd.s32 s16, s14;
	[dreg:$0xe] =	wrdreg s21  }
0x1b: {  	s23 =	sadd.s32 s17, s14;
	[dreg:$0xf] =	wrdreg s22  }
0x1c: {  	s24 =	sadd.s32 s18, s14;
	[dreg:$0x11] =	wrdreg s23  }
0x1d: {  	s25 =	sadd.s32 s19, s14;
	[dreg:$0x12] =	wrdreg s24  }
0x1e: {  	s26 =	sadd.s32 s20, s14;
	[dreg:$0x13] =	wrdreg s25  }
0x1f: {  	s14 =	smax.u32 s10, $0x1;
	[dreg:$0x14] =	wrdreg s26  }
0x20: {  	s15 =	sadd.s32 s15, s9;
	[dreg:$0x1a] =	wrdreg s14  }
0x21: {  	s16 =	sadd.s32 s16, s9;
	[dreg:$0x1b] =	wrdreg s15  }
0x22: {  	s12 =	simm.s32 $0x28;
	s17 =	sadd.s32 s17, s9;
	[dreg:$0x1c] =	wrdreg s16  }
0x23: {  	s29 =	simm.s32 $0x2C00;
	s18 =	sadd.s32 s18, s9;
	[dreg:$0x1d] =	wrdreg s17  }
0x24: {  	s30 =	simm.s32 $0x80;
	s19 =	sadd.s32 s19, s9;
	[dreg:$0x1e] =	wrdreg s18  }
0x25: {  	s31 =	simm.s32 $0x2D00;
	s20 =	sadd.s32 s20, s9;
	[dreg:$0x1f] =	wrdreg s19  }
0x26: {  	s12 =	simm.s32 @!p0 $0xA;
	s28 =	sadd.s32 $0x11480, s13;
	[smem:$0x7F6] =	sst s20  }
0x27: {  	s4 =	simm.s32 $0x2C80;
	s21 =	sadd.s32 $0x2780, s13;
	[smem:$0x7FD] =	sst s28  }
0x28: {  	s6 =	simm.s32 $0x2A80;
	s22 =	sadd.s32 $0x4F00, s13;
	[smem:$0x7F7] =	sst s21  }
0x29: {  	s8 =	simm.s32 $0x2;
	s23 =	sadd.s32 $0x7680, s13;
	[smem:$0x7F8] =	sst s22  }
0x2a: {  	s16 =	sadd.s32 $0x20, s9;
	s24 =	sadd.s32 $0x9E00, s13;
	[smem:$0x7F9] =	sst s23  }
0x2b: {  	s17 =	sadd.s32 $0x30, s9;
	s25 =	sadd.s32 $0xC580, s13;
	[smem:$0x7FA] =	sst s24  }
0x2c: {  	s26 =	sadd.s32 $0xED00, s13;
	s15 =	simm.s32 $0x6D00;
	[smem:$0x7FB] =	sst s25  }
0x2d: {  	v0 =	vimm.f32 $0.0e+00;
	v1 =	vimm.f32 $1.000000000e+00;
	[smem:$0x7FC] =	sst s26;
	s25 =	simm.s32 $0x3;
	s26 =	simm.s32 $0x1  }
.LBB2_1:
0x2e: {  	s7 =	simm.s32 $0x0;
	s9 =	simm.s32 $0x200  }
.LBB2_2:
0x2f: {  	p0 =	sne.s32 s9, $0x9C00;
	[tilespmem:s7+$0x70] =	vst v0  }
0x30: {  	[tilespmem:s7+$0x0] =	vst v0  }
0x31: {  	[tilespmem:s7+$0x10] =	vst v0  }
.Ltmp0:
0x32: {  	[tilespmem:s7+$0x20] =	vst v0;
	(pc) =	sbr.rel @p0 .LBB2_2-.Ltmp0, $4  }
0x33: {  	[tilespmem:s7+$0x30] =	vst v0  }
0x34: {  	[tilespmem:s7+$0x40] =	vst v0  }
0x35: {  	[tilespmem:s7+$0x50] =	vst v0  }
0x36: {  	[tilespmem:s7+$0x60] =	vst v0;
	s7 =	sshra.s32 s9, $0x2;
	s9 =	sadd.s32 $0x200, s9  }
0x37: {  	[tilespmem:s7+$0x70] =	vst v0  }
0x38: {  	[tilespmem:s7+$0x0] =	vst v0  }
0x39: {  	[tilespmem:s7+$0x10] =	vst v0  }
0x3a: {  	[tilespmem:s7+$0x20] =	vst v0  }
0x3b: {  	[tilespmem:s7+$0x30] =	vst v0  }
0x3c: {  	[tilespmem:s7+$0x40] =	vst v0  }
0x3d: {  	[tilespmem:s7+$0x50] =	vst v0  }
0x3e: {  	[tilespmem:s7+$0x60] =	vst v0  }
0x3f: {  	[tilespmem:$0x2800] =	vst v0  }
0x40: {  	[tilespmem:$0x2810] =	vst v0  }
0x41: {  	[tilespmem:$0x2820] =	vst v0  }
0x42: {  	[tilespmem:$0x2830] =	vst v0  }
0x43: {  	[tilespmem:$0x2840] =	vst v0  }
0x44: {  	[tilespmem:$0x2850] =	vst v0  }
0x45: {  	[tilespmem:$0x2860] =	vst v0  }
0x46: {  	[tilespmem:$0x2870] =	vst v0  }
0x47: {  	[tilespmem:$0x2880] =	vst v0  }
0x48: {  	[tilespmem:$0x2890] =	vst v0  }
0x49: {  	[tilespmem:$0x28A0] =	vst v0  }
0x4a: {  	[tilespmem:$0x28B0] =	vst v0  }
0x4b: {  	[tilespmem:$0x28C0] =	vst v0  }
0x4c: {  	[tilespmem:$0x28D0] =	vst v0  }
0x4d: {  	[tilespmem:$0x28E0] =	vst v0  }
0x4e: {  	[tilespmem:$0x28F0] =	vst v0  }
0x4f: {  	[tilespmem:$0x2900] =	vst v0  }
0x50: {  	[tilespmem:$0x2910] =	vst v0  }
0x51: {  	[tilespmem:$0x2920] =	vst v0  }
0x52: {  	[tilespmem:$0x2930] =	vst v0  }
0x53: {  	[tilespmem:$0x2940] =	vst v0  }
0x54: {  	[tilespmem:$0x2950] =	vst v0  }
0x55: {  	[tilespmem:$0x2960] =	vst v0  }
0x56: {  	[tilespmem:$0x2970] =	vst v0  }
0x57: {  	[tilespmem:$0x2980] =	vst v0  }
0x58: {  	[tilespmem:$0x2990] =	vst v0  }
0x59: {  	[tilespmem:$0x29A0] =	vst v0  }
0x5a: {  	[tilespmem:$0x29B0] =	vst v0  }
0x5b: {  	[tilespmem:$0x29C0] =	vst v0  }
0x5c: {  	[tilespmem:$0x29D0] =	vst v0  }
0x5d: {  	[tilespmem:$0x29E0] =	vst v0  }
0x5e: {  	[tilespmem:$0x29F0] =	vst v0  }
0x5f: {  	[tilespmem:$0x2A00] =	vst v0  }
0x60: {  	[tilespmem:$0x2A10] =	vst v0  }
0x61: {  	[tilespmem:$0x2A20] =	vst v0  }
0x62: {  	[tilespmem:$0x2A30] =	vst v0  }
0x63: {  	[tilespmem:$0x2A40] =	vst v0  }
0x64: {  	[tilespmem:$0x2A50] =	vst v0  }
0x65: {  	[tilespmem:$0x2A60] =	vst v0  }
0x66: {  	[tilespmem:$0x2A70] =	vst v0  }
0x67: {  	[tilespmem:$0x2A80] =	vst v1  }
0x68: {  	[tilespmem:$0x2A90] =	vst v1  }
0x69: {  	[tilespmem:$0x2AA0] =	vst v1  }
0x6a: {  	[tilespmem:$0x2AB0] =	vst v1  }
0x6b: {  	[tilespmem:$0x2AC0] =	vst v1  }
0x6c: {  	[tilespmem:$0x2AD0] =	vst v1  }
0x6d: {  	[tilespmem:$0x2AE0] =	vst v1  }
0x6e: {  	[tilespmem:$0x2AF0] =	vst v1  }
0x6f: {  	_ =	strace $0x80000048  }
0x70: {  	s11 =	simm.s32 $0x0;
	s0 =	rddreg [dreg:$0xc]  }
0x71: {  	[spmem:s0] =	stream.linear.scatter [tilespmem:s11], [sflag:$0x3], $0x2780, $0x200038;
	[tilespmem:$0x1EB80] =	vst v63  }
0x72: {  	_ =	swait.ge [sflag:s25], $0x2780  }
0x73: {  	s24 =	sld [smem:$0x7F7]  }
0x74: {  	[sflag:s25] =	ssyncset.done $0x0  }
0x75: {  	[sflag:s25] =	ssyncadd.s32 $0xFFFFD880  }
0x76: {  	[spmem:s24] =	stream.linear.scatter [tilespmem:s11], [sflag:$0x3], $0x2780, $0x200038;
	[tilespmem:$0x1EB80] =	vst v63  }
0x77: {  	_ =	swait.ge [sflag:s25], $0x2780  }
0x78: {  	s28 =	sld [smem:$0x7F8]  }
0x79: {  	[sflag:s25] =	ssyncset.done $0x0  }
0x7a: {  	[sflag:s25] =	ssyncadd.s32 $0xFFFFD880  }
0x7b: {  	[spmem:s28] =	stream.linear.scatter [tilespmem:s11], [sflag:$0x3], $0x2780, $0x200038;
	[tilespmem:$0x1EB80] =	vst v63  }
0x7c: {  	_ =	swait.ge [sflag:s25], $0x2780  }
0x7d: {  	s7 =	sld [smem:$0x7F9]  }
0x7e: {  	[sflag:s25] =	ssyncset.done $0x0  }
0x7f: {  	[sflag:s25] =	ssyncadd.s32 $0xFFFFD880  }
0x80: {  	[spmem:s7] =	stream.linear.scatter [tilespmem:s11], [sflag:$0x3], $0x2780, $0x200038;
	[tilespmem:$0x1EB80] =	vst v63  }
0x81: {  	_ =	swait.ge [sflag:s25], $0x2780  }
0x82: {  	s9 =	sld [smem:$0x7FA]  }
0x83: {  	[sflag:s25] =	ssyncset.done $0x0  }
0x84: {  	[sflag:s25] =	ssyncadd.s32 $0xFFFFD880  }
0x85: {  	[spmem:s9] =	stream.linear.scatter [tilespmem:s11], [sflag:$0x3], $0x2780, $0x200038;
	[tilespmem:$0x1EB80] =	vst v63  }
0x86: {  	_ =	swait.ge [sflag:s25], $0x2780  }
0x87: {  	s10 =	sld [smem:$0x7FB]  }
0x88: {  	[sflag:s25] =	ssyncset.done $0x0  }
0x89: {  	[sflag:s25] =	ssyncadd.s32 $0xFFFFD880  }
0x8a: {  	[spmem:s10] =	stream.linear.scatter [tilespmem:s11], [sflag:$0x3], $0x2780, $0x200038;
	[tilespmem:$0x1EB80] =	vst v63  }
0x8b: {  	_ =	swait.ge [sflag:s25], $0x2780  }
0x8c: {  	s13 =	sld [smem:$0x7FC]  }
0x8d: {  	[sflag:s25] =	ssyncset.done $0x0  }
0x8e: {  	[sflag:s25] =	ssyncadd.s32 $0xFFFFD880  }
0x8f: {  	[spmem:s13] =	stream.linear.scatter [tilespmem:s11], [sflag:$0x3], $0x2780, $0x200038;
	[tilespmem:$0x1EB80] =	vst v63  }
0x90: {  	_ =	swait.ge [sflag:s25], $0x2780  }
0x91: {  	s14 =	sld [smem:$0x7FD]  }
0x92: {  	[sflag:s25] =	ssyncset.done $0x0  }
0x93: {  	[sflag:s25] =	ssyncadd.s32 $0xFFFFD880  }
0x94: {  	[spmem:s14] =	stream.linear.scatter [tilespmem:s11], [sflag:$0x3], $0x2780, $0x200038;
	[tilespmem:$0x1EB80] =	vst v63  }
0x95: {  	_ =	swait.ge [sflag:s25], $0x2780  }
0x96: {  	[sflag:s25] =	ssyncset.done $0x0  }
0x97: {  	s19 =	simm.s32 $0x2800;
	s18 =	rddreg [dreg:$0xd];
	[sflag:s25] =	ssyncadd.s32 $0xFFFFD880  }
0x98: {  	[spmem:s18] =	stream.linear.scatter [tilespmem:s19], [sflag:$0x3], $0x280, $0x200038;
	[tilespmem:$0x1EB80] =	vst v63  }
0x99: {  	_ =	swait.ge [sflag:s25], $0x280  }
0x9a: {  	[sflag:s25] =	ssyncset.done $0x0  }
0x9b: {  	[sflag:s25] =	ssyncadd.s32 $0xFFFFFD80  }
0x9c: {  	[bflag:$0x0] =	sbarrier.arrive $0xFFFF  }
0x9d: {  	_ =	strace $0x90000048  }
0x9e: {  	_ =	strace $0x80000049  }
0x9f: {  	s21 =	simm.s32 $0x2B00;
	s20 =	rddreg [dreg:$0x1b]  }
0xa0: {  	[tilespmem:s21], [sflag:$0x3] =	stream.linear.gather [hbm4b:s20+s11], $0x80, $0x200038;
	[tilespmem:$0x1EB80] =	vst v63  }
0xa1: {  	_ =	swait.ge [sflag:s25], $0x80  }
0xa2: {  	[sflag:s25] =	ssyncset.done $0x0  }
0xa3: {  	s22 =	rddreg [dreg:$0x1c];
	[sflag:s25] =	ssyncadd.s32 $0xFFFFFF80  }
0xa4: {  	[tilespmem:s29], [sflag:$0x3] =	stream.linear.gather [hbm4b:s22+s11], $0x80, $0x200038;
	[tilespmem:$0x1EB80] =	vst v63  }
0xa5: {  	_ =	swait.ge [sflag:s25], $0x80  }
0xa6: {  	[sflag:s25] =	ssyncset.done $0x0  }
0xa7: {  	[sflag:s25] =	ssyncadd.s32 $0xFFFFFF80  }
0xa8: {  	[tilespmem:s31], [sflag:$0x1] =	stream.indirect.gather [hbm4b:s1+s30], $0x80, s21, s30, $0x2000b8;
	[tilespmem:$0x1EB80] =	vst v63  }
0xa9: {  	s24 =	simm.s32 $0x2B80;
	s23 =	rddreg [dreg:$0xe]  }
0xaa: {  	[tilespmem:s24], [sflag:$0x3] =	stream.linear.gather [hbm4b:s23+s11], $0x80, $0x200038;
	[tilespmem:$0x1EB80] =	vst v63  }
0xab: {  	_ =	swait.ge [sflag:s25], $0x80  }
0xac: {  	[sflag:s25] =	ssyncset.done $0x0  }
0xad: {  	s28 =	rddreg [dreg:$0xf];
	[sflag:s25] =	ssyncadd.s32 $0xFFFFFF80  }
0xae: {  	[tilespmem:s4], [sflag:$0x3] =	stream.linear.gather [hbm4b:s28+s11], $0x80, $0x200038;
	[tilespmem:$0x1EB80] =	vst v63  }
0xaf: {  	_ =	swait.ge [sflag:s25], $0x80  }
0xb0: {  	[sflag:s25] =	ssyncset.done $0x0  }
0xb1: {  	[sflag:s25] =	ssyncadd.s32 $0xFFFFFF80  }
0xb2: {  	[tilespmem:s15], [sflag:$0x2] =	stream.indirect.gather [hbm4b:s1+s30], $0x80, s24, s30, $0x2000b8;
	[tilespmem:$0x1EB80] =	vst v63  }
0xb3: {  	_ =	swait.ge [sflag:s26], $0x4000  }
0xb4: {  	[sflag:s26] =	ssyncset.done $0x0  }
0xb5: {  	[sflag:s26] =	ssyncadd.s32 $0xFFFFC000  }
0xb6: {  	[spmem:s2] =	stream.indirect.scatter.add.f32 [tilespmem:s31], [sflag:$0x3], $0x80, s29, s30, $0x2000b8;
	[tilespmem:$0x1EB80] =	vst v63  }
0xb7: {  	_ =	swait.ge [sflag:s25], $0x4000  }
0xb8: {  	[sflag:s25] =	ssyncset.done $0x0  }
0xb9: {  	p0 =	sle.u32 s12, $0x2;
	[sflag:s25] =	ssyncadd.s32 $0xFFFFC000  }
0xba: {  	[spmem:s3] =	stream.indirect.scatter.add.f32 [tilespmem:s6], [sflag:$0x3], $0x1, s29, s30, $0x2000b8;
	[tilespmem:$0x1EB80] =	vst v63  }
0xbb: {  	s7 =	simm.s32 @!p0 $0x0;
	_ =	swait.ge [sflag:s25], $0x80  }
0xbc: {  	s9 =	simm.s32 @!p0 $0x2B00;
	[sflag:s25] =	ssyncset.done $0x0;
	s13 =	rddreg [dreg:$0x6]  }
0xbd: {  	s10 =	simm.s32 @!p0 $0x3;
	s0 =	sadd.s32 @!p0 s13, s16;
	[sflag:s25] =	ssyncadd.s32 $0xFFFFFF80  }
0xbe: {  	[tilespmem:s9], [sflag:$0x3] =	stream.linear.gather @!p0 [hbm4b:s0+s7], $0x80, $0x200038;
	[tilespmem:$0x1EB80] =	vst v63  }
0xbf: {  	_ =	swait.ge @!p0 [sflag:s10], $0x80  }
0xc0: {  	[sflag:s10] =	ssyncset.done @!p0 $0x0;
	s24 =	rddreg [dreg:$0x7]  }
0xc1: {  	s14 =	simm.s32 @!p0 $0x2C00;
	s0 =	sadd.s32 @!p0 s24, s16;
	[sflag:s10] =	ssyncadd.s32 @!p0 $0xFFFFFF80  }
0xc2: {  	[tilespmem:s14], [sflag:$0x3] =	stream.linear.gather @!p0 [hbm4b:s0+s7], $0x80, $0x200038;
	[tilespmem:$0x1EB80] =	vst v63  }
0xc3: {  	_ =	swait.ge @!p0 [sflag:s10], $0x80  }
0xc4: {  	[sflag:s10] =	ssyncset.done @!p0 $0x0  }
0xc5: {  	s0 =	simm.s32 @!p0 $0x80;
	s7 =	simm.s32 @!p0 $0x2D00;
	[sflag:s10] =	ssyncadd.s32 @!p0 $0xFFFFFF80  }
0xc6: {  	[tilespmem:s7], [sflag:$0x1] =	stream.indirect.gather @!p0 [hbm4b:s1+s0], $0x80, s9, s0, $0x2000b8;
	[tilespmem:$0x1EB80] =	vst v63  }
0xc7: {  	_ =	swait.ge [sflag:s8], $0x4000  }
0xc8: {  	[sflag:s8] =	ssyncset.done $0x0  }
0xc9: {  	[sflag:s8] =	ssyncadd.s32 $0xFFFFC000  }
0xca: {  	[spmem:s2] =	stream.indirect.scatter.add.f32 [tilespmem:s15], [sflag:$0x3], $0x80, s4, s30, $0x2000b8;
	[tilespmem:$0x1EB80] =	vst v63  }
0xcb: {  	_ =	swait.ge [sflag:s25], $0x4000  }
0xcc: {  	p1 =	sne.s32 s12, $0x2;
	[sflag:s25] =	ssyncset.done $0x0  }
0xcd: {  	s10 =	smov.u32 s24;
	p0 =	sle.u32 s12, $0x3;
	[sflag:s25] =	ssyncadd.s32 $0xFFFFC000  }
0xce: {  	[spmem:s3] =	stream.indirect.scatter.add.f32 [tilespmem:s6], [sflag:$0x3], $0x1, s4, s30, $0x2000b8;
	[tilespmem:$0x1EB80] =	vst v63  }
0xcf: {  	s9 =	sadd.s32 $0x20, s13;
	s0 =	sadd.s32 @!p0 s13, s17;
	_ =	swait.ge [sflag:s25], $0x80  }
0xd0: {  	s18 =	simm.s32 @!p0 $0x2B80;
	s22 =	simm.s32 @!p0 $0x0;
	[sflag:s25] =	ssyncset.done $0x0  }
0xd1: {  	s19 =	simm.s32 @!p0 $0x3;
	s7 =	simm.s32 @!p0 $0x2C80;
	[sflag:s25] =	ssyncadd.s32 $0xFFFFFF80  }
0xd2: {  	[tilespmem:s18], [sflag:$0x3] =	stream.linear.gather @!p0 [hbm4b:s0+s22], $0x80, $0x200038;
	[tilespmem:$0x1EB80] =	vst v63  }
0xd3: {  	s20 =	simm.s32 @!p0 $0x80;
	s21 =	simm.s32 @!p0 $0x6D00;
	_ =	swait.ge @!p0 [sflag:s19], $0x80  }
.Ltmp1:
0xd4: {  	s23 =	simm.s32 @!p0 $0x3;
	[sflag:s19] =	ssyncset.done @!p0 $0x0;
	(pc) =	sbr.rel @!p1 .LBB2_5-.Ltmp1, $4  }
0xd5: {  	p2 =	por p0, p0;
	s0 =	sadd.s32 @!p0 s24, s17;
	[sflag:s19] =	ssyncadd.s32 @!p0 $0xFFFFFF80  }
0xd6: {  	[tilespmem:s7], [sflag:$0x3] =	stream.linear.gather @!p0 [hbm4b:s0+s22], $0x80, $0x200038;
	[tilespmem:$0x1EB80] =	vst v63  }
0xd7: {  	s14 =	simm.s32 @!p0 $0x80;
	s24 =	simm.s32 @!p0 $0x2B80;
	_ =	swait.ge @!p0 [sflag:s19], $0x80  }
0xd8: {  	s7 =	simm.s32 $0x2;
	s0 =	simm.s32 @!p0 $0x6D00;
	[sflag:s19] =	ssyncset.done @!p0 $0x0  }
.LBB2_4:
0xd9: {  	[sflag:s23] =	ssyncadd.s32 @!p2 $0xFFFFFF80  }
0xda: {  	s10 =	sadd.s32 $0x20, s10;
	s23 =	smov.u32 s7;
	s7 =	sadd.s32 $0x2, s7  }
0xdb: {  	[tilespmem:s0], [sflag:$0x2] =	stream.indirect.gather @!p2 [hbm4b:s1+s14], $0x80, s24, s14, $0x2000b8;
	[tilespmem:$0x1EB80] =	vst v63  }
0xdc: {  	p1 =	sne.s32 s12, s7;
	_ =	swait.ge [sflag:s26], $0x4000  }
0xdd: {  	[sflag:s26] =	ssyncset.done $0x0  }
0xde: {  	[sflag:s26] =	ssyncadd.s32 $0xFFFFC000  }
0xdf: {  	[spmem:s2] =	stream.indirect.scatter.add.f32 [tilespmem:s31], [sflag:$0x3], $0x80, s29, s30, $0x2000b8;
	[tilespmem:$0x1EB80] =	vst v63  }
0xe0: {  	_ =	swait.ge [sflag:s25], $0x4000  }
0xe1: {  	[sflag:s25] =	ssyncset.done $0x0  }
0xe2: {  	[sflag:s25] =	ssyncadd.s32 $0xFFFFC000  }
0xe3: {  	[spmem:s3] =	stream.indirect.scatter.add.f32 [tilespmem:s6], [sflag:$0x3], $0x1, s29, s30, $0x2000b8;
	[tilespmem:$0x1EB80] =	vst v63  }
0xe4: {  	p2 =	sge.u32 s7, s12;
	_ =	swait.ge [sflag:s25], $0x80  }
0xe5: {  	s0 =	sadd.s32 @!p2 s9, s16;
	s14 =	simm.s32 @!p2 $0x0;
	[sflag:s25] =	ssyncset.done $0x0  }
0xe6: {  	s24 =	simm.s32 @!p2 $0x2B00;
	s13 =	simm.s32 @!p2 $0x3;
	[sflag:s25] =	ssyncadd.s32 $0xFFFFFF80  }
0xe7: {  	[tilespmem:s24], [sflag:$0x3] =	stream.linear.gather @!p2 [hbm4b:s0+s14], $0x80, $0x200038;
	[tilespmem:$0x1EB80] =	vst v63  }
0xe8: {  	_ =	swait.ge @!p2 [sflag:s13], $0x80  }
0xe9: {  	s28 =	simm.s32 @!p2 $0x2C00;
	s0 =	sadd.s32 @!p2 s10, s16;
	[sflag:s13] =	ssyncset.done @!p2 $0x0  }
0xea: {  	[sflag:s13] =	ssyncadd.s32 @!p2 $0xFFFFFF80  }
0xeb: {  	[tilespmem:s28], [sflag:$0x3] =	stream.linear.gather @!p2 [hbm4b:s0+s14], $0x80, $0x200038;
	[tilespmem:$0x1EB80] =	vst v63  }
0xec: {  	_ =	swait.ge @!p2 [sflag:s13], $0x80  }
0xed: {  	s0 =	simm.s32 @!p2 $0x80;
	s14 =	simm.s32 @!p2 $0x2D00;
	[sflag:s13] =	ssyncset.done @!p2 $0x0  }
0xee: {  	[sflag:s13] =	ssyncadd.s32 @!p2 $0xFFFFFF80  }
0xef: {  	[tilespmem:s14], [sflag:$0x1] =	stream.indirect.gather @!p2 [hbm4b:s1+s0], $0x80, s24, s0, $0x2000b8;
	[tilespmem:$0x1EB80] =	vst v63  }
0xf0: {  	_ =	swait.ge [sflag:s8], $0x4000  }
0xf1: {  	[sflag:s8] =	ssyncset.done $0x0  }
0xf2: {  	[sflag:s8] =	ssyncadd.s32 $0xFFFFC000  }
0xf3: {  	[spmem:s2] =	stream.indirect.scatter.add.f32 [tilespmem:s15], [sflag:$0x3], $0x80, s4, s30, $0x2000b8;
	[tilespmem:$0x1EB80] =	vst v63  }
0xf4: {  	_ =	swait.ge [sflag:s25], $0x4000  }
0xf5: {  	[sflag:s25] =	ssyncset.done $0x0  }
0xf6: {  	s0 =	sadd.s32 $0x3, s23;
	[sflag:s25] =	ssyncadd.s32 $0xFFFFC000  }
0xf7: {  	[spmem:s3] =	stream.indirect.scatter.add.f32 [tilespmem:s6], [sflag:$0x3], $0x1, s4, s30, $0x2000b8;
	[tilespmem:$0x1EB80] =	vst v63  }
0xf8: {  	p2 =	sge.u32 s0, s12;
	_ =	swait.ge [sflag:s25], $0x80  }
0xf9: {  	s0 =	sadd.s32 @!p2 s9, s17;
	s24 =	simm.s32 @!p2 $0x2B80;
	[sflag:s25] =	ssyncset.done $0x0  }
0xfa: {  	s13 =	simm.s32 @!p2 $0x0;
	s23 =	simm.s32 @!p2 $0x3;
	[sflag:s25] =	ssyncadd.s32 $0xFFFFFF80  }
0xfb: {  	[tilespmem:s24], [sflag:$0x3] =	stream.linear.gather @!p2 [hbm4b:s0+s13], $0x80, $0x200038;
	[tilespmem:$0x1EB80] =	vst v63  }
0xfc: {  	s0 =	simm.s32 @!p2 $0x2C80;
	_ =	swait.ge @!p2 [sflag:s23], $0x80  }
.Ltmp2:
0xfd: {  	s14 =	sadd.s32 @!p2 s10, s17;
	[sflag:s23] =	ssyncset.done @!p2 $0x0;
	(pc) =	sbr.rel @p1 .LBB2_4-.Ltmp2, $4  }
0xfe: {  	[sflag:s23] =	ssyncadd.s32 @!p2 $0xFFFFFF80  }
0xff: {  	[tilespmem:s0], [sflag:$0x3] =	stream.linear.gather @!p2 [hbm4b:s14+s13], $0x80, $0x200038;
	[tilespmem:$0x1EB80] =	vst v63  }
0x100: {  	s9 =	sadd.s32 $0x20, s9;
	_ =	swait.ge @!p2 [sflag:s23], $0x80  }
0x101: {  	s14 =	simm.s32 @!p2 $0x80;
	s0 =	simm.s32 @!p2 $0x6D00;
	[sflag:s23] =	ssyncset.done @!p2 $0x0  }
.LBB2_5:
0x102: {  	[sflag:s23] =	ssyncadd.s32 @!p2 $0xFFFFFF80  }
0x103: {  	[tilespmem:s0], [sflag:$0x2] =	stream.indirect.gather @!p2 [hbm4b:s1+s14], $0x80, s24, s14, $0x2000b8;
	[tilespmem:$0x1EB80] =	vst v63  }
0x104: {  	[bflag:$0x0] =	sbarrier.arrive $0xFFFF  }
0x105: {  	s14 =	stileid.u32;
	_ =	strace $0x90000049  }
0x106: {  	s0 =	sshll.u32 s14, $0x6;
	_ =	strace $0x8000004A  }
0x107: {  	s10 =	sor.u32 $0x1C03, s0;
	s0 =	rddreg [dreg:$0xc]  }
0x108: {  	s9 =	rddreg [dreg:$0x15];
	s7 =	sshrl.u32 s0, $0x3  }
0x109: {  	[hbm:s9], [sflag:s10] =	dma.local [spmem:s7], $0x2780  }
0x10a: {  	s23 =	simm.s32 $0x20;
	_ =	swait.ge [sflag:s25], $0x2780  }
0x10b: {  	s24 =	simm.s32 $0x10;
	[sflag:s25] =	ssyncset.done $0x0;
	s13 =	rddreg [dreg:$0xd]  }
0x10c: {  	s14 =	rddreg [dreg:$0x10];
	[sflag:s25] =	ssyncadd.s32 $0xFFFFD880;
	s9 =	sshrl.u32 s13, $0x3  }
0x10d: {  	[hbm:s14@s23], [sflag:s10] =	dma.strided [spmem:s9@s24], $0x50, s26, $0x10   }
0x10e: {  	_ =	swait.ge [sflag:s25], $0x50  }
0x10f: {  	[sflag:s25] =	ssyncset.done $0x0  }
0x110: {  	[sflag:s25] =	ssyncadd.s32 $0xFFFFFFB0  }
0x111: {  	_ =	strace $0x9000004A  }
0x112: {  	[bflag:$0x0] =	sbarrier.arrive $0xFFFF  }
0x113: {  	_ =	strace $0x8000004B  }
0x114: {  	[spmem:s0] =	stream.linear.scatter [tilespmem:s11], [sflag:$0x3], $0x2780, $0x200038;
	[tilespmem:$0x1EB80] =	vst v63  }
0x115: {  	_ =	swait.ge [sflag:s25], $0x2780  }
0x116: {  	s23 =	sld [smem:$0x7F7]  }
0x117: {  	[sflag:s25] =	ssyncset.done $0x0  }
0x118: {  	[sflag:s25] =	ssyncadd.s32 $0xFFFFD880  }
0x119: {  	[spmem:s23] =	stream.linear.scatter [tilespmem:s11], [sflag:$0x3], $0x2780, $0x200038;
	[tilespmem:$0x1EB80] =	vst v63  }
0x11a: {  	_ =	swait.ge [sflag:s25], $0x2780  }
0x11b: {  	s24 =	sld [smem:$0x7F8]  }
0x11c: {  	[sflag:s25] =	ssyncset.done $0x0  }
0x11d: {  	[sflag:s25] =	ssyncadd.s32 $0xFFFFD880  }
0x11e: {  	[spmem:s24] =	stream.linear.scatter [tilespmem:s11], [sflag:$0x3], $0x2780, $0x200038;
	[tilespmem:$0x1EB80] =	vst v63  }
0x11f: {  	_ =	swait.ge [sflag:s25], $0x2780  }
0x120: {  	s14 =	sld [smem:$0x7F9]  }
0x121: {  	[sflag:s25] =	ssyncset.done $0x0  }
0x122: {  	[sflag:s25] =	ssyncadd.s32 $0xFFFFD880  }
0x123: {  	[spmem:s14] =	stream.linear.scatter [tilespmem:s11], [sflag:$0x3], $0x2780, $0x200038;
	[tilespmem:$0x1EB80] =	vst v63  }
0x124: {  	_ =	swait.ge [sflag:s25], $0x2780  }
0x125: {  	s23 =	sld [smem:$0x7FA]  }
0x126: {  	[sflag:s25] =	ssyncset.done $0x0  }
0x127: {  	[sflag:s25] =	ssyncadd.s32 $0xFFFFD880  }
0x128: {  	[spmem:s23] =	stream.linear.scatter [tilespmem:s11], [sflag:$0x3], $0x2780, $0x200038;
	[tilespmem:$0x1EB80] =	vst v63  }
0x129: {  	_ =	swait.ge [sflag:s25], $0x2780  }
0x12a: {  	s24 =	sld [smem:$0x7FB]  }
0x12b: {  	[sflag:s25] =	ssyncset.done $0x0  }
0x12c: {  	[sflag:s25] =	ssyncadd.s32 $0xFFFFD880  }
0x12d: {  	[spmem:s24] =	stream.linear.scatter [tilespmem:s11], [sflag:$0x3], $0x2780, $0x200038;
	[tilespmem:$0x1EB80] =	vst v63  }
0x12e: {  	_ =	swait.ge [sflag:s25], $0x2780  }
0x12f: {  	s14 =	sld [smem:$0x7FC]  }
0x130: {  	[sflag:s25] =	ssyncset.done $0x0  }
0x131: {  	[sflag:s25] =	ssyncadd.s32 $0xFFFFD880  }
0x132: {  	[spmem:s14] =	stream.linear.scatter [tilespmem:s11], [sflag:$0x3], $0x2780, $0x200038;
	[tilespmem:$0x1EB80] =	vst v63  }
0x133: {  	_ =	swait.ge [sflag:s25], $0x2780  }
0x134: {  	s23 =	sld [smem:$0x7FD]  }
0x135: {  	[sflag:s25] =	ssyncset.done $0x0  }
0x136: {  	[sflag:s25] =	ssyncadd.s32 $0xFFFFD880  }
0x137: {  	[spmem:s23] =	stream.linear.scatter [tilespmem:s11], [sflag:$0x3], $0x2780, $0x200038;
	[tilespmem:$0x1EB80] =	vst v63  }
0x138: {  	_ =	swait.ge [sflag:s25], $0x2780  }
0x139: {  	[sflag:s25] =	ssyncset.done $0x0  }
0x13a: {  	s24 =	simm.s32 $0x2800;
	[sflag:s25] =	ssyncadd.s32 $0xFFFFD880  }
0x13b: {  	[spmem:s13] =	stream.linear.scatter [tilespmem:s24], [sflag:$0x3], $0x280, $0x200038;
	[tilespmem:$0x1EB80] =	vst v63  }
0x13c: {  	_ =	swait.ge [sflag:s25], $0x280  }
0x13d: {  	[sflag:s25] =	ssyncset.done $0x0  }
0x13e: {  	[sflag:s25] =	ssyncadd.s32 $0xFFFFFD80  }
0x13f: {  	[bflag:$0x0] =	sbarrier.arrive $0xFFFF  }
0x140: {  	_ =	strace $0x9000004B  }
0x141: {  	_ =	strace $0x8000004C  }
0x142: {  	s23 =	simm.s32 $0x2B00;
	s14 =	rddreg [dreg:$0x1d]  }
0x143: {  	[tilespmem:s23], [sflag:$0x3] =	stream.linear.gather [hbm4b:s14+s11], $0x80, $0x200038;
	[tilespmem:$0x1EB80] =	vst v63  }
0x144: {  	_ =	swait.ge [sflag:s25], $0x80  }
0x145: {  	[sflag:s25] =	ssyncset.done $0x0  }
0x146: {  	s24 =	rddreg [dreg:$0x1e];
	[sflag:s25] =	ssyncadd.s32 $0xFFFFFF80  }
0x147: {  	[tilespmem:s29], [sflag:$0x3] =	stream.linear.gather [hbm4b:s24+s11], $0x80, $0x200038;
	[tilespmem:$0x1EB80] =	vst v63  }
0x148: {  	_ =	swait.ge [sflag:s25], $0x80  }
0x149: {  	[sflag:s25] =	ssyncset.done $0x0  }
0x14a: {  	[sflag:s25] =	ssyncadd.s32 $0xFFFFFF80  }
0x14b: {  	[tilespmem:s31], [sflag:$0x1] =	stream.indirect.gather [hbm4b:s1+s30], $0x80, s23, s30, $0x2000b8;
	[tilespmem:$0x1EB80] =	vst v63  }
0x14c: {  	s14 =	rddreg [dreg:$0x11];
	s23 =	simm.s32 $0x2B80  }
0x14d: {  	[tilespmem:s23], [sflag:$0x3] =	stream.linear.gather [hbm4b:s14+s11], $0x80, $0x200038;
	[tilespmem:$0x1EB80] =	vst v63  }
0x14e: {  	_ =	swait.ge [sflag:s25], $0x80  }
0x14f: {  	[sflag:s25] =	ssyncset.done $0x0  }
0x150: {  	s24 =	rddreg [dreg:$0x12];
	[sflag:s25] =	ssyncadd.s32 $0xFFFFFF80  }
0x151: {  	[tilespmem:s4], [sflag:$0x3] =	stream.linear.gather [hbm4b:s24+s11], $0x80, $0x200038;
	[tilespmem:$0x1EB80] =	vst v63  }
0x152: {  	_ =	swait.ge [sflag:s25], $0x80  }
0x153: {  	[sflag:s25] =	ssyncset.done $0x0  }
0x154: {  	[sflag:s25] =	ssyncadd.s32 $0xFFFFFF80  }
0x155: {  	[tilespmem:s15], [sflag:$0x2] =	stream.indirect.gather [hbm4b:s1+s30], $0x80, s23, s30, $0x2000b8;
	[tilespmem:$0x1EB80] =	vst v63  }
0x156: {  	_ =	swait.ge [sflag:s26], $0x4000  }
0x157: {  	[sflag:s26] =	ssyncset.done $0x0  }
0x158: {  	[sflag:s26] =	ssyncadd.s32 $0xFFFFC000  }
0x159: {  	[spmem:s2] =	stream.indirect.scatter.add.f32 [tilespmem:s31], [sflag:$0x3], $0x80, s29, s30, $0x2000b8;
	[tilespmem:$0x1EB80] =	vst v63  }
0x15a: {  	_ =	swait.ge [sflag:s25], $0x4000  }
0x15b: {  	[sflag:s25] =	ssyncset.done $0x0  }
0x15c: {  	p1 =	sle.u32 s12, $0x2;
	[sflag:s25] =	ssyncadd.s32 $0xFFFFC000  }
0x15d: {  	[spmem:s3] =	stream.indirect.scatter.add.f32 [tilespmem:s6], [sflag:$0x3], $0x1, s29, s30, $0x2000b8;
	[tilespmem:$0x1EB80] =	vst v63  }
0x15e: {  	s13 =	simm.s32 @!p1 $0x2B00;
	_ =	swait.ge [sflag:s25], $0x80  }
0x15f: {  	s14 =	simm.s32 @!p1 $0x3;
	[sflag:s25] =	ssyncset.done $0x0;
	s24 =	rddreg [dreg:$0x8]  }
0x160: {  	s11 =	simm.s32 @!p1 $0x0;
	s0 =	sadd.s32 @!p1 s24, s16;
	[sflag:s25] =	ssyncadd.s32 $0xFFFFFF80  }
0x161: {  	[tilespmem:s13], [sflag:$0x3] =	stream.linear.gather @!p1 [hbm4b:s0+s11], $0x80, $0x200038;
	[tilespmem:$0x1EB80] =	vst v63  }
0x162: {  	_ =	swait.ge @!p1 [sflag:s14], $0x80  }
0x163: {  	[sflag:s14] =	ssyncset.done @!p1 $0x0;
	s28 =	rddreg [dreg:$0x9]  }
0x164: {  	s23 =	simm.s32 @!p1 $0x2C00;
	s0 =	sadd.s32 @!p1 s28, s16;
	[sflag:s14] =	ssyncadd.s32 @!p1 $0xFFFFFF80  }
0x165: {  	[tilespmem:s23], [sflag:$0x3] =	stream.linear.gather @!p1 [hbm4b:s0+s11], $0x80, $0x200038;
	[tilespmem:$0x1EB80] =	vst v63  }
0x166: {  	_ =	swait.ge @!p1 [sflag:s14], $0x80  }
0x167: {  	[sflag:s14] =	ssyncset.done @!p1 $0x0  }
0x168: {  	s0 =	simm.s32 @!p1 $0x80;
	s11 =	simm.s32 @!p1 $0x2D00;
	[sflag:s14] =	ssyncadd.s32 @!p1 $0xFFFFFF80  }
0x169: {  	[tilespmem:s11], [sflag:$0x1] =	stream.indirect.gather @!p1 [hbm4b:s1+s0], $0x80, s13, s0, $0x2000b8;
	[tilespmem:$0x1EB80] =	vst v63  }
0x16a: {  	_ =	swait.ge [sflag:s8], $0x4000  }
0x16b: {  	[sflag:s8] =	ssyncset.done $0x0  }
0x16c: {  	[sflag:s8] =	ssyncadd.s32 $0xFFFFC000  }
0x16d: {  	[spmem:s2] =	stream.indirect.scatter.add.f32 [tilespmem:s15], [sflag:$0x3], $0x80, s4, s30, $0x2000b8;
	[tilespmem:$0x1EB80] =	vst v63  }
0x16e: {  	_ =	swait.ge [sflag:s25], $0x4000  }
0x16f: {  	[sflag:s25] =	ssyncset.done $0x0  }
0x170: {  	[sflag:s25] =	ssyncadd.s32 $0xFFFFC000  }
0x171: {  	[spmem:s3] =	stream.indirect.scatter.add.f32 [tilespmem:s6], [sflag:$0x3], $0x1, s4, s30, $0x2000b8;
	[tilespmem:$0x1EB80] =	vst v63  }
0x172: {  	_ =	swait.ge [sflag:s25], $0x80  }
0x173: {  	[sflag:s25] =	ssyncset.done $0x0  }
0x174: {  	s0 =	sadd.s32 @!p0 s24, s17;
	[sflag:s25] =	ssyncadd.s32 $0xFFFFFF80  }
0x175: {  	[tilespmem:s18], [sflag:$0x3] =	stream.linear.gather @!p0 [hbm4b:s0+s22], $0x80, $0x200038;
	[tilespmem:$0x1EB80] =	vst v63  }
0x176: {  	p1 =	sne.s32 s12, $0x2;
	_ =	swait.ge @!p0 [sflag:s19], $0x80  }
.Ltmp3:
0x177: {  	[sflag:s19] =	ssyncset.done @!p0 $0x0;
	(pc) =	sbr.rel @!p1 .LBB2_7-.Ltmp3, $4  }
0x178: {  	s11 =	simm.s32 @!p0 $0x2C80;
	s0 =	sadd.s32 @!p0 s28, s17;
	[sflag:s19] =	ssyncadd.s32 @!p0 $0xFFFFFF80  }
0x179: {  	[tilespmem:s11], [sflag:$0x3] =	stream.linear.gather @!p0 [hbm4b:s0+s22], $0x80, $0x200038;
	[tilespmem:$0x1EB80] =	vst v63  }
0x17a: {  	_ =	swait.ge @!p0 [sflag:s19], $0x80  }
0x17b: {  	s11 =	simm.s32 $0x2;
	s22 =	sadd.s32 $0x20, s24;
	[sflag:s19] =	ssyncset.done @!p0 $0x0  }
.LBB2_6:
0x17c: {  	[sflag:s19] =	ssyncadd.s32 @!p0 $0xFFFFFF80  }
0x17d: {  	s28 =	sadd.s32 $0x20, s28;
	s19 =	smov.u32 s11;
	s11 =	sadd.s32 $0x2, s11  }
0x17e: {  	[tilespmem:s21], [sflag:$0x2] =	stream.indirect.gather @!p0 [hbm4b:s1+s20], $0x80, s18, s20, $0x2000b8;
	[tilespmem:$0x1EB80] =	vst v63  }
0x17f: {  	p1 =	sne.s32 s12, s11;
	_ =	swait.ge [sflag:s26], $0x4000  }
0x180: {  	[sflag:s26] =	ssyncset.done $0x0  }
0x181: {  	[sflag:s26] =	ssyncadd.s32 $0xFFFFC000  }
0x182: {  	[spmem:s2] =	stream.indirect.scatter.add.f32 [tilespmem:s31], [sflag:$0x3], $0x80, s29, s30, $0x2000b8;
	[tilespmem:$0x1EB80] =	vst v63  }
0x183: {  	_ =	swait.ge [sflag:s25], $0x4000  }
0x184: {  	[sflag:s25] =	ssyncset.done $0x0  }
0x185: {  	[sflag:s25] =	ssyncadd.s32 $0xFFFFC000  }
0x186: {  	[spmem:s3] =	stream.indirect.scatter.add.f32 [tilespmem:s6], [sflag:$0x3], $0x1, s29, s30, $0x2000b8;
	[tilespmem:$0x1EB80] =	vst v63  }
0x187: {  	p0 =	sge.u32 s11, s12;
	_ =	swait.ge [sflag:s25], $0x80  }
0x188: {  	s0 =	sadd.s32 @!p0 s22, s16;
	s13 =	simm.s32 @!p0 $0x0;
	[sflag:s25] =	ssyncset.done $0x0  }
0x189: {  	s14 =	simm.s32 @!p0 $0x2B00;
	s18 =	simm.s32 @!p0 $0x3;
	[sflag:s25] =	ssyncadd.s32 $0xFFFFFF80  }
0x18a: {  	[tilespmem:s14], [sflag:$0x3] =	stream.linear.gather @!p0 [hbm4b:s0+s13], $0x80, $0x200038;
	[tilespmem:$0x1EB80] =	vst v63  }
0x18b: {  	_ =	swait.ge @!p0 [sflag:s18], $0x80  }
0x18c: {  	s20 =	simm.s32 @!p0 $0x2C00;
	s0 =	sadd.s32 @!p0 s28, s16;
	[sflag:s18] =	ssyncset.done @!p0 $0x0  }
0x18d: {  	[sflag:s18] =	ssyncadd.s32 @!p0 $0xFFFFFF80  }
0x18e: {  	[tilespmem:s20], [sflag:$0x3] =	stream.linear.gather @!p0 [hbm4b:s0+s13], $0x80, $0x200038;
	[tilespmem:$0x1EB80] =	vst v63  }
0x18f: {  	_ =	swait.ge @!p0 [sflag:s18], $0x80  }
0x190: {  	s0 =	simm.s32 @!p0 $0x80;
	s13 =	simm.s32 @!p0 $0x2D00;
	[sflag:s18] =	ssyncset.done @!p0 $0x0  }
0x191: {  	[sflag:s18] =	ssyncadd.s32 @!p0 $0xFFFFFF80  }
0x192: {  	[tilespmem:s13], [sflag:$0x1] =	stream.indirect.gather @!p0 [hbm4b:s1+s0], $0x80, s14, s0, $0x2000b8;
	[tilespmem:$0x1EB80] =	vst v63  }
0x193: {  	_ =	swait.ge [sflag:s8], $0x4000  }
0x194: {  	[sflag:s8] =	ssyncset.done $0x0  }
0x195: {  	[sflag:s8] =	ssyncadd.s32 $0xFFFFC000  }
0x196: {  	[spmem:s2] =	stream.indirect.scatter.add.f32 [tilespmem:s15], [sflag:$0x3], $0x80, s4, s30, $0x2000b8;
	[tilespmem:$0x1EB80] =	vst v63  }
0x197: {  	_ =	swait.ge [sflag:s25], $0x4000  }
0x198: {  	[sflag:s25] =	ssyncset.done $0x0  }
0x199: {  	s0 =	sadd.s32 $0x3, s19;
	[sflag:s25] =	ssyncadd.s32 $0xFFFFC000  }
0x19a: {  	[spmem:s3] =	stream.indirect.scatter.add.f32 [tilespmem:s6], [sflag:$0x3], $0x1, s4, s30, $0x2000b8;
	[tilespmem:$0x1EB80] =	vst v63  }
0x19b: {  	p0 =	sge.u32 s0, s12;
	_ =	swait.ge [sflag:s25], $0x80  }
0x19c: {  	s0 =	sadd.s32 @!p0 s22, s17;
	s18 =	simm.s32 @!p0 $0x2B80;
	[sflag:s25] =	ssyncset.done $0x0  }
0x19d: {  	s13 =	simm.s32 @!p0 $0x0;
	s19 =	simm.s32 @!p0 $0x3;
	[sflag:s25] =	ssyncadd.s32 $0xFFFFFF80  }
0x19e: {  	[tilespmem:s18], [sflag:$0x3] =	stream.linear.gather @!p0 [hbm4b:s0+s13], $0x80, $0x200038;
	[tilespmem:$0x1EB80] =	vst v63  }
0x19f: {  	s0 =	simm.s32 @!p0 $0x2C80;
	_ =	swait.ge @!p0 [sflag:s19], $0x80  }
.Ltmp4:
0x1a0: {  	s14 =	sadd.s32 @!p0 s28, s17;
	[sflag:s19] =	ssyncset.done @!p0 $0x0;
	(pc) =	sbr.rel @p1 .LBB2_6-.Ltmp4, $4  }
0x1a1: {  	[sflag:s19] =	ssyncadd.s32 @!p0 $0xFFFFFF80  }
0x1a2: {  	[tilespmem:s0], [sflag:$0x3] =	stream.linear.gather @!p0 [hbm4b:s14+s13], $0x80, $0x200038;
	[tilespmem:$0x1EB80] =	vst v63  }
0x1a3: {  	s22 =	sadd.s32 $0x20, s22;
	_ =	swait.ge @!p0 [sflag:s19], $0x80  }
0x1a4: {  	s20 =	simm.s32 @!p0 $0x80;
	s21 =	simm.s32 @!p0 $0x6D00;
	[sflag:s19] =	ssyncset.done @!p0 $0x0  }
.LBB2_7:
0x1a5: {  	[sflag:s19] =	ssyncadd.s32 @!p0 $0xFFFFFF80  }
0x1a6: {  	[tilespmem:s21], [sflag:$0x2] =	stream.indirect.gather @!p0 [hbm4b:s1+s20], $0x80, s18, s20, $0x2000b8;
	[tilespmem:$0x1EB80] =	vst v63  }
0x1a7: {  	[bflag:$0x0] =	sbarrier.arrive $0xFFFF  }
0x1a8: {  	_ =	strace $0x9000004C  }
0x1a9: {  	_ =	strace $0x8000004D  }
0x1aa: {  	s0 =	rddreg [dreg:$0x16]  }
0x1ab: {  	[hbm:s0], [sflag:s10] =	dma.local [spmem:s7], $0x2780  }
0x1ac: {  	_ =	swait.ge [sflag:s25], $0x2780  }
0x1ad: {  	s11 =	simm.s32 $0x20;
	[sflag:s25] =	ssyncset.done $0x0  }
0x1ae: {  	s13 =	simm.s32 $0x10;
	s19 =	rddreg [dreg:$0x18];
	[sflag:s25] =	ssyncadd.s32 $0xFFFFD880  }
0x1af: {  	[hbm:s19@s11], [sflag:s10] =	dma.strided [spmem:s9@s13], $0x50, s26, $0x10   }
0x1b0: {  	_ =	swait.ge [sflag:s25], $0x50  }
0x1b1: {  	[sflag:s25] =	ssyncset.done $0x0  }
0x1b2: {  	[sflag:s25] =	ssyncadd.s32 $0xFFFFFFB0  }
0x1b3: {  	_ =	strace $0x9000004D  }
0x1b4: {  	[bflag:$0x0] =	sbarrier.arrive $0xFFFF  }
0x1b5: {  	_ =	strace $0x8000004E  }
0x1b6: {  	s0 =	simm.s32 $0x0;
	s20 =	rddreg [dreg:$0xc]  }
0x1b7: {  	[spmem:s20] =	stream.linear.scatter [tilespmem:s0], [sflag:$0x3], $0x2780, $0x200038;
	[tilespmem:$0x1EB80] =	vst v63  }
0x1b8: {  	_ =	swait.ge [sflag:s25], $0x2780  }
0x1b9: {  	s21 =	sld [smem:$0x7F7]  }
0x1ba: {  	[sflag:s25] =	ssyncset.done $0x0  }
0x1bb: {  	[sflag:s25] =	ssyncadd.s32 $0xFFFFD880  }
0x1bc: {  	[spmem:s21] =	stream.linear.scatter [tilespmem:s0], [sflag:$0x3], $0x2780, $0x200038;
	[tilespmem:$0x1EB80] =	vst v63  }
0x1bd: {  	_ =	swait.ge [sflag:s25], $0x2780  }
0x1be: {  	s22 =	sld [smem:$0x7F8]  }
0x1bf: {  	[sflag:s25] =	ssyncset.done $0x0  }
0x1c0: {  	[sflag:s25] =	ssyncadd.s32 $0xFFFFD880  }
0x1c1: {  	[spmem:s22] =	stream.linear.scatter [tilespmem:s0], [sflag:$0x3], $0x2780, $0x200038;
	[tilespmem:$0x1EB80] =	vst v63  }
0x1c2: {  	_ =	swait.ge [sflag:s25], $0x2780  }
0x1c3: {  	s23 =	sld [smem:$0x7F9]  }
0x1c4: {  	[sflag:s25] =	ssyncset.done $0x0  }
0x1c5: {  	[sflag:s25] =	ssyncadd.s32 $0xFFFFD880  }
0x1c6: {  	[spmem:s23] =	stream.linear.scatter [tilespmem:s0], [sflag:$0x3], $0x2780, $0x200038;
	[tilespmem:$0x1EB80] =	vst v63  }
0x1c7: {  	_ =	swait.ge [sflag:s25], $0x2780  }
0x1c8: {  	s24 =	sld [smem:$0x7FA]  }
0x1c9: {  	[sflag:s25] =	ssyncset.done $0x0  }
0x1ca: {  	[sflag:s25] =	ssyncadd.s32 $0xFFFFD880  }
0x1cb: {  	[spmem:s24] =	stream.linear.scatter [tilespmem:s0], [sflag:$0x3], $0x2780, $0x200038;
	[tilespmem:$0x1EB80] =	vst v63  }
0x1cc: {  	_ =	swait.ge [sflag:s25], $0x2780  }
0x1cd: {  	s28 =	sld [smem:$0x7FB]  }
0x1ce: {  	[sflag:s25] =	ssyncset.done $0x0  }
0x1cf: {  	[sflag:s25] =	ssyncadd.s32 $0xFFFFD880  }
0x1d0: {  	[spmem:s28] =	stream.linear.scatter [tilespmem:s0], [sflag:$0x3], $0x2780, $0x200038;
	[tilespmem:$0x1EB80] =	vst v63  }
0x1d1: {  	_ =	swait.ge [sflag:s25], $0x2780  }
0x1d2: {  	s13 =	sld [smem:$0x7FC]  }
0x1d3: {  	[sflag:s25] =	ssyncset.done $0x0  }
0x1d4: {  	[sflag:s25] =	ssyncadd.s32 $0xFFFFD880  }
0x1d5: {  	[spmem:s13] =	stream.linear.scatter [tilespmem:s0], [sflag:$0x3], $0x2780, $0x200038;
	[tilespmem:$0x1EB80] =	vst v63  }
0x1d6: {  	_ =	swait.ge [sflag:s25], $0x2780  }
0x1d7: {  	s14 =	sld [smem:$0x7FD]  }
0x1d8: {  	[sflag:s25] =	ssyncset.done $0x0  }
0x1d9: {  	[sflag:s25] =	ssyncadd.s32 $0xFFFFD880  }
0x1da: {  	[spmem:s14] =	stream.linear.scatter [tilespmem:s0], [sflag:$0x3], $0x2780, $0x200038;
	[tilespmem:$0x1EB80] =	vst v63  }
0x1db: {  	_ =	swait.ge [sflag:s25], $0x2780  }
0x1dc: {  	[sflag:s25] =	ssyncset.done $0x0  }
0x1dd: {  	s19 =	simm.s32 $0x2800;
	s18 =	rddreg [dreg:$0xd];
	[sflag:s25] =	ssyncadd.s32 $0xFFFFD880  }
0x1de: {  	[spmem:s18] =	stream.linear.scatter [tilespmem:s19], [sflag:$0x3], $0x280, $0x200038;
	[tilespmem:$0x1EB80] =	vst v63  }
0x1df: {  	_ =	swait.ge [sflag:s25], $0x280  }
0x1e0: {  	[sflag:s25] =	ssyncset.done $0x0  }
0x1e1: {  	[sflag:s25] =	ssyncadd.s32 $0xFFFFFD80  }
0x1e2: {  	[bflag:$0x0] =	sbarrier.arrive $0xFFFF  }
0x1e3: {  	_ =	strace $0x9000004E  }
0x1e4: {  	_ =	strace $0x8000004F  }
0x1e5: {  	s21 =	simm.s32 $0x2B00;
	s20 =	rddreg [dreg:$0x1f]  }
0x1e6: {  	[tilespmem:s21], [sflag:$0x3] =	stream.linear.gather [hbm4b:s20+s0], $0x80, $0x200038;
	[tilespmem:$0x1EB80] =	vst v63  }
0x1e7: {  	_ =	swait.ge [sflag:s25], $0x80  }
0x1e8: {  	s22 =	sld [smem:$0x7F6]  }
0x1e9: {  	[sflag:s25] =	ssyncset.done $0x0  }
0x1ea: {  	[sflag:s25] =	ssyncadd.s32 $0xFFFFFF80  }
0x1eb: {  	[tilespmem:s29], [sflag:$0x3] =	stream.linear.gather [hbm4b:s22+s0], $0x80, $0x200038;
	[tilespmem:$0x1EB80] =	vst v63  }
0x1ec: {  	_ =	swait.ge [sflag:s25], $0x80  }
0x1ed: {  	[sflag:s25] =	ssyncset.done $0x0  }
0x1ee: {  	[sflag:s25] =	ssyncadd.s32 $0xFFFFFF80  }
0x1ef: {  	[tilespmem:s31], [sflag:$0x1] =	stream.indirect.gather [hbm4b:s1+s30], $0x80, s21, s30, $0x2000b8;
	[tilespmem:$0x1EB80] =	vst v63  }
0x1f0: {  	s24 =	simm.s32 $0x2B80;
	s23 =	rddreg [dreg:$0x13]  }
0x1f1: {  	[tilespmem:s24], [sflag:$0x3] =	stream.linear.gather [hbm4b:s23+s0], $0x80, $0x200038;
	[tilespmem:$0x1EB80] =	vst v63  }
0x1f2: {  	_ =	swait.ge [sflag:s25], $0x80  }
0x1f3: {  	[sflag:s25] =	ssyncset.done $0x0  }
0x1f4: {  	s28 =	rddreg [dreg:$0x14];
	[sflag:s25] =	ssyncadd.s32 $0xFFFFFF80  }
0x1f5: {  	[tilespmem:s4], [sflag:$0x3] =	stream.linear.gather [hbm4b:s28+s0], $0x80, $0x200038;
	[tilespmem:$0x1EB80] =	vst v63  }
0x1f6: {  	_ =	swait.ge [sflag:s25], $0x80  }
0x1f7: {  	[sflag:s25] =	ssyncset.done $0x0  }
0x1f8: {  	[sflag:s25] =	ssyncadd.s32 $0xFFFFFF80  }
0x1f9: {  	[tilespmem:s15], [sflag:$0x2] =	stream.indirect.gather [hbm4b:s1+s30], $0x80, s24, s30, $0x2000b8;
	[tilespmem:$0x1EB80] =	vst v63  }
0x1fa: {  	_ =	swait.ge [sflag:s26], $0x4000  }
0x1fb: {  	[sflag:s26] =	ssyncset.done $0x0  }
0x1fc: {  	[sflag:s26] =	ssyncadd.s32 $0xFFFFC000  }
0x1fd: {  	[spmem:s2] =	stream.indirect.scatter.add.f32 [tilespmem:s31], [sflag:$0x3], $0x80, s29, s30, $0x2000b8;
	[tilespmem:$0x1EB80] =	vst v63  }
0x1fe: {  	_ =	swait.ge [sflag:s25], $0x4000  }
0x1ff: {  	[sflag:s25] =	ssyncset.done $0x0  }
0x200: {  	p0 =	sle.u32 s12, $0x2;
	[sflag:s25] =	ssyncadd.s32 $0xFFFFC000  }
0x201: {  	[spmem:s3] =	stream.indirect.scatter.add.f32 [tilespmem:s6], [sflag:$0x3], $0x1, s29, s30, $0x2000b8;
	[tilespmem:$0x1EB80] =	vst v63  }
0x202: {  	s11 =	simm.s32 @!p0 $0x0;
	_ =	swait.ge [sflag:s25], $0x80  }
0x203: {  	s13 =	simm.s32 @!p0 $0x2B00;
	[sflag:s25] =	ssyncset.done $0x0;
	s19 =	rddreg [dreg:$0xa]  }
0x204: {  	s14 =	simm.s32 @!p0 $0x3;
	s0 =	sadd.s32 @!p0 s19, s16;
	[sflag:s25] =	ssyncadd.s32 $0xFFFFFF80  }
0x205: {  	[tilespmem:s13], [sflag:$0x3] =	stream.linear.gather @!p0 [hbm4b:s0+s11], $0x80, $0x200038;
	[tilespmem:$0x1EB80] =	vst v63  }
0x206: {  	_ =	swait.ge @!p0 [sflag:s14], $0x80  }
0x207: {  	[sflag:s14] =	ssyncset.done @!p0 $0x0;
	s23 =	rddreg [dreg:$0xb]  }
0x208: {  	s18 =	simm.s32 @!p0 $0x2C00;
	s0 =	sadd.s32 @!p0 s23, s16;
	[sflag:s14] =	ssyncadd.s32 @!p0 $0xFFFFFF80  }
0x209: {  	[tilespmem:s18], [sflag:$0x3] =	stream.linear.gather @!p0 [hbm4b:s0+s11], $0x80, $0x200038;
	[tilespmem:$0x1EB80] =	vst v63  }
0x20a: {  	_ =	swait.ge @!p0 [sflag:s14], $0x80  }
0x20b: {  	[sflag:s14] =	ssyncset.done @!p0 $0x0  }
0x20c: {  	s0 =	simm.s32 @!p0 $0x80;
	s11 =	simm.s32 @!p0 $0x2D00;
	[sflag:s14] =	ssyncadd.s32 @!p0 $0xFFFFFF80  }
0x20d: {  	[tilespmem:s11], [sflag:$0x1] =	stream.indirect.gather @!p0 [hbm4b:s1+s0], $0x80, s13, s0, $0x2000b8;
	[tilespmem:$0x1EB80] =	vst v63  }
0x20e: {  	_ =	swait.ge [sflag:s8], $0x4000  }
0x20f: {  	[sflag:s8] =	ssyncset.done $0x0  }
0x210: {  	[sflag:s8] =	ssyncadd.s32 $0xFFFFC000  }
0x211: {  	[spmem:s2] =	stream.indirect.scatter.add.f32 [tilespmem:s15], [sflag:$0x3], $0x80, s4, s30, $0x2000b8;
	[tilespmem:$0x1EB80] =	vst v63  }
0x212: {  	_ =	swait.ge [sflag:s25], $0x4000  }
0x213: {  	[sflag:s25] =	ssyncset.done $0x0  }
0x214: {  	[sflag:s25] =	ssyncadd.s32 $0xFFFFC000  }
0x215: {  	[spmem:s3] =	stream.indirect.scatter.add.f32 [tilespmem:s6], [sflag:$0x3], $0x1, s4, s30, $0x2000b8;
	[tilespmem:$0x1EB80] =	vst v63  }
0x216: {  	p1 =	sle.u32 s12, $0x3;
	_ =	swait.ge [sflag:s25], $0x80  }
0x217: {  	s20 =	simm.s32 @!p1 $0x3;
	s21 =	simm.s32 @!p1 $0x2B80;
	[sflag:s25] =	ssyncset.done $0x0  }
0x218: {  	s0 =	sadd.s32 @!p1 s19, s17;
	s13 =	simm.s32 @!p1 $0x0;
	[sflag:s25] =	ssyncadd.s32 $0xFFFFFF80  }
0x219: {  	[tilespmem:s21], [sflag:$0x3] =	stream.linear.gather @!p1 [hbm4b:s0+s13], $0x80, $0x200038;
	[tilespmem:$0x1EB80] =	vst v63  }
0x21a: {  	p0 =	sne.s32 s12, $0x2;
	_ =	swait.ge @!p1 [sflag:s20], $0x80  }
.Ltmp5:
0x21b: {  	s22 =	simm.s32 @!p1 $0x80;
	[sflag:s20] =	ssyncset.done @!p1 $0x0;
	(pc) =	sbr.rel @!p0 .LBB2_9-.Ltmp5, $4  }
0x21c: {  	s14 =	sadd.s32 @!p1 s23, s17;
	s0 =	simm.s32 @!p1 $0x2C80;
	[sflag:s20] =	ssyncadd.s32 @!p1 $0xFFFFFF80  }
0x21d: {  	[tilespmem:s0], [sflag:$0x3] =	stream.linear.gather @!p1 [hbm4b:s14+s13], $0x80, $0x200038;
	[tilespmem:$0x1EB80] =	vst v63  }
0x21e: {  	s18 =	sadd.s32 $0x20, s19;
	s11 =	simm.s32 $0x2;
	_ =	swait.ge @!p1 [sflag:s20], $0x80  }
0x21f: {  	s19 =	smov.u32 s23;
	s0 =	simm.s32 @!p1 $0x6D00;
	[sflag:s20] =	ssyncset.done @!p1 $0x0  }
.LBB2_8:
0x220: {  	[sflag:s20] =	ssyncadd.s32 @!p1 $0xFFFFFF80  }
0x221: {  	s19 =	sadd.s32 $0x20, s19;
	s20 =	smov.u32 s11;
	s11 =	sadd.s32 $0x2, s11  }
0x222: {  	[tilespmem:s0], [sflag:$0x2] =	stream.indirect.gather @!p1 [hbm4b:s1+s22], $0x80, s21, s22, $0x2000b8;
	[tilespmem:$0x1EB80] =	vst v63  }
0x223: {  	p0 =	sne.s32 s12, s11;
	_ =	swait.ge [sflag:s26], $0x4000  }
0x224: {  	[sflag:s26] =	ssyncset.done $0x0  }
0x225: {  	[sflag:s26] =	ssyncadd.s32 $0xFFFFC000  }
0x226: {  	[spmem:s2] =	stream.indirect.scatter.add.f32 [tilespmem:s31], [sflag:$0x3], $0x80, s29, s30, $0x2000b8;
	[tilespmem:$0x1EB80] =	vst v63  }
0x227: {  	_ =	swait.ge [sflag:s25], $0x4000  }
0x228: {  	[sflag:s25] =	ssyncset.done $0x0  }
0x229: {  	[sflag:s25] =	ssyncadd.s32 $0xFFFFC000  }
0x22a: {  	[spmem:s3] =	stream.indirect.scatter.add.f32 [tilespmem:s6], [sflag:$0x3], $0x1, s29, s30, $0x2000b8;
	[tilespmem:$0x1EB80] =	vst v63  }
0x22b: {  	p1 =	sge.u32 s11, s12;
	_ =	swait.ge [sflag:s25], $0x80  }
0x22c: {  	s0 =	sadd.s32 @!p1 s18, s16;
	s13 =	simm.s32 @!p1 $0x0;
	[sflag:s25] =	ssyncset.done $0x0  }
0x22d: {  	s14 =	simm.s32 @!p1 $0x2B00;
	s21 =	simm.s32 @!p1 $0x3;
	[sflag:s25] =	ssyncadd.s32 $0xFFFFFF80  }
0x22e: {  	[tilespmem:s14], [sflag:$0x3] =	stream.linear.gather @!p1 [hbm4b:s0+s13], $0x80, $0x200038;
	[tilespmem:$0x1EB80] =	vst v63  }
0x22f: {  	_ =	swait.ge @!p1 [sflag:s21], $0x80  }
0x230: {  	s22 =	simm.s32 @!p1 $0x2C00;
	s0 =	sadd.s32 @!p1 s19, s16;
	[sflag:s21] =	ssyncset.done @!p1 $0x0  }
0x231: {  	[sflag:s21] =	ssyncadd.s32 @!p1 $0xFFFFFF80  }
0x232: {  	[tilespmem:s22], [sflag:$0x3] =	stream.linear.gather @!p1 [hbm4b:s0+s13], $0x80, $0x200038;
	[tilespmem:$0x1EB80] =	vst v63  }
0x233: {  	_ =	swait.ge @!p1 [sflag:s21], $0x80  }
0x234: {  	s0 =	simm.s32 @!p1 $0x80;
	s13 =	simm.s32 @!p1 $0x2D00;
	[sflag:s21] =	ssyncset.done @!p1 $0x0  }
0x235: {  	[sflag:s21] =	ssyncadd.s32 @!p1 $0xFFFFFF80  }
0x236: {  	[tilespmem:s13], [sflag:$0x1] =	stream.indirect.gather @!p1 [hbm4b:s1+s0], $0x80, s14, s0, $0x2000b8;
	[tilespmem:$0x1EB80] =	vst v63  }
0x237: {  	_ =	swait.ge [sflag:s8], $0x4000  }
0x238: {  	[sflag:s8] =	ssyncset.done $0x0  }
0x239: {  	[sflag:s8] =	ssyncadd.s32 $0xFFFFC000  }
0x23a: {  	[spmem:s2] =	stream.indirect.scatter.add.f32 [tilespmem:s15], [sflag:$0x3], $0x80, s4, s30, $0x2000b8;
	[tilespmem:$0x1EB80] =	vst v63  }
0x23b: {  	_ =	swait.ge [sflag:s25], $0x4000  }
0x23c: {  	[sflag:s25] =	ssyncset.done $0x0  }
0x23d: {  	s0 =	sadd.s32 $0x3, s20;
	[sflag:s25] =	ssyncadd.s32 $0xFFFFC000  }
0x23e: {  	[spmem:s3] =	stream.indirect.scatter.add.f32 [tilespmem:s6], [sflag:$0x3], $0x1, s4, s30, $0x2000b8;
	[tilespmem:$0x1EB80] =	vst v63  }
0x23f: {  	p1 =	sge.u32 s0, s12;
	_ =	swait.ge [sflag:s25], $0x80  }
0x240: {  	s0 =	sadd.s32 @!p1 s18, s17;
	s21 =	simm.s32 @!p1 $0x2B80;
	[sflag:s25] =	ssyncset.done $0x0  }
0x241: {  	s13 =	simm.s32 @!p1 $0x0;
	s20 =	simm.s32 @!p1 $0x3;
	[sflag:s25] =	ssyncadd.s32 $0xFFFFFF80  }
0x242: {  	[tilespmem:s21], [sflag:$0x3] =	stream.linear.gather @!p1 [hbm4b:s0+s13], $0x80, $0x200038;
	[tilespmem:$0x1EB80] =	vst v63  }
0x243: {  	s0 =	simm.s32 @!p1 $0x2C80;
	_ =	swait.ge @!p1 [sflag:s20], $0x80  }
.Ltmp6:
0x244: {  	s14 =	sadd.s32 @!p1 s19, s17;
	[sflag:s20] =	ssyncset.done @!p1 $0x0;
	(pc) =	sbr.rel @p0 .LBB2_8-.Ltmp6, $4  }
0x245: {  	[sflag:s20] =	ssyncadd.s32 @!p1 $0xFFFFFF80  }
0x246: {  	[tilespmem:s0], [sflag:$0x3] =	stream.linear.gather @!p1 [hbm4b:s14+s13], $0x80, $0x200038;
	[tilespmem:$0x1EB80] =	vst v63  }
0x247: {  	s18 =	sadd.s32 $0x20, s18;
	_ =	swait.ge @!p1 [sflag:s20], $0x80  }
0x248: {  	s22 =	simm.s32 @!p1 $0x80;
	s0 =	simm.s32 @!p1 $0x6D00;
	[sflag:s20] =	ssyncset.done @!p1 $0x0  }
.LBB2_9:
0x249: {  	[sflag:s20] =	ssyncadd.s32 @!p1 $0xFFFFFF80  }
0x24a: {  	[tilespmem:s0], [sflag:$0x2] =	stream.indirect.gather @!p1 [hbm4b:s1+s22], $0x80, s21, s22, $0x2000b8;
	[tilespmem:$0x1EB80] =	vst v63  }
0x24b: {  	[bflag:$0x0] =	sbarrier.arrive $0xFFFF  }
0x24c: {  	_ =	strace $0x9000004F  }
0x24d: {  	_ =	strace $0x80000050  }
0x24e: {  	s22 =	rddreg [dreg:$0x17]  }
0x24f: {  	[hbm:s22], [sflag:s10] =	dma.local [spmem:s7], $0x2780  }
0x250: {  	_ =	swait.ge [sflag:s25], $0x2780  }
0x251: {  	s24 =	simm.s32 $0x20;
	[sflag:s25] =	ssyncset.done $0x0  }
0x252: {  	s11 =	simm.s32 $0x10;
	s23 =	rddreg [dreg:$0x19];
	[sflag:s25] =	ssyncadd.s32 $0xFFFFD880  }
0x253: {  	[hbm:s23@s24], [sflag:s10] =	dma.strided [spmem:s9@s11], $0x50, s26, $0x10   }
0x254: {  	_ =	swait.ge [sflag:s25], $0x50  }
0x255: {  	s5 =	sadd.s32 $0x1, s5;
	s28 =	rddreg [dreg:$0x1a]  }
0x256: {  	p0 =	sne.s32 s5, s28  }
.Ltmp7:
0x257: {  	_ = 	snop;
	(pc) =	sbr.rel @p0 .LBB2_1-.Ltmp7, $4  }
0x258: {  	_ = 	snop  }
0x259: {  	[sflag:s25] =	ssyncset.done $0x0  }
0x25a: {  	[sflag:s25] =	ssyncadd.s32 $0xFFFFFFB0  }
0x25b: {  	_ =	strace $0x90000050  }
0x25c: {  	_ =	sfence.sel $0x180000  }
0x25d: {  	[bflag:$0x0] =	sbarrier.arrive $0xFFFF  }
0x25e: {  	_ =	strace $0x90000047  }
0x25f: {  	s0 =	stileid.u32;
	[bflag:$0x2] =	sbarrier.arrive $0xFFFF  }
0x260: {  	p0 =	sne.s32 s0, $0x0;
	s0 =	rddreg [dreg:$0x5]  }
0x261: {  	s0 =	sadd.s32 @!p0 $0x100000, s0  }
0x262: {  	[sflag:s0] =	ssyncadd.tile.s32 @!p0 $0x1;
	_ =	shalt  }
.Lfunc_end2:
_tile_overlayer_lowered:
.L_overlay_start_2:
0x263: {  	(tag) =	ssettag $0x2  }
0x264: {  	s0 =	rddreg [dreg:$0x0];
	s2 =	stileid.u32  }
0x265: {  	s1 =	rddreg [dreg:$0x1];
	p0 =	sne.s32 s2, $0x0  }
0x266: {  	s3 =	rddreg [dreg:$0x2];
	[bflag:$0x3] =	sbarrier.arrive $0xFFFF;
	s2 =	simm.s32 @!p0 $0x1C03  }
0x267: {  	[timem:s3], [sflag:s2] =	dma.local @!p0 [hbm:s0], s1  }
0x268: {  	s0 =	simm.s32 @!p0 $0x3  }
0x269: {  	_ =	swait.ge @!p0 [sflag:s0], s1  }
0x26a: {  	s1 =	ssub.s32 @!p0 $0x0, s1;
	[sflag:s0] =	ssyncset.done @!p0 $0x0  }
0x26b: {  	[sflag:s0] =	ssyncadd.s32 @!p0 s1  }
0x26c: {  	[bflag:$0x3] =	sbarrier.arrive $0xFFFF  }
0x26d: {  	_ =	shalt  }

// kernel: kernel.9.cloned.1.call-start
scs
__scs_entry_jumppad:
0x0: {  	(pc) =	sbr.rel $0x88, $3  }
0x1: {  	(tag) =	ssettag $0x0;
	lr =	simm.s32 $0x1  }
0x2: {  	[smem:$0x3F91] =	sst lr;
	_ =	strace $0xD0000000  }
0x3: {  	_ = 	snop  }
0x4: {  	_ = 	snop  }
0x5: {  	_ = 	snop  }
0x6: {  	_ = 	snop  }
0x7: {  	_ = 	snop  }
__scs_overlays_trampoline_lowered:
0x8: {  	[smem:$0x3FA0] =	sst s0  }
0x9: {  	[smem:$0x3FA1] =	sst s1  }
0xa: {  	[smem:$0x3FA2] =	sst s2  }
0xb: {  	[smem:$0x3FA3] =	sst s3  }
0xc: {  	[smem:$0x3FA4] =	sst s4  }
0xd: {  	[smem:$0x3FA5] =	sst s5  }
0xe: {  	[smem:$0x3FA6] =	sst s6  }
0xf: {  	[smem:$0x3FA7] =	sst s7  }
0x10: {  	[smem:$0x3FA8] =	sst s8  }
0x11: {  	[smem:$0x3FA9] =	sst s9;
	s0 =	simm.s32 @!p0 $0x0  }
0x12: {  	s1 =	sld [smem:$0x3F8F];
	s0 =	simm.s32 @p0 $0x1  }
0x13: {  	[smem:$0x3FAA] =	sst s0;
	s0 =	simm.s32 @!p1 $0x0  }
0x14: {  	s2 =	sld [smem:$0x3F8E];
	s0 =	simm.s32 @p1 $0x1  }
0x15: {  	[smem:$0x3FAB] =	sst s0;
	s0 =	simm.s32 @!p2 $0x0  }
0x16: {  	s3 =	sld [smem:$0x3FDB];
	s0 =	simm.s32 @p2 $0x1  }
0x17: {  	s4 =	simm.s32 $0x1BF5;
	[smem:$0x3FAD] =	sst s0  }
0x18: {  	s0 =	sld [smem:$0x3F90];
	_ =	swait.ge [sflag:s4], $0x0  }
0x19: {  	s7 =	sld [smem:$0x3F91]  }
0x1a: {  	s8 =	sadd.s32 $0xFFFFE003, lr  }
0x1b: {  	s9 =	sadd.s32 $0xFFFFFEF7, lr;
	s5 =	simm.s32 $0xFFFFFFFF;
	p2 =	slt.u32 s8, $0xFFFFF086  }
0x1c: {  	p1 =	slt.u32 s9, $0xF7A;
	s5 =	simm.s32 @!p2 $0x0  }
0x1d: {  	s5 =	simm.s32 @p1 $0x1;
	p0 =	seq.s32 s7, s2  }
0x1e: {  	s7 =	smul.u32 @!p0 $0xF7A, s2;
	p2 =	seq.s32 @!p0 s5, $0x0  }
0x1f: {  	s9 =	smul.u32 $0xF7A, s1;
	s8 =	simm.s32 @!p0 $0x1BF5;
	p2 =	por !p2, p0  }
0x20: {  	[sflag:s8] =	ssyncset.s32 @!p0 $0xFFFFF086;
	s6 =	sadd.s32 @!p0 s3, s7;
	s7 =	simm.s32 @!p0 $0x108  }
0x21: {  	s3 =	sadd.s32 s3, s9;
	s6 =	sadd.s32 @!p0 $0x88, s6;
	s7 =	simm.s32 @p2 $0x1082  }
0x22: {  	[simem:s7], [sflag:s8] =	dma.local @!p0 [hbm:s6], $0xF7A  }
0x23: {  	s9 =	sor.u32 $0xD0000000, s2;
	s6 =	simm.s32 $0x108;
	_ =	swait.ge @!p0 [sflag:s8], $0x0  }
0x24: {  	s3 =	sadd.s32 $0x88, s3;
	s6 =	simm.s32 @!p1 $0x1082;
	[sflag:s4] =	ssyncset.s32 $0xFFFFF086  }
0x25: {  	[simem:s6], [sflag:s4] =	dma.local [hbm:s3], $0xF7A  }
0x26: {  	[smem:$0x3F91] =	sst s1;
	(tag) =	ssettag s2;
	_ =	strace s9  }
0x27: {  	s1 =	sld [smem:$0x3FA1]  }
0x28: {  	s2 =	sld [smem:$0x3FA2]  }
0x29: {  	s4 =	sld [smem:$0x3FA4]  }
0x2a: {  	p0 =	seq.s32 s5, $0x0;
	s5 =	sld [smem:$0x3FA5]  }
0x2b: {  	s6 =	sld [smem:$0x3FA6]  }
0x2c: {  	s7 =	sld [smem:$0x3FA7]  }
0x2d: {  	s3 =	simm.s32 $0x108;
	s8 =	sld [smem:$0x3FA8]  }
0x2e: {  	s3 =	simm.s32 @!p0 $0x1082;
	s9 =	sld [smem:$0x3FA9]  }
0x2f: {  	lr =	sadd.s32 s0, s3;
	s0 =	sld [smem:$0x3FA0]  }
0x30: {  	s3 =	sld [smem:$0x3FA3]  }
0x31: {  	[smem:$0x3FAC] =	sst s10  }
0x32: {  	s10 =	sld [smem:$0x3FAA];
	_ =	sdelay $0x3  }
0x33: {  	p0 =	seq.s32 s10, $0x1;
	s10 =	sld [smem:$0x3FAC];
	_ =	sdelay $0x3  }
0x34: {  	[smem:$0x3FAC] =	sst s10  }
0x35: {  	s10 =	sld [smem:$0x3FAB];
	_ =	sdelay $0x3  }
0x36: {  	p1 =	seq.s32 s10, $0x1;
	s10 =	sld [smem:$0x3FAC];
	_ =	sdelay $0x3  }
0x37: {  	[smem:$0x3FAC] =	sst s10  }
0x38: {  	s10 =	sld [smem:$0x3FAD]  }
0x39: {  	_ = 	snop;
	(pc) =	sbr.ind lr, $3  }
0x3a: {  	_ = 	snop  }
0x3b: {  	_ = 	snop  }
0x3c: {  	p2 =	seq.s32 s10, $0x1;
	s10 =	sld [smem:$0x3FAC]  }
0x3d: {  	_ =	shalt  }
0x3e: {  	_ =	shalt  }
0x3f: {  	_ =	shalt  }
0x40: {  	_ =	shalt  }
0x41: {  	_ =	shalt  }
0x42: {  	_ =	shalt  }
0x43: {  	_ =	shalt  }
0x44: {  	_ =	shalt  }
0x45: {  	_ =	shalt  }
0x46: {  	_ =	shalt  }
0x47: {  	_ =	shalt  }
0x48: {  	_ =	shalt  }
0x49: {  	_ =	shalt  }
0x4a: {  	_ =	shalt  }
0x4b: {  	_ =	shalt  }
0x4c: {  	_ =	shalt  }
0x4d: {  	_ =	shalt  }
0x4e: {  	_ =	shalt  }
0x4f: {  	_ =	shalt  }
0x50: {  	_ =	shalt  }
0x51: {  	_ =	shalt  }
0x52: {  	_ =	shalt  }
0x53: {  	_ =	shalt  }
0x54: {  	_ =	shalt  }
0x55: {  	_ =	shalt  }
0x56: {  	_ =	shalt  }
0x57: {  	_ =	shalt  }
0x58: {  	_ =	shalt  }
0x59: {  	_ =	shalt  }
0x5a: {  	_ =	shalt  }
0x5b: {  	_ =	shalt  }
0x5c: {  	_ =	shalt  }
0x5d: {  	_ =	shalt  }
0x5e: {  	_ =	shalt  }
0x5f: {  	_ =	shalt  }
0x60: {  	_ =	shalt  }
0x61: {  	_ =	shalt  }
0x62: {  	_ =	shalt  }
0x63: {  	_ =	shalt  }
0x64: {  	_ =	shalt  }
0x65: {  	_ =	shalt  }
0x66: {  	_ =	shalt  }
0x67: {  	_ =	shalt  }
0x68: {  	_ =	shalt  }
0x69: {  	_ =	shalt  }
0x6a: {  	_ =	shalt  }
0x6b: {  	_ =	shalt  }
0x6c: {  	_ =	shalt  }
0x6d: {  	_ =	shalt  }
0x6e: {  	_ =	shalt  }
0x6f: {  	_ =	shalt  }
0x70: {  	_ =	shalt  }
0x71: {  	_ =	shalt  }
0x72: {  	_ =	shalt  }
0x73: {  	_ =	shalt  }
0x74: {  	_ =	shalt  }
0x75: {  	_ =	shalt  }
0x76: {  	_ =	shalt  }
0x77: {  	_ =	shalt  }
0x78: {  	_ =	shalt  }
0x79: {  	_ =	shalt  }
0x7a: {  	_ =	shalt  }
0x7b: {  	_ =	shalt  }
0x7c: {  	_ =	shalt  }
0x7d: {  	_ =	shalt  }
0x7e: {  	_ =	shalt  }
0x7f: {  	_ =	shalt  }
0x80: {  	_ =	shalt  }
0x81: {  	_ =	shalt  }
0x82: {  	_ =	shalt  }
0x83: {  	_ =	shalt  }
0x84: {  	_ =	shalt  }
0x85: {  	_ =	shalt  }
0x86: {  	_ =	shalt  }
0x87: {  	_ =	shalt  }
.Lfunc_end0:
.L_simem_size_0:
called_computation.1_lowered:
.L_overlay_start_0:
0x88: {  	s2 =	sld [smem:$0x3FD9]  }
0x89: {  	s3 =	sld [smem:$0x3FFE];
	_ =	sdelay $0x1  }
0x8a: {  	s1 =	srdreg.scid  }
0x8b: {  	s0 =	sand.u32 $0x1, s1  }
0x8c: {  	s17 =	sshll.u32 s0, $0xA;
	s2 =	sadd.s32 s3, s2  }
0x8d: {  	s2 =	sadd.s32 s2, s17  }
0x8e: {  	[smem:$0x3FB8] =	sst s2  }
0x8f: {  	_ = 	snop  }
0x90: {  	s2 =	sld [smem:$0x3FD0];
	(tm) =	ssettm $0x1  }
0x91: {  	s18 =	sld [smem:$0x3FFB];
	_ =	sdelay $0x3  }
0x92: {  	_ =	strace s18  }
0x93: {  	s3 =	sld [smem:$0x3FFC];
	_ =	sdelay $0x3  }
0x94: {  	_ =	strace s3  }
0x95: {  	s3 =	sld [smem:$0x3FFD];
	_ =	sdelay $0x3  }
0x96: {  	_ =	strace s3  }
0x97: {  	_ =	strace $0x8FFFFFFF  }
0x98: {  	s19 =	sld [smem:$0x3FDB];
	_ =	sdelay $0x1  }
0x99: {  	s4 =	simm.s32 $_scs_section_size  }
0x9a: {  	s5 =	simm.s32 $_size__tile_overlayer_lowered;
	s6 =	simm.s32 $_tile_overlayer_lowered  }
0x9b: {  	s22 =	simm.s32 $0x1BFF;
	s21 =	sshll.u32 s6, $0x1;
	s3 =	sadd.s32 s4, s19  }
0x9c: {  	s7 =	simm.s32 $0x0;
	s20 =	sshll.u32 s5, $0x1;
	s5 =	sadd.s32 s21, s3  }
0x9d: {  	[timem:s7], [sflag:s22] =	dma.local [hbm:s5], s20  }
0x9e: {  	_ =	swait.ge [sflag:s22], s20  }
0x9f: {  	s4 =	ssub.s32 $0x0, s20;
	[sflag:s22] =	ssyncset.done $0x0  }
0xa0: {  	[sflag:s22] =	ssyncadd.s32 s4;
	_ =	sdelay $0x1  }
0xa1: {  	s23 =	simm.s32 $0x1B8B  }
0xa2: {  	_ =	swait.ge [sflag:s23], $0x1  }
0xa3: {  	[sflag:s23] =	ssyncset.done $0x0  }
0xa4: {  	s25 =	simm.s32 $0x1B8E;
	s24 =	sld [smem:$0x3FFE];
	[sflag:s23] =	ssyncadd.s32 $0xFFFFFFFF  }
0xa5: {  	s26 =	simm.s32 $execute0_lowered;
	[smem:$0x3FD2] =	sst s25  }
0xa6: {  	s5 =	sshll.u32 s26, $0x1;
	_ =	strace $0x80000052;
	[dreg:$0x1] =	wrdreg $0xFFFFFFFF  }
0xa7: {  	s28 =	simm.s32 $_size_execute0_lowered;
	s3 =	sadd.s32 s3, s5;
	[dreg:$0x0] =	wrdreg $0x0  }
0xa8: {  	s5 =	sshll.u32 s28, $0x1;
	[dreg:$0x2] =	wrdreg s3  }
0xa9: {  	[dreg:$0x3] =	wrdreg s5  }
0xaa: {  	[dreg:$0x4] =	wrdreg $0xC0  }
0xab: {  	_ =	task [dreg:s7], $0x5FFFF  }
0xac: {  	[dreg:$0x1] =	wrdreg $0xFFFFFFFF  }
0xad: {  	[dreg:$0x0] =	wrdreg $0x60  }
0xae: {  	[dreg:$0x2] =	wrdreg s2  }
0xaf: {  	[dreg:$0x3] =	wrdreg s24  }
0xb0: {  	[dreg:$0x4] =	wrdreg $0xAC800  }
0xb1: {  	[dreg:$0x5] =	wrdreg $0x9  }
0xb2: {  	_ =	task.clear_ibuf [dreg:s7], $0x6FFFF;
	_ =	strace $0x90000052  }
0xb3: {  	s29 =	simm.s32 $0x9;
	_ =	strace $0x8000005D  }
0xb4: {  	_ =	swait.ge [sflag:s29], $0x1  }
0xb5: {  	[sflag:s29] =	ssyncadd.s32 $0xFFFFFFFF  }
0xb6: {  	_ =	strace $0x9000005D  }
0xb7: {  	_ =	sfence  }
0xb8: {  	s30 =	sld [smem:$0x0];
	_ =	sdelay $0x2  }
0xb9: {  	s31 =	sshll.u32 s1, $0xD;
	s1 =	sshrl.u32 s1, $0x2  }
0xba: {  	s3 =	sand.u32 $0x4000, s31;
	s1 =	sadd.s32 s1, s30  }
0xbb: {  	s0 =	sor.u32 s3, s0;
	s1 =	sshll.u32 s1, $0x11  }
0xbc: {  	s0 =	sor.u32 s1, s0  }
0xbd: {  	s0 =	sadd.s32 $0x8F2B, s0  }
0xbe: {  	[sflag:s0] =	ssyncadd.remote.s32 $0x1  }
0xbf: {  	_ =	sfence.sel $0xFFFF  }
0xc0: {  	[dreg:$0x0] =	wrdreg $0xFFFFFFFF;
	(pc) =	sbr.abs _section_cstart, $3  }
0xc1: {  	[dreg:$0x1] =	wrdreg $0xFFFFFFFF  }
0xc2: {  	_ =	task.clear_ibuf [dreg:s7], $0x2FFFF;
	_ =	strace $0x9FFFFFFF  }
0xc3: {  	(tm) =	ssettm $0x7FFFFFFF  }
tec
execute0_lowered:
.L_overlay_start_1:
0x0: {  	(tag) =	ssettag $0x1  }
0x1: {  	s1 =	rddreg [dreg:$0x0]  }
0x2: {  	s0 =	rddreg [dreg:$0x1]  }
0x3: {  	s2 =	rddreg [dreg:$0x2];
	s3 =	simm.s32 $0x0;
	s4 =	srdreg.scid  }
0x4: {  	s9 =	stileid.u32;
	[smem:$0x7FF] =	sst s3;
	s4 =	sand.u32 $0x1, s4  }
0x5: {  	s10 =	sadd.s32 $0x1C00, s0;
	s13 =	sadd.s32 $0x11600, s0;
	s6 =	smul.u32 $0x13C00, s9  }
0x6: {  	s14 =	sadd.s32 $0x8000, s0;
	s15 =	sadd.s32 $0xE400, s0;
	s16 =	sadd.s32 $0x4E00, s0  }
0x7: {  	s8 =	smul.u32 $0x500, s9;
	_ =	strace $0x80000053;
	[dreg:$0x4] =	wrdreg s10  }
0x8: {  	s17 =	sadd.s32 $0xB200, s0;
	s5 =	smul.u32 $0x13C000, s4;
	[dreg:$0x5] =	wrdreg s13  }
0x9: {  	s7 =	ssub.s32 $0x2, s4;
	p0 =	seq.s32 s4, $0x0;
	[dreg:$0x6] =	wrdreg s14  }
0xa: {  	[dreg:$0x7] =	wrdreg s15;
	s5 =	sadd.s32 s6, s5;
	s6 =	smul.u32 $0x1400, s9  }
0xb: {  	[dreg:$0x8] =	wrdreg s16;
	s9 =	smul.u32 $0x4F000, s9;
	s5 =	sshrl.u32 s5, $0x3  }
0xc: {  	[dreg:$0x9] =	wrdreg s17;
	s4 =	sadd.s32 $0x14000, s8;
	s0 =	sadd.s32 s5, s0  }
0xd: {  	s4 =	smov.u32 @p0 s6;
	s20 =	sshrl.u32 s9, $0x2;
	s26 =	sadd.s32 $0x14800, s0  }
0xe: {  	s8 =	sadd.s32 s20, s2;
	s4 =	sshrl.u32 s4, $0x3;
	[dreg:$0xe] =	wrdreg s26  }
0xf: {  	s21 =	sadd.s32 s10, s4;
	[dreg:$0x1a] =	wrdreg s8  }
0x10: {  	s22 =	sadd.s32 s13, s4;
	[dreg:$0xa] =	wrdreg s21  }
0x11: {  	s19 =	sshrl.u32 s7, $0x1;
	s18 =	sadd.s32 s15, s4;
	[dreg:$0xb] =	wrdreg s22  }
0x12: {  	s5 =	ssub.s32 s7, s19;
	s19 =	sadd.s32 s16, s4;
	[dreg:$0x17] =	wrdreg s18  }
0x13: {  	s20 =	sadd.s32 s17, s4;
	[dreg:$0x18] =	wrdreg s19  }
0x14: {  	s23 =	sor.u32 $0x10, s4;
	s26 =	sadd.s32 $0xED00, s8;
	[dreg:$0x19] =	wrdreg s20  }
0x15: {  	s24 =	sadd.s32 s10, s23;
	[dreg:$0x1f] =	wrdreg s26  }
0x16: {  	s25 =	sadd.s32 s13, s23;
	[dreg:$0xc] =	wrdreg s24  }
0x17: {  	s29 =	sadd.s32 s14, s23;
	[dreg:$0xd] =	wrdreg s25  }
0x18: {  	s9 =	sadd.s32 s15, s23;
	[dreg:$0xf] =	wrdreg s29  }
0x19: {  	s11 =	simm.s32 $0x28;
	s10 =	sadd.s32 $0x63800, s0;
	[dreg:$0x10] =	wrdreg s9  }
0x1a: {  	s28 =	simm.s32 $0x2;
	s12 =	sadd.s32 s16, s23;
	[dreg:$0x11] =	wrdreg s10  }
0x1b: {  	s11 =	simm.s32 @!p0 $0xA;
	s6 =	sadd.s32 s17, s23;
	[dreg:$0x12] =	wrdreg s12  }
0x1c: {  	s30 =	sadd.s32 $0x20, s4;
	s0 =	sadd.s32 $0xB2800, s0;
	[dreg:$0x13] =	wrdreg s6  }
0x1d: {  	s31 =	sadd.s32 $0x30, s4;
	s13 =	smax.u32 s5, $0x1;
	[dreg:$0x14] =	wrdreg s0  }
0x1e: {  	s14 =	sadd.s32 s14, s4;
	s23 =	sadd.s32 $0x2780, s8;
	[dreg:$0x15] =	wrdreg s13  }
0x1f: {  	s21 =	sadd.s32 $0x4F00, s8;
	s22 =	sadd.s32 $0x7680, s8;
	[dreg:$0x16] =	wrdreg s14  }
0x20: {  	s18 =	simm.s32 $0x3;
	s20 =	simm.s32 $0x2B80;
	[dreg:$0x1b] =	wrdreg s21  }
0x21: {  	s26 =	simm.s32 $0x1;
	[dreg:$0x1c] =	wrdreg s22;
	s24 =	sadd.s32 $0x9E00, s8  }
0x22: {  	s25 =	sadd.s32 $0xC580, s8;
	s29 =	sadd.s32 $0x11480, s8;
	[dreg:$0x1d] =	wrdreg s24  }
0x23: {  	s21 =	simm.s32 $0x80;
	s22 =	simm.s32 $0x2C80;
	[dreg:$0x1e] =	wrdreg s25  }
0x24: {  	v0 =	vimm.f32 $0.0e+00;
	[smem:$0x7FD] =	sst s29;
	s24 =	simm.s32 $0x2C00;
	s25 =	simm.s32 $0x6C80  }
.LBB2_1:
0x25: {  	s0 =	simm.s32 $0x0;
	s4 =	simm.s32 $0x200  }
.LBB2_2:
0x26: {  	p0 =	sne.s32 s4, $0x9C00;
	[tilespmem:s0+$0x70] =	vst v0  }
0x27: {  	[tilespmem:s0+$0x0] =	vst v0  }
0x28: {  	[tilespmem:s0+$0x10] =	vst v0  }
.Ltmp0:
0x29: {  	[tilespmem:s0+$0x20] =	vst v0;
	(pc) =	sbr.rel @p0 .LBB2_2-.Ltmp0, $4  }
0x2a: {  	[tilespmem:s0+$0x30] =	vst v0  }
0x2b: {  	[tilespmem:s0+$0x40] =	vst v0  }
0x2c: {  	[tilespmem:s0+$0x50] =	vst v0  }
0x2d: {  	[tilespmem:s0+$0x60] =	vst v0;
	s0 =	sshra.s32 s4, $0x2;
	s4 =	sadd.s32 $0x200, s4  }
0x2e: {  	[tilespmem:s0+$0x70] =	vst v0  }
0x2f: {  	[tilespmem:s0+$0x0] =	vst v0  }
0x30: {  	[tilespmem:s0+$0x10] =	vst v0  }
0x31: {  	[tilespmem:s0+$0x20] =	vst v0  }
0x32: {  	[tilespmem:s0+$0x30] =	vst v0  }
0x33: {  	[tilespmem:s0+$0x40] =	vst v0  }
0x34: {  	[tilespmem:s0+$0x50] =	vst v0  }
0x35: {  	[tilespmem:s0+$0x60] =	vst v0  }
0x36: {  	[tilespmem:$0x2800] =	vst v0  }
0x37: {  	[tilespmem:$0x2810] =	vst v0  }
0x38: {  	[tilespmem:$0x2820] =	vst v0  }
0x39: {  	[tilespmem:$0x2830] =	vst v0  }
0x3a: {  	[tilespmem:$0x2840] =	vst v0  }
0x3b: {  	[tilespmem:$0x2850] =	vst v0  }
0x3c: {  	[tilespmem:$0x2860] =	vst v0  }
0x3d: {  	[tilespmem:$0x2870] =	vst v0  }
0x3e: {  	[tilespmem:$0x2880] =	vst v0  }
0x3f: {  	[tilespmem:$0x2890] =	vst v0  }
0x40: {  	[tilespmem:$0x28A0] =	vst v0  }
0x41: {  	[tilespmem:$0x28B0] =	vst v0  }
0x42: {  	[tilespmem:$0x28C0] =	vst v0  }
0x43: {  	[tilespmem:$0x28D0] =	vst v0  }
0x44: {  	[tilespmem:$0x28E0] =	vst v0  }
0x45: {  	[tilespmem:$0x28F0] =	vst v0  }
0x46: {  	[tilespmem:$0x2900] =	vst v0  }
0x47: {  	[tilespmem:$0x2910] =	vst v0  }
0x48: {  	[tilespmem:$0x2920] =	vst v0  }
0x49: {  	[tilespmem:$0x2930] =	vst v0  }
0x4a: {  	[tilespmem:$0x2940] =	vst v0  }
0x4b: {  	[tilespmem:$0x2950] =	vst v0  }
0x4c: {  	[tilespmem:$0x2960] =	vst v0  }
0x4d: {  	[tilespmem:$0x2970] =	vst v0  }
0x4e: {  	[tilespmem:$0x2980] =	vst v0  }
0x4f: {  	[tilespmem:$0x2990] =	vst v0  }
0x50: {  	[tilespmem:$0x29A0] =	vst v0  }
0x51: {  	[tilespmem:$0x29B0] =	vst v0  }
0x52: {  	[tilespmem:$0x29C0] =	vst v0  }
0x53: {  	[tilespmem:$0x29D0] =	vst v0  }
0x54: {  	[tilespmem:$0x29E0] =	vst v0  }
0x55: {  	[tilespmem:$0x29F0] =	vst v0  }
0x56: {  	[tilespmem:$0x2A00] =	vst v0  }
0x57: {  	[tilespmem:$0x2A10] =	vst v0  }
0x58: {  	[tilespmem:$0x2A20] =	vst v0  }
0x59: {  	[tilespmem:$0x2A30] =	vst v0  }
0x5a: {  	[tilespmem:$0x2A40] =	vst v0  }
0x5b: {  	[tilespmem:$0x2A50] =	vst v0  }
0x5c: {  	[tilespmem:$0x2A60] =	vst v0  }
0x5d: {  	[tilespmem:$0x2A70] =	vst v0  }
0x5e: {  	_ =	strace $0x80000054  }
0x5f: {  	s7 =	simm.s32 $0x0;
	s5 =	rddreg [dreg:$0x1a]  }
0x60: {  	[spmem:s5] =	stream.linear.scatter [tilespmem:s7], [sflag:$0x3], $0x2780, $0x200038;
	[tilespmem:$0x1E880] =	vst v63  }
0x61: {  	_ =	swait.ge [sflag:s18], $0x2780  }
0x62: {  	[sflag:s18] =	ssyncset.done $0x0  }
0x63: {  	[sflag:s18] =	ssyncadd.s32 $0xFFFFD880  }
0x64: {  	[spmem:s23] =	stream.linear.scatter [tilespmem:s7], [sflag:$0x3], $0x2780, $0x200038;
	[tilespmem:$0x1E880] =	vst v63  }
0x65: {  	_ =	swait.ge [sflag:s18], $0x2780  }
0x66: {  	[sflag:s18] =	ssyncset.done $0x0  }
0x67: {  	s6 =	rddreg [dreg:$0x1b];
	[sflag:s18] =	ssyncadd.s32 $0xFFFFD880  }
0x68: {  	[spmem:s6] =	stream.linear.scatter [tilespmem:s7], [sflag:$0x3], $0x2780, $0x200038;
	[tilespmem:$0x1E880] =	vst v63  }
0x69: {  	_ =	swait.ge [sflag:s18], $0x2780  }
0x6a: {  	[sflag:s18] =	ssyncset.done $0x0  }
0x6b: {  	s8 =	rddreg [dreg:$0x1c];
	[sflag:s18] =	ssyncadd.s32 $0xFFFFD880  }
0x6c: {  	[spmem:s8] =	stream.linear.scatter [tilespmem:s7], [sflag:$0x3], $0x2780, $0x200038;
	[tilespmem:$0x1E880] =	vst v63  }
0x6d: {  	_ =	swait.ge [sflag:s18], $0x2780  }
0x6e: {  	[sflag:s18] =	ssyncset.done $0x0  }
0x6f: {  	s9 =	rddreg [dreg:$0x1d];
	[sflag:s18] =	ssyncadd.s32 $0xFFFFD880  }
0x70: {  	[spmem:s9] =	stream.linear.scatter [tilespmem:s7], [sflag:$0x3], $0x2780, $0x200038;
	[tilespmem:$0x1E880] =	vst v63  }
0x71: {  	_ =	swait.ge [sflag:s18], $0x2780  }
0x72: {  	[sflag:s18] =	ssyncset.done $0x0  }
0x73: {  	s10 =	rddreg [dreg:$0x1e];
	[sflag:s18] =	ssyncadd.s32 $0xFFFFD880  }
0x74: {  	[spmem:s10] =	stream.linear.scatter [tilespmem:s7], [sflag:$0x3], $0x2780, $0x200038;
	[tilespmem:$0x1E880] =	vst v63  }
0x75: {  	_ =	swait.ge [sflag:s18], $0x2780  }
0x76: {  	[sflag:s18] =	ssyncset.done $0x0  }
0x77: {  	s13 =	rddreg [dreg:$0x1f];
	[sflag:s18] =	ssyncadd.s32 $0xFFFFD880  }
0x78: {  	[spmem:s13] =	stream.linear.scatter [tilespmem:s7], [sflag:$0x3], $0x2780, $0x200038;
	[tilespmem:$0x1E880] =	vst v63  }
0x79: {  	_ =	swait.ge [sflag:s18], $0x2780  }
0x7a: {  	s14 =	sld [smem:$0x7FD]  }
0x7b: {  	[sflag:s18] =	ssyncset.done $0x0  }
0x7c: {  	[sflag:s18] =	ssyncadd.s32 $0xFFFFD880  }
0x7d: {  	[spmem:s14] =	stream.linear.scatter [tilespmem:s7], [sflag:$0x3], $0x2780, $0x200038;
	[tilespmem:$0x1E880] =	vst v63  }
0x7e: {  	_ =	swait.ge [sflag:s18], $0x2780  }
0x7f: {  	[sflag:s18] =	ssyncset.done $0x0  }
0x80: {  	[sflag:s18] =	ssyncadd.s32 $0xFFFFD880  }
0x81: {  	[bflag:$0x0] =	sbarrier.arrive $0xFFFF  }
0x82: {  	_ =	strace $0x90000054  }
0x83: {  	_ =	strace $0x80000055  }
0x84: {  	s4 =	simm.s32 $0x2A80;
	s15 =	rddreg [dreg:$0xa]  }
0x85: {  	[tilespmem:s4], [sflag:$0x3] =	stream.linear.gather [hbm4b:s15+s7], $0x80, $0x200038;
	[tilespmem:$0x1E880] =	vst v63  }
0x86: {  	_ =	swait.ge [sflag:s18], $0x80  }
0x87: {  	[sflag:s18] =	ssyncset.done $0x0  }
0x88: {  	s16 =	rddreg [dreg:$0xb];
	[sflag:s18] =	ssyncadd.s32 $0xFFFFFF80  }
0x89: {  	[tilespmem:s20], [sflag:$0x3] =	stream.linear.gather [hbm4b:s16+s7], $0x80, $0x200038;
	[tilespmem:$0x1E880] =	vst v63  }
0x8a: {  	_ =	swait.ge [sflag:s18], $0x80  }
0x8b: {  	[sflag:s18] =	ssyncset.done $0x0  }
0x8c: {  	[sflag:s18] =	ssyncadd.s32 $0xFFFFFF80  }
0x8d: {  	[tilespmem:s22], [sflag:$0x1] =	stream.indirect.gather [hbm4b:s1+s21], $0x80, s4, s21, $0x2000b8;
	[tilespmem:$0x1E880] =	vst v63  }
0x8e: {  	s19 =	simm.s32 $0x2B00;
	s17 =	rddreg [dreg:$0xc]  }
0x8f: {  	[tilespmem:s19], [sflag:$0x3] =	stream.linear.gather [hbm4b:s17+s7], $0x80, $0x200038;
	[tilespmem:$0x1E880] =	vst v63  }
0x90: {  	_ =	swait.ge [sflag:s18], $0x80  }
0x91: {  	[sflag:s18] =	ssyncset.done $0x0  }
0x92: {  	s12 =	smov.u32 s23;
	s23 =	rddreg [dreg:$0xd];
	[sflag:s18] =	ssyncadd.s32 $0xFFFFFF80  }
0x93: {  	[tilespmem:s24], [sflag:$0x3] =	stream.linear.gather [hbm4b:s23+s7], $0x80, $0x200038;
	[tilespmem:$0x1E880] =	vst v63  }
0x94: {  	_ =	swait.ge [sflag:s18], $0x80  }
0x95: {  	[sflag:s18] =	ssyncset.done $0x0  }
0x96: {  	[sflag:s18] =	ssyncadd.s32 $0xFFFFFF80  }
0x97: {  	[tilespmem:s25], [sflag:$0x2] =	stream.indirect.gather [hbm4b:s1+s21], $0x80, s19, s21, $0x2000b8;
	[tilespmem:$0x1E880] =	vst v63  }
0x98: {  	_ =	swait.ge [sflag:s26], $0x4000  }
0x99: {  	[sflag:s26] =	ssyncset.done $0x0  }
0x9a: {  	p0 =	sle.u32 s11, $0x2;
	[sflag:s26] =	ssyncadd.s32 $0xFFFFC000  }
0x9b: {  	[spmem:s2] =	stream.indirect.scatter.add.f32 [tilespmem:s22], [sflag:$0x3], $0x80, s20, s21, $0x2000b8;
	[tilespmem:$0x1E880] =	vst v63  }
0x9c: {  	s5 =	simm.s32 @!p0 $0x2A80;
	_ =	swait.ge [sflag:s18], $0x4000  }
0x9d: {  	s6 =	simm.s32 @!p0 $0x3;
	[sflag:s18] =	ssyncset.done $0x0;
	s10 =	rddreg [dreg:$0x4]  }
0x9e: {  	s4 =	simm.s32 @!p0 $0x0;
	s0 =	sadd.s32 @!p0 s10, s30;
	[sflag:s18] =	ssyncadd.s32 $0xFFFFC000  }
0x9f: {  	[tilespmem:s5], [sflag:$0x3] =	stream.linear.gather @!p0 [hbm4b:s0+s4], $0x80, $0x200038;
	[tilespmem:$0x1E880] =	vst v63  }
0xa0: {  	_ =	swait.ge @!p0 [sflag:s6], $0x80  }
0xa1: {  	[sflag:s6] =	ssyncset.done @!p0 $0x0;
	s13 =	rddreg [dreg:$0x5]  }
0xa2: {  	s8 =	simm.s32 @!p0 $0x2B80;
	s0 =	sadd.s32 @!p0 s13, s30;
	[sflag:s6] =	ssyncadd.s32 @!p0 $0xFFFFFF80  }
0xa3: {  	[tilespmem:s8], [sflag:$0x3] =	stream.linear.gather @!p0 [hbm4b:s0+s4], $0x80, $0x200038;
	[tilespmem:$0x1E880] =	vst v63  }
0xa4: {  	_ =	swait.ge @!p0 [sflag:s6], $0x80  }
0xa5: {  	[sflag:s6] =	ssyncset.done @!p0 $0x0  }
0xa6: {  	s0 =	simm.s32 @!p0 $0x80;
	s4 =	simm.s32 @!p0 $0x2C80;
	[sflag:s6] =	ssyncadd.s32 @!p0 $0xFFFFFF80  }
0xa7: {  	[tilespmem:s4], [sflag:$0x1] =	stream.indirect.gather @!p0 [hbm4b:s1+s0], $0x80, s5, s0, $0x2000b8;
	[tilespmem:$0x1E880] =	vst v63  }
0xa8: {  	_ =	swait.ge [sflag:s28], $0x4000  }
0xa9: {  	[sflag:s28] =	ssyncset.done $0x0  }
0xaa: {  	p1 =	sne.s32 s11, $0x2;
	p0 =	sle.u32 s11, $0x3;
	[sflag:s28] =	ssyncadd.s32 $0xFFFFC000  }
0xab: {  	[spmem:s2] =	stream.indirect.scatter.add.f32 [tilespmem:s25], [sflag:$0x3], $0x80, s24, s21, $0x2000b8;
	[tilespmem:$0x1E880] =	vst v63  }
0xac: {  	s29 =	sadd.s32 $0x20, s10;
	s4 =	sadd.s32 @!p0 s10, s31;
	_ =	swait.ge [sflag:s18], $0x4000  }
0xad: {  	s9 =	simm.s32 @!p0 $0x2B00;
	s0 =	simm.s32 @!p0 $0x0;
	[sflag:s18] =	ssyncset.done $0x0  }
0xae: {  	s6 =	simm.s32 @!p0 $0x3;
	s5 =	sadd.s32 @!p0 s13, s31;
	[sflag:s18] =	ssyncadd.s32 $0xFFFFC000  }
0xaf: {  	[tilespmem:s9], [sflag:$0x3] =	stream.linear.gather @!p0 [hbm4b:s4+s0], $0x80, $0x200038;
	[tilespmem:$0x1E880] =	vst v63  }
0xb0: {  	s8 =	simm.s32 @!p0 $0x80;
	s10 =	simm.s32 @!p0 $0x6C80;
	_ =	swait.ge @!p0 [sflag:s6], $0x80  }
.Ltmp1:
0xb1: {  	s15 =	simm.s32 @!p0 $0x3;
	[sflag:s6] =	ssyncset.done @!p0 $0x0;
	(pc) =	sbr.rel @!p1 .LBB2_5-.Ltmp1, $4  }
0xb2: {  	p2 =	por p0, p0;
	s4 =	simm.s32 @!p0 $0x2C00;
	[sflag:s6] =	ssyncadd.s32 @!p0 $0xFFFFFF80  }
0xb3: {  	[tilespmem:s4], [sflag:$0x3] =	stream.linear.gather @!p0 [hbm4b:s5+s0], $0x80, $0x200038;
	[tilespmem:$0x1E880] =	vst v63  }
0xb4: {  	s19 =	simm.s32 @!p0 $0x6C80;
	s14 =	simm.s32 @!p0 $0x2B00;
	_ =	swait.ge @!p0 [sflag:s6], $0x80  }
0xb5: {  	s16 =	simm.s32 @!p0 $0x80;
	s5 =	simm.s32 $0x2;
	[sflag:s6] =	ssyncset.done @!p0 $0x0  }
.LBB2_4:
0xb6: {  	[sflag:s15] =	ssyncadd.s32 @!p2 $0xFFFFFF80  }
0xb7: {  	s13 =	sadd.s32 $0x20, s13;
	s15 =	smov.u32 s5;
	s5 =	sadd.s32 $0x2, s5  }
0xb8: {  	[tilespmem:s19], [sflag:$0x2] =	stream.indirect.gather @!p2 [hbm4b:s1+s16], $0x80, s14, s16, $0x2000b8;
	[tilespmem:$0x1E880] =	vst v63  }
0xb9: {  	p1 =	sne.s32 s11, s5;
	_ =	swait.ge [sflag:s26], $0x4000  }
0xba: {  	[sflag:s26] =	ssyncset.done $0x0  }
0xbb: {  	[sflag:s26] =	ssyncadd.s32 $0xFFFFC000  }
0xbc: {  	[spmem:s2] =	stream.indirect.scatter.add.f32 [tilespmem:s22], [sflag:$0x3], $0x80, s20, s21, $0x2000b8;
	[tilespmem:$0x1E880] =	vst v63  }
0xbd: {  	p2 =	sge.u32 s5, s11;
	_ =	swait.ge [sflag:s18], $0x4000  }
0xbe: {  	s14 =	sadd.s32 @!p2 s29, s30;
	s16 =	simm.s32 @!p2 $0x0;
	[sflag:s18] =	ssyncset.done $0x0  }
0xbf: {  	s19 =	simm.s32 @!p2 $0x2A80;
	s17 =	simm.s32 @!p2 $0x3;
	[sflag:s18] =	ssyncadd.s32 $0xFFFFC000  }
0xc0: {  	[tilespmem:s19], [sflag:$0x3] =	stream.linear.gather @!p2 [hbm4b:s14+s16], $0x80, $0x200038;
	[tilespmem:$0x1E880] =	vst v63  }
0xc1: {  	_ =	swait.ge @!p2 [sflag:s17], $0x80  }
0xc2: {  	s23 =	simm.s32 @!p2 $0x2B80;
	s14 =	sadd.s32 @!p2 s13, s30;
	[sflag:s17] =	ssyncset.done @!p2 $0x0  }
0xc3: {  	[sflag:s17] =	ssyncadd.s32 @!p2 $0xFFFFFF80  }
0xc4: {  	[tilespmem:s23], [sflag:$0x3] =	stream.linear.gather @!p2 [hbm4b:s14+s16], $0x80, $0x200038;
	[tilespmem:$0x1E880] =	vst v63  }
0xc5: {  	_ =	swait.ge @!p2 [sflag:s17], $0x80  }
0xc6: {  	s14 =	simm.s32 @!p2 $0x80;
	s16 =	simm.s32 @!p2 $0x2C80;
	[sflag:s17] =	ssyncset.done @!p2 $0x0  }
0xc7: {  	[sflag:s17] =	ssyncadd.s32 @!p2 $0xFFFFFF80  }
0xc8: {  	[tilespmem:s16], [sflag:$0x1] =	stream.indirect.gather @!p2 [hbm4b:s1+s14], $0x80, s19, s14, $0x2000b8;
	[tilespmem:$0x1E880] =	vst v63  }
0xc9: {  	_ =	swait.ge [sflag:s28], $0x4000  }
0xca: {  	[sflag:s28] =	ssyncset.done $0x0  }
0xcb: {  	s14 =	sadd.s32 $0x3, s15;
	[sflag:s28] =	ssyncadd.s32 $0xFFFFC000  }
0xcc: {  	[spmem:s2] =	stream.indirect.scatter.add.f32 [tilespmem:s25], [sflag:$0x3], $0x80, s24, s21, $0x2000b8;
	[tilespmem:$0x1E880] =	vst v63  }
0xcd: {  	p2 =	sge.u32 s14, s11;
	_ =	swait.ge [sflag:s18], $0x4000  }
0xce: {  	s16 =	sadd.s32 @!p2 s29, s31;
	s14 =	simm.s32 @!p2 $0x2B00;
	[sflag:s18] =	ssyncset.done $0x0  }
0xcf: {  	s17 =	simm.s32 @!p2 $0x0;
	s15 =	simm.s32 @!p2 $0x3;
	[sflag:s18] =	ssyncadd.s32 $0xFFFFC000  }
0xd0: {  	[tilespmem:s14], [sflag:$0x3] =	stream.linear.gather @!p2 [hbm4b:s16+s17], $0x80, $0x200038;
	[tilespmem:$0x1E880] =	vst v63  }
0xd1: {  	s16 =	simm.s32 @!p2 $0x2C00;
	_ =	swait.ge @!p2 [sflag:s15], $0x80  }
.Ltmp2:
0xd2: {  	s19 =	sadd.s32 @!p2 s13, s31;
	[sflag:s15] =	ssyncset.done @!p2 $0x0;
	(pc) =	sbr.rel @p1 .LBB2_4-.Ltmp2, $4  }
0xd3: {  	[sflag:s15] =	ssyncadd.s32 @!p2 $0xFFFFFF80  }
0xd4: {  	[tilespmem:s16], [sflag:$0x3] =	stream.linear.gather @!p2 [hbm4b:s19+s17], $0x80, $0x200038;
	[tilespmem:$0x1E880] =	vst v63  }
0xd5: {  	s29 =	sadd.s32 $0x20, s29;
	_ =	swait.ge @!p2 [sflag:s15], $0x80  }
0xd6: {  	s16 =	simm.s32 @!p2 $0x80;
	s19 =	simm.s32 @!p2 $0x6C80;
	[sflag:s15] =	ssyncset.done @!p2 $0x0  }
.LBB2_5:
0xd7: {  	[sflag:s15] =	ssyncadd.s32 @!p2 $0xFFFFFF80  }
0xd8: {  	[tilespmem:s19], [sflag:$0x2] =	stream.indirect.gather @!p2 [hbm4b:s1+s16], $0x80, s14, s16, $0x2000b8;
	[tilespmem:$0x1E880] =	vst v63  }
0xd9: {  	[bflag:$0x0] =	sbarrier.arrive $0xFFFF  }
0xda: {  	_ =	strace $0x90000055  }
0xdb: {  	s5 =	stileid.u32;
	_ =	strace $0x80000056  }
0xdc: {  	s5 =	sshll.u32 s5, $0x6;
	s23 =	rddreg [dreg:$0x1a]  }
0xdd: {  	s29 =	sor.u32 $0x1C03, s5;
	s13 =	rddreg [dreg:$0xe];
	s5 =	sshrl.u32 s23, $0x3  }
0xde: {  	[hbm:s13], [sflag:s29] =	dma.local [spmem:s5], $0x2780  }
0xdf: {  	_ =	swait.ge [sflag:s18], $0x2780  }
0xe0: {  	[sflag:s18] =	ssyncset.done $0x0  }
0xe1: {  	[sflag:s18] =	ssyncadd.s32 $0xFFFFD880  }
0xe2: {  	_ =	strace $0x90000056  }
0xe3: {  	[bflag:$0x0] =	sbarrier.arrive $0xFFFF  }
0xe4: {  	_ =	strace $0x80000057  }
0xe5: {  	[spmem:s23] =	stream.linear.scatter [tilespmem:s7], [sflag:$0x3], $0x2780, $0x200038;
	[tilespmem:$0x1E880] =	vst v63  }
0xe6: {  	_ =	swait.ge [sflag:s18], $0x2780  }
0xe7: {  	[sflag:s18] =	ssyncset.done $0x0  }
0xe8: {  	[sflag:s18] =	ssyncadd.s32 $0xFFFFD880  }
0xe9: {  	[spmem:s12] =	stream.linear.scatter [tilespmem:s7], [sflag:$0x3], $0x2780, $0x200038;
	[tilespmem:$0x1E880] =	vst v63  }
0xea: {  	_ =	swait.ge [sflag:s18], $0x2780  }
0xeb: {  	[sflag:s18] =	ssyncset.done $0x0  }
0xec: {  	s13 =	rddreg [dreg:$0x1b];
	[sflag:s18] =	ssyncadd.s32 $0xFFFFD880  }
0xed: {  	[spmem:s13] =	stream.linear.scatter [tilespmem:s7], [sflag:$0x3], $0x2780, $0x200038;
	[tilespmem:$0x1E880] =	vst v63  }
0xee: {  	_ =	swait.ge [sflag:s18], $0x2780  }
0xef: {  	[sflag:s18] =	ssyncset.done $0x0  }
0xf0: {  	s14 =	rddreg [dreg:$0x1c];
	[sflag:s18] =	ssyncadd.s32 $0xFFFFD880  }
0xf1: {  	[spmem:s14] =	stream.linear.scatter [tilespmem:s7], [sflag:$0x3], $0x2780, $0x200038;
	[tilespmem:$0x1E880] =	vst v63  }
0xf2: {  	_ =	swait.ge [sflag:s18], $0x2780  }
0xf3: {  	[sflag:s18] =	ssyncset.done $0x0  }
0xf4: {  	s15 =	rddreg [dreg:$0x1d];
	[sflag:s18] =	ssyncadd.s32 $0xFFFFD880  }
0xf5: {  	[spmem:s15] =	stream.linear.scatter [tilespmem:s7], [sflag:$0x3], $0x2780, $0x200038;
	[tilespmem:$0x1E880] =	vst v63  }
0xf6: {  	_ =	swait.ge [sflag:s18], $0x2780  }
0xf7: {  	[sflag:s18] =	ssyncset.done $0x0  }
0xf8: {  	s16 =	rddreg [dreg:$0x1e];
	[sflag:s18] =	ssyncadd.s32 $0xFFFFD880  }
0xf9: {  	[spmem:s16] =	stream.linear.scatter [tilespmem:s7], [sflag:$0x3], $0x2780, $0x200038;
	[tilespmem:$0x1E880] =	vst v63  }
0xfa: {  	_ =	swait.ge [sflag:s18], $0x2780  }
0xfb: {  	[sflag:s18] =	ssyncset.done $0x0  }
0xfc: {  	s17 =	rddreg [dreg:$0x1f];
	[sflag:s18] =	ssyncadd.s32 $0xFFFFD880  }
0xfd: {  	[spmem:s17] =	stream.linear.scatter [tilespmem:s7], [sflag:$0x3], $0x2780, $0x200038;
	[tilespmem:$0x1E880] =	vst v63  }
0xfe: {  	_ =	swait.ge [sflag:s18], $0x2780  }
0xff: {  	s19 =	sld [smem:$0x7FD]  }
0x100: {  	[sflag:s18] =	ssyncset.done $0x0  }
0x101: {  	[sflag:s18] =	ssyncadd.s32 $0xFFFFD880  }
0x102: {  	[spmem:s19] =	stream.linear.scatter [tilespmem:s7], [sflag:$0x3], $0x2780, $0x200038;
	[tilespmem:$0x1E880] =	vst v63  }
0x103: {  	_ =	swait.ge [sflag:s18], $0x2780  }
0x104: {  	[sflag:s18] =	ssyncset.done $0x0  }
0x105: {  	[sflag:s18] =	ssyncadd.s32 $0xFFFFD880  }
0x106: {  	[bflag:$0x0] =	sbarrier.arrive $0xFFFF  }
0x107: {  	_ =	strace $0x90000057  }
0x108: {  	_ =	strace $0x80000058  }
0x109: {  	s23 =	smov.u32 s12;
	s14 =	simm.s32 $0x2A80;
	s12 =	rddreg [dreg:$0x16]  }
0x10a: {  	[tilespmem:s14], [sflag:$0x3] =	stream.linear.gather [hbm4b:s12+s7], $0x80, $0x200038;
	[tilespmem:$0x1E880] =	vst v63  }
0x10b: {  	_ =	swait.ge [sflag:s18], $0x80  }
0x10c: {  	[sflag:s18] =	ssyncset.done $0x0  }
0x10d: {  	s15 =	rddreg [dreg:$0x17];
	[sflag:s18] =	ssyncadd.s32 $0xFFFFFF80  }
0x10e: {  	[tilespmem:s20], [sflag:$0x3] =	stream.linear.gather [hbm4b:s15+s7], $0x80, $0x200038;
	[tilespmem:$0x1E880] =	vst v63  }
0x10f: {  	_ =	swait.ge [sflag:s18], $0x80  }
0x110: {  	[sflag:s18] =	ssyncset.done $0x0  }
0x111: {  	[sflag:s18] =	ssyncadd.s32 $0xFFFFFF80  }
0x112: {  	[tilespmem:s22], [sflag:$0x1] =	stream.indirect.gather [hbm4b:s1+s21], $0x80, s14, s21, $0x2000b8;
	[tilespmem:$0x1E880] =	vst v63  }
0x113: {  	s17 =	simm.s32 $0x2B00;
	s16 =	rddreg [dreg:$0xf]  }
0x114: {  	[tilespmem:s17], [sflag:$0x3] =	stream.linear.gather [hbm4b:s16+s7], $0x80, $0x200038;
	[tilespmem:$0x1E880] =	vst v63  }
0x115: {  	_ =	swait.ge [sflag:s18], $0x80  }
0x116: {  	[sflag:s18] =	ssyncset.done $0x0  }
0x117: {  	s19 =	rddreg [dreg:$0x10];
	[sflag:s18] =	ssyncadd.s32 $0xFFFFFF80  }
0x118: {  	[tilespmem:s24], [sflag:$0x3] =	stream.linear.gather [hbm4b:s19+s7], $0x80, $0x200038;
	[tilespmem:$0x1E880] =	vst v63  }
0x119: {  	_ =	swait.ge [sflag:s18], $0x80  }
0x11a: {  	[sflag:s18] =	ssyncset.done $0x0  }
0x11b: {  	[sflag:s18] =	ssyncadd.s32 $0xFFFFFF80  }
0x11c: {  	[tilespmem:s25], [sflag:$0x2] =	stream.indirect.gather [hbm4b:s1+s21], $0x80, s17, s21, $0x2000b8;
	[tilespmem:$0x1E880] =	vst v63  }
0x11d: {  	_ =	swait.ge [sflag:s26], $0x4000  }
0x11e: {  	[sflag:s26] =	ssyncset.done $0x0  }
0x11f: {  	p1 =	sle.u32 s11, $0x2;
	[sflag:s26] =	ssyncadd.s32 $0xFFFFC000  }
0x120: {  	[spmem:s2] =	stream.indirect.scatter.add.f32 [tilespmem:s22], [sflag:$0x3], $0x80, s20, s21, $0x2000b8;
	[tilespmem:$0x1E880] =	vst v63  }
0x121: {  	s13 =	simm.s32 @!p1 $0x0;
	_ =	swait.ge [sflag:s18], $0x4000  }
0x122: {  	s15 =	simm.s32 @!p1 $0x3;
	[sflag:s18] =	ssyncset.done $0x0;
	s17 =	rddreg [dreg:$0x6]  }
0x123: {  	s14 =	simm.s32 @!p1 $0x2A80;
	s7 =	sadd.s32 @!p1 s17, s30;
	[sflag:s18] =	ssyncadd.s32 $0xFFFFC000  }
0x124: {  	[tilespmem:s14], [sflag:$0x3] =	stream.linear.gather @!p1 [hbm4b:s7+s13], $0x80, $0x200038;
	[tilespmem:$0x1E880] =	vst v63  }
0x125: {  	_ =	swait.ge @!p1 [sflag:s15], $0x80  }
0x126: {  	[sflag:s15] =	ssyncset.done @!p1 $0x0;
	s19 =	rddreg [dreg:$0x7]  }
0x127: {  	s16 =	simm.s32 @!p1 $0x2B80;
	s7 =	sadd.s32 @!p1 s19, s30;
	[sflag:s15] =	ssyncadd.s32 @!p1 $0xFFFFFF80  }
0x128: {  	[tilespmem:s16], [sflag:$0x3] =	stream.linear.gather @!p1 [hbm4b:s7+s13], $0x80, $0x200038;
	[tilespmem:$0x1E880] =	vst v63  }
0x129: {  	_ =	swait.ge @!p1 [sflag:s15], $0x80  }
0x12a: {  	[sflag:s15] =	ssyncset.done @!p1 $0x0  }
0x12b: {  	s7 =	simm.s32 @!p1 $0x80;
	s13 =	simm.s32 @!p1 $0x2C80;
	[sflag:s15] =	ssyncadd.s32 @!p1 $0xFFFFFF80  }
0x12c: {  	[tilespmem:s13], [sflag:$0x1] =	stream.indirect.gather @!p1 [hbm4b:s1+s7], $0x80, s14, s7, $0x2000b8;
	[tilespmem:$0x1E880] =	vst v63  }
0x12d: {  	_ =	swait.ge [sflag:s28], $0x4000  }
0x12e: {  	[sflag:s28] =	ssyncset.done $0x0  }
0x12f: {  	[sflag:s28] =	ssyncadd.s32 $0xFFFFC000  }
0x130: {  	[spmem:s2] =	stream.indirect.scatter.add.f32 [tilespmem:s25], [sflag:$0x3], $0x80, s24, s21, $0x2000b8;
	[tilespmem:$0x1E880] =	vst v63  }
0x131: {  	_ =	swait.ge [sflag:s18], $0x4000  }
0x132: {  	[sflag:s18] =	ssyncset.done $0x0  }
0x133: {  	s7 =	sadd.s32 @!p0 s17, s31;
	[sflag:s18] =	ssyncadd.s32 $0xFFFFC000  }
0x134: {  	[tilespmem:s9], [sflag:$0x3] =	stream.linear.gather @!p0 [hbm4b:s7+s0], $0x80, $0x200038;
	[tilespmem:$0x1E880] =	vst v63  }
0x135: {  	p1 =	sne.s32 s11, $0x2;
	_ =	swait.ge @!p0 [sflag:s6], $0x80  }
.Ltmp3:
0x136: {  	[sflag:s6] =	ssyncset.done @!p0 $0x0;
	(pc) =	sbr.rel @!p1 .LBB2_7-.Ltmp3, $4  }
0x137: {  	s7 =	sadd.s32 @!p0 s19, s31;
	[sflag:s6] =	ssyncadd.s32 @!p0 $0xFFFFFF80  }
0x138: {  	[tilespmem:s4], [sflag:$0x3] =	stream.linear.gather @!p0 [hbm4b:s7+s0], $0x80, $0x200038;
	[tilespmem:$0x1E880] =	vst v63  }
0x139: {  	s0 =	simm.s32 $0x2;
	_ =	swait.ge @!p0 [sflag:s6], $0x80  }
0x13a: {  	s4 =	sadd.s32 $0x20, s17;
	s7 =	smov.u32 s19;
	[sflag:s6] =	ssyncset.done @!p0 $0x0  }
.LBB2_6:
0x13b: {  	[sflag:s6] =	ssyncadd.s32 @!p0 $0xFFFFFF80  }
0x13c: {  	s7 =	sadd.s32 $0x20, s7;
	s6 =	smov.u32 s0;
	s0 =	sadd.s32 $0x2, s0  }
0x13d: {  	[tilespmem:s10], [sflag:$0x2] =	stream.indirect.gather @!p0 [hbm4b:s1+s8], $0x80, s9, s8, $0x2000b8;
	[tilespmem:$0x1E880] =	vst v63  }
0x13e: {  	p1 =	sne.s32 s11, s0;
	_ =	swait.ge [sflag:s26], $0x4000  }
0x13f: {  	[sflag:s26] =	ssyncset.done $0x0  }
0x140: {  	[sflag:s26] =	ssyncadd.s32 $0xFFFFC000  }
0x141: {  	[spmem:s2] =	stream.indirect.scatter.add.f32 [tilespmem:s22], [sflag:$0x3], $0x80, s20, s21, $0x2000b8;
	[tilespmem:$0x1E880] =	vst v63  }
0x142: {  	p0 =	sge.u32 s0, s11;
	_ =	swait.ge [sflag:s18], $0x4000  }
0x143: {  	s8 =	sadd.s32 @!p0 s4, s30;
	s9 =	simm.s32 @!p0 $0x0;
	[sflag:s18] =	ssyncset.done $0x0  }
0x144: {  	s10 =	simm.s32 @!p0 $0x2A80;
	s13 =	simm.s32 @!p0 $0x3;
	[sflag:s18] =	ssyncadd.s32 $0xFFFFC000  }
0x145: {  	[tilespmem:s10], [sflag:$0x3] =	stream.linear.gather @!p0 [hbm4b:s8+s9], $0x80, $0x200038;
	[tilespmem:$0x1E880] =	vst v63  }
0x146: {  	_ =	swait.ge @!p0 [sflag:s13], $0x80  }
0x147: {  	s14 =	simm.s32 @!p0 $0x2B80;
	s8 =	sadd.s32 @!p0 s7, s30;
	[sflag:s13] =	ssyncset.done @!p0 $0x0  }
0x148: {  	[sflag:s13] =	ssyncadd.s32 @!p0 $0xFFFFFF80  }
0x149: {  	[tilespmem:s14], [sflag:$0x3] =	stream.linear.gather @!p0 [hbm4b:s8+s9], $0x80, $0x200038;
	[tilespmem:$0x1E880] =	vst v63  }
0x14a: {  	_ =	swait.ge @!p0 [sflag:s13], $0x80  }
0x14b: {  	s8 =	simm.s32 @!p0 $0x80;
	s9 =	simm.s32 @!p0 $0x2C80;
	[sflag:s13] =	ssyncset.done @!p0 $0x0  }
0x14c: {  	[sflag:s13] =	ssyncadd.s32 @!p0 $0xFFFFFF80  }
0x14d: {  	[tilespmem:s9], [sflag:$0x1] =	stream.indirect.gather @!p0 [hbm4b:s1+s8], $0x80, s10, s8, $0x2000b8;
	[tilespmem:$0x1E880] =	vst v63  }
0x14e: {  	_ =	swait.ge [sflag:s28], $0x4000  }
0x14f: {  	[sflag:s28] =	ssyncset.done $0x0  }
0x150: {  	s6 =	sadd.s32 $0x3, s6;
	[sflag:s28] =	ssyncadd.s32 $0xFFFFC000  }
0x151: {  	[spmem:s2] =	stream.indirect.scatter.add.f32 [tilespmem:s25], [sflag:$0x3], $0x80, s24, s21, $0x2000b8;
	[tilespmem:$0x1E880] =	vst v63  }
0x152: {  	p0 =	sge.u32 s6, s11;
	_ =	swait.ge [sflag:s18], $0x4000  }
0x153: {  	s8 =	sadd.s32 @!p0 s4, s31;
	s9 =	simm.s32 @!p0 $0x2B00;
	[sflag:s18] =	ssyncset.done $0x0  }
0x154: {  	s10 =	simm.s32 @!p0 $0x0;
	s6 =	simm.s32 @!p0 $0x3;
	[sflag:s18] =	ssyncadd.s32 $0xFFFFC000  }
0x155: {  	[tilespmem:s9], [sflag:$0x3] =	stream.linear.gather @!p0 [hbm4b:s8+s10], $0x80, $0x200038;
	[tilespmem:$0x1E880] =	vst v63  }
0x156: {  	s8 =	simm.s32 @!p0 $0x2C00;
	_ =	swait.ge @!p0 [sflag:s6], $0x80  }
.Ltmp4:
0x157: {  	s13 =	sadd.s32 @!p0 s7, s31;
	[sflag:s6] =	ssyncset.done @!p0 $0x0;
	(pc) =	sbr.rel @p1 .LBB2_6-.Ltmp4, $4  }
0x158: {  	[sflag:s6] =	ssyncadd.s32 @!p0 $0xFFFFFF80  }
0x159: {  	[tilespmem:s8], [sflag:$0x3] =	stream.linear.gather @!p0 [hbm4b:s13+s10], $0x80, $0x200038;
	[tilespmem:$0x1E880] =	vst v63  }
0x15a: {  	s4 =	sadd.s32 $0x20, s4;
	_ =	swait.ge @!p0 [sflag:s6], $0x80  }
0x15b: {  	s8 =	simm.s32 @!p0 $0x80;
	s10 =	simm.s32 @!p0 $0x6C80;
	[sflag:s6] =	ssyncset.done @!p0 $0x0  }
.LBB2_7:
0x15c: {  	[sflag:s6] =	ssyncadd.s32 @!p0 $0xFFFFFF80  }
0x15d: {  	[tilespmem:s10], [sflag:$0x2] =	stream.indirect.gather @!p0 [hbm4b:s1+s8], $0x80, s9, s8, $0x2000b8;
	[tilespmem:$0x1E880] =	vst v63  }
0x15e: {  	[bflag:$0x0] =	sbarrier.arrive $0xFFFF  }
0x15f: {  	_ =	strace $0x90000058  }
0x160: {  	_ =	strace $0x80000059  }
0x161: {  	s0 =	rddreg [dreg:$0x11]  }
0x162: {  	[hbm:s0], [sflag:s29] =	dma.local [spmem:s5], $0x2780  }
0x163: {  	_ =	swait.ge [sflag:s18], $0x2780  }
0x164: {  	[sflag:s18] =	ssyncset.done $0x0  }
0x165: {  	[sflag:s18] =	ssyncadd.s32 $0xFFFFD880  }
0x166: {  	_ =	strace $0x90000059  }
0x167: {  	[bflag:$0x0] =	sbarrier.arrive $0xFFFF  }
0x168: {  	_ =	strace $0x8000005A  }
0x169: {  	s0 =	simm.s32 $0x0;
	s4 =	rddreg [dreg:$0x1a]  }
0x16a: {  	[spmem:s4] =	stream.linear.scatter [tilespmem:s0], [sflag:$0x3], $0x2780, $0x200038;
	[tilespmem:$0x1E880] =	vst v63  }
0x16b: {  	_ =	swait.ge [sflag:s18], $0x2780  }
0x16c: {  	[sflag:s18] =	ssyncset.done $0x0  }
0x16d: {  	[sflag:s18] =	ssyncadd.s32 $0xFFFFD880  }
0x16e: {  	[spmem:s23] =	stream.linear.scatter [tilespmem:s0], [sflag:$0x3], $0x2780, $0x200038;
	[tilespmem:$0x1E880] =	vst v63  }
0x16f: {  	_ =	swait.ge [sflag:s18], $0x2780  }
0x170: {  	[sflag:s18] =	ssyncset.done $0x0  }
0x171: {  	s6 =	rddreg [dreg:$0x1b];
	[sflag:s18] =	ssyncadd.s32 $0xFFFFD880  }
0x172: {  	[spmem:s6] =	stream.linear.scatter [tilespmem:s0], [sflag:$0x3], $0x2780, $0x200038;
	[tilespmem:$0x1E880] =	vst v63  }
0x173: {  	_ =	swait.ge [sflag:s18], $0x2780  }
0x174: {  	[sflag:s18] =	ssyncset.done $0x0  }
0x175: {  	s7 =	rddreg [dreg:$0x1c];
	[sflag:s18] =	ssyncadd.s32 $0xFFFFD880  }
0x176: {  	[spmem:s7] =	stream.linear.scatter [tilespmem:s0], [sflag:$0x3], $0x2780, $0x200038;
	[tilespmem:$0x1E880] =	vst v63  }
0x177: {  	_ =	swait.ge [sflag:s18], $0x2780  }
0x178: {  	[sflag:s18] =	ssyncset.done $0x0  }
0x179: {  	s8 =	rddreg [dreg:$0x1d];
	[sflag:s18] =	ssyncadd.s32 $0xFFFFD880  }
0x17a: {  	[spmem:s8] =	stream.linear.scatter [tilespmem:s0], [sflag:$0x3], $0x2780, $0x200038;
	[tilespmem:$0x1E880] =	vst v63  }
0x17b: {  	_ =	swait.ge [sflag:s18], $0x2780  }
0x17c: {  	[sflag:s18] =	ssyncset.done $0x0  }
0x17d: {  	s9 =	rddreg [dreg:$0x1e];
	[sflag:s18] =	ssyncadd.s32 $0xFFFFD880  }
0x17e: {  	[spmem:s9] =	stream.linear.scatter [tilespmem:s0], [sflag:$0x3], $0x2780, $0x200038;
	[tilespmem:$0x1E880] =	vst v63  }
0x17f: {  	_ =	swait.ge [sflag:s18], $0x2780  }
0x180: {  	[sflag:s18] =	ssyncset.done $0x0  }
0x181: {  	s10 =	rddreg [dreg:$0x1f];
	[sflag:s18] =	ssyncadd.s32 $0xFFFFD880  }
0x182: {  	[spmem:s10] =	stream.linear.scatter [tilespmem:s0], [sflag:$0x3], $0x2780, $0x200038;
	[tilespmem:$0x1E880] =	vst v63  }
0x183: {  	_ =	swait.ge [sflag:s18], $0x2780  }
0x184: {  	s12 =	sld [smem:$0x7FD]  }
0x185: {  	[sflag:s18] =	ssyncset.done $0x0  }
0x186: {  	[sflag:s18] =	ssyncadd.s32 $0xFFFFD880  }
0x187: {  	[spmem:s12] =	stream.linear.scatter [tilespmem:s0], [sflag:$0x3], $0x2780, $0x200038;
	[tilespmem:$0x1E880] =	vst v63  }
0x188: {  	_ =	swait.ge [sflag:s18], $0x2780  }
0x189: {  	[sflag:s18] =	ssyncset.done $0x0  }
0x18a: {  	[sflag:s18] =	ssyncadd.s32 $0xFFFFD880  }
0x18b: {  	[bflag:$0x0] =	sbarrier.arrive $0xFFFF  }
0x18c: {  	_ =	strace $0x9000005A  }
0x18d: {  	_ =	strace $0x8000005B  }
0x18e: {  	s14 =	simm.s32 $0x2A80;
	s13 =	rddreg [dreg:$0x18]  }
0x18f: {  	[tilespmem:s14], [sflag:$0x3] =	stream.linear.gather [hbm4b:s13+s0], $0x80, $0x200038;
	[tilespmem:$0x1E880] =	vst v63  }
0x190: {  	_ =	swait.ge [sflag:s18], $0x80  }
0x191: {  	[sflag:s18] =	ssyncset.done $0x0  }
0x192: {  	s15 =	rddreg [dreg:$0x19];
	[sflag:s18] =	ssyncadd.s32 $0xFFFFFF80  }
0x193: {  	[tilespmem:s20], [sflag:$0x3] =	stream.linear.gather [hbm4b:s15+s0], $0x80, $0x200038;
	[tilespmem:$0x1E880] =	vst v63  }
0x194: {  	_ =	swait.ge [sflag:s18], $0x80  }
0x195: {  	[sflag:s18] =	ssyncset.done $0x0  }
0x196: {  	[sflag:s18] =	ssyncadd.s32 $0xFFFFFF80  }
0x197: {  	[tilespmem:s22], [sflag:$0x1] =	stream.indirect.gather [hbm4b:s1+s21], $0x80, s14, s21, $0x2000b8;
	[tilespmem:$0x1E880] =	vst v63  }
0x198: {  	s17 =	simm.s32 $0x2B00;
	s16 =	rddreg [dreg:$0x12]  }
0x199: {  	[tilespmem:s17], [sflag:$0x3] =	stream.linear.gather [hbm4b:s16+s0], $0x80, $0x200038;
	[tilespmem:$0x1E880] =	vst v63  }
0x19a: {  	_ =	swait.ge [sflag:s18], $0x80  }
0x19b: {  	[sflag:s18] =	ssyncset.done $0x0  }
0x19c: {  	s19 =	rddreg [dreg:$0x13];
	[sflag:s18] =	ssyncadd.s32 $0xFFFFFF80  }
0x19d: {  	[tilespmem:s24], [sflag:$0x3] =	stream.linear.gather [hbm4b:s19+s0], $0x80, $0x200038;
	[tilespmem:$0x1E880] =	vst v63  }
0x19e: {  	_ =	swait.ge [sflag:s18], $0x80  }
0x19f: {  	[sflag:s18] =	ssyncset.done $0x0  }
0x1a0: {  	[sflag:s18] =	ssyncadd.s32 $0xFFFFFF80  }
0x1a1: {  	[tilespmem:s25], [sflag:$0x2] =	stream.indirect.gather [hbm4b:s1+s21], $0x80, s17, s21, $0x2000b8;
	[tilespmem:$0x1E880] =	vst v63  }
0x1a2: {  	_ =	swait.ge [sflag:s26], $0x4000  }
0x1a3: {  	[sflag:s26] =	ssyncset.done $0x0  }
0x1a4: {  	p0 =	sle.u32 s11, $0x2;
	[sflag:s26] =	ssyncadd.s32 $0xFFFFC000  }
0x1a5: {  	[spmem:s2] =	stream.indirect.scatter.add.f32 [tilespmem:s22], [sflag:$0x3], $0x80, s20, s21, $0x2000b8;
	[tilespmem:$0x1E880] =	vst v63  }
0x1a6: {  	s4 =	simm.s32 @!p0 $0x0;
	_ =	swait.ge [sflag:s18], $0x4000  }
0x1a7: {  	s6 =	simm.s32 @!p0 $0x2A80;
	[sflag:s18] =	ssyncset.done $0x0;
	s10 =	rddreg [dreg:$0x8]  }
0x1a8: {  	s7 =	simm.s32 @!p0 $0x3;
	s0 =	sadd.s32 @!p0 s10, s30;
	[sflag:s18] =	ssyncadd.s32 $0xFFFFC000  }
0x1a9: {  	[tilespmem:s6], [sflag:$0x3] =	stream.linear.gather @!p0 [hbm4b:s0+s4], $0x80, $0x200038;
	[tilespmem:$0x1E880] =	vst v63  }
0x1aa: {  	_ =	swait.ge @!p0 [sflag:s7], $0x80  }
0x1ab: {  	[sflag:s7] =	ssyncset.done @!p0 $0x0;
	s13 =	rddreg [dreg:$0x9]  }
0x1ac: {  	s8 =	simm.s32 @!p0 $0x2B80;
	s0 =	sadd.s32 @!p0 s13, s30;
	[sflag:s7] =	ssyncadd.s32 @!p0 $0xFFFFFF80  }
0x1ad: {  	[tilespmem:s8], [sflag:$0x3] =	stream.linear.gather @!p0 [hbm4b:s0+s4], $0x80, $0x200038;
	[tilespmem:$0x1E880] =	vst v63  }
0x1ae: {  	_ =	swait.ge @!p0 [sflag:s7], $0x80  }
0x1af: {  	[sflag:s7] =	ssyncset.done @!p0 $0x0  }
0x1b0: {  	s0 =	simm.s32 @!p0 $0x80;
	s4 =	simm.s32 @!p0 $0x2C80;
	[sflag:s7] =	ssyncadd.s32 @!p0 $0xFFFFFF80  }
0x1b1: {  	[tilespmem:s4], [sflag:$0x1] =	stream.indirect.gather @!p0 [hbm4b:s1+s0], $0x80, s6, s0, $0x2000b8;
	[tilespmem:$0x1E880] =	vst v63  }
0x1b2: {  	_ =	swait.ge [sflag:s28], $0x4000  }
0x1b3: {  	[sflag:s28] =	ssyncset.done $0x0  }
0x1b4: {  	[sflag:s28] =	ssyncadd.s32 $0xFFFFC000  }
0x1b5: {  	[spmem:s2] =	stream.indirect.scatter.add.f32 [tilespmem:s25], [sflag:$0x3], $0x80, s24, s21, $0x2000b8;
	[tilespmem:$0x1E880] =	vst v63  }
0x1b6: {  	p1 =	sle.u32 s11, $0x3;
	_ =	swait.ge [sflag:s18], $0x4000  }
0x1b7: {  	s8 =	simm.s32 @!p1 $0x3;
	s7 =	simm.s32 @!p1 $0x2B00;
	[sflag:s18] =	ssyncset.done $0x0  }
0x1b8: {  	s0 =	sadd.s32 @!p1 s10, s31;
	s4 =	simm.s32 @!p1 $0x0;
	[sflag:s18] =	ssyncadd.s32 $0xFFFFC000  }
0x1b9: {  	[tilespmem:s7], [sflag:$0x3] =	stream.linear.gather @!p1 [hbm4b:s0+s4], $0x80, $0x200038;
	[tilespmem:$0x1E880] =	vst v63  }
0x1ba: {  	p0 =	sne.s32 s11, $0x2;
	_ =	swait.ge @!p1 [sflag:s8], $0x80  }
.Ltmp5:
0x1bb: {  	s9 =	sadd.s32 @!p1 s13, s31;
	[sflag:s8] =	ssyncset.done @!p1 $0x0;
	(pc) =	sbr.rel @!p0 .LBB2_9-.Ltmp5, $4  }
0x1bc: {  	s6 =	simm.s32 @!p1 $0x2C00;
	s0 =	simm.s32 $0x2;
	[sflag:s8] =	ssyncadd.s32 @!p1 $0xFFFFFF80  }
0x1bd: {  	[tilespmem:s6], [sflag:$0x3] =	stream.linear.gather @!p1 [hbm4b:s9+s4], $0x80, $0x200038;
	[tilespmem:$0x1E880] =	vst v63  }
0x1be: {  	s4 =	sadd.s32 $0x20, s10;
	s9 =	simm.s32 @!p1 $0x80;
	_ =	swait.ge @!p1 [sflag:s8], $0x80  }
0x1bf: {  	s10 =	simm.s32 @!p1 $0x6C80;
	s6 =	smov.u32 s13;
	[sflag:s8] =	ssyncset.done @!p1 $0x0  }
.LBB2_8:
0x1c0: {  	[sflag:s8] =	ssyncadd.s32 @!p1 $0xFFFFFF80  }
0x1c1: {  	s6 =	sadd.s32 $0x20, s6;
	s8 =	smov.u32 s0;
	s0 =	sadd.s32 $0x2, s0  }
0x1c2: {  	[tilespmem:s10], [sflag:$0x2] =	stream.indirect.gather @!p1 [hbm4b:s1+s9], $0x80, s7, s9, $0x2000b8;
	[tilespmem:$0x1E880] =	vst v63  }
0x1c3: {  	p0 =	sne.s32 s11, s0;
	_ =	swait.ge [sflag:s26], $0x4000  }
0x1c4: {  	[sflag:s26] =	ssyncset.done $0x0  }
0x1c5: {  	[sflag:s26] =	ssyncadd.s32 $0xFFFFC000  }
0x1c6: {  	[spmem:s2] =	stream.indirect.scatter.add.f32 [tilespmem:s22], [sflag:$0x3], $0x80, s20, s21, $0x2000b8;
	[tilespmem:$0x1E880] =	vst v63  }
0x1c7: {  	p1 =	sge.u32 s0, s11;
	_ =	swait.ge [sflag:s18], $0x4000  }
0x1c8: {  	s7 =	sadd.s32 @!p1 s4, s30;
	s9 =	simm.s32 @!p1 $0x0;
	[sflag:s18] =	ssyncset.done $0x0  }
0x1c9: {  	s10 =	simm.s32 @!p1 $0x2A80;
	s13 =	simm.s32 @!p1 $0x3;
	[sflag:s18] =	ssyncadd.s32 $0xFFFFC000  }
0x1ca: {  	[tilespmem:s10], [sflag:$0x3] =	stream.linear.gather @!p1 [hbm4b:s7+s9], $0x80, $0x200038;
	[tilespmem:$0x1E880] =	vst v63  }
0x1cb: {  	_ =	swait.ge @!p1 [sflag:s13], $0x80  }
0x1cc: {  	s14 =	simm.s32 @!p1 $0x2B80;
	s7 =	sadd.s32 @!p1 s6, s30;
	[sflag:s13] =	ssyncset.done @!p1 $0x0  }
0x1cd: {  	[sflag:s13] =	ssyncadd.s32 @!p1 $0xFFFFFF80  }
0x1ce: {  	[tilespmem:s14], [sflag:$0x3] =	stream.linear.gather @!p1 [hbm4b:s7+s9], $0x80, $0x200038;
	[tilespmem:$0x1E880] =	vst v63  }
0x1cf: {  	_ =	swait.ge @!p1 [sflag:s13], $0x80  }
0x1d0: {  	s7 =	simm.s32 @!p1 $0x80;
	s9 =	simm.s32 @!p1 $0x2C80;
	[sflag:s13] =	ssyncset.done @!p1 $0x0  }
0x1d1: {  	[sflag:s13] =	ssyncadd.s32 @!p1 $0xFFFFFF80  }
0x1d2: {  	[tilespmem:s9], [sflag:$0x1] =	stream.indirect.gather @!p1 [hbm4b:s1+s7], $0x80, s10, s7, $0x2000b8;
	[tilespmem:$0x1E880] =	vst v63  }
0x1d3: {  	_ =	swait.ge [sflag:s28], $0x4000  }
0x1d4: {  	[sflag:s28] =	ssyncset.done $0x0  }
0x1d5: {  	s7 =	sadd.s32 $0x3, s8;
	[sflag:s28] =	ssyncadd.s32 $0xFFFFC000  }
0x1d6: {  	[spmem:s2] =	stream.indirect.scatter.add.f32 [tilespmem:s25], [sflag:$0x3], $0x80, s24, s21, $0x2000b8;
	[tilespmem:$0x1E880] =	vst v63  }
0x1d7: {  	p1 =	sge.u32 s7, s11;
	_ =	swait.ge [sflag:s18], $0x4000  }
0x1d8: {  	s9 =	sadd.s32 @!p1 s4, s31;
	s7 =	simm.s32 @!p1 $0x2B00;
	[sflag:s18] =	ssyncset.done $0x0  }
0x1d9: {  	s10 =	simm.s32 @!p1 $0x0;
	s8 =	simm.s32 @!p1 $0x3;
	[sflag:s18] =	ssyncadd.s32 $0xFFFFC000  }
0x1da: {  	[tilespmem:s7], [sflag:$0x3] =	stream.linear.gather @!p1 [hbm4b:s9+s10], $0x80, $0x200038;
	[tilespmem:$0x1E880] =	vst v63  }
0x1db: {  	s9 =	simm.s32 @!p1 $0x2C00;
	_ =	swait.ge @!p1 [sflag:s8], $0x80  }
.Ltmp6:
0x1dc: {  	s13 =	sadd.s32 @!p1 s6, s31;
	[sflag:s8] =	ssyncset.done @!p1 $0x0;
	(pc) =	sbr.rel @p0 .LBB2_8-.Ltmp6, $4  }
0x1dd: {  	[sflag:s8] =	ssyncadd.s32 @!p1 $0xFFFFFF80  }
0x1de: {  	[tilespmem:s9], [sflag:$0x3] =	stream.linear.gather @!p1 [hbm4b:s13+s10], $0x80, $0x200038;
	[tilespmem:$0x1E880] =	vst v63  }
0x1df: {  	s4 =	sadd.s32 $0x20, s4;
	_ =	swait.ge @!p1 [sflag:s8], $0x80  }
0x1e0: {  	s9 =	simm.s32 @!p1 $0x80;
	s10 =	simm.s32 @!p1 $0x6C80;
	[sflag:s8] =	ssyncset.done @!p1 $0x0  }
.LBB2_9:
0x1e1: {  	[sflag:s8] =	ssyncadd.s32 @!p1 $0xFFFFFF80  }
0x1e2: {  	[tilespmem:s10], [sflag:$0x2] =	stream.indirect.gather @!p1 [hbm4b:s1+s9], $0x80, s7, s9, $0x2000b8;
	[tilespmem:$0x1E880] =	vst v63  }
0x1e3: {  	[bflag:$0x0] =	sbarrier.arrive $0xFFFF  }
0x1e4: {  	_ =	strace $0x9000005B  }
0x1e5: {  	_ =	strace $0x8000005C  }
0x1e6: {  	s0 =	rddreg [dreg:$0x14]  }
0x1e7: {  	[hbm:s0], [sflag:s29] =	dma.local [spmem:s5], $0x2780  }
0x1e8: {  	_ =	swait.ge [sflag:s18], $0x2780  }
0x1e9: {  	s3 =	sadd.s32 $0x1, s3;
	s29 =	rddreg [dreg:$0x15]  }
0x1ea: {  	p0 =	sne.s32 s3, s29  }
.Ltmp7:
0x1eb: {  	_ = 	snop;
	(pc) =	sbr.rel @p0 .LBB2_1-.Ltmp7, $4  }
0x1ec: {  	_ = 	snop  }
0x1ed: {  	[sflag:s18] =	ssyncset.done $0x0  }
0x1ee: {  	[sflag:s18] =	ssyncadd.s32 $0xFFFFD880  }
0x1ef: {  	_ =	strace $0x9000005C  }
0x1f0: {  	_ =	sfence.sel $0x180000  }
0x1f1: {  	[bflag:$0x0] =	sbarrier.arrive $0xFFFF  }
0x1f2: {  	_ =	strace $0x90000053  }
0x1f3: {  	s0 =	stileid.u32;
	[bflag:$0x2] =	sbarrier.arrive $0xFFFF  }
0x1f4: {  	p0 =	sne.s32 s0, $0x0;
	s0 =	rddreg [dreg:$0x3]  }
0x1f5: {  	s0 =	sadd.s32 @!p0 $0x100000, s0  }
0x1f6: {  	[sflag:s0] =	ssyncadd.tile.s32 @!p0 $0x1;
	_ =	shalt  }
.Lfunc_end2:
_tile_overlayer_lowered:
.L_overlay_start_2:
0x1f7: {  	(tag) =	ssettag $0x2  }
0x1f8: {  	s0 =	rddreg [dreg:$0x0];
	s2 =	stileid.u32  }
0x1f9: {  	s1 =	rddreg [dreg:$0x1];
	p0 =	sne.s32 s2, $0x0  }
0x1fa: {  	s3 =	rddreg [dreg:$0x2];
	[bflag:$0x3] =	sbarrier.arrive $0xFFFF;
	s2 =	simm.s32 @!p0 $0x1C03  }
0x1fb: {  	[timem:s3], [sflag:s2] =	dma.local @!p0 [hbm:s0], s1  }
0x1fc: {  	s0 =	simm.s32 @!p0 $0x3  }
0x1fd: {  	_ =	swait.ge @!p0 [sflag:s0], s1  }
0x1fe: {  	s1 =	ssub.s32 @!p0 $0x0, s1;
	[sflag:s0] =	ssyncset.done @!p0 $0x0  }
0x1ff: {  	[sflag:s0] =	ssyncadd.s32 @!p0 s1  }
0x200: {  	[bflag:$0x3] =	sbarrier.arrive $0xFFFF  }
0x201: {  	_ =	shalt  }

</sc_bundles>
